<compile_context>
chip_gen: v7x
topology: tpu7x:2x2x1
jax: 0.10.2.dev20260603
libtpu: 0.0.44.dev20260713+nightly
codegen_flags: <defaults>
</compile_context>

<pallas_src>
import functools

import numpy as np
import jax
import jax.numpy as jnp
from jax import lax
from jax.experimental import pallas as pl
from jax.experimental.pallas import tpu as pltpu
from jax.experimental.pallas import tpu_sc as plsc

L = 16
CHUNK = 32
DMA_ROWS = 128


def _make_sc_gather_sum(n_points, n_per_batch, D, K):
    info = plsc.get_sparse_core_info()
    nc, ns = info.num_cores, info.num_subcores
    nw = nc * ns
    ppw = n_points // nw
    n_chunks = ppw // CHUNK
    rpc = CHUNK * K
    n_dma = rpc // DMA_ROWS
    assert ppw * nw == n_points and n_chunks * CHUNK == ppw
    assert n_dma * DMA_ROWS == rpc
    assert n_per_batch % ppw == 0

    na = D // L
    dd = 2 * D
    mesh = plsc.VectorSubcoreMesh(core_axis_name="c", subcore_axis_name="s")

    @functools.partial(
        pl.kernel,
        mesh=mesh,
        out_type=jax.ShapeDtypeStruct((n_points * dd,), jnp.float32),
        scratch_types=[
            pltpu.VMEM((K, ppw), jnp.int32),
            pltpu.VMEM((2 * rpc, D), jnp.float32),
            pltpu.VMEM((2 * CHUNK, D), jnp.float32),
            pltpu.VMEM((2, CHUNK * dd), jnp.float32),
            pltpu.SemaphoreType.DMA,
            pltpu.SemaphoreType.DMA,
        ],
        compiler_params=pltpu.CompilerParams(
            needs_layout_passes=False, use_tc_tiling_on_sc=False),
    )
    def sc_kernel(adjt_hbm, x_hbm, out_hbm,
                  adj_v, rows_v, xrow_v, out_v, sem, sem_out):
        wid = lax.axis_index("s") * nc + lax.axis_index("c")
        tile_base = wid * ppw
        batch_idx = tile_base // n_per_batch
        n0 = tile_base - batch_idx * n_per_batch

        for k in range(K):
            pltpu.async_copy(adjt_hbm.at[k, batch_idx, pl.ds(n0, ppw)],
                             adj_v.at[k], sem)
        xb_hbm = x_hbm.at[batch_idx]
        for k in range(K):
            pltpu.make_async_copy(adjt_hbm.at[k, batch_idx, pl.ds(n0, ppw)],
                                  adj_v.at[k], sem).wait()
        lanes = lax.iota(jnp.int32, L)
        pos_t = []
        for t in range(K):
            q = lanes * K + t
            pos_t.append((q // D) * (CHUNK * D) + lax.rem(q, D))
        zrow = jnp.zeros((L,), jnp.int32)

        def fetch_chunk(g, par):
            for k in range(K):
                pltpu.async_copy(
                    xb_hbm.at[adj_v.at[k, pl.ds(g * CHUNK, CHUNK)]],
                    rows_v.at[pl.ds((par * K + k) * CHUNK, CHUNK)],
                    sem)
            pltpu.async_copy(
                xb_hbm.at[pl.ds(n0 + g * CHUNK, CHUNK)],
                xrow_v.at[pl.ds(par * CHUNK, CHUNK)],
                sem)

        fetch_chunk(0, 0)

        def chunk_body(g, carry):
            par = lax.rem(g, 2)
            rbase0 = par * rpc
            pltpu.make_async_copy(
                xb_hbm.at[pl.ds(0, rpc)],
                rows_v.at[pl.ds(rbase0, rpc)],
                sem).wait()
            pltpu.make_async_copy(
                xb_hbm.at[pl.ds(0, CHUNK)],
                xrow_v.at[pl.ds(par * CHUNK, CHUNK)],
                sem).wait()

            @pl.when(g + 1 < n_chunks)
            def _():
                fetch_chunk(g + 1, 1 - par)

            @pl.when(g >= 2)
            def _():
                pltpu.make_async_copy(
                    out_v.at[par], out_hbm.at[pl.ds(0, CHUNK * D)],
                    sem_out).wait()

            def pt_body(p, c2):
                fbase = rbase0 * D + p * D
                for a in range(na):
                    base = fbase + (5 * CHUNK * D) * a
                    gs = [plsc.load_gather(rows_v, [zrow, pos_t[t] + base])
                          for t in range(K)]
                    while len(gs) > 1:
                        gs = [gs[i] + gs[i + 1] for i in range(0, len(gs) - 1, 2)] \
                            + ([gs[-1]] if len(gs) % 2 else [])
                    out_v[par, pl.ds(p * dd + L * a, L)] = gs[0]
                    out_v[par, pl.ds(p * dd + D + L * a, L)] = \
                        xrow_v[par * CHUNK + p, pl.ds(L * a, L)]
                return c2

            lax.fori_loop(0, CHUNK, pt_body, 0)
            pltpu.async_copy(
                out_v.at[par],
                out_hbm.at[pl.ds((tile_base + g * CHUNK) * dd, CHUNK * dd)],
                sem_out)
            return carry

        lax.fori_loop(0, n_chunks, chunk_body, 0)
        for _ in range(2):
            pltpu.make_async_copy(
                out_v.at[0], out_hbm.at[pl.ds(0, CHUNK * dd)], sem_out).wait()

    return sc_kernel


def _tc_linear(mpacked, wcat, bias8):
    n, dd = mpacked.shape
    out_c = wcat.shape[1]
    bm = 1024
    grid = n // bm

    def body(m_ref, w_ref, b_ref, o_ref):
        o_ref[...] = (
            jnp.dot(m_ref[...], w_ref[...],
                    preferred_element_type=jnp.float32)
            + b_ref[0:1, :])

    return pl.pallas_call(
        body,
        grid=(grid,),
        in_specs=[
            pl.BlockSpec((bm, dd), lambda i: (i, 0)),
            pl.BlockSpec((dd, out_c), lambda i: (0, 0)),
            pl.BlockSpec((8, out_c), lambda i: (0, 0)),
        ],
        out_specs=pl.BlockSpec((bm, out_c), lambda i: (i, 0)),
        out_shape=jax.ShapeDtypeStruct((n, out_c), jnp.float32),
    )(mpacked, wcat, bias8)


def kernel(x, adj, W, b):
    B, N, D = x.shape
    K = adj.shape[-1]
    out_c = W.shape[0]

    mp_flat = _make_sc_gather_sum(B * N, N, D, K)(
        jnp.transpose(adj, (2, 0, 1)), x)
    mpacked = mp_flat.reshape(B * N, 2 * D)

    w1 = W[:, :D]
    w2 = W[:, D:]
    wcat = jnp.concatenate([w1.T / K, (w2 - w1).T], axis=0).astype(jnp.float32)
    bias8 = jnp.broadcast_to(b.reshape(1, out_c), (8, out_c))

    out2d = _tc_linear(mpacked, wcat, bias8)
    return out2d.reshape(B, N, out_c)

# --- scband reference (transcript-rebuilt; emitter-appended) ---
"""Pipeline reference for scband-edge-conv-11373073400090 (READ-ONLY COPY).

The authoritative reference and input builder live on the scoring server;
editing this copy changes nothing except your own understanding.
"""

import jax, jax.numpy as jnp
import numpy as np


def setup_inputs(seed: int = 0) -> dict:
    key = jax.random.key(seed)
    k1, k2, k3, k4 = jax.random.split(key, 4)
    B, N, D, K, OUT = 8, 4096, 64, 20, 64
    x = jax.random.normal(k1, (B, N, D), dtype=jnp.float32)
    adj = jax.random.randint(k2, (B, N, K), 0, N, dtype=jnp.int32)
    W = jax.random.normal(k3, (OUT, 2 * D), dtype=jnp.float32) * 0.05
    b = jax.random.normal(k4, (OUT,), dtype=jnp.float32) * 0.05
    return {"x": x, "adj": adj, "W": W, "b": b}


def reference(x, adj, W, b):
    # get_graph_feature (faithful to the torch code, including the
    # view(B, N, D, k) layout of the gathered features)
    B, N, D = x.shape
    k = adj.shape[-1]
    idx_base = jnp.arange(B, dtype=adj.dtype).reshape(-1, 1, 1) * N
    idx = (adj + idx_base).reshape(-1)
    feature = jnp.take(x.reshape(B * N, D), idx, axis=0)  # [B*N*k, D]
    feature = feature.reshape(B, N, D, k)
    xr = jnp.broadcast_to(x[:, :, :, None], (B, N, D, k))
    feature = jnp.concatenate((feature - xr, xr), axis=2)  # [B, N, 2D, k]
    feature = jnp.transpose(feature, (0, 1, 3, 2))          # [B, N, k, 2D]
    # self.linear (nn.Linear on last dim)
    out = jnp.einsum('bnkd,od->bnko', feature, W) + b
    # aggr == 'mean'
    out = out.mean(axis=2)  # [B, N, OUT]
    return out

if __name__ == "__main__":
    import jax
    _d = setup_inputs()
    print(jax.jit(kernel)(*tuple(_d.values())))

</pallas_src>

<mosaic_0001>
#map = affine_map<(d0, d1) -> (0, 0, 0)>
#map1 = affine_map<(d0, d1) -> (0)>
module attributes {stable_mosaic.version = 14 : i64} {
  func.func @sc_kernel(%arg0: i32, %arg1: i32, %arg2: memref<20x8x4096xi32, #tpu.memory_space<hbm>>, %arg3: memref<8x4096x64xf32, #tpu.memory_space<hbm>>, %arg4: memref<4194304xf32, #tpu.memory_space<hbm>>, %arg5: memref<20x1024xi32, #tpu.memory_space<vmem>>, %arg6: memref<1280x64xf32, #tpu.memory_space<vmem>>, %arg7: memref<64x64xf32, #tpu.memory_space<vmem>>, %arg8: memref<2x4096xf32, #tpu.memory_space<vmem>>, %arg9: memref<!tpu.dma_semaphore, #tpu.memory_space<semaphore_mem>>, %arg10: memref<!tpu.dma_semaphore, #tpu.memory_space<semaphore_mem>>) attributes {dimension_semantics = [#tpu.dimension_semantics<core_parallel>, #tpu.dimension_semantics<subcore_parallel>], iteration_bounds = array<i64: 2, 16>, scalar_prefetch = 0 : i64, scratch_operands = 6 : i64, tpu.core_type = #tpu.core_type<sc_vector_subcore>, window_params = [{transform_indices = #map}, {transform_indices = #map}, {transform_indices = #map1}]} {
    %mul3A = arith.constant 2 : i32
    %mul3A_0 = arith.muli %arg1, %mul3A : i32
    %add3A = arith.addi %mul3A_0, %arg0 : i32
    %mul3A_1 = arith.constant 1024 : i32
    %mul3A_2 = arith.muli %add3A, %mul3A_1 : i32
    %jit3A = arith.constant 4096 : i32
    %div3A = arith.divsi %mul3A_2, %jit3A : i32
    %sign3A = arith.constant 0 : i32
    %sign3A_3 = arith.cmpi sgt, %mul3A_2, %sign3A : i32
    %sign3A_4 = arith.extui %sign3A_3 : i1 to i32
    %sign3A_5 = arith.constant 0 : i32
    %sign3A_6 = arith.cmpi slt, %mul3A_2, %sign3A_5 : i32
    %sign3A_7 = arith.extui %sign3A_6 : i1 to i32
    %sign3A_8 = arith.subi %sign3A_4, %sign3A_7 : i32
    %sign3A_9 = arith.constant 0 : i32
    %sign3A_10 = arith.cmpi sgt, %jit3A, %sign3A_9 : i32
    %sign3A_11 = arith.extui %sign3A_10 : i1 to i32
    %sign3A_12 = arith.constant 0 : i32
    %sign3A_13 = arith.cmpi slt, %jit3A, %sign3A_12 : i32
    %sign3A_14 = arith.extui %sign3A_13 : i1 to i32
    %sign3A_15 = arith.subi %sign3A_11, %sign3A_14 : i32
    %ne3A = arith.cmpi ne, %sign3A_8, %sign3A_15 : i32
    %rem3A = arith.remsi %mul3A_2, %jit3A : i32
    %ne3A_16 = arith.constant 0 : i32
    %ne3A_17 = arith.cmpi ne, %rem3A, %ne3A_16 : i32
    %and3A = arith.andi %ne3A, %ne3A_17 : i1
    %sub3A = arith.constant 1 : i32
    %sub3A_18 = arith.subi %div3A, %sub3A : i32
    %select_n3A = arith.select %and3A, %sub3A_18, %div3A : i32
    %mul3A_19 = arith.constant 4096 : i32
    %mul3A_20 = arith.muli %select_n3A, %mul3A_19 : i32
    %sub3A_21 = arith.subi %mul3A_2, %mul3A_20 : i32
    %dma_start3A = arith.constant 0 : i32
    %dma_start3A_22 = arith.constant 0 : i32
    %dma_start3A_23 = arith.constant 0 : i32
    %dma_start3A_24 = tpu.memref_slice %arg5[%dma_start3A_22, %dma_start3A_23] : memref<20x1024xi32, #tpu.memory_space<vmem>> -> memref<1x1024xi32, #tpu.memory_space<vmem>>
    %dma_start3A_25 = tpu.memref_squeeze %dma_start3A_24 : memref<1x1024xi32, #tpu.memory_space<vmem>> -> memref<1024xi32, #tpu.memory_space<vmem>>
    %dma_start3A_26 = tpu.memref_slice %arg2[%dma_start3A, %select_n3A, %sub3A_21] : memref<20x8x4096xi32, #tpu.memory_space<hbm>> -> memref<1x1x1024xi32, #tpu.memory_space<hbm>>
    %dma_start3A_27 = tpu.memref_squeeze %dma_start3A_26 : memref<1x1x1024xi32, #tpu.memory_space<hbm>> -> memref<1024xi32, #tpu.memory_space<hbm>>
    %dma_start3A_28 = arith.constant 0 : i32
    %dma_start3A_29 = tpu.memref_slice %arg5[%dma_start3A_22, %dma_start3A_28] : memref<20x1024xi32, #tpu.memory_space<vmem>> -> memref<1x1024xi32, #tpu.memory_space<vmem>>
    %dma_start3A_30 = tpu.memref_squeeze %dma_start3A_29 : memref<1x1024xi32, #tpu.memory_space<vmem>> -> memref<1024xi32, #tpu.memory_space<vmem>>
    %dma_start3A_31 = tpu.memref_slice %arg2[%dma_start3A, %select_n3A, %sub3A_21] : memref<20x8x4096xi32, #tpu.memory_space<hbm>> -> memref<1x1x1024xi32, #tpu.memory_space<hbm>>
    %dma_start3A_32 = tpu.memref_squeeze %dma_start3A_31 : memref<1x1x1024xi32, #tpu.memory_space<hbm>> -> memref<1024xi32, #tpu.memory_space<hbm>>
    tpu.enqueue_dma source(%dma_start3A_32 : memref<1024xi32, #tpu.memory_space<hbm>>) target(%dma_start3A_30 : memref<1024xi32, #tpu.memory_space<vmem>>) target_semaphore(%arg9 : memref<!tpu.dma_semaphore, #tpu.memory_space<semaphore_mem>>)
    %dma_start3A_33 = arith.constant 1 : i32
    %dma_start3A_34 = arith.constant 1 : i32
    %dma_start3A_35 = arith.constant 0 : i32
    %dma_start3A_36 = tpu.memref_slice %arg5[%dma_start3A_34, %dma_start3A_35] : memref<20x1024xi32, #tpu.memory_space<vmem>> -> memref<1x1024xi32, #tpu.memory_space<vmem>>
    %dma_start3A_37 = tpu.memref_squeeze %dma_start3A_36 : memref<1x1024xi32, #tpu.memory_space<vmem>> -> memref<1024xi32, #tpu.memory_space<vmem>>
    %dma_start3A_38 = tpu.memref_slice %arg2[%dma_start3A_33, %select_n3A, %sub3A_21] : memref<20x8x4096xi32, #tpu.memory_space<hbm>> -> memref<1x1x1024xi32, #tpu.memory_space<hbm>>
    %dma_start3A_39 = tpu.memref_squeeze %dma_start3A_38 : memref<1x1x1024xi32, #tpu.memory_space<hbm>> -> memref<1024xi32, #tpu.memory_space<hbm>>
    %dma_start3A_40 = arith.constant 0 : i32
    %dma_start3A_41 = tpu.memref_slice %arg5[%dma_start3A_34, %dma_start3A_40] : memref<20x1024xi32, #tpu.memory_space<vmem>> -> memref<1x1024xi32, #tpu.memory_space<vmem>>
    %dma_start3A_42 = tpu.memref_squeeze %dma_start3A_41 : memref<1x1024xi32, #tpu.memory_space<vmem>> -> memref<1024xi32, #tpu.memory_space<vmem>>
    %dma_start3A_43 = tpu.memref_slice %arg2[%dma_start3A_33, %select_n3A, %sub3A_21] : memref<20x8x4096xi32, #tpu.memory_space<hbm>> -> memref<1x1x1024xi32, #tpu.memory_space<hbm>>
    %dma_start3A_44 = tpu.memref_squeeze %dma_start3A_43 : memref<1x1x1024xi32, #tpu.memory_space<hbm>> -> memref<1024xi32, #tpu.memory_space<hbm>>
    tpu.enqueue_dma source(%dma_start3A_44 : memref<1024xi32, #tpu.memory_space<hbm>>) target(%dma_start3A_42 : memref<1024xi32, #tpu.memory_space<vmem>>) target_semaphore(%arg9 : memref<!tpu.dma_semaphore, #tpu.memory_space<semaphore_mem>>)
    %dma_start3A_45 = arith.constant 2 : i32
    %dma_start3A_46 = arith.constant 2 : i32
    %dma_start3A_47 = arith.constant 0 : i32
    %dma_start3A_48 = tpu.memref_slice %arg5[%dma_start3A_46, %dma_start3A_47] : memref<20x1024xi32, #tpu.memory_space<vmem>> -> memref<1x1024xi32, #tpu.memory_space<vmem>>
    %dma_start3A_49 = tpu.memref_squeeze %dma_start3A_48 : memref<1x1024xi32, #tpu.memory_space<vmem>> -> memref<1024xi32, #tpu.memory_space<vmem>>
    %dma_start3A_50 = tpu.memref_slice %arg2[%dma_start3A_45, %select_n3A, %sub3A_21] : memref<20x8x4096xi32, #tpu.memory_space<hbm>> -> memref<1x1x1024xi32, #tpu.memory_space<hbm>>
    %dma_start3A_51 = tpu.memref_squeeze %dma_start3A_50 : memref<1x1x1024xi32, #tpu.memory_space<hbm>> -> memref<1024xi32, #tpu.memory_space<hbm>>
    %dma_start3A_52 = arith.constant 0 : i32
    %dma_start3A_53 = tpu.memref_slice %arg5[%dma_start3A_46, %dma_start3A_52] : memref<20x1024xi32, #tpu.memory_space<vmem>> -> memref<1x1024xi32, #tpu.memory_space<vmem>>
    %dma_start3A_54 = tpu.memref_squeeze %dma_start3A_53 : memref<1x1024xi32, #tpu.memory_space<vmem>> -> memref<1024xi32, #tpu.memory_space<vmem>>
    %dma_start3A_55 = tpu.memref_slice %arg2[%dma_start3A_45, %select_n3A, %sub3A_21] : memref<20x8x4096xi32, #tpu.memory_space<hbm>> -> memref<1x1x1024xi32, #tpu.memory_space<hbm>>
    %dma_start3A_56 = tpu.memref_squeeze %dma_start3A_55 : memref<1x1x1024xi32, #tpu.memory_space<hbm>> -> memref<1024xi32, #tpu.memory_space<hbm>>
    tpu.enqueue_dma source(%dma_start3A_56 : memref<1024xi32, #tpu.memory_space<hbm>>) target(%dma_start3A_54 : memref<1024xi32, #tpu.memory_space<vmem>>) target_semaphore(%arg9 : memref<!tpu.dma_semaphore, #tpu.memory_space<semaphore_mem>>)
    %dma_start3A_57 = arith.constant 3 : i32
    %dma_start3A_58 = arith.constant 3 : i32
    %dma_start3A_59 = arith.constant 0 : i32
    %dma_start3A_60 = tpu.memref_slice %arg5[%dma_start3A_58, %dma_start3A_59] : memref<20x1024xi32, #tpu.memory_space<vmem>> -> memref<1x1024xi32, #tpu.memory_space<vmem>>
    %dma_start3A_61 = tpu.memref_squeeze %dma_start3A_60 : memref<1x1024xi32, #tpu.memory_space<vmem>> -> memref<1024xi32, #tpu.memory_space<vmem>>
    %dma_start3A_62 = tpu.memref_slice %arg2[%dma_start3A_57, %select_n3A, %sub3A_21] : memref<20x8x4096xi32, #tpu.memory_space<hbm>> -> memref<1x1x1024xi32, #tpu.memory_space<hbm>>
    %dma_start3A_63 = tpu.memref_squeeze %dma_start3A_62 : memref<1x1x1024xi32, #tpu.memory_space<hbm>> -> memref<1024xi32, #tpu.memory_space<hbm>>
    %dma_start3A_64 = arith.constant 0 : i32
    %dma_start3A_65 = tpu.memref_slice %arg5[%dma_start3A_58, %dma_start3A_64] : memref<20x1024xi32, #tpu.memory_space<vmem>> -> memref<1x1024xi32, #tpu.memory_space<vmem>>
    %dma_start3A_66 = tpu.memref_squeeze %dma_start3A_65 : memref<1x1024xi32, #tpu.memory_space<vmem>> -> memref<1024xi32, #tpu.memory_space<vmem>>
    %dma_start3A_67 = tpu.memref_slice %arg2[%dma_start3A_57, %select_n3A, %sub3A_21] : memref<20x8x4096xi32, #tpu.memory_space<hbm>> -> memref<1x1x1024xi32, #tpu.memory_space<hbm>>
    %dma_start3A_68 = tpu.memref_squeeze %dma_start3A_67 : memref<1x1x1024xi32, #tpu.memory_space<hbm>> -> memref<1024xi32, #tpu.memory_space<hbm>>
    tpu.enqueue_dma source(%dma_start3A_68 : memref<1024xi32, #tpu.memory_space<hbm>>) target(%dma_start3A_66 : memref<1024xi32, #tpu.memory_space<vmem>>) target_semaphore(%arg9 : memref<!tpu.dma_semaphore, #tpu.memory_space<semaphore_mem>>)
    %dma_start3A_69 = arith.constant 4 : i32
    %dma_start3A_70 = arith.constant 4 : i32
    %dma_start3A_71 = arith.constant 0 : i32
    %dma_start3A_72 = tpu.memref_slice %arg5[%dma_start3A_70, %dma_start3A_71] : memref<20x1024xi32, #tpu.memory_space<vmem>> -> memref<1x1024xi32, #tpu.memory_space<vmem>>
    %dma_start3A_73 = tpu.memref_squeeze %dma_start3A_72 : memref<1x1024xi32, #tpu.memory_space<vmem>> -> memref<1024xi32, #tpu.memory_space<vmem>>
    %dma_start3A_74 = tpu.memref_slice %arg2[%dma_start3A_69, %select_n3A, %sub3A_21] : memref<20x8x4096xi32, #tpu.memory_space<hbm>> -> memref<1x1x1024xi32, #tpu.memory_space<hbm>>
    %dma_start3A_75 = tpu.memref_squeeze %dma_start3A_74 : memref<1x1x1024xi32, #tpu.memory_space<hbm>> -> memref<1024xi32, #tpu.memory_space<hbm>>
    %dma_start3A_76 = arith.constant 0 : i32
    %dma_start3A_77 = tpu.memref_slice %arg5[%dma_start3A_70, %dma_start3A_76] : memref<20x1024xi32, #tpu.memory_space<vmem>> -> memref<1x1024xi32, #tpu.memory_space<vmem>>
    %dma_start3A_78 = tpu.memref_squeeze %dma_start3A_77 : memref<1x1024xi32, #tpu.memory_space<vmem>> -> memref<1024xi32, #tpu.memory_space<vmem>>
    %dma_start3A_79 = tpu.memref_slice %arg2[%dma_start3A_69, %select_n3A, %sub3A_21] : memref<20x8x4096xi32, #tpu.memory_space<hbm>> -> memref<1x1x1024xi32, #tpu.memory_space<hbm>>
    %dma_start3A_80 = tpu.memref_squeeze %dma_start3A_79 : memref<1x1x1024xi32, #tpu.memory_space<hbm>> -> memref<1024xi32, #tpu.memory_space<hbm>>
    tpu.enqueue_dma source(%dma_start3A_80 : memref<1024xi32, #tpu.memory_space<hbm>>) target(%dma_start3A_78 : memref<1024xi32, #tpu.memory_space<vmem>>) target_semaphore(%arg9 : memref<!tpu.dma_semaphore, #tpu.memory_space<semaphore_mem>>)
    %dma_start3A_81 = arith.constant 5 : i32
    %dma_start3A_82 = arith.constant 5 : i32
    %dma_start3A_83 = arith.constant 0 : i32
    %dma_start3A_84 = tpu.memref_slice %arg5[%dma_start3A_82, %dma_start3A_83] : memref<20x1024xi32, #tpu.memory_space<vmem>> -> memref<1x1024xi32, #tpu.memory_space<vmem>>
    %dma_start3A_85 = tpu.memref_squeeze %dma_start3A_84 : memref<1x1024xi32, #tpu.memory_space<vmem>> -> memref<1024xi32, #tpu.memory_space<vmem>>
    %dma_start3A_86 = tpu.memref_slice %arg2[%dma_start3A_81, %select_n3A, %sub3A_21] : memref<20x8x4096xi32, #tpu.memory_space<hbm>> -> memref<1x1x1024xi32, #tpu.memory_space<hbm>>
    %dma_start3A_87 = tpu.memref_squeeze %dma_start3A_86 : memref<1x1x1024xi32, #tpu.memory_space<hbm>> -> memref<1024xi32, #tpu.memory_space<hbm>>
    %dma_start3A_88 = arith.constant 0 : i32
    %dma_start3A_89 = tpu.memref_slice %arg5[%dma_start3A_82, %dma_start3A_88] : memref<20x1024xi32, #tpu.memory_space<vmem>> -> memref<1x1024xi32, #tpu.memory_space<vmem>>
    %dma_start3A_90 = tpu.memref_squeeze %dma_start3A_89 : memref<1x1024xi32, #tpu.memory_space<vmem>> -> memref<1024xi32, #tpu.memory_space<vmem>>
    %dma_start3A_91 = tpu.memref_slice %arg2[%dma_start3A_81, %select_n3A, %sub3A_21] : memref<20x8x4096xi32, #tpu.memory_space<hbm>> -> memref<1x1x1024xi32, #tpu.memory_space<hbm>>
    %dma_start3A_92 = tpu.memref_squeeze %dma_start3A_91 : memref<1x1x1024xi32, #tpu.memory_space<hbm>> -> memref<1024xi32, #tpu.memory_space<hbm>>
    tpu.enqueue_dma source(%dma_start3A_92 : memref<1024xi32, #tpu.memory_space<hbm>>) target(%dma_start3A_90 : memref<1024xi32, #tpu.memory_space<vmem>>) target_semaphore(%arg9 : memref<!tpu.dma_semaphore, #tpu.memory_space<semaphore_mem>>)
    %dma_start3A_93 = arith.constant 6 : i32
    %dma_start3A_94 = arith.constant 6 : i32
    %dma_start3A_95 = arith.constant 0 : i32
    %dma_start3A_96 = tpu.memref_slice %arg5[%dma_start3A_94, %dma_start3A_95] : memref<20x1024xi32, #tpu.memory_space<vmem>> -> memref<1x1024xi32, #tpu.memory_space<vmem>>
    %dma_start3A_97 = tpu.memref_squeeze %dma_start3A_96 : memref<1x1024xi32, #tpu.memory_space<vmem>> -> memref<1024xi32, #tpu.memory_space<vmem>>
    %dma_start3A_98 = tpu.memref_slice %arg2[%dma_start3A_93, %select_n3A, %sub3A_21] : memref<20x8x4096xi32, #tpu.memory_space<hbm>> -> memref<1x1x1024xi32, #tpu.memory_space<hbm>>
    %dma_start3A_99 = tpu.memref_squeeze %dma_start3A_98 : memref<1x1x1024xi32, #tpu.memory_space<hbm>> -> memref<1024xi32, #tpu.memory_space<hbm>>
    %dma_start3A_100 = arith.constant 0 : i32
    %dma_start3A_101 = tpu.memref_slice %arg5[%dma_start3A_94, %dma_start3A_100] : memref<20x1024xi32, #tpu.memory_space<vmem>> -> memref<1x1024xi32, #tpu.memory_space<vmem>>
    %dma_start3A_102 = tpu.memref_squeeze %dma_start3A_101 : memref<1x1024xi32, #tpu.memory_space<vmem>> -> memref<1024xi32, #tpu.memory_space<vmem>>
    %dma_start3A_103 = tpu.memref_slice %arg2[%dma_start3A_93, %select_n3A, %sub3A_21] : memref<20x8x4096xi32, #tpu.memory_space<hbm>> -> memref<1x1x1024xi32, #tpu.memory_space<hbm>>
    %dma_start3A_104 = tpu.memref_squeeze %dma_start3A_103 : memref<1x1x1024xi32, #tpu.memory_space<hbm>> -> memref<1024xi32, #tpu.memory_space<hbm>>
    tpu.enqueue_dma source(%dma_start3A_104 : memref<1024xi32, #tpu.memory_space<hbm>>) target(%dma_start3A_102 : memref<1024xi32, #tpu.memory_space<vmem>>) target_semaphore(%arg9 : memref<!tpu.dma_semaphore, #tpu.memory_space<semaphore_mem>>)
    %dma_start3A_105 = arith.constant 7 : i32
    %dma_start3A_106 = arith.constant 7 : i32
    %dma_start3A_107 = arith.constant 0 : i32
    %dma_start3A_108 = tpu.memref_slice %arg5[%dma_start3A_106, %dma_start3A_107] : memref<20x1024xi32, #tpu.memory_space<vmem>> -> memref<1x1024xi32, #tpu.memory_space<vmem>>
    %dma_start3A_109 = tpu.memref_squeeze %dma_start3A_108 : memref<1x1024xi32, #tpu.memory_space<vmem>> -> memref<1024xi32, #tpu.memory_space<vmem>>
    %dma_start3A_110 = tpu.memref_slice %arg2[%dma_start3A_105, %select_n3A, %sub3A_21] : memref<20x8x4096xi32, #tpu.memory_space<hbm>> -> memref<1x1x1024xi32, #tpu.memory_space<hbm>>
    %dma_start3A_111 = tpu.memref_squeeze %dma_start3A_110 : memref<1x1x1024xi32, #tpu.memory_space<hbm>> -> memref<1024xi32, #tpu.memory_space<hbm>>
    %dma_start3A_112 = arith.constant 0 : i32
    %dma_start3A_113 = tpu.memref_slice %arg5[%dma_start3A_106, %dma_start3A_112] : memref<20x1024xi32, #tpu.memory_space<vmem>> -> memref<1x1024xi32, #tpu.memory_space<vmem>>
    %dma_start3A_114 = tpu.memref_squeeze %dma_start3A_113 : memref<1x1024xi32, #tpu.memory_space<vmem>> -> memref<1024xi32, #tpu.memory_space<vmem>>
    %dma_start3A_115 = tpu.memref_slice %arg2[%dma_start3A_105, %select_n3A, %sub3A_21] : memref<20x8x4096xi32, #tpu.memory_space<hbm>> -> memref<1x1x1024xi32, #tpu.memory_space<hbm>>
    %dma_start3A_116 = tpu.memref_squeeze %dma_start3A_115 : memref<1x1x1024xi32, #tpu.memory_space<hbm>> -> memref<1024xi32, #tpu.memory_space<hbm>>
    tpu.enqueue_dma source(%dma_start3A_116 : memref<1024xi32, #tpu.memory_space<hbm>>) target(%dma_start3A_114 : memref<1024xi32, #tpu.memory_space<vmem>>) target_semaphore(%arg9 : memref<!tpu.dma_semaphore, #tpu.memory_space<semaphore_mem>>)
    %dma_start3A_117 = arith.constant 8 : i32
    %dma_start3A_118 = arith.constant 8 : i32
    %dma_start3A_119 = arith.constant 0 : i32
    %dma_start3A_120 = tpu.memref_slice %arg5[%dma_start3A_118, %dma_start3A_119] : memref<20x1024xi32, #tpu.memory_space<vmem>> -> memref<1x1024xi32, #tpu.memory_space<vmem>>
    %dma_start3A_121 = tpu.memref_squeeze %dma_start3A_120 : memref<1x1024xi32, #tpu.memory_space<vmem>> -> memref<1024xi32, #tpu.memory_space<vmem>>
    %dma_start3A_122 = tpu.memref_slice %arg2[%dma_start3A_117, %select_n3A, %sub3A_21] : memref<20x8x4096xi32, #tpu.memory_space<hbm>> -> memref<1x1x1024xi32, #tpu.memory_space<hbm>>
    %dma_start3A_123 = tpu.memref_squeeze %dma_start3A_122 : memref<1x1x1024xi32, #tpu.memory_space<hbm>> -> memref<1024xi32, #tpu.memory_space<hbm>>
    %dma_start3A_124 = arith.constant 0 : i32
    %dma_start3A_125 = tpu.memref_slice %arg5[%dma_start3A_118, %dma_start3A_124] : memref<20x1024xi32, #tpu.memory_space<vmem>> -> memref<1x1024xi32, #tpu.memory_space<vmem>>
    %dma_start3A_126 = tpu.memref_squeeze %dma_start3A_125 : memref<1x1024xi32, #tpu.memory_space<vmem>> -> memref<1024xi32, #tpu.memory_space<vmem>>
    %dma_start3A_127 = tpu.memref_slice %arg2[%dma_start3A_117, %select_n3A, %sub3A_21] : memref<20x8x4096xi32, #tpu.memory_space<hbm>> -> memref<1x1x1024xi32, #tpu.memory_space<hbm>>
    %dma_start3A_128 = tpu.memref_squeeze %dma_start3A_127 : memref<1x1x1024xi32, #tpu.memory_space<hbm>> -> memref<1024xi32, #tpu.memory_space<hbm>>
    tpu.enqueue_dma source(%dma_start3A_128 : memref<1024xi32, #tpu.memory_space<hbm>>) target(%dma_start3A_126 : memref<1024xi32, #tpu.memory_space<vmem>>) target_semaphore(%arg9 : memref<!tpu.dma_semaphore, #tpu.memory_space<semaphore_mem>>)
    %dma_start3A_129 = arith.constant 9 : i32
    %dma_start3A_130 = arith.constant 9 : i32
    %dma_start3A_131 = arith.constant 0 : i32
    %dma_start3A_132 = tpu.memref_slice %arg5[%dma_start3A_130, %dma_start3A_131] : memref<20x1024xi32, #tpu.memory_space<vmem>> -> memref<1x1024xi32, #tpu.memory_space<vmem>>
    %dma_start3A_133 = tpu.memref_squeeze %dma_start3A_132 : memref<1x1024xi32, #tpu.memory_space<vmem>> -> memref<1024xi32, #tpu.memory_space<vmem>>
    %dma_start3A_134 = tpu.memref_slice %arg2[%dma_start3A_129, %select_n3A, %sub3A_21] : memref<20x8x4096xi32, #tpu.memory_space<hbm>> -> memref<1x1x1024xi32, #tpu.memory_space<hbm>>
    %dma_start3A_135 = tpu.memref_squeeze %dma_start3A_134 : memref<1x1x1024xi32, #tpu.memory_space<hbm>> -> memref<1024xi32, #tpu.memory_space<hbm>>
    %dma_start3A_136 = arith.constant 0 : i32
    %dma_start3A_137 = tpu.memref_slice %arg5[%dma_start3A_130, %dma_start3A_136] : memref<20x1024xi32, #tpu.memory_space<vmem>> -> memref<1x1024xi32, #tpu.memory_space<vmem>>
    %dma_start3A_138 = tpu.memref_squeeze %dma_start3A_137 : memref<1x1024xi32, #tpu.memory_space<vmem>> -> memref<1024xi32, #tpu.memory_space<vmem>>
    %dma_start3A_139 = tpu.memref_slice %arg2[%dma_start3A_129, %select_n3A, %sub3A_21] : memref<20x8x4096xi32, #tpu.memory_space<hbm>> -> memref<1x1x1024xi32, #tpu.memory_space<hbm>>
    %dma_start3A_140 = tpu.memref_squeeze %dma_start3A_139 : memref<1x1x1024xi32, #tpu.memory_space<hbm>> -> memref<1024xi32, #tpu.memory_space<hbm>>
    tpu.enqueue_dma source(%dma_start3A_140 : memref<1024xi32, #tpu.memory_space<hbm>>) target(%dma_start3A_138 : memref<1024xi32, #tpu.memory_space<vmem>>) target_semaphore(%arg9 : memref<!tpu.dma_semaphore, #tpu.memory_space<semaphore_mem>>)
    %dma_start3A_141 = arith.constant 10 : i32
    %dma_start3A_142 = arith.constant 10 : i32
    %dma_start3A_143 = arith.constant 0 : i32
    %dma_start3A_144 = tpu.memref_slice %arg5[%dma_start3A_142, %dma_start3A_143] : memref<20x1024xi32, #tpu.memory_space<vmem>> -> memref<1x1024xi32, #tpu.memory_space<vmem>>
    %dma_start3A_145 = tpu.memref_squeeze %dma_start3A_144 : memref<1x1024xi32, #tpu.memory_space<vmem>> -> memref<1024xi32, #tpu.memory_space<vmem>>
    %dma_start3A_146 = tpu.memref_slice %arg2[%dma_start3A_141, %select_n3A, %sub3A_21] : memref<20x8x4096xi32, #tpu.memory_space<hbm>> -> memref<1x1x1024xi32, #tpu.memory_space<hbm>>
    %dma_start3A_147 = tpu.memref_squeeze %dma_start3A_146 : memref<1x1x1024xi32, #tpu.memory_space<hbm>> -> memref<1024xi32, #tpu.memory_space<hbm>>
    %dma_start3A_148 = arith.constant 0 : i32
    %dma_start3A_149 = tpu.memref_slice %arg5[%dma_start3A_142, %dma_start3A_148] : memref<20x1024xi32, #tpu.memory_space<vmem>> -> memref<1x1024xi32, #tpu.memory_space<vmem>>
    %dma_start3A_150 = tpu.memref_squeeze %dma_start3A_149 : memref<1x1024xi32, #tpu.memory_space<vmem>> -> memref<1024xi32, #tpu.memory_space<vmem>>
    %dma_start3A_151 = tpu.memref_slice %arg2[%dma_start3A_141, %select_n3A, %sub3A_21] : memref<20x8x4096xi32, #tpu.memory_space<hbm>> -> memref<1x1x1024xi32, #tpu.memory_space<hbm>>
    %dma_start3A_152 = tpu.memref_squeeze %dma_start3A_151 : memref<1x1x1024xi32, #tpu.memory_space<hbm>> -> memref<1024xi32, #tpu.memory_space<hbm>>
    tpu.enqueue_dma source(%dma_start3A_152 : memref<1024xi32, #tpu.memory_space<hbm>>) target(%dma_start3A_150 : memref<1024xi32, #tpu.memory_space<vmem>>) target_semaphore(%arg9 : memref<!tpu.dma_semaphore, #tpu.memory_space<semaphore_mem>>)
    %dma_start3A_153 = arith.constant 11 : i32
    %dma_start3A_154 = arith.constant 11 : i32
    %dma_start3A_155 = arith.constant 0 : i32
    %dma_start3A_156 = tpu.memref_slice %arg5[%dma_start3A_154, %dma_start3A_155] : memref<20x1024xi32, #tpu.memory_space<vmem>> -> memref<1x1024xi32, #tpu.memory_space<vmem>>
    %dma_start3A_157 = tpu.memref_squeeze %dma_start3A_156 : memref<1x1024xi32, #tpu.memory_space<vmem>> -> memref<1024xi32, #tpu.memory_space<vmem>>
    %dma_start3A_158 = tpu.memref_slice %arg2[%dma_start3A_153, %select_n3A, %sub3A_21] : memref<20x8x4096xi32, #tpu.memory_space<hbm>> -> memref<1x1x1024xi32, #tpu.memory_space<hbm>>
    %dma_start3A_159 = tpu.memref_squeeze %dma_start3A_158 : memref<1x1x1024xi32, #tpu.memory_space<hbm>> -> memref<1024xi32, #tpu.memory_space<hbm>>
    %dma_start3A_160 = arith.constant 0 : i32
    %dma_start3A_161 = tpu.memref_slice %arg5[%dma_start3A_154, %dma_start3A_160] : memref<20x1024xi32, #tpu.memory_space<vmem>> -> memref<1x1024xi32, #tpu.memory_space<vmem>>
    %dma_start3A_162 = tpu.memref_squeeze %dma_start3A_161 : memref<1x1024xi32, #tpu.memory_space<vmem>> -> memref<1024xi32, #tpu.memory_space<vmem>>
    %dma_start3A_163 = tpu.memref_slice %arg2[%dma_start3A_153, %select_n3A, %sub3A_21] : memref<20x8x4096xi32, #tpu.memory_space<hbm>> -> memref<1x1x1024xi32, #tpu.memory_space<hbm>>
    %dma_start3A_164 = tpu.memref_squeeze %dma_start3A_163 : memref<1x1x1024xi32, #tpu.memory_space<hbm>> -> memref<1024xi32, #tpu.memory_space<hbm>>
    tpu.enqueue_dma source(%dma_start3A_164 : memref<1024xi32, #tpu.memory_space<hbm>>) target(%dma_start3A_162 : memref<1024xi32, #tpu.memory_space<vmem>>) target_semaphore(%arg9 : memref<!tpu.dma_semaphore, #tpu.memory_space<semaphore_mem>>)
    %dma_start3A_165 = arith.constant 12 : i32
    %dma_start3A_166 = arith.constant 12 : i32
    %dma_start3A_167 = arith.constant 0 : i32
    %dma_start3A_168 = tpu.memref_slice %arg5[%dma_start3A_166, %dma_start3A_167] : memref<20x1024xi32, #tpu.memory_space<vmem>> -> memref<1x1024xi32, #tpu.memory_space<vmem>>
    %dma_start3A_169 = tpu.memref_squeeze %dma_start3A_168 : memref<1x1024xi32, #tpu.memory_space<vmem>> -> memref<1024xi32, #tpu.memory_space<vmem>>
    %dma_start3A_170 = tpu.memref_slice %arg2[%dma_start3A_165, %select_n3A, %sub3A_21] : memref<20x8x4096xi32, #tpu.memory_space<hbm>> -> memref<1x1x1024xi32, #tpu.memory_space<hbm>>
    %dma_start3A_171 = tpu.memref_squeeze %dma_start3A_170 : memref<1x1x1024xi32, #tpu.memory_space<hbm>> -> memref<1024xi32, #tpu.memory_space<hbm>>
    %dma_start3A_172 = arith.constant 0 : i32
    %dma_start3A_173 = tpu.memref_slice %arg5[%dma_start3A_166, %dma_start3A_172] : memref<20x1024xi32, #tpu.memory_space<vmem>> -> memref<1x1024xi32, #tpu.memory_space<vmem>>
    %dma_start3A_174 = tpu.memref_squeeze %dma_start3A_173 : memref<1x1024xi32, #tpu.memory_space<vmem>> -> memref<1024xi32, #tpu.memory_space<vmem>>
    %dma_start3A_175 = tpu.memref_slice %arg2[%dma_start3A_165, %select_n3A, %sub3A_21] : memref<20x8x4096xi32, #tpu.memory_space<hbm>> -> memref<1x1x1024xi32, #tpu.memory_space<hbm>>
    %dma_start3A_176 = tpu.memref_squeeze %dma_start3A_175 : memref<1x1x1024xi32, #tpu.memory_space<hbm>> -> memref<1024xi32, #tpu.memory_space<hbm>>
    tpu.enqueue_dma source(%dma_start3A_176 : memref<1024xi32, #tpu.memory_space<hbm>>) target(%dma_start3A_174 : memref<1024xi32, #tpu.memory_space<vmem>>) target_semaphore(%arg9 : memref<!tpu.dma_semaphore, #tpu.memory_space<semaphore_mem>>)
    %dma_start3A_177 = arith.constant 13 : i32
    %dma_start3A_178 = arith.constant 13 : i32
    %dma_start3A_179 = arith.constant 0 : i32
    %dma_start3A_180 = tpu.memref_slice %arg5[%dma_start3A_178, %dma_start3A_179] : memref<20x1024xi32, #tpu.memory_space<vmem>> -> memref<1x1024xi32, #tpu.memory_space<vmem>>
    %dma_start3A_181 = tpu.memref_squeeze %dma_start3A_180 : memref<1x1024xi32, #tpu.memory_space<vmem>> -> memref<1024xi32, #tpu.memory_space<vmem>>
    %dma_start3A_182 = tpu.memref_slice %arg2[%dma_start3A_177, %select_n3A, %sub3A_21] : memref<20x8x4096xi32, #tpu.memory_space<hbm>> -> memref<1x1x1024xi32, #tpu.memory_space<hbm>>
    %dma_start3A_183 = tpu.memref_squeeze %dma_start3A_182 : memref<1x1x1024xi32, #tpu.memory_space<hbm>> -> memref<1024xi32, #tpu.memory_space<hbm>>
    %dma_start3A_184 = arith.constant 0 : i32
    %dma_start3A_185 = tpu.memref_slice %arg5[%dma_start3A_178, %dma_start3A_184] : memref<20x1024xi32, #tpu.memory_space<vmem>> -> memref<1x1024xi32, #tpu.memory_space<vmem>>
    %dma_start3A_186 = tpu.memref_squeeze %dma_start3A_185 : memref<1x1024xi32, #tpu.memory_space<vmem>> -> memref<1024xi32, #tpu.memory_space<vmem>>
    %dma_start3A_187 = tpu.memref_slice %arg2[%dma_start3A_177, %select_n3A, %sub3A_21] : memref<20x8x4096xi32, #tpu.memory_space<hbm>> -> memref<1x1x1024xi32, #tpu.memory_space<hbm>>
    %dma_start3A_188 = tpu.memref_squeeze %dma_start3A_187 : memref<1x1x1024xi32, #tpu.memory_space<hbm>> -> memref<1024xi32, #tpu.memory_space<hbm>>
    tpu.enqueue_dma source(%dma_start3A_188 : memref<1024xi32, #tpu.memory_space<hbm>>) target(%dma_start3A_186 : memref<1024xi32, #tpu.memory_space<vmem>>) target_semaphore(%arg9 : memref<!tpu.dma_semaphore, #tpu.memory_space<semaphore_mem>>)
    %dma_start3A_189 = arith.constant 14 : i32
    %dma_start3A_190 = arith.constant 14 : i32
    %dma_start3A_191 = arith.constant 0 : i32
    %dma_start3A_192 = tpu.memref_slice %arg5[%dma_start3A_190, %dma_start3A_191] : memref<20x1024xi32, #tpu.memory_space<vmem>> -> memref<1x1024xi32, #tpu.memory_space<vmem>>
    %dma_start3A_193 = tpu.memref_squeeze %dma_start3A_192 : memref<1x1024xi32, #tpu.memory_space<vmem>> -> memref<1024xi32, #tpu.memory_space<vmem>>
    %dma_start3A_194 = tpu.memref_slice %arg2[%dma_start3A_189, %select_n3A, %sub3A_21] : memref<20x8x4096xi32, #tpu.memory_space<hbm>> -> memref<1x1x1024xi32, #tpu.memory_space<hbm>>
    %dma_start3A_195 = tpu.memref_squeeze %dma_start3A_194 : memref<1x1x1024xi32, #tpu.memory_space<hbm>> -> memref<1024xi32, #tpu.memory_space<hbm>>
    %dma_start3A_196 = arith.constant 0 : i32
    %dma_start3A_197 = tpu.memref_slice %arg5[%dma_start3A_190, %dma_start3A_196] : memref<20x1024xi32, #tpu.memory_space<vmem>> -> memref<1x1024xi32, #tpu.memory_space<vmem>>
    %dma_start3A_198 = tpu.memref_squeeze %dma_start3A_197 : memref<1x1024xi32, #tpu.memory_space<vmem>> -> memref<1024xi32, #tpu.memory_space<vmem>>
    %dma_start3A_199 = tpu.memref_slice %arg2[%dma_start3A_189, %select_n3A, %sub3A_21] : memref<20x8x4096xi32, #tpu.memory_space<hbm>> -> memref<1x1x1024xi32, #tpu.memory_space<hbm>>
    %dma_start3A_200 = tpu.memref_squeeze %dma_start3A_199 : memref<1x1x1024xi32, #tpu.memory_space<hbm>> -> memref<1024xi32, #tpu.memory_space<hbm>>
    tpu.enqueue_dma source(%dma_start3A_200 : memref<1024xi32, #tpu.memory_space<hbm>>) target(%dma_start3A_198 : memref<1024xi32, #tpu.memory_space<vmem>>) target_semaphore(%arg9 : memref<!tpu.dma_semaphore, #tpu.memory_space<semaphore_mem>>)
    %dma_start3A_201 = arith.constant 15 : i32
    %dma_start3A_202 = arith.constant 15 : i32
    %dma_start3A_203 = arith.constant 0 : i32
    %dma_start3A_204 = tpu.memref_slice %arg5[%dma_start3A_202, %dma_start3A_203] : memref<20x1024xi32, #tpu.memory_space<vmem>> -> memref<1x1024xi32, #tpu.memory_space<vmem>>
    %dma_start3A_205 = tpu.memref_squeeze %dma_start3A_204 : memref<1x1024xi32, #tpu.memory_space<vmem>> -> memref<1024xi32, #tpu.memory_space<vmem>>
    %dma_start3A_206 = tpu.memref_slice %arg2[%dma_start3A_201, %select_n3A, %sub3A_21] : memref<20x8x4096xi32, #tpu.memory_space<hbm>> -> memref<1x1x1024xi32, #tpu.memory_space<hbm>>
    %dma_start3A_207 = tpu.memref_squeeze %dma_start3A_206 : memref<1x1x1024xi32, #tpu.memory_space<hbm>> -> memref<1024xi32, #tpu.memory_space<hbm>>
    %dma_start3A_208 = arith.constant 0 : i32
    %dma_start3A_209 = tpu.memref_slice %arg5[%dma_start3A_202, %dma_start3A_208] : memref<20x1024xi32, #tpu.memory_space<vmem>> -> memref<1x1024xi32, #tpu.memory_space<vmem>>
    %dma_start3A_210 = tpu.memref_squeeze %dma_start3A_209 : memref<1x1024xi32, #tpu.memory_space<vmem>> -> memref<1024xi32, #tpu.memory_space<vmem>>
    %dma_start3A_211 = tpu.memref_slice %arg2[%dma_start3A_201, %select_n3A, %sub3A_21] : memref<20x8x4096xi32, #tpu.memory_space<hbm>> -> memref<1x1x1024xi32, #tpu.memory_space<hbm>>
    %dma_start3A_212 = tpu.memref_squeeze %dma_start3A_211 : memref<1x1x1024xi32, #tpu.memory_space<hbm>> -> memref<1024xi32, #tpu.memory_space<hbm>>
    tpu.enqueue_dma source(%dma_start3A_212 : memref<1024xi32, #tpu.memory_space<hbm>>) target(%dma_start3A_210 : memref<1024xi32, #tpu.memory_space<vmem>>) target_semaphore(%arg9 : memref<!tpu.dma_semaphore, #tpu.memory_space<semaphore_mem>>)
    %dma_start3A_213 = arith.constant 16 : i32
    %dma_start3A_214 = arith.constant 16 : i32
    %dma_start3A_215 = arith.constant 0 : i32
    %dma_start3A_216 = tpu.memref_slice %arg5[%dma_start3A_214, %dma_start3A_215] : memref<20x1024xi32, #tpu.memory_space<vmem>> -> memref<1x1024xi32, #tpu.memory_space<vmem>>
    %dma_start3A_217 = tpu.memref_squeeze %dma_start3A_216 : memref<1x1024xi32, #tpu.memory_space<vmem>> -> memref<1024xi32, #tpu.memory_space<vmem>>
    %dma_start3A_218 = tpu.memref_slice %arg2[%dma_start3A_213, %select_n3A, %sub3A_21] : memref<20x8x4096xi32, #tpu.memory_space<hbm>> -> memref<1x1x1024xi32, #tpu.memory_space<hbm>>
    %dma_start3A_219 = tpu.memref_squeeze %dma_start3A_218 : memref<1x1x1024xi32, #tpu.memory_space<hbm>> -> memref<1024xi32, #tpu.memory_space<hbm>>
    %dma_start3A_220 = arith.constant 0 : i32
    %dma_start3A_221 = tpu.memref_slice %arg5[%dma_start3A_214, %dma_start3A_220] : memref<20x1024xi32, #tpu.memory_space<vmem>> -> memref<1x1024xi32, #tpu.memory_space<vmem>>
    %dma_start3A_222 = tpu.memref_squeeze %dma_start3A_221 : memref<1x1024xi32, #tpu.memory_space<vmem>> -> memref<1024xi32, #tpu.memory_space<vmem>>
    %dma_start3A_223 = tpu.memref_slice %arg2[%dma_start3A_213, %select_n3A, %sub3A_21] : memref<20x8x4096xi32, #tpu.memory_space<hbm>> -> memref<1x1x1024xi32, #tpu.memory_space<hbm>>
    %dma_start3A_224 = tpu.memref_squeeze %dma_start3A_223 : memref<1x1x1024xi32, #tpu.memory_space<hbm>> -> memref<1024xi32, #tpu.memory_space<hbm>>
    tpu.enqueue_dma source(%dma_start3A_224 : memref<1024xi32, #tpu.memory_space<hbm>>) target(%dma_start3A_222 : memref<1024xi32, #tpu.memory_space<vmem>>) target_semaphore(%arg9 : memref<!tpu.dma_semaphore, #tpu.memory_space<semaphore_mem>>)
    %dma_start3A_225 = arith.constant 17 : i32
    %dma_start3A_226 = arith.constant 17 : i32
    %dma_start3A_227 = arith.constant 0 : i32
    %dma_start3A_228 = tpu.memref_slice %arg5[%dma_start3A_226, %dma_start3A_227] : memref<20x1024xi32, #tpu.memory_space<vmem>> -> memref<1x1024xi32, #tpu.memory_space<vmem>>
    %dma_start3A_229 = tpu.memref_squeeze %dma_start3A_228 : memref<1x1024xi32, #tpu.memory_space<vmem>> -> memref<1024xi32, #tpu.memory_space<vmem>>
    %dma_start3A_230 = tpu.memref_slice %arg2[%dma_start3A_225, %select_n3A, %sub3A_21] : memref<20x8x4096xi32, #tpu.memory_space<hbm>> -> memref<1x1x1024xi32, #tpu.memory_space<hbm>>
    %dma_start3A_231 = tpu.memref_squeeze %dma_start3A_230 : memref<1x1x1024xi32, #tpu.memory_space<hbm>> -> memref<1024xi32, #tpu.memory_space<hbm>>
    %dma_start3A_232 = arith.constant 0 : i32
    %dma_start3A_233 = tpu.memref_slice %arg5[%dma_start3A_226, %dma_start3A_232] : memref<20x1024xi32, #tpu.memory_space<vmem>> -> memref<1x1024xi32, #tpu.memory_space<vmem>>
    %dma_start3A_234 = tpu.memref_squeeze %dma_start3A_233 : memref<1x1024xi32, #tpu.memory_space<vmem>> -> memref<1024xi32, #tpu.memory_space<vmem>>
    %dma_start3A_235 = tpu.memref_slice %arg2[%dma_start3A_225, %select_n3A, %sub3A_21] : memref<20x8x4096xi32, #tpu.memory_space<hbm>> -> memref<1x1x1024xi32, #tpu.memory_space<hbm>>
    %dma_start3A_236 = tpu.memref_squeeze %dma_start3A_235 : memref<1x1x1024xi32, #tpu.memory_space<hbm>> -> memref<1024xi32, #tpu.memory_space<hbm>>
    tpu.enqueue_dma source(%dma_start3A_236 : memref<1024xi32, #tpu.memory_space<hbm>>) target(%dma_start3A_234 : memref<1024xi32, #tpu.memory_space<vmem>>) target_semaphore(%arg9 : memref<!tpu.dma_semaphore, #tpu.memory_space<semaphore_mem>>)
    %dma_start3A_237 = arith.constant 18 : i32
    %dma_start3A_238 = arith.constant 18 : i32
    %dma_start3A_239 = arith.constant 0 : i32
    %dma_start3A_240 = tpu.memref_slice %arg5[%dma_start3A_238, %dma_start3A_239] : memref<20x1024xi32, #tpu.memory_space<vmem>> -> memref<1x1024xi32, #tpu.memory_space<vmem>>
    %dma_start3A_241 = tpu.memref_squeeze %dma_start3A_240 : memref<1x1024xi32, #tpu.memory_space<vmem>> -> memref<1024xi32, #tpu.memory_space<vmem>>
    %dma_start3A_242 = tpu.memref_slice %arg2[%dma_start3A_237, %select_n3A, %sub3A_21] : memref<20x8x4096xi32, #tpu.memory_space<hbm>> -> memref<1x1x1024xi32, #tpu.memory_space<hbm>>
    %dma_start3A_243 = tpu.memref_squeeze %dma_start3A_242 : memref<1x1x1024xi32, #tpu.memory_space<hbm>> -> memref<1024xi32, #tpu.memory_space<hbm>>
    %dma_start3A_244 = arith.constant 0 : i32
    %dma_start3A_245 = tpu.memref_slice %arg5[%dma_start3A_238, %dma_start3A_244] : memref<20x1024xi32, #tpu.memory_space<vmem>> -> memref<1x1024xi32, #tpu.memory_space<vmem>>
    %dma_start3A_246 = tpu.memref_squeeze %dma_start3A_245 : memref<1x1024xi32, #tpu.memory_space<vmem>> -> memref<1024xi32, #tpu.memory_space<vmem>>
    %dma_start3A_247 = tpu.memref_slice %arg2[%dma_start3A_237, %select_n3A, %sub3A_21] : memref<20x8x4096xi32, #tpu.memory_space<hbm>> -> memref<1x1x1024xi32, #tpu.memory_space<hbm>>
    %dma_start3A_248 = tpu.memref_squeeze %dma_start3A_247 : memref<1x1x1024xi32, #tpu.memory_space<hbm>> -> memref<1024xi32, #tpu.memory_space<hbm>>
    tpu.enqueue_dma source(%dma_start3A_248 : memref<1024xi32, #tpu.memory_space<hbm>>) target(%dma_start3A_246 : memref<1024xi32, #tpu.memory_space<vmem>>) target_semaphore(%arg9 : memref<!tpu.dma_semaphore, #tpu.memory_space<semaphore_mem>>)
    %dma_start3A_249 = arith.constant 19 : i32
    %dma_start3A_250 = arith.constant 19 : i32
    %dma_start3A_251 = arith.constant 0 : i32
    %dma_start3A_252 = tpu.memref_slice %arg5[%dma_start3A_250, %dma_start3A_251] : memref<20x1024xi32, #tpu.memory_space<vmem>> -> memref<1x1024xi32, #tpu.memory_space<vmem>>
    %dma_start3A_253 = tpu.memref_squeeze %dma_start3A_252 : memref<1x1024xi32, #tpu.memory_space<vmem>> -> memref<1024xi32, #tpu.memory_space<vmem>>
    %dma_start3A_254 = tpu.memref_slice %arg2[%dma_start3A_249, %select_n3A, %sub3A_21] : memref<20x8x4096xi32, #tpu.memory_space<hbm>> -> memref<1x1x1024xi32, #tpu.memory_space<hbm>>
    %dma_start3A_255 = tpu.memref_squeeze %dma_start3A_254 : memref<1x1x1024xi32, #tpu.memory_space<hbm>> -> memref<1024xi32, #tpu.memory_space<hbm>>
    %dma_start3A_256 = arith.constant 0 : i32
    %dma_start3A_257 = tpu.memref_slice %arg5[%dma_start3A_250, %dma_start3A_256] : memref<20x1024xi32, #tpu.memory_space<vmem>> -> memref<1x1024xi32, #tpu.memory_space<vmem>>
    %dma_start3A_258 = tpu.memref_squeeze %dma_start3A_257 : memref<1x1024xi32, #tpu.memory_space<vmem>> -> memref<1024xi32, #tpu.memory_space<vmem>>
    %dma_start3A_259 = tpu.memref_slice %arg2[%dma_start3A_249, %select_n3A, %sub3A_21] : memref<20x8x4096xi32, #tpu.memory_space<hbm>> -> memref<1x1x1024xi32, #tpu.memory_space<hbm>>
    %dma_start3A_260 = tpu.memref_squeeze %dma_start3A_259 : memref<1x1x1024xi32, #tpu.memory_space<hbm>> -> memref<1024xi32, #tpu.memory_space<hbm>>
    tpu.enqueue_dma source(%dma_start3A_260 : memref<1024xi32, #tpu.memory_space<hbm>>) target(%dma_start3A_258 : memref<1024xi32, #tpu.memory_space<vmem>>) target_semaphore(%arg9 : memref<!tpu.dma_semaphore, #tpu.memory_space<semaphore_mem>>)
    %dma_wait3A = arith.constant 0 : i32
    %dma_wait3A_261 = arith.constant 0 : i32
    %dma_wait3A_262 = arith.constant 0 : i32
    %dma_wait3A_263 = tpu.memref_slice %arg5[%dma_wait3A_261, %dma_wait3A_262] : memref<20x1024xi32, #tpu.memory_space<vmem>> -> memref<1x1024xi32, #tpu.memory_space<vmem>>
    %dma_wait3A_264 = tpu.memref_squeeze %dma_wait3A_263 : memref<1x1024xi32, #tpu.memory_space<vmem>> -> memref<1024xi32, #tpu.memory_space<vmem>>
    %dma_wait3A_265 = tpu.memref_slice %arg2[%dma_wait3A, %select_n3A, %sub3A_21] : memref<20x8x4096xi32, #tpu.memory_space<hbm>> -> memref<1x1x1024xi32, #tpu.memory_space<hbm>>
    %dma_wait3A_266 = tpu.memref_squeeze %dma_wait3A_265 : memref<1x1x1024xi32, #tpu.memory_space<hbm>> -> memref<1024xi32, #tpu.memory_space<hbm>>
    %dma_wait3A_267 = arith.constant 0 : i32
    %dma_wait3A_268 = tpu.memref_slice %arg5[%dma_wait3A_261, %dma_wait3A_267] : memref<20x1024xi32, #tpu.memory_space<vmem>> -> memref<1x1024xi32, #tpu.memory_space<vmem>>
    %dma_wait3A_269 = tpu.memref_squeeze %dma_wait3A_268 : memref<1x1024xi32, #tpu.memory_space<vmem>> -> memref<1024xi32, #tpu.memory_space<vmem>>
    %dma_wait3A_270 = tpu.memref_slice %arg2[%dma_wait3A, %select_n3A, %sub3A_21] : memref<20x8x4096xi32, #tpu.memory_space<hbm>> -> memref<1x1x1024xi32, #tpu.memory_space<hbm>>
    %dma_wait3A_271 = tpu.memref_squeeze %dma_wait3A_270 : memref<1x1x1024xi32, #tpu.memory_space<hbm>> -> memref<1024xi32, #tpu.memory_space<hbm>>
    tpu.wait_dma2 semaphore(%arg9 : memref<!tpu.dma_semaphore, #tpu.memory_space<semaphore_mem>>) src(%dma_wait3A_271 : memref<1024xi32, #tpu.memory_space<hbm>>) dst(%dma_wait3A_269 : memref<1024xi32, #tpu.memory_space<vmem>>)
    %dma_wait3A_272 = arith.constant 1 : i32
    %dma_wait3A_273 = arith.constant 1 : i32
    %dma_wait3A_274 = arith.constant 0 : i32
    %dma_wait3A_275 = tpu.memref_slice %arg5[%dma_wait3A_273, %dma_wait3A_274] : memref<20x1024xi32, #tpu.memory_space<vmem>> -> memref<1x1024xi32, #tpu.memory_space<vmem>>
    %dma_wait3A_276 = tpu.memref_squeeze %dma_wait3A_275 : memref<1x1024xi32, #tpu.memory_space<vmem>> -> memref<1024xi32, #tpu.memory_space<vmem>>
    %dma_wait3A_277 = tpu.memref_slice %arg2[%dma_wait3A_272, %select_n3A, %sub3A_21] : memref<20x8x4096xi32, #tpu.memory_space<hbm>> -> memref<1x1x1024xi32, #tpu.memory_space<hbm>>
    %dma_wait3A_278 = tpu.memref_squeeze %dma_wait3A_277 : memref<1x1x1024xi32, #tpu.memory_space<hbm>> -> memref<1024xi32, #tpu.memory_space<hbm>>
    %dma_wait3A_279 = arith.constant 0 : i32
    %dma_wait3A_280 = tpu.memref_slice %arg5[%dma_wait3A_273, %dma_wait3A_279] : memref<20x1024xi32, #tpu.memory_space<vmem>> -> memref<1x1024xi32, #tpu.memory_space<vmem>>
    %dma_wait3A_281 = tpu.memref_squeeze %dma_wait3A_280 : memref<1x1024xi32, #tpu.memory_space<vmem>> -> memref<1024xi32, #tpu.memory_space<vmem>>
    %dma_wait3A_282 = tpu.memref_slice %arg2[%dma_wait3A_272, %select_n3A, %sub3A_21] : memref<20x8x4096xi32, #tpu.memory_space<hbm>> -> memref<1x1x1024xi32, #tpu.memory_space<hbm>>
    %dma_wait3A_283 = tpu.memref_squeeze %dma_wait3A_282 : memref<1x1x1024xi32, #tpu.memory_space<hbm>> -> memref<1024xi32, #tpu.memory_space<hbm>>
    tpu.wait_dma2 semaphore(%arg9 : memref<!tpu.dma_semaphore, #tpu.memory_space<semaphore_mem>>) src(%dma_wait3A_283 : memref<1024xi32, #tpu.memory_space<hbm>>) dst(%dma_wait3A_281 : memref<1024xi32, #tpu.memory_space<vmem>>)
    %dma_wait3A_284 = arith.constant 2 : i32
    %dma_wait3A_285 = arith.constant 2 : i32
    %dma_wait3A_286 = arith.constant 0 : i32
    %dma_wait3A_287 = tpu.memref_slice %arg5[%dma_wait3A_285, %dma_wait3A_286] : memref<20x1024xi32, #tpu.memory_space<vmem>> -> memref<1x1024xi32, #tpu.memory_space<vmem>>
    %dma_wait3A_288 = tpu.memref_squeeze %dma_wait3A_287 : memref<1x1024xi32, #tpu.memory_space<vmem>> -> memref<1024xi32, #tpu.memory_space<vmem>>
    %dma_wait3A_289 = tpu.memref_slice %arg2[%dma_wait3A_284, %select_n3A, %sub3A_21] : memref<20x8x4096xi32, #tpu.memory_space<hbm>> -> memref<1x1x1024xi32, #tpu.memory_space<hbm>>
    %dma_wait3A_290 = tpu.memref_squeeze %dma_wait3A_289 : memref<1x1x1024xi32, #tpu.memory_space<hbm>> -> memref<1024xi32, #tpu.memory_space<hbm>>
    %dma_wait3A_291 = arith.constant 0 : i32
    %dma_wait3A_292 = tpu.memref_slice %arg5[%dma_wait3A_285, %dma_wait3A_291] : memref<20x1024xi32, #tpu.memory_space<vmem>> -> memref<1x1024xi32, #tpu.memory_space<vmem>>
    %dma_wait3A_293 = tpu.memref_squeeze %dma_wait3A_292 : memref<1x1024xi32, #tpu.memory_space<vmem>> -> memref<1024xi32, #tpu.memory_space<vmem>>
    %dma_wait3A_294 = tpu.memref_slice %arg2[%dma_wait3A_284, %select_n3A, %sub3A_21] : memref<20x8x4096xi32, #tpu.memory_space<hbm>> -> memref<1x1x1024xi32, #tpu.memory_space<hbm>>
    %dma_wait3A_295 = tpu.memref_squeeze %dma_wait3A_294 : memref<1x1x1024xi32, #tpu.memory_space<hbm>> -> memref<1024xi32, #tpu.memory_space<hbm>>
    tpu.wait_dma2 semaphore(%arg9 : memref<!tpu.dma_semaphore, #tpu.memory_space<semaphore_mem>>) src(%dma_wait3A_295 : memref<1024xi32, #tpu.memory_space<hbm>>) dst(%dma_wait3A_293 : memref<1024xi32, #tpu.memory_space<vmem>>)
    %dma_wait3A_296 = arith.constant 3 : i32
    %dma_wait3A_297 = arith.constant 3 : i32
    %dma_wait3A_298 = arith.constant 0 : i32
    %dma_wait3A_299 = tpu.memref_slice %arg5[%dma_wait3A_297, %dma_wait3A_298] : memref<20x1024xi32, #tpu.memory_space<vmem>> -> memref<1x1024xi32, #tpu.memory_space<vmem>>
    %dma_wait3A_300 = tpu.memref_squeeze %dma_wait3A_299 : memref<1x1024xi32, #tpu.memory_space<vmem>> -> memref<1024xi32, #tpu.memory_space<vmem>>
    %dma_wait3A_301 = tpu.memref_slice %arg2[%dma_wait3A_296, %select_n3A, %sub3A_21] : memref<20x8x4096xi32, #tpu.memory_space<hbm>> -> memref<1x1x1024xi32, #tpu.memory_space<hbm>>
    %dma_wait3A_302 = tpu.memref_squeeze %dma_wait3A_301 : memref<1x1x1024xi32, #tpu.memory_space<hbm>> -> memref<1024xi32, #tpu.memory_space<hbm>>
    %dma_wait3A_303 = arith.constant 0 : i32
    %dma_wait3A_304 = tpu.memref_slice %arg5[%dma_wait3A_297, %dma_wait3A_303] : memref<20x1024xi32, #tpu.memory_space<vmem>> -> memref<1x1024xi32, #tpu.memory_space<vmem>>
    %dma_wait3A_305 = tpu.memref_squeeze %dma_wait3A_304 : memref<1x1024xi32, #tpu.memory_space<vmem>> -> memref<1024xi32, #tpu.memory_space<vmem>>
    %dma_wait3A_306 = tpu.memref_slice %arg2[%dma_wait3A_296, %select_n3A, %sub3A_21] : memref<20x8x4096xi32, #tpu.memory_space<hbm>> -> memref<1x1x1024xi32, #tpu.memory_space<hbm>>
    %dma_wait3A_307 = tpu.memref_squeeze %dma_wait3A_306 : memref<1x1x1024xi32, #tpu.memory_space<hbm>> -> memref<1024xi32, #tpu.memory_space<hbm>>
    tpu.wait_dma2 semaphore(%arg9 : memref<!tpu.dma_semaphore, #tpu.memory_space<semaphore_mem>>) src(%dma_wait3A_307 : memref<1024xi32, #tpu.memory_space<hbm>>) dst(%dma_wait3A_305 : memref<1024xi32, #tpu.memory_space<vmem>>)
    %dma_wait3A_308 = arith.constant 4 : i32
    %dma_wait3A_309 = arith.constant 4 : i32
    %dma_wait3A_310 = arith.constant 0 : i32
    %dma_wait3A_311 = tpu.memref_slice %arg5[%dma_wait3A_309, %dma_wait3A_310] : memref<20x1024xi32, #tpu.memory_space<vmem>> -> memref<1x1024xi32, #tpu.memory_space<vmem>>
    %dma_wait3A_312 = tpu.memref_squeeze %dma_wait3A_311 : memref<1x1024xi32, #tpu.memory_space<vmem>> -> memref<1024xi32, #tpu.memory_space<vmem>>
    %dma_wait3A_313 = tpu.memref_slice %arg2[%dma_wait3A_308, %select_n3A, %sub3A_21] : memref<20x8x4096xi32, #tpu.memory_space<hbm>> -> memref<1x1x1024xi32, #tpu.memory_space<hbm>>
    %dma_wait3A_314 = tpu.memref_squeeze %dma_wait3A_313 : memref<1x1x1024xi32, #tpu.memory_space<hbm>> -> memref<1024xi32, #tpu.memory_space<hbm>>
    %dma_wait3A_315 = arith.constant 0 : i32
    %dma_wait3A_316 = tpu.memref_slice %arg5[%dma_wait3A_309, %dma_wait3A_315] : memref<20x1024xi32, #tpu.memory_space<vmem>> -> memref<1x1024xi32, #tpu.memory_space<vmem>>
    %dma_wait3A_317 = tpu.memref_squeeze %dma_wait3A_316 : memref<1x1024xi32, #tpu.memory_space<vmem>> -> memref<1024xi32, #tpu.memory_space<vmem>>
    %dma_wait3A_318 = tpu.memref_slice %arg2[%dma_wait3A_308, %select_n3A, %sub3A_21] : memref<20x8x4096xi32, #tpu.memory_space<hbm>> -> memref<1x1x1024xi32, #tpu.memory_space<hbm>>
    %dma_wait3A_319 = tpu.memref_squeeze %dma_wait3A_318 : memref<1x1x1024xi32, #tpu.memory_space<hbm>> -> memref<1024xi32, #tpu.memory_space<hbm>>
    tpu.wait_dma2 semaphore(%arg9 : memref<!tpu.dma_semaphore, #tpu.memory_space<semaphore_mem>>) src(%dma_wait3A_319 : memref<1024xi32, #tpu.memory_space<hbm>>) dst(%dma_wait3A_317 : memref<1024xi32, #tpu.memory_space<vmem>>)
    %dma_wait3A_320 = arith.constant 5 : i32
    %dma_wait3A_321 = arith.constant 5 : i32
    %dma_wait3A_322 = arith.constant 0 : i32
    %dma_wait3A_323 = tpu.memref_slice %arg5[%dma_wait3A_321, %dma_wait3A_322] : memref<20x1024xi32, #tpu.memory_space<vmem>> -> memref<1x1024xi32, #tpu.memory_space<vmem>>
    %dma_wait3A_324 = tpu.memref_squeeze %dma_wait3A_323 : memref<1x1024xi32, #tpu.memory_space<vmem>> -> memref<1024xi32, #tpu.memory_space<vmem>>
    %dma_wait3A_325 = tpu.memref_slice %arg2[%dma_wait3A_320, %select_n3A, %sub3A_21] : memref<20x8x4096xi32, #tpu.memory_space<hbm>> -> memref<1x1x1024xi32, #tpu.memory_space<hbm>>
    %dma_wait3A_326 = tpu.memref_squeeze %dma_wait3A_325 : memref<1x1x1024xi32, #tpu.memory_space<hbm>> -> memref<1024xi32, #tpu.memory_space<hbm>>
    %dma_wait3A_327 = arith.constant 0 : i32
    %dma_wait3A_328 = tpu.memref_slice %arg5[%dma_wait3A_321, %dma_wait3A_327] : memref<20x1024xi32, #tpu.memory_space<vmem>> -> memref<1x1024xi32, #tpu.memory_space<vmem>>
    %dma_wait3A_329 = tpu.memref_squeeze %dma_wait3A_328 : memref<1x1024xi32, #tpu.memory_space<vmem>> -> memref<1024xi32, #tpu.memory_space<vmem>>
    %dma_wait3A_330 = tpu.memref_slice %arg2[%dma_wait3A_320, %select_n3A, %sub3A_21] : memref<20x8x4096xi32, #tpu.memory_space<hbm>> -> memref<1x1x1024xi32, #tpu.memory_space<hbm>>
    %dma_wait3A_331 = tpu.memref_squeeze %dma_wait3A_330 : memref<1x1x1024xi32, #tpu.memory_space<hbm>> -> memref<1024xi32, #tpu.memory_space<hbm>>
    tpu.wait_dma2 semaphore(%arg9 : memref<!tpu.dma_semaphore, #tpu.memory_space<semaphore_mem>>) src(%dma_wait3A_331 : memref<1024xi32, #tpu.memory_space<hbm>>) dst(%dma_wait3A_329 : memref<1024xi32, #tpu.memory_space<vmem>>)
    %dma_wait3A_332 = arith.constant 6 : i32
    %dma_wait3A_333 = arith.constant 6 : i32
    %dma_wait3A_334 = arith.constant 0 : i32
    %dma_wait3A_335 = tpu.memref_slice %arg5[%dma_wait3A_333, %dma_wait3A_334] : memref<20x1024xi32, #tpu.memory_space<vmem>> -> memref<1x1024xi32, #tpu.memory_space<vmem>>
    %dma_wait3A_336 = tpu.memref_squeeze %dma_wait3A_335 : memref<1x1024xi32, #tpu.memory_space<vmem>> -> memref<1024xi32, #tpu.memory_space<vmem>>
    %dma_wait3A_337 = tpu.memref_slice %arg2[%dma_wait3A_332, %select_n3A, %sub3A_21] : memref<20x8x4096xi32, #tpu.memory_space<hbm>> -> memref<1x1x1024xi32, #tpu.memory_space<hbm>>
    %dma_wait3A_338 = tpu.memref_squeeze %dma_wait3A_337 : memref<1x1x1024xi32, #tpu.memory_space<hbm>> -> memref<1024xi32, #tpu.memory_space<hbm>>
    %dma_wait3A_339 = arith.constant 0 : i32
    %dma_wait3A_340 = tpu.memref_slice %arg5[%dma_wait3A_333, %dma_wait3A_339] : memref<20x1024xi32, #tpu.memory_space<vmem>> -> memref<1x1024xi32, #tpu.memory_space<vmem>>
    %dma_wait3A_341 = tpu.memref_squeeze %dma_wait3A_340 : memref<1x1024xi32, #tpu.memory_space<vmem>> -> memref<1024xi32, #tpu.memory_space<vmem>>
    %dma_wait3A_342 = tpu.memref_slice %arg2[%dma_wait3A_332, %select_n3A, %sub3A_21] : memref<20x8x4096xi32, #tpu.memory_space<hbm>> -> memref<1x1x1024xi32, #tpu.memory_space<hbm>>
    %dma_wait3A_343 = tpu.memref_squeeze %dma_wait3A_342 : memref<1x1x1024xi32, #tpu.memory_space<hbm>> -> memref<1024xi32, #tpu.memory_space<hbm>>
    tpu.wait_dma2 semaphore(%arg9 : memref<!tpu.dma_semaphore, #tpu.memory_space<semaphore_mem>>) src(%dma_wait3A_343 : memref<1024xi32, #tpu.memory_space<hbm>>) dst(%dma_wait3A_341 : memref<1024xi32, #tpu.memory_space<vmem>>)
    %dma_wait3A_344 = arith.constant 7 : i32
    %dma_wait3A_345 = arith.constant 7 : i32
    %dma_wait3A_346 = arith.constant 0 : i32
    %dma_wait3A_347 = tpu.memref_slice %arg5[%dma_wait3A_345, %dma_wait3A_346] : memref<20x1024xi32, #tpu.memory_space<vmem>> -> memref<1x1024xi32, #tpu.memory_space<vmem>>
    %dma_wait3A_348 = tpu.memref_squeeze %dma_wait3A_347 : memref<1x1024xi32, #tpu.memory_space<vmem>> -> memref<1024xi32, #tpu.memory_space<vmem>>
    %dma_wait3A_349 = tpu.memref_slice %arg2[%dma_wait3A_344, %select_n3A, %sub3A_21] : memref<20x8x4096xi32, #tpu.memory_space<hbm>> -> memref<1x1x1024xi32, #tpu.memory_space<hbm>>
    %dma_wait3A_350 = tpu.memref_squeeze %dma_wait3A_349 : memref<1x1x1024xi32, #tpu.memory_space<hbm>> -> memref<1024xi32, #tpu.memory_space<hbm>>
    %dma_wait3A_351 = arith.constant 0 : i32
    %dma_wait3A_352 = tpu.memref_slice %arg5[%dma_wait3A_345, %dma_wait3A_351] : memref<20x1024xi32, #tpu.memory_space<vmem>> -> memref<1x1024xi32, #tpu.memory_space<vmem>>
    %dma_wait3A_353 = tpu.memref_squeeze %dma_wait3A_352 : memref<1x1024xi32, #tpu.memory_space<vmem>> -> memref<1024xi32, #tpu.memory_space<vmem>>
    %dma_wait3A_354 = tpu.memref_slice %arg2[%dma_wait3A_344, %select_n3A, %sub3A_21] : memref<20x8x4096xi32, #tpu.memory_space<hbm>> -> memref<1x1x1024xi32, #tpu.memory_space<hbm>>
    %dma_wait3A_355 = tpu.memref_squeeze %dma_wait3A_354 : memref<1x1x1024xi32, #tpu.memory_space<hbm>> -> memref<1024xi32, #tpu.memory_space<hbm>>
    tpu.wait_dma2 semaphore(%arg9 : memref<!tpu.dma_semaphore, #tpu.memory_space<semaphore_mem>>) src(%dma_wait3A_355 : memref<1024xi32, #tpu.memory_space<hbm>>) dst(%dma_wait3A_353 : memref<1024xi32, #tpu.memory_space<vmem>>)
    %dma_wait3A_356 = arith.constant 8 : i32
    %dma_wait3A_357 = arith.constant 8 : i32
    %dma_wait3A_358 = arith.constant 0 : i32
    %dma_wait3A_359 = tpu.memref_slice %arg5[%dma_wait3A_357, %dma_wait3A_358] : memref<20x1024xi32, #tpu.memory_space<vmem>> -> memref<1x1024xi32, #tpu.memory_space<vmem>>
    %dma_wait3A_360 = tpu.memref_squeeze %dma_wait3A_359 : memref<1x1024xi32, #tpu.memory_space<vmem>> -> memref<1024xi32, #tpu.memory_space<vmem>>
    %dma_wait3A_361 = tpu.memref_slice %arg2[%dma_wait3A_356, %select_n3A, %sub3A_21] : memref<20x8x4096xi32, #tpu.memory_space<hbm>> -> memref<1x1x1024xi32, #tpu.memory_space<hbm>>
    %dma_wait3A_362 = tpu.memref_squeeze %dma_wait3A_361 : memref<1x1x1024xi32, #tpu.memory_space<hbm>> -> memref<1024xi32, #tpu.memory_space<hbm>>
    %dma_wait3A_363 = arith.constant 0 : i32
    %dma_wait3A_364 = tpu.memref_slice %arg5[%dma_wait3A_357, %dma_wait3A_363] : memref<20x1024xi32, #tpu.memory_space<vmem>> -> memref<1x1024xi32, #tpu.memory_space<vmem>>
    %dma_wait3A_365 = tpu.memref_squeeze %dma_wait3A_364 : memref<1x1024xi32, #tpu.memory_space<vmem>> -> memref<1024xi32, #tpu.memory_space<vmem>>
    %dma_wait3A_366 = tpu.memref_slice %arg2[%dma_wait3A_356, %select_n3A, %sub3A_21] : memref<20x8x4096xi32, #tpu.memory_space<hbm>> -> memref<1x1x1024xi32, #tpu.memory_space<hbm>>
    %dma_wait3A_367 = tpu.memref_squeeze %dma_wait3A_366 : memref<1x1x1024xi32, #tpu.memory_space<hbm>> -> memref<1024xi32, #tpu.memory_space<hbm>>
    tpu.wait_dma2 semaphore(%arg9 : memref<!tpu.dma_semaphore, #tpu.memory_space<semaphore_mem>>) src(%dma_wait3A_367 : memref<1024xi32, #tpu.memory_space<hbm>>) dst(%dma_wait3A_365 : memref<1024xi32, #tpu.memory_space<vmem>>)
    %dma_wait3A_368 = arith.constant 9 : i32
    %dma_wait3A_369 = arith.constant 9 : i32
    %dma_wait3A_370 = arith.constant 0 : i32
    %dma_wait3A_371 = tpu.memref_slice %arg5[%dma_wait3A_369, %dma_wait3A_370] : memref<20x1024xi32, #tpu.memory_space<vmem>> -> memref<1x1024xi32, #tpu.memory_space<vmem>>
    %dma_wait3A_372 = tpu.memref_squeeze %dma_wait3A_371 : memref<1x1024xi32, #tpu.memory_space<vmem>> -> memref<1024xi32, #tpu.memory_space<vmem>>
    %dma_wait3A_373 = tpu.memref_slice %arg2[%dma_wait3A_368, %select_n3A, %sub3A_21] : memref<20x8x4096xi32, #tpu.memory_space<hbm>> -> memref<1x1x1024xi32, #tpu.memory_space<hbm>>
    %dma_wait3A_374 = tpu.memref_squeeze %dma_wait3A_373 : memref<1x1x1024xi32, #tpu.memory_space<hbm>> -> memref<1024xi32, #tpu.memory_space<hbm>>
    %dma_wait3A_375 = arith.constant 0 : i32
    %dma_wait3A_376 = tpu.memref_slice %arg5[%dma_wait3A_369, %dma_wait3A_375] : memref<20x1024xi32, #tpu.memory_space<vmem>> -> memref<1x1024xi32, #tpu.memory_space<vmem>>
    %dma_wait3A_377 = tpu.memref_squeeze %dma_wait3A_376 : memref<1x1024xi32, #tpu.memory_space<vmem>> -> memref<1024xi32, #tpu.memory_space<vmem>>
    %dma_wait3A_378 = tpu.memref_slice %arg2[%dma_wait3A_368, %select_n3A, %sub3A_21] : memref<20x8x4096xi32, #tpu.memory_space<hbm>> -> memref<1x1x1024xi32, #tpu.memory_space<hbm>>
    %dma_wait3A_379 = tpu.memref_squeeze %dma_wait3A_378 : memref<1x1x1024xi32, #tpu.memory_space<hbm>> -> memref<1024xi32, #tpu.memory_space<hbm>>
    tpu.wait_dma2 semaphore(%arg9 : memref<!tpu.dma_semaphore, #tpu.memory_space<semaphore_mem>>) src(%dma_wait3A_379 : memref<1024xi32, #tpu.memory_space<hbm>>) dst(%dma_wait3A_377 : memref<1024xi32, #tpu.memory_space<vmem>>)
    %dma_wait3A_380 = arith.constant 10 : i32
    %dma_wait3A_381 = arith.constant 10 : i32
    %dma_wait3A_382 = arith.constant 0 : i32
    %dma_wait3A_383 = tpu.memref_slice %arg5[%dma_wait3A_381, %dma_wait3A_382] : memref<20x1024xi32, #tpu.memory_space<vmem>> -> memref<1x1024xi32, #tpu.memory_space<vmem>>
    %dma_wait3A_384 = tpu.memref_squeeze %dma_wait3A_383 : memref<1x1024xi32, #tpu.memory_space<vmem>> -> memref<1024xi32, #tpu.memory_space<vmem>>
    %dma_wait3A_385 = tpu.memref_slice %arg2[%dma_wait3A_380, %select_n3A, %sub3A_21] : memref<20x8x4096xi32, #tpu.memory_space<hbm>> -> memref<1x1x1024xi32, #tpu.memory_space<hbm>>
    %dma_wait3A_386 = tpu.memref_squeeze %dma_wait3A_385 : memref<1x1x1024xi32, #tpu.memory_space<hbm>> -> memref<1024xi32, #tpu.memory_space<hbm>>
    %dma_wait3A_387 = arith.constant 0 : i32
    %dma_wait3A_388 = tpu.memref_slice %arg5[%dma_wait3A_381, %dma_wait3A_387] : memref<20x1024xi32, #tpu.memory_space<vmem>> -> memref<1x1024xi32, #tpu.memory_space<vmem>>
    %dma_wait3A_389 = tpu.memref_squeeze %dma_wait3A_388 : memref<1x1024xi32, #tpu.memory_space<vmem>> -> memref<1024xi32, #tpu.memory_space<vmem>>
    %dma_wait3A_390 = tpu.memref_slice %arg2[%dma_wait3A_380, %select_n3A, %sub3A_21] : memref<20x8x4096xi32, #tpu.memory_space<hbm>> -> memref<1x1x1024xi32, #tpu.memory_space<hbm>>
    %dma_wait3A_391 = tpu.memref_squeeze %dma_wait3A_390 : memref<1x1x1024xi32, #tpu.memory_space<hbm>> -> memref<1024xi32, #tpu.memory_space<hbm>>
    tpu.wait_dma2 semaphore(%arg9 : memref<!tpu.dma_semaphore, #tpu.memory_space<semaphore_mem>>) src(%dma_wait3A_391 : memref<1024xi32, #tpu.memory_space<hbm>>) dst(%dma_wait3A_389 : memref<1024xi32, #tpu.memory_space<vmem>>)
    %dma_wait3A_392 = arith.constant 11 : i32
    %dma_wait3A_393 = arith.constant 11 : i32
    %dma_wait3A_394 = arith.constant 0 : i32
    %dma_wait3A_395 = tpu.memref_slice %arg5[%dma_wait3A_393, %dma_wait3A_394] : memref<20x1024xi32, #tpu.memory_space<vmem>> -> memref<1x1024xi32, #tpu.memory_space<vmem>>
    %dma_wait3A_396 = tpu.memref_squeeze %dma_wait3A_395 : memref<1x1024xi32, #tpu.memory_space<vmem>> -> memref<1024xi32, #tpu.memory_space<vmem>>
    %dma_wait3A_397 = tpu.memref_slice %arg2[%dma_wait3A_392, %select_n3A, %sub3A_21] : memref<20x8x4096xi32, #tpu.memory_space<hbm>> -> memref<1x1x1024xi32, #tpu.memory_space<hbm>>
    %dma_wait3A_398 = tpu.memref_squeeze %dma_wait3A_397 : memref<1x1x1024xi32, #tpu.memory_space<hbm>> -> memref<1024xi32, #tpu.memory_space<hbm>>
    %dma_wait3A_399 = arith.constant 0 : i32
    %dma_wait3A_400 = tpu.memref_slice %arg5[%dma_wait3A_393, %dma_wait3A_399] : memref<20x1024xi32, #tpu.memory_space<vmem>> -> memref<1x1024xi32, #tpu.memory_space<vmem>>
    %dma_wait3A_401 = tpu.memref_squeeze %dma_wait3A_400 : memref<1x1024xi32, #tpu.memory_space<vmem>> -> memref<1024xi32, #tpu.memory_space<vmem>>
    %dma_wait3A_402 = tpu.memref_slice %arg2[%dma_wait3A_392, %select_n3A, %sub3A_21] : memref<20x8x4096xi32, #tpu.memory_space<hbm>> -> memref<1x1x1024xi32, #tpu.memory_space<hbm>>
    %dma_wait3A_403 = tpu.memref_squeeze %dma_wait3A_402 : memref<1x1x1024xi32, #tpu.memory_space<hbm>> -> memref<1024xi32, #tpu.memory_space<hbm>>
    tpu.wait_dma2 semaphore(%arg9 : memref<!tpu.dma_semaphore, #tpu.memory_space<semaphore_mem>>) src(%dma_wait3A_403 : memref<1024xi32, #tpu.memory_space<hbm>>) dst(%dma_wait3A_401 : memref<1024xi32, #tpu.memory_space<vmem>>)
    %dma_wait3A_404 = arith.constant 12 : i32
    %dma_wait3A_405 = arith.constant 12 : i32
    %dma_wait3A_406 = arith.constant 0 : i32
    %dma_wait3A_407 = tpu.memref_slice %arg5[%dma_wait3A_405, %dma_wait3A_406] : memref<20x1024xi32, #tpu.memory_space<vmem>> -> memref<1x1024xi32, #tpu.memory_space<vmem>>
    %dma_wait3A_408 = tpu.memref_squeeze %dma_wait3A_407 : memref<1x1024xi32, #tpu.memory_space<vmem>> -> memref<1024xi32, #tpu.memory_space<vmem>>
    %dma_wait3A_409 = tpu.memref_slice %arg2[%dma_wait3A_404, %select_n3A, %sub3A_21] : memref<20x8x4096xi32, #tpu.memory_space<hbm>> -> memref<1x1x1024xi32, #tpu.memory_space<hbm>>
    %dma_wait3A_410 = tpu.memref_squeeze %dma_wait3A_409 : memref<1x1x1024xi32, #tpu.memory_space<hbm>> -> memref<1024xi32, #tpu.memory_space<hbm>>
    %dma_wait3A_411 = arith.constant 0 : i32
    %dma_wait3A_412 = tpu.memref_slice %arg5[%dma_wait3A_405, %dma_wait3A_411] : memref<20x1024xi32, #tpu.memory_space<vmem>> -> memref<1x1024xi32, #tpu.memory_space<vmem>>
    %dma_wait3A_413 = tpu.memref_squeeze %dma_wait3A_412 : memref<1x1024xi32, #tpu.memory_space<vmem>> -> memref<1024xi32, #tpu.memory_space<vmem>>
    %dma_wait3A_414 = tpu.memref_slice %arg2[%dma_wait3A_404, %select_n3A, %sub3A_21] : memref<20x8x4096xi32, #tpu.memory_space<hbm>> -> memref<1x1x1024xi32, #tpu.memory_space<hbm>>
    %dma_wait3A_415 = tpu.memref_squeeze %dma_wait3A_414 : memref<1x1x1024xi32, #tpu.memory_space<hbm>> -> memref<1024xi32, #tpu.memory_space<hbm>>
    tpu.wait_dma2 semaphore(%arg9 : memref<!tpu.dma_semaphore, #tpu.memory_space<semaphore_mem>>) src(%dma_wait3A_415 : memref<1024xi32, #tpu.memory_space<hbm>>) dst(%dma_wait3A_413 : memref<1024xi32, #tpu.memory_space<vmem>>)
    %dma_wait3A_416 = arith.constant 13 : i32
    %dma_wait3A_417 = arith.constant 13 : i32
    %dma_wait3A_418 = arith.constant 0 : i32
    %dma_wait3A_419 = tpu.memref_slice %arg5[%dma_wait3A_417, %dma_wait3A_418] : memref<20x1024xi32, #tpu.memory_space<vmem>> -> memref<1x1024xi32, #tpu.memory_space<vmem>>
    %dma_wait3A_420 = tpu.memref_squeeze %dma_wait3A_419 : memref<1x1024xi32, #tpu.memory_space<vmem>> -> memref<1024xi32, #tpu.memory_space<vmem>>
    %dma_wait3A_421 = tpu.memref_slice %arg2[%dma_wait3A_416, %select_n3A, %sub3A_21] : memref<20x8x4096xi32, #tpu.memory_space<hbm>> -> memref<1x1x1024xi32, #tpu.memory_space<hbm>>
    %dma_wait3A_422 = tpu.memref_squeeze %dma_wait3A_421 : memref<1x1x1024xi32, #tpu.memory_space<hbm>> -> memref<1024xi32, #tpu.memory_space<hbm>>
    %dma_wait3A_423 = arith.constant 0 : i32
    %dma_wait3A_424 = tpu.memref_slice %arg5[%dma_wait3A_417, %dma_wait3A_423] : memref<20x1024xi32, #tpu.memory_space<vmem>> -> memref<1x1024xi32, #tpu.memory_space<vmem>>
    %dma_wait3A_425 = tpu.memref_squeeze %dma_wait3A_424 : memref<1x1024xi32, #tpu.memory_space<vmem>> -> memref<1024xi32, #tpu.memory_space<vmem>>
    %dma_wait3A_426 = tpu.memref_slice %arg2[%dma_wait3A_416, %select_n3A, %sub3A_21] : memref<20x8x4096xi32, #tpu.memory_space<hbm>> -> memref<1x1x1024xi32, #tpu.memory_space<hbm>>
    %dma_wait3A_427 = tpu.memref_squeeze %dma_wait3A_426 : memref<1x1x1024xi32, #tpu.memory_space<hbm>> -> memref<1024xi32, #tpu.memory_space<hbm>>
    tpu.wait_dma2 semaphore(%arg9 : memref<!tpu.dma_semaphore, #tpu.memory_space<semaphore_mem>>) src(%dma_wait3A_427 : memref<1024xi32, #tpu.memory_space<hbm>>) dst(%dma_wait3A_425 : memref<1024xi32, #tpu.memory_space<vmem>>)
    %dma_wait3A_428 = arith.constant 14 : i32
    %dma_wait3A_429 = arith.constant 14 : i32
    %dma_wait3A_430 = arith.constant 0 : i32
    %dma_wait3A_431 = tpu.memref_slice %arg5[%dma_wait3A_429, %dma_wait3A_430] : memref<20x1024xi32, #tpu.memory_space<vmem>> -> memref<1x1024xi32, #tpu.memory_space<vmem>>
    %dma_wait3A_432 = tpu.memref_squeeze %dma_wait3A_431 : memref<1x1024xi32, #tpu.memory_space<vmem>> -> memref<1024xi32, #tpu.memory_space<vmem>>
    %dma_wait3A_433 = tpu.memref_slice %arg2[%dma_wait3A_428, %select_n3A, %sub3A_21] : memref<20x8x4096xi32, #tpu.memory_space<hbm>> -> memref<1x1x1024xi32, #tpu.memory_space<hbm>>
    %dma_wait3A_434 = tpu.memref_squeeze %dma_wait3A_433 : memref<1x1x1024xi32, #tpu.memory_space<hbm>> -> memref<1024xi32, #tpu.memory_space<hbm>>
    %dma_wait3A_435 = arith.constant 0 : i32
    %dma_wait3A_436 = tpu.memref_slice %arg5[%dma_wait3A_429, %dma_wait3A_435] : memref<20x1024xi32, #tpu.memory_space<vmem>> -> memref<1x1024xi32, #tpu.memory_space<vmem>>
    %dma_wait3A_437 = tpu.memref_squeeze %dma_wait3A_436 : memref<1x1024xi32, #tpu.memory_space<vmem>> -> memref<1024xi32, #tpu.memory_space<vmem>>
    %dma_wait3A_438 = tpu.memref_slice %arg2[%dma_wait3A_428, %select_n3A, %sub3A_21] : memref<20x8x4096xi32, #tpu.memory_space<hbm>> -> memref<1x1x1024xi32, #tpu.memory_space<hbm>>
    %dma_wait3A_439 = tpu.memref_squeeze %dma_wait3A_438 : memref<1x1x1024xi32, #tpu.memory_space<hbm>> -> memref<1024xi32, #tpu.memory_space<hbm>>
    tpu.wait_dma2 semaphore(%arg9 : memref<!tpu.dma_semaphore, #tpu.memory_space<semaphore_mem>>) src(%dma_wait3A_439 : memref<1024xi32, #tpu.memory_space<hbm>>) dst(%dma_wait3A_437 : memref<1024xi32, #tpu.memory_space<vmem>>)
    %dma_wait3A_440 = arith.constant 15 : i32
    %dma_wait3A_441 = arith.constant 15 : i32
    %dma_wait3A_442 = arith.constant 0 : i32
    %dma_wait3A_443 = tpu.memref_slice %arg5[%dma_wait3A_441, %dma_wait3A_442] : memref<20x1024xi32, #tpu.memory_space<vmem>> -> memref<1x1024xi32, #tpu.memory_space<vmem>>
    %dma_wait3A_444 = tpu.memref_squeeze %dma_wait3A_443 : memref<1x1024xi32, #tpu.memory_space<vmem>> -> memref<1024xi32, #tpu.memory_space<vmem>>
    %dma_wait3A_445 = tpu.memref_slice %arg2[%dma_wait3A_440, %select_n3A, %sub3A_21] : memref<20x8x4096xi32, #tpu.memory_space<hbm>> -> memref<1x1x1024xi32, #tpu.memory_space<hbm>>
    %dma_wait3A_446 = tpu.memref_squeeze %dma_wait3A_445 : memref<1x1x1024xi32, #tpu.memory_space<hbm>> -> memref<1024xi32, #tpu.memory_space<hbm>>
    %dma_wait3A_447 = arith.constant 0 : i32
    %dma_wait3A_448 = tpu.memref_slice %arg5[%dma_wait3A_441, %dma_wait3A_447] : memref<20x1024xi32, #tpu.memory_space<vmem>> -> memref<1x1024xi32, #tpu.memory_space<vmem>>
    %dma_wait3A_449 = tpu.memref_squeeze %dma_wait3A_448 : memref<1x1024xi32, #tpu.memory_space<vmem>> -> memref<1024xi32, #tpu.memory_space<vmem>>
    %dma_wait3A_450 = tpu.memref_slice %arg2[%dma_wait3A_440, %select_n3A, %sub3A_21] : memref<20x8x4096xi32, #tpu.memory_space<hbm>> -> memref<1x1x1024xi32, #tpu.memory_space<hbm>>
    %dma_wait3A_451 = tpu.memref_squeeze %dma_wait3A_450 : memref<1x1x1024xi32, #tpu.memory_space<hbm>> -> memref<1024xi32, #tpu.memory_space<hbm>>
    tpu.wait_dma2 semaphore(%arg9 : memref<!tpu.dma_semaphore, #tpu.memory_space<semaphore_mem>>) src(%dma_wait3A_451 : memref<1024xi32, #tpu.memory_space<hbm>>) dst(%dma_wait3A_449 : memref<1024xi32, #tpu.memory_space<vmem>>)
    %dma_wait3A_452 = arith.constant 16 : i32
    %dma_wait3A_453 = arith.constant 16 : i32
    %dma_wait3A_454 = arith.constant 0 : i32
    %dma_wait3A_455 = tpu.memref_slice %arg5[%dma_wait3A_453, %dma_wait3A_454] : memref<20x1024xi32, #tpu.memory_space<vmem>> -> memref<1x1024xi32, #tpu.memory_space<vmem>>
    %dma_wait3A_456 = tpu.memref_squeeze %dma_wait3A_455 : memref<1x1024xi32, #tpu.memory_space<vmem>> -> memref<1024xi32, #tpu.memory_space<vmem>>
    %dma_wait3A_457 = tpu.memref_slice %arg2[%dma_wait3A_452, %select_n3A, %sub3A_21] : memref<20x8x4096xi32, #tpu.memory_space<hbm>> -> memref<1x1x1024xi32, #tpu.memory_space<hbm>>
    %dma_wait3A_458 = tpu.memref_squeeze %dma_wait3A_457 : memref<1x1x1024xi32, #tpu.memory_space<hbm>> -> memref<1024xi32, #tpu.memory_space<hbm>>
    %dma_wait3A_459 = arith.constant 0 : i32
    %dma_wait3A_460 = tpu.memref_slice %arg5[%dma_wait3A_453, %dma_wait3A_459] : memref<20x1024xi32, #tpu.memory_space<vmem>> -> memref<1x1024xi32, #tpu.memory_space<vmem>>
    %dma_wait3A_461 = tpu.memref_squeeze %dma_wait3A_460 : memref<1x1024xi32, #tpu.memory_space<vmem>> -> memref<1024xi32, #tpu.memory_space<vmem>>
    %dma_wait3A_462 = tpu.memref_slice %arg2[%dma_wait3A_452, %select_n3A, %sub3A_21] : memref<20x8x4096xi32, #tpu.memory_space<hbm>> -> memref<1x1x1024xi32, #tpu.memory_space<hbm>>
    %dma_wait3A_463 = tpu.memref_squeeze %dma_wait3A_462 : memref<1x1x1024xi32, #tpu.memory_space<hbm>> -> memref<1024xi32, #tpu.memory_space<hbm>>
    tpu.wait_dma2 semaphore(%arg9 : memref<!tpu.dma_semaphore, #tpu.memory_space<semaphore_mem>>) src(%dma_wait3A_463 : memref<1024xi32, #tpu.memory_space<hbm>>) dst(%dma_wait3A_461 : memref<1024xi32, #tpu.memory_space<vmem>>)
    %dma_wait3A_464 = arith.constant 17 : i32
    %dma_wait3A_465 = arith.constant 17 : i32
    %dma_wait3A_466 = arith.constant 0 : i32
    %dma_wait3A_467 = tpu.memref_slice %arg5[%dma_wait3A_465, %dma_wait3A_466] : memref<20x1024xi32, #tpu.memory_space<vmem>> -> memref<1x1024xi32, #tpu.memory_space<vmem>>
    %dma_wait3A_468 = tpu.memref_squeeze %dma_wait3A_467 : memref<1x1024xi32, #tpu.memory_space<vmem>> -> memref<1024xi32, #tpu.memory_space<vmem>>
    %dma_wait3A_469 = tpu.memref_slice %arg2[%dma_wait3A_464, %select_n3A, %sub3A_21] : memref<20x8x4096xi32, #tpu.memory_space<hbm>> -> memref<1x1x1024xi32, #tpu.memory_space<hbm>>
    %dma_wait3A_470 = tpu.memref_squeeze %dma_wait3A_469 : memref<1x1x1024xi32, #tpu.memory_space<hbm>> -> memref<1024xi32, #tpu.memory_space<hbm>>
    %dma_wait3A_471 = arith.constant 0 : i32
    %dma_wait3A_472 = tpu.memref_slice %arg5[%dma_wait3A_465, %dma_wait3A_471] : memref<20x1024xi32, #tpu.memory_space<vmem>> -> memref<1x1024xi32, #tpu.memory_space<vmem>>
    %dma_wait3A_473 = tpu.memref_squeeze %dma_wait3A_472 : memref<1x1024xi32, #tpu.memory_space<vmem>> -> memref<1024xi32, #tpu.memory_space<vmem>>
    %dma_wait3A_474 = tpu.memref_slice %arg2[%dma_wait3A_464, %select_n3A, %sub3A_21] : memref<20x8x4096xi32, #tpu.memory_space<hbm>> -> memref<1x1x1024xi32, #tpu.memory_space<hbm>>
    %dma_wait3A_475 = tpu.memref_squeeze %dma_wait3A_474 : memref<1x1x1024xi32, #tpu.memory_space<hbm>> -> memref<1024xi32, #tpu.memory_space<hbm>>
    tpu.wait_dma2 semaphore(%arg9 : memref<!tpu.dma_semaphore, #tpu.memory_space<semaphore_mem>>) src(%dma_wait3A_475 : memref<1024xi32, #tpu.memory_space<hbm>>) dst(%dma_wait3A_473 : memref<1024xi32, #tpu.memory_space<vmem>>)
    %dma_wait3A_476 = arith.constant 18 : i32
    %dma_wait3A_477 = arith.constant 18 : i32
    %dma_wait3A_478 = arith.constant 0 : i32
    %dma_wait3A_479 = tpu.memref_slice %arg5[%dma_wait3A_477, %dma_wait3A_478] : memref<20x1024xi32, #tpu.memory_space<vmem>> -> memref<1x1024xi32, #tpu.memory_space<vmem>>
    %dma_wait3A_480 = tpu.memref_squeeze %dma_wait3A_479 : memref<1x1024xi32, #tpu.memory_space<vmem>> -> memref<1024xi32, #tpu.memory_space<vmem>>
    %dma_wait3A_481 = tpu.memref_slice %arg2[%dma_wait3A_476, %select_n3A, %sub3A_21] : memref<20x8x4096xi32, #tpu.memory_space<hbm>> -> memref<1x1x1024xi32, #tpu.memory_space<hbm>>
    %dma_wait3A_482 = tpu.memref_squeeze %dma_wait3A_481 : memref<1x1x1024xi32, #tpu.memory_space<hbm>> -> memref<1024xi32, #tpu.memory_space<hbm>>
    %dma_wait3A_483 = arith.constant 0 : i32
    %dma_wait3A_484 = tpu.memref_slice %arg5[%dma_wait3A_477, %dma_wait3A_483] : memref<20x1024xi32, #tpu.memory_space<vmem>> -> memref<1x1024xi32, #tpu.memory_space<vmem>>
    %dma_wait3A_485 = tpu.memref_squeeze %dma_wait3A_484 : memref<1x1024xi32, #tpu.memory_space<vmem>> -> memref<1024xi32, #tpu.memory_space<vmem>>
    %dma_wait3A_486 = tpu.memref_slice %arg2[%dma_wait3A_476, %select_n3A, %sub3A_21] : memref<20x8x4096xi32, #tpu.memory_space<hbm>> -> memref<1x1x1024xi32, #tpu.memory_space<hbm>>
    %dma_wait3A_487 = tpu.memref_squeeze %dma_wait3A_486 : memref<1x1x1024xi32, #tpu.memory_space<hbm>> -> memref<1024xi32, #tpu.memory_space<hbm>>
    tpu.wait_dma2 semaphore(%arg9 : memref<!tpu.dma_semaphore, #tpu.memory_space<semaphore_mem>>) src(%dma_wait3A_487 : memref<1024xi32, #tpu.memory_space<hbm>>) dst(%dma_wait3A_485 : memref<1024xi32, #tpu.memory_space<vmem>>)
    %dma_wait3A_488 = arith.constant 19 : i32
    %dma_wait3A_489 = arith.constant 19 : i32
    %dma_wait3A_490 = arith.constant 0 : i32
    %dma_wait3A_491 = tpu.memref_slice %arg5[%dma_wait3A_489, %dma_wait3A_490] : memref<20x1024xi32, #tpu.memory_space<vmem>> -> memref<1x1024xi32, #tpu.memory_space<vmem>>
    %dma_wait3A_492 = tpu.memref_squeeze %dma_wait3A_491 : memref<1x1024xi32, #tpu.memory_space<vmem>> -> memref<1024xi32, #tpu.memory_space<vmem>>
    %dma_wait3A_493 = tpu.memref_slice %arg2[%dma_wait3A_488, %select_n3A, %sub3A_21] : memref<20x8x4096xi32, #tpu.memory_space<hbm>> -> memref<1x1x1024xi32, #tpu.memory_space<hbm>>
    %dma_wait3A_494 = tpu.memref_squeeze %dma_wait3A_493 : memref<1x1x1024xi32, #tpu.memory_space<hbm>> -> memref<1024xi32, #tpu.memory_space<hbm>>
    %dma_wait3A_495 = arith.constant 0 : i32
    %dma_wait3A_496 = tpu.memref_slice %arg5[%dma_wait3A_489, %dma_wait3A_495] : memref<20x1024xi32, #tpu.memory_space<vmem>> -> memref<1x1024xi32, #tpu.memory_space<vmem>>
    %dma_wait3A_497 = tpu.memref_squeeze %dma_wait3A_496 : memref<1x1024xi32, #tpu.memory_space<vmem>> -> memref<1024xi32, #tpu.memory_space<vmem>>
    %dma_wait3A_498 = tpu.memref_slice %arg2[%dma_wait3A_488, %select_n3A, %sub3A_21] : memref<20x8x4096xi32, #tpu.memory_space<hbm>> -> memref<1x1x1024xi32, #tpu.memory_space<hbm>>
    %dma_wait3A_499 = tpu.memref_squeeze %dma_wait3A_498 : memref<1x1x1024xi32, #tpu.memory_space<hbm>> -> memref<1024xi32, #tpu.memory_space<hbm>>
    tpu.wait_dma2 semaphore(%arg9 : memref<!tpu.dma_semaphore, #tpu.memory_space<semaphore_mem>>) src(%dma_wait3A_499 : memref<1024xi32, #tpu.memory_space<hbm>>) dst(%dma_wait3A_497 : memref<1024xi32, #tpu.memory_space<vmem>>)
    %iota3A = tpu.iota {dimensions = array<i32: 0>} : vector<16xi32>
    %mul3A_500 = arith.constant 20 : i32
    %mul3A_501 = vector.broadcast %mul3A_500 : i32 to vector<16xi32>
    %mul3A_502 = arith.muli %iota3A, %mul3A_501 : vector<16xi32>
    %add3A_503 = arith.constant 0 : i32
    %add3A_504 = vector.broadcast %add3A_503 : i32 to vector<16xi32>
    %add3A_505 = arith.addi %mul3A_502, %add3A_504 : vector<16xi32>
    %jit3A_506 = arith.constant 64 : i32
    %div3A_507 = vector.broadcast %jit3A_506 : i32 to vector<16xi32>
    %div3A_508 = arith.divsi %add3A_505, %div3A_507 : vector<16xi32>
    %sign3A_509 = arith.constant 0 : i32
    %sign3A_510 = vector.broadcast %sign3A_509 : i32 to vector<16xi32>
    %sign3A_511 = arith.cmpi sgt, %add3A_505, %sign3A_510 : vector<16xi32>
    %sign3A_512 = arith.extui %sign3A_511 : vector<16xi1> to vector<16xi32>
    %sign3A_513 = arith.constant 0 : i32
    %sign3A_514 = vector.broadcast %sign3A_513 : i32 to vector<16xi32>
    %sign3A_515 = arith.cmpi slt, %add3A_505, %sign3A_514 : vector<16xi32>
    %sign3A_516 = arith.extui %sign3A_515 : vector<16xi1> to vector<16xi32>
    %sign3A_517 = arith.subi %sign3A_512, %sign3A_516 : vector<16xi32>
    %sign3A_518 = arith.constant 0 : i32
    %sign3A_519 = arith.cmpi sgt, %jit3A_506, %sign3A_518 : i32
    %sign3A_520 = arith.extui %sign3A_519 : i1 to i32
    %sign3A_521 = arith.constant 0 : i32
    %sign3A_522 = arith.cmpi slt, %jit3A_506, %sign3A_521 : i32
    %sign3A_523 = arith.extui %sign3A_522 : i1 to i32
    %sign3A_524 = arith.subi %sign3A_520, %sign3A_523 : i32
    %ne3A_525 = vector.broadcast %sign3A_524 : i32 to vector<16xi32>
    %ne3A_526 = arith.cmpi ne, %sign3A_517, %ne3A_525 : vector<16xi32>
    %rem3A_527 = vector.broadcast %jit3A_506 : i32 to vector<16xi32>
    %rem3A_528 = arith.remsi %add3A_505, %rem3A_527 : vector<16xi32>
    %ne3A_529 = arith.constant 0 : i32
    %ne3A_530 = vector.broadcast %ne3A_529 : i32 to vector<16xi32>
    %ne3A_531 = arith.cmpi ne, %rem3A_528, %ne3A_530 : vector<16xi32>
    %and3A_532 = arith.andi %ne3A_526, %ne3A_531 : vector<16xi1>
    %sub3A_533 = arith.constant 1 : i32
    %sub3A_534 = vector.broadcast %sub3A_533 : i32 to vector<16xi32>
    %sub3A_535 = arith.subi %div3A_508, %sub3A_534 : vector<16xi32>
    %select_n3A_536 = arith.select %and3A_532, %sub3A_535, %div3A_508 : vector<16xi1>, vector<16xi32>
    %mul3A_537 = arith.constant 2048 : i32
    %mul3A_538 = vector.broadcast %mul3A_537 : i32 to vector<16xi32>
    %mul3A_539 = arith.muli %select_n3A_536, %mul3A_538 : vector<16xi32>
    %rem3A_540 = arith.constant 64 : i32
    %rem3A_541 = vector.broadcast %rem3A_540 : i32 to vector<16xi32>
    %rem3A_542 = arith.remsi %add3A_505, %rem3A_541 : vector<16xi32>
    %add3A_543 = arith.addi %mul3A_539, %rem3A_542 : vector<16xi32>
    %mul3A_544 = arith.constant 20 : i32
    %mul3A_545 = vector.broadcast %mul3A_544 : i32 to vector<16xi32>
    %mul3A_546 = arith.muli %iota3A, %mul3A_545 : vector<16xi32>
    %add3A_547 = arith.constant 1 : i32
    %add3A_548 = vector.broadcast %add3A_547 : i32 to vector<16xi32>
    %add3A_549 = arith.addi %mul3A_546, %add3A_548 : vector<16xi32>
    %jit3A_550 = arith.constant 64 : i32
    %div3A_551 = vector.broadcast %jit3A_550 : i32 to vector<16xi32>
    %div3A_552 = arith.divsi %add3A_549, %div3A_551 : vector<16xi32>
    %sign3A_553 = arith.constant 0 : i32
    %sign3A_554 = vector.broadcast %sign3A_553 : i32 to vector<16xi32>
    %sign3A_555 = arith.cmpi sgt, %add3A_549, %sign3A_554 : vector<16xi32>
    %sign3A_556 = arith.extui %sign3A_555 : vector<16xi1> to vector<16xi32>
    %sign3A_557 = arith.constant 0 : i32
    %sign3A_558 = vector.broadcast %sign3A_557 : i32 to vector<16xi32>
    %sign3A_559 = arith.cmpi slt, %add3A_549, %sign3A_558 : vector<16xi32>
    %sign3A_560 = arith.extui %sign3A_559 : vector<16xi1> to vector<16xi32>
    %sign3A_561 = arith.subi %sign3A_556, %sign3A_560 : vector<16xi32>
    %sign3A_562 = arith.constant 0 : i32
    %sign3A_563 = arith.cmpi sgt, %jit3A_550, %sign3A_562 : i32
    %sign3A_564 = arith.extui %sign3A_563 : i1 to i32
    %sign3A_565 = arith.constant 0 : i32
    %sign3A_566 = arith.cmpi slt, %jit3A_550, %sign3A_565 : i32
    %sign3A_567 = arith.extui %sign3A_566 : i1 to i32
    %sign3A_568 = arith.subi %sign3A_564, %sign3A_567 : i32
    %ne3A_569 = vector.broadcast %sign3A_568 : i32 to vector<16xi32>
    %ne3A_570 = arith.cmpi ne, %sign3A_561, %ne3A_569 : vector<16xi32>
    %rem3A_571 = vector.broadcast %jit3A_550 : i32 to vector<16xi32>
    %rem3A_572 = arith.remsi %add3A_549, %rem3A_571 : vector<16xi32>
    %ne3A_573 = arith.constant 0 : i32
    %ne3A_574 = vector.broadcast %ne3A_573 : i32 to vector<16xi32>
    %ne3A_575 = arith.cmpi ne, %rem3A_572, %ne3A_574 : vector<16xi32>
    %and3A_576 = arith.andi %ne3A_570, %ne3A_575 : vector<16xi1>
    %sub3A_577 = arith.constant 1 : i32
    %sub3A_578 = vector.broadcast %sub3A_577 : i32 to vector<16xi32>
    %sub3A_579 = arith.subi %div3A_552, %sub3A_578 : vector<16xi32>
    %select_n3A_580 = arith.select %and3A_576, %sub3A_579, %div3A_552 : vector<16xi1>, vector<16xi32>
    %mul3A_581 = arith.constant 2048 : i32
    %mul3A_582 = vector.broadcast %mul3A_581 : i32 to vector<16xi32>
    %mul3A_583 = arith.muli %select_n3A_580, %mul3A_582 : vector<16xi32>
    %rem3A_584 = arith.constant 64 : i32
    %rem3A_585 = vector.broadcast %rem3A_584 : i32 to vector<16xi32>
    %rem3A_586 = arith.remsi %add3A_549, %rem3A_585 : vector<16xi32>
    %add3A_587 = arith.addi %mul3A_583, %rem3A_586 : vector<16xi32>
    %mul3A_588 = arith.constant 20 : i32
    %mul3A_589 = vector.broadcast %mul3A_588 : i32 to vector<16xi32>
    %mul3A_590 = arith.muli %iota3A, %mul3A_589 : vector<16xi32>
    %add3A_591 = arith.constant 2 : i32
    %add3A_592 = vector.broadcast %add3A_591 : i32 to vector<16xi32>
    %add3A_593 = arith.addi %mul3A_590, %add3A_592 : vector<16xi32>
    %jit3A_594 = arith.constant 64 : i32
    %div3A_595 = vector.broadcast %jit3A_594 : i32 to vector<16xi32>
    %div3A_596 = arith.divsi %add3A_593, %div3A_595 : vector<16xi32>
    %sign3A_597 = arith.constant 0 : i32
    %sign3A_598 = vector.broadcast %sign3A_597 : i32 to vector<16xi32>
    %sign3A_599 = arith.cmpi sgt, %add3A_593, %sign3A_598 : vector<16xi32>
    %sign3A_600 = arith.extui %sign3A_599 : vector<16xi1> to vector<16xi32>
    %sign3A_601 = arith.constant 0 : i32
    %sign3A_602 = vector.broadcast %sign3A_601 : i32 to vector<16xi32>
    %sign3A_603 = arith.cmpi slt, %add3A_593, %sign3A_602 : vector<16xi32>
    %sign3A_604 = arith.extui %sign3A_603 : vector<16xi1> to vector<16xi32>
    %sign3A_605 = arith.subi %sign3A_600, %sign3A_604 : vector<16xi32>
    %sign3A_606 = arith.constant 0 : i32
    %sign3A_607 = arith.cmpi sgt, %jit3A_594, %sign3A_606 : i32
    %sign3A_608 = arith.extui %sign3A_607 : i1 to i32
    %sign3A_609 = arith.constant 0 : i32
    %sign3A_610 = arith.cmpi slt, %jit3A_594, %sign3A_609 : i32
    %sign3A_611 = arith.extui %sign3A_610 : i1 to i32
    %sign3A_612 = arith.subi %sign3A_608, %sign3A_611 : i32
    %ne3A_613 = vector.broadcast %sign3A_612 : i32 to vector<16xi32>
    %ne3A_614 = arith.cmpi ne, %sign3A_605, %ne3A_613 : vector<16xi32>
    %rem3A_615 = vector.broadcast %jit3A_594 : i32 to vector<16xi32>
    %rem3A_616 = arith.remsi %add3A_593, %rem3A_615 : vector<16xi32>
    %ne3A_617 = arith.constant 0 : i32
    %ne3A_618 = vector.broadcast %ne3A_617 : i32 to vector<16xi32>
    %ne3A_619 = arith.cmpi ne, %rem3A_616, %ne3A_618 : vector<16xi32>
    %and3A_620 = arith.andi %ne3A_614, %ne3A_619 : vector<16xi1>
    %sub3A_621 = arith.constant 1 : i32
    %sub3A_622 = vector.broadcast %sub3A_621 : i32 to vector<16xi32>
    %sub3A_623 = arith.subi %div3A_596, %sub3A_622 : vector<16xi32>
    %select_n3A_624 = arith.select %and3A_620, %sub3A_623, %div3A_596 : vector<16xi1>, vector<16xi32>
    %mul3A_625 = arith.constant 2048 : i32
    %mul3A_626 = vector.broadcast %mul3A_625 : i32 to vector<16xi32>
    %mul3A_627 = arith.muli %select_n3A_624, %mul3A_626 : vector<16xi32>
    %rem3A_628 = arith.constant 64 : i32
    %rem3A_629 = vector.broadcast %rem3A_628 : i32 to vector<16xi32>
    %rem3A_630 = arith.remsi %add3A_593, %rem3A_629 : vector<16xi32>
    %add3A_631 = arith.addi %mul3A_627, %rem3A_630 : vector<16xi32>
    %mul3A_632 = arith.constant 20 : i32
    %mul3A_633 = vector.broadcast %mul3A_632 : i32 to vector<16xi32>
    %mul3A_634 = arith.muli %iota3A, %mul3A_633 : vector<16xi32>
    %add3A_635 = arith.constant 3 : i32
    %add3A_636 = vector.broadcast %add3A_635 : i32 to vector<16xi32>
    %add3A_637 = arith.addi %mul3A_634, %add3A_636 : vector<16xi32>
    %jit3A_638 = arith.constant 64 : i32
    %div3A_639 = vector.broadcast %jit3A_638 : i32 to vector<16xi32>
    %div3A_640 = arith.divsi %add3A_637, %div3A_639 : vector<16xi32>
    %sign3A_641 = arith.constant 0 : i32
    %sign3A_642 = vector.broadcast %sign3A_641 : i32 to vector<16xi32>
    %sign3A_643 = arith.cmpi sgt, %add3A_637, %sign3A_642 : vector<16xi32>
    %sign3A_644 = arith.extui %sign3A_643 : vector<16xi1> to vector<16xi32>
    %sign3A_645 = arith.constant 0 : i32
    %sign3A_646 = vector.broadcast %sign3A_645 : i32 to vector<16xi32>
    %sign3A_647 = arith.cmpi slt, %add3A_637, %sign3A_646 : vector<16xi32>
    %sign3A_648 = arith.extui %sign3A_647 : vector<16xi1> to vector<16xi32>
    %sign3A_649 = arith.subi %sign3A_644, %sign3A_648 : vector<16xi32>
    %sign3A_650 = arith.constant 0 : i32
    %sign3A_651 = arith.cmpi sgt, %jit3A_638, %sign3A_650 : i32
    %sign3A_652 = arith.extui %sign3A_651 : i1 to i32
    %sign3A_653 = arith.constant 0 : i32
    %sign3A_654 = arith.cmpi slt, %jit3A_638, %sign3A_653 : i32
    %sign3A_655 = arith.extui %sign3A_654 : i1 to i32
    %sign3A_656 = arith.subi %sign3A_652, %sign3A_655 : i32
    %ne3A_657 = vector.broadcast %sign3A_656 : i32 to vector<16xi32>
    %ne3A_658 = arith.cmpi ne, %sign3A_649, %ne3A_657 : vector<16xi32>
    %rem3A_659 = vector.broadcast %jit3A_638 : i32 to vector<16xi32>
    %rem3A_660 = arith.remsi %add3A_637, %rem3A_659 : vector<16xi32>
    %ne3A_661 = arith.constant 0 : i32
    %ne3A_662 = vector.broadcast %ne3A_661 : i32 to vector<16xi32>
    %ne3A_663 = arith.cmpi ne, %rem3A_660, %ne3A_662 : vector<16xi32>
    %and3A_664 = arith.andi %ne3A_658, %ne3A_663 : vector<16xi1>
    %sub3A_665 = arith.constant 1 : i32
    %sub3A_666 = vector.broadcast %sub3A_665 : i32 to vector<16xi32>
    %sub3A_667 = arith.subi %div3A_640, %sub3A_666 : vector<16xi32>
    %select_n3A_668 = arith.select %and3A_664, %sub3A_667, %div3A_640 : vector<16xi1>, vector<16xi32>
    %mul3A_669 = arith.constant 2048 : i32
    %mul3A_670 = vector.broadcast %mul3A_669 : i32 to vector<16xi32>
    %mul3A_671 = arith.muli %select_n3A_668, %mul3A_670 : vector<16xi32>
    %rem3A_672 = arith.constant 64 : i32
    %rem3A_673 = vector.broadcast %rem3A_672 : i32 to vector<16xi32>
    %rem3A_674 = arith.remsi %add3A_637, %rem3A_673 : vector<16xi32>
    %add3A_675 = arith.addi %mul3A_671, %rem3A_674 : vector<16xi32>
    %mul3A_676 = arith.constant 20 : i32
    %mul3A_677 = vector.broadcast %mul3A_676 : i32 to vector<16xi32>
    %mul3A_678 = arith.muli %iota3A, %mul3A_677 : vector<16xi32>
    %add3A_679 = arith.constant 4 : i32
    %add3A_680 = vector.broadcast %add3A_679 : i32 to vector<16xi32>
    %add3A_681 = arith.addi %mul3A_678, %add3A_680 : vector<16xi32>
    %jit3A_682 = arith.constant 64 : i32
    %div3A_683 = vector.broadcast %jit3A_682 : i32 to vector<16xi32>
    %div3A_684 = arith.divsi %add3A_681, %div3A_683 : vector<16xi32>
    %sign3A_685 = arith.constant 0 : i32
    %sign3A_686 = vector.broadcast %sign3A_685 : i32 to vector<16xi32>
    %sign3A_687 = arith.cmpi sgt, %add3A_681, %sign3A_686 : vector<16xi32>
    %sign3A_688 = arith.extui %sign3A_687 : vector<16xi1> to vector<16xi32>
    %sign3A_689 = arith.constant 0 : i32
    %sign3A_690 = vector.broadcast %sign3A_689 : i32 to vector<16xi32>
    %sign3A_691 = arith.cmpi slt, %add3A_681, %sign3A_690 : vector<16xi32>
    %sign3A_692 = arith.extui %sign3A_691 : vector<16xi1> to vector<16xi32>
    %sign3A_693 = arith.subi %sign3A_688, %sign3A_692 : vector<16xi32>
    %sign3A_694 = arith.constant 0 : i32
    %sign3A_695 = arith.cmpi sgt, %jit3A_682, %sign3A_694 : i32
    %sign3A_696 = arith.extui %sign3A_695 : i1 to i32
    %sign3A_697 = arith.constant 0 : i32
    %sign3A_698 = arith.cmpi slt, %jit3A_682, %sign3A_697 : i32
    %sign3A_699 = arith.extui %sign3A_698 : i1 to i32
    %sign3A_700 = arith.subi %sign3A_696, %sign3A_699 : i32
    %ne3A_701 = vector.broadcast %sign3A_700 : i32 to vector<16xi32>
    %ne3A_702 = arith.cmpi ne, %sign3A_693, %ne3A_701 : vector<16xi32>
    %rem3A_703 = vector.broadcast %jit3A_682 : i32 to vector<16xi32>
    %rem3A_704 = arith.remsi %add3A_681, %rem3A_703 : vector<16xi32>
    %ne3A_705 = arith.constant 0 : i32
    %ne3A_706 = vector.broadcast %ne3A_705 : i32 to vector<16xi32>
    %ne3A_707 = arith.cmpi ne, %rem3A_704, %ne3A_706 : vector<16xi32>
    %and3A_708 = arith.andi %ne3A_702, %ne3A_707 : vector<16xi1>
    %sub3A_709 = arith.constant 1 : i32
    %sub3A_710 = vector.broadcast %sub3A_709 : i32 to vector<16xi32>
    %sub3A_711 = arith.subi %div3A_684, %sub3A_710 : vector<16xi32>
    %select_n3A_712 = arith.select %and3A_708, %sub3A_711, %div3A_684 : vector<16xi1>, vector<16xi32>
    %mul3A_713 = arith.constant 2048 : i32
    %mul3A_714 = vector.broadcast %mul3A_713 : i32 to vector<16xi32>
    %mul3A_715 = arith.muli %select_n3A_712, %mul3A_714 : vector<16xi32>
    %rem3A_716 = arith.constant 64 : i32
    %rem3A_717 = vector.broadcast %rem3A_716 : i32 to vector<16xi32>
    %rem3A_718 = arith.remsi %add3A_681, %rem3A_717 : vector<16xi32>
    %add3A_719 = arith.addi %mul3A_715, %rem3A_718 : vector<16xi32>
    %mul3A_720 = arith.constant 20 : i32
    %mul3A_721 = vector.broadcast %mul3A_720 : i32 to vector<16xi32>
    %mul3A_722 = arith.muli %iota3A, %mul3A_721 : vector<16xi32>
    %add3A_723 = arith.constant 5 : i32
    %add3A_724 = vector.broadcast %add3A_723 : i32 to vector<16xi32>
    %add3A_725 = arith.addi %mul3A_722, %add3A_724 : vector<16xi32>
    %jit3A_726 = arith.constant 64 : i32
    %div3A_727 = vector.broadcast %jit3A_726 : i32 to vector<16xi32>
    %div3A_728 = arith.divsi %add3A_725, %div3A_727 : vector<16xi32>
    %sign3A_729 = arith.constant 0 : i32
    %sign3A_730 = vector.broadcast %sign3A_729 : i32 to vector<16xi32>
    %sign3A_731 = arith.cmpi sgt, %add3A_725, %sign3A_730 : vector<16xi32>
    %sign3A_732 = arith.extui %sign3A_731 : vector<16xi1> to vector<16xi32>
    %sign3A_733 = arith.constant 0 : i32
    %sign3A_734 = vector.broadcast %sign3A_733 : i32 to vector<16xi32>
    %sign3A_735 = arith.cmpi slt, %add3A_725, %sign3A_734 : vector<16xi32>
    %sign3A_736 = arith.extui %sign3A_735 : vector<16xi1> to vector<16xi32>
    %sign3A_737 = arith.subi %sign3A_732, %sign3A_736 : vector<16xi32>
    %sign3A_738 = arith.constant 0 : i32
    %sign3A_739 = arith.cmpi sgt, %jit3A_726, %sign3A_738 : i32
    %sign3A_740 = arith.extui %sign3A_739 : i1 to i32
    %sign3A_741 = arith.constant 0 : i32
    %sign3A_742 = arith.cmpi slt, %jit3A_726, %sign3A_741 : i32
    %sign3A_743 = arith.extui %sign3A_742 : i1 to i32
    %sign3A_744 = arith.subi %sign3A_740, %sign3A_743 : i32
    %ne3A_745 = vector.broadcast %sign3A_744 : i32 to vector<16xi32>
    %ne3A_746 = arith.cmpi ne, %sign3A_737, %ne3A_745 : vector<16xi32>
    %rem3A_747 = vector.broadcast %jit3A_726 : i32 to vector<16xi32>
    %rem3A_748 = arith.remsi %add3A_725, %rem3A_747 : vector<16xi32>
    %ne3A_749 = arith.constant 0 : i32
    %ne3A_750 = vector.broadcast %ne3A_749 : i32 to vector<16xi32>
    %ne3A_751 = arith.cmpi ne, %rem3A_748, %ne3A_750 : vector<16xi32>
    %and3A_752 = arith.andi %ne3A_746, %ne3A_751 : vector<16xi1>
    %sub3A_753 = arith.constant 1 : i32
    %sub3A_754 = vector.broadcast %sub3A_753 : i32 to vector<16xi32>
    %sub3A_755 = arith.subi %div3A_728, %sub3A_754 : vector<16xi32>
    %select_n3A_756 = arith.select %and3A_752, %sub3A_755, %div3A_728 : vector<16xi1>, vector<16xi32>
    %mul3A_757 = arith.constant 2048 : i32
    %mul3A_758 = vector.broadcast %mul3A_757 : i32 to vector<16xi32>
    %mul3A_759 = arith.muli %select_n3A_756, %mul3A_758 : vector<16xi32>
    %rem3A_760 = arith.constant 64 : i32
    %rem3A_761 = vector.broadcast %rem3A_760 : i32 to vector<16xi32>
    %rem3A_762 = arith.remsi %add3A_725, %rem3A_761 : vector<16xi32>
    %add3A_763 = arith.addi %mul3A_759, %rem3A_762 : vector<16xi32>
    %mul3A_764 = arith.constant 20 : i32
    %mul3A_765 = vector.broadcast %mul3A_764 : i32 to vector<16xi32>
    %mul3A_766 = arith.muli %iota3A, %mul3A_765 : vector<16xi32>
    %add3A_767 = arith.constant 6 : i32
    %add3A_768 = vector.broadcast %add3A_767 : i32 to vector<16xi32>
    %add3A_769 = arith.addi %mul3A_766, %add3A_768 : vector<16xi32>
    %jit3A_770 = arith.constant 64 : i32
    %div3A_771 = vector.broadcast %jit3A_770 : i32 to vector<16xi32>
    %div3A_772 = arith.divsi %add3A_769, %div3A_771 : vector<16xi32>
    %sign3A_773 = arith.constant 0 : i32
    %sign3A_774 = vector.broadcast %sign3A_773 : i32 to vector<16xi32>
    %sign3A_775 = arith.cmpi sgt, %add3A_769, %sign3A_774 : vector<16xi32>
    %sign3A_776 = arith.extui %sign3A_775 : vector<16xi1> to vector<16xi32>
    %sign3A_777 = arith.constant 0 : i32
    %sign3A_778 = vector.broadcast %sign3A_777 : i32 to vector<16xi32>
    %sign3A_779 = arith.cmpi slt, %add3A_769, %sign3A_778 : vector<16xi32>
    %sign3A_780 = arith.extui %sign3A_779 : vector<16xi1> to vector<16xi32>
    %sign3A_781 = arith.subi %sign3A_776, %sign3A_780 : vector<16xi32>
    %sign3A_782 = arith.constant 0 : i32
    %sign3A_783 = arith.cmpi sgt, %jit3A_770, %sign3A_782 : i32
    %sign3A_784 = arith.extui %sign3A_783 : i1 to i32
    %sign3A_785 = arith.constant 0 : i32
    %sign3A_786 = arith.cmpi slt, %jit3A_770, %sign3A_785 : i32
    %sign3A_787 = arith.extui %sign3A_786 : i1 to i32
    %sign3A_788 = arith.subi %sign3A_784, %sign3A_787 : i32
    %ne3A_789 = vector.broadcast %sign3A_788 : i32 to vector<16xi32>
    %ne3A_790 = arith.cmpi ne, %sign3A_781, %ne3A_789 : vector<16xi32>
    %rem3A_791 = vector.broadcast %jit3A_770 : i32 to vector<16xi32>
    %rem3A_792 = arith.remsi %add3A_769, %rem3A_791 : vector<16xi32>
    %ne3A_793 = arith.constant 0 : i32
    %ne3A_794 = vector.broadcast %ne3A_793 : i32 to vector<16xi32>
    %ne3A_795 = arith.cmpi ne, %rem3A_792, %ne3A_794 : vector<16xi32>
    %and3A_796 = arith.andi %ne3A_790, %ne3A_795 : vector<16xi1>
    %sub3A_797 = arith.constant 1 : i32
    %sub3A_798 = vector.broadcast %sub3A_797 : i32 to vector<16xi32>
    %sub3A_799 = arith.subi %div3A_772, %sub3A_798 : vector<16xi32>
    %select_n3A_800 = arith.select %and3A_796, %sub3A_799, %div3A_772 : vector<16xi1>, vector<16xi32>
    %mul3A_801 = arith.constant 2048 : i32
    %mul3A_802 = vector.broadcast %mul3A_801 : i32 to vector<16xi32>
    %mul3A_803 = arith.muli %select_n3A_800, %mul3A_802 : vector<16xi32>
    %rem3A_804 = arith.constant 64 : i32
    %rem3A_805 = vector.broadcast %rem3A_804 : i32 to vector<16xi32>
    %rem3A_806 = arith.remsi %add3A_769, %rem3A_805 : vector<16xi32>
    %add3A_807 = arith.addi %mul3A_803, %rem3A_806 : vector<16xi32>
    %mul3A_808 = arith.constant 20 : i32
    %mul3A_809 = vector.broadcast %mul3A_808 : i32 to vector<16xi32>
    %mul3A_810 = arith.muli %iota3A, %mul3A_809 : vector<16xi32>
    %add3A_811 = arith.constant 7 : i32
    %add3A_812 = vector.broadcast %add3A_811 : i32 to vector<16xi32>
    %add3A_813 = arith.addi %mul3A_810, %add3A_812 : vector<16xi32>
    %jit3A_814 = arith.constant 64 : i32
    %div3A_815 = vector.broadcast %jit3A_814 : i32 to vector<16xi32>
    %div3A_816 = arith.divsi %add3A_813, %div3A_815 : vector<16xi32>
    %sign3A_817 = arith.constant 0 : i32
    %sign3A_818 = vector.broadcast %sign3A_817 : i32 to vector<16xi32>
    %sign3A_819 = arith.cmpi sgt, %add3A_813, %sign3A_818 : vector<16xi32>
    %sign3A_820 = arith.extui %sign3A_819 : vector<16xi1> to vector<16xi32>
    %sign3A_821 = arith.constant 0 : i32
    %sign3A_822 = vector.broadcast %sign3A_821 : i32 to vector<16xi32>
    %sign3A_823 = arith.cmpi slt, %add3A_813, %sign3A_822 : vector<16xi32>
    %sign3A_824 = arith.extui %sign3A_823 : vector<16xi1> to vector<16xi32>
    %sign3A_825 = arith.subi %sign3A_820, %sign3A_824 : vector<16xi32>
    %sign3A_826 = arith.constant 0 : i32
    %sign3A_827 = arith.cmpi sgt, %jit3A_814, %sign3A_826 : i32
    %sign3A_828 = arith.extui %sign3A_827 : i1 to i32
    %sign3A_829 = arith.constant 0 : i32
    %sign3A_830 = arith.cmpi slt, %jit3A_814, %sign3A_829 : i32
    %sign3A_831 = arith.extui %sign3A_830 : i1 to i32
    %sign3A_832 = arith.subi %sign3A_828, %sign3A_831 : i32
    %ne3A_833 = vector.broadcast %sign3A_832 : i32 to vector<16xi32>
    %ne3A_834 = arith.cmpi ne, %sign3A_825, %ne3A_833 : vector<16xi32>
    %rem3A_835 = vector.broadcast %jit3A_814 : i32 to vector<16xi32>
    %rem3A_836 = arith.remsi %add3A_813, %rem3A_835 : vector<16xi32>
    %ne3A_837 = arith.constant 0 : i32
    %ne3A_838 = vector.broadcast %ne3A_837 : i32 to vector<16xi32>
    %ne3A_839 = arith.cmpi ne, %rem3A_836, %ne3A_838 : vector<16xi32>
    %and3A_840 = arith.andi %ne3A_834, %ne3A_839 : vector<16xi1>
    %sub3A_841 = arith.constant 1 : i32
    %sub3A_842 = vector.broadcast %sub3A_841 : i32 to vector<16xi32>
    %sub3A_843 = arith.subi %div3A_816, %sub3A_842 : vector<16xi32>
    %select_n3A_844 = arith.select %and3A_840, %sub3A_843, %div3A_816 : vector<16xi1>, vector<16xi32>
    %mul3A_845 = arith.constant 2048 : i32
    %mul3A_846 = vector.broadcast %mul3A_845 : i32 to vector<16xi32>
    %mul3A_847 = arith.muli %select_n3A_844, %mul3A_846 : vector<16xi32>
    %rem3A_848 = arith.constant 64 : i32
    %rem3A_849 = vector.broadcast %rem3A_848 : i32 to vector<16xi32>
    %rem3A_850 = arith.remsi %add3A_813, %rem3A_849 : vector<16xi32>
    %add3A_851 = arith.addi %mul3A_847, %rem3A_850 : vector<16xi32>
    %mul3A_852 = arith.constant 20 : i32
    %mul3A_853 = vector.broadcast %mul3A_852 : i32 to vector<16xi32>
    %mul3A_854 = arith.muli %iota3A, %mul3A_853 : vector<16xi32>
    %add3A_855 = arith.constant 8 : i32
    %add3A_856 = vector.broadcast %add3A_855 : i32 to vector<16xi32>
    %add3A_857 = arith.addi %mul3A_854, %add3A_856 : vector<16xi32>
    %jit3A_858 = arith.constant 64 : i32
    %div3A_859 = vector.broadcast %jit3A_858 : i32 to vector<16xi32>
    %div3A_860 = arith.divsi %add3A_857, %div3A_859 : vector<16xi32>
    %sign3A_861 = arith.constant 0 : i32
    %sign3A_862 = vector.broadcast %sign3A_861 : i32 to vector<16xi32>
    %sign3A_863 = arith.cmpi sgt, %add3A_857, %sign3A_862 : vector<16xi32>
    %sign3A_864 = arith.extui %sign3A_863 : vector<16xi1> to vector<16xi32>
    %sign3A_865 = arith.constant 0 : i32
    %sign3A_866 = vector.broadcast %sign3A_865 : i32 to vector<16xi32>
    %sign3A_867 = arith.cmpi slt, %add3A_857, %sign3A_866 : vector<16xi32>
    %sign3A_868 = arith.extui %sign3A_867 : vector<16xi1> to vector<16xi32>
    %sign3A_869 = arith.subi %sign3A_864, %sign3A_868 : vector<16xi32>
    %sign3A_870 = arith.constant 0 : i32
    %sign3A_871 = arith.cmpi sgt, %jit3A_858, %sign3A_870 : i32
    %sign3A_872 = arith.extui %sign3A_871 : i1 to i32
    %sign3A_873 = arith.constant 0 : i32
    %sign3A_874 = arith.cmpi slt, %jit3A_858, %sign3A_873 : i32
    %sign3A_875 = arith.extui %sign3A_874 : i1 to i32
    %sign3A_876 = arith.subi %sign3A_872, %sign3A_875 : i32
    %ne3A_877 = vector.broadcast %sign3A_876 : i32 to vector<16xi32>
    %ne3A_878 = arith.cmpi ne, %sign3A_869, %ne3A_877 : vector<16xi32>
    %rem3A_879 = vector.broadcast %jit3A_858 : i32 to vector<16xi32>
    %rem3A_880 = arith.remsi %add3A_857, %rem3A_879 : vector<16xi32>
    %ne3A_881 = arith.constant 0 : i32
    %ne3A_882 = vector.broadcast %ne3A_881 : i32 to vector<16xi32>
    %ne3A_883 = arith.cmpi ne, %rem3A_880, %ne3A_882 : vector<16xi32>
    %and3A_884 = arith.andi %ne3A_878, %ne3A_883 : vector<16xi1>
    %sub3A_885 = arith.constant 1 : i32
    %sub3A_886 = vector.broadcast %sub3A_885 : i32 to vector<16xi32>
    %sub3A_887 = arith.subi %div3A_860, %sub3A_886 : vector<16xi32>
    %select_n3A_888 = arith.select %and3A_884, %sub3A_887, %div3A_860 : vector<16xi1>, vector<16xi32>
    %mul3A_889 = arith.constant 2048 : i32
    %mul3A_890 = vector.broadcast %mul3A_889 : i32 to vector<16xi32>
    %mul3A_891 = arith.muli %select_n3A_888, %mul3A_890 : vector<16xi32>
    %rem3A_892 = arith.constant 64 : i32
    %rem3A_893 = vector.broadcast %rem3A_892 : i32 to vector<16xi32>
    %rem3A_894 = arith.remsi %add3A_857, %rem3A_893 : vector<16xi32>
    %add3A_895 = arith.addi %mul3A_891, %rem3A_894 : vector<16xi32>
    %mul3A_896 = arith.constant 20 : i32
    %mul3A_897 = vector.broadcast %mul3A_896 : i32 to vector<16xi32>
    %mul3A_898 = arith.muli %iota3A, %mul3A_897 : vector<16xi32>
    %add3A_899 = arith.constant 9 : i32
    %add3A_900 = vector.broadcast %add3A_899 : i32 to vector<16xi32>
    %add3A_901 = arith.addi %mul3A_898, %add3A_900 : vector<16xi32>
    %jit3A_902 = arith.constant 64 : i32
    %div3A_903 = vector.broadcast %jit3A_902 : i32 to vector<16xi32>
    %div3A_904 = arith.divsi %add3A_901, %div3A_903 : vector<16xi32>
    %sign3A_905 = arith.constant 0 : i32
    %sign3A_906 = vector.broadcast %sign3A_905 : i32 to vector<16xi32>
    %sign3A_907 = arith.cmpi sgt, %add3A_901, %sign3A_906 : vector<16xi32>
    %sign3A_908 = arith.extui %sign3A_907 : vector<16xi1> to vector<16xi32>
    %sign3A_909 = arith.constant 0 : i32
    %sign3A_910 = vector.broadcast %sign3A_909 : i32 to vector<16xi32>
    %sign3A_911 = arith.cmpi slt, %add3A_901, %sign3A_910 : vector<16xi32>
    %sign3A_912 = arith.extui %sign3A_911 : vector<16xi1> to vector<16xi32>
    %sign3A_913 = arith.subi %sign3A_908, %sign3A_912 : vector<16xi32>
    %sign3A_914 = arith.constant 0 : i32
    %sign3A_915 = arith.cmpi sgt, %jit3A_902, %sign3A_914 : i32
    %sign3A_916 = arith.extui %sign3A_915 : i1 to i32
    %sign3A_917 = arith.constant 0 : i32
    %sign3A_918 = arith.cmpi slt, %jit3A_902, %sign3A_917 : i32
    %sign3A_919 = arith.extui %sign3A_918 : i1 to i32
    %sign3A_920 = arith.subi %sign3A_916, %sign3A_919 : i32
    %ne3A_921 = vector.broadcast %sign3A_920 : i32 to vector<16xi32>
    %ne3A_922 = arith.cmpi ne, %sign3A_913, %ne3A_921 : vector<16xi32>
    %rem3A_923 = vector.broadcast %jit3A_902 : i32 to vector<16xi32>
    %rem3A_924 = arith.remsi %add3A_901, %rem3A_923 : vector<16xi32>
    %ne3A_925 = arith.constant 0 : i32
    %ne3A_926 = vector.broadcast %ne3A_925 : i32 to vector<16xi32>
    %ne3A_927 = arith.cmpi ne, %rem3A_924, %ne3A_926 : vector<16xi32>
    %and3A_928 = arith.andi %ne3A_922, %ne3A_927 : vector<16xi1>
    %sub3A_929 = arith.constant 1 : i32
    %sub3A_930 = vector.broadcast %sub3A_929 : i32 to vector<16xi32>
    %sub3A_931 = arith.subi %div3A_904, %sub3A_930 : vector<16xi32>
    %select_n3A_932 = arith.select %and3A_928, %sub3A_931, %div3A_904 : vector<16xi1>, vector<16xi32>
    %mul3A_933 = arith.constant 2048 : i32
    %mul3A_934 = vector.broadcast %mul3A_933 : i32 to vector<16xi32>
    %mul3A_935 = arith.muli %select_n3A_932, %mul3A_934 : vector<16xi32>
    %rem3A_936 = arith.constant 64 : i32
    %rem3A_937 = vector.broadcast %rem3A_936 : i32 to vector<16xi32>
    %rem3A_938 = arith.remsi %add3A_901, %rem3A_937 : vector<16xi32>
    %add3A_939 = arith.addi %mul3A_935, %rem3A_938 : vector<16xi32>
    %mul3A_940 = arith.constant 20 : i32
    %mul3A_941 = vector.broadcast %mul3A_940 : i32 to vector<16xi32>
    %mul3A_942 = arith.muli %iota3A, %mul3A_941 : vector<16xi32>
    %add3A_943 = arith.constant 10 : i32
    %add3A_944 = vector.broadcast %add3A_943 : i32 to vector<16xi32>
    %add3A_945 = arith.addi %mul3A_942, %add3A_944 : vector<16xi32>
    %jit3A_946 = arith.constant 64 : i32
    %div3A_947 = vector.broadcast %jit3A_946 : i32 to vector<16xi32>
    %div3A_948 = arith.divsi %add3A_945, %div3A_947 : vector<16xi32>
    %sign3A_949 = arith.constant 0 : i32
    %sign3A_950 = vector.broadcast %sign3A_949 : i32 to vector<16xi32>
    %sign3A_951 = arith.cmpi sgt, %add3A_945, %sign3A_950 : vector<16xi32>
    %sign3A_952 = arith.extui %sign3A_951 : vector<16xi1> to vector<16xi32>
    %sign3A_953 = arith.constant 0 : i32
    %sign3A_954 = vector.broadcast %sign3A_953 : i32 to vector<16xi32>
    %sign3A_955 = arith.cmpi slt, %add3A_945, %sign3A_954 : vector<16xi32>
    %sign3A_956 = arith.extui %sign3A_955 : vector<16xi1> to vector<16xi32>
    %sign3A_957 = arith.subi %sign3A_952, %sign3A_956 : vector<16xi32>
    %sign3A_958 = arith.constant 0 : i32
    %sign3A_959 = arith.cmpi sgt, %jit3A_946, %sign3A_958 : i32
    %sign3A_960 = arith.extui %sign3A_959 : i1 to i32
    %sign3A_961 = arith.constant 0 : i32
    %sign3A_962 = arith.cmpi slt, %jit3A_946, %sign3A_961 : i32
    %sign3A_963 = arith.extui %sign3A_962 : i1 to i32
    %sign3A_964 = arith.subi %sign3A_960, %sign3A_963 : i32
    %ne3A_965 = vector.broadcast %sign3A_964 : i32 to vector<16xi32>
    %ne3A_966 = arith.cmpi ne, %sign3A_957, %ne3A_965 : vector<16xi32>
    %rem3A_967 = vector.broadcast %jit3A_946 : i32 to vector<16xi32>
    %rem3A_968 = arith.remsi %add3A_945, %rem3A_967 : vector<16xi32>
    %ne3A_969 = arith.constant 0 : i32
    %ne3A_970 = vector.broadcast %ne3A_969 : i32 to vector<16xi32>
    %ne3A_971 = arith.cmpi ne, %rem3A_968, %ne3A_970 : vector<16xi32>
    %and3A_972 = arith.andi %ne3A_966, %ne3A_971 : vector<16xi1>
    %sub3A_973 = arith.constant 1 : i32
    %sub3A_974 = vector.broadcast %sub3A_973 : i32 to vector<16xi32>
    %sub3A_975 = arith.subi %div3A_948, %sub3A_974 : vector<16xi32>
    %select_n3A_976 = arith.select %and3A_972, %sub3A_975, %div3A_948 : vector<16xi1>, vector<16xi32>
    %mul3A_977 = arith.constant 2048 : i32
    %mul3A_978 = vector.broadcast %mul3A_977 : i32 to vector<16xi32>
    %mul3A_979 = arith.muli %select_n3A_976, %mul3A_978 : vector<16xi32>
    %rem3A_980 = arith.constant 64 : i32
    %rem3A_981 = vector.broadcast %rem3A_980 : i32 to vector<16xi32>
    %rem3A_982 = arith.remsi %add3A_945, %rem3A_981 : vector<16xi32>
    %add3A_983 = arith.addi %mul3A_979, %rem3A_982 : vector<16xi32>
    %mul3A_984 = arith.constant 20 : i32
    %mul3A_985 = vector.broadcast %mul3A_984 : i32 to vector<16xi32>
    %mul3A_986 = arith.muli %iota3A, %mul3A_985 : vector<16xi32>
    %add3A_987 = arith.constant 11 : i32
    %add3A_988 = vector.broadcast %add3A_987 : i32 to vector<16xi32>
    %add3A_989 = arith.addi %mul3A_986, %add3A_988 : vector<16xi32>
    %jit3A_990 = arith.constant 64 : i32
    %div3A_991 = vector.broadcast %jit3A_990 : i32 to vector<16xi32>
    %div3A_992 = arith.divsi %add3A_989, %div3A_991 : vector<16xi32>
    %sign3A_993 = arith.constant 0 : i32
    %sign3A_994 = vector.broadcast %sign3A_993 : i32 to vector<16xi32>
    %sign3A_995 = arith.cmpi sgt, %add3A_989, %sign3A_994 : vector<16xi32>
    %sign3A_996 = arith.extui %sign3A_995 : vector<16xi1> to vector<16xi32>
    %sign3A_997 = arith.constant 0 : i32
    %sign3A_998 = vector.broadcast %sign3A_997 : i32 to vector<16xi32>
    %sign3A_999 = arith.cmpi slt, %add3A_989, %sign3A_998 : vector<16xi32>
    %sign3A_1000 = arith.extui %sign3A_999 : vector<16xi1> to vector<16xi32>
    %sign3A_1001 = arith.subi %sign3A_996, %sign3A_1000 : vector<16xi32>
    %sign3A_1002 = arith.constant 0 : i32
    %sign3A_1003 = arith.cmpi sgt, %jit3A_990, %sign3A_1002 : i32
    %sign3A_1004 = arith.extui %sign3A_1003 : i1 to i32
    %sign3A_1005 = arith.constant 0 : i32
    %sign3A_1006 = arith.cmpi slt, %jit3A_990, %sign3A_1005 : i32
    %sign3A_1007 = arith.extui %sign3A_1006 : i1 to i32
    %sign3A_1008 = arith.subi %sign3A_1004, %sign3A_1007 : i32
    %ne3A_1009 = vector.broadcast %sign3A_1008 : i32 to vector<16xi32>
    %ne3A_1010 = arith.cmpi ne, %sign3A_1001, %ne3A_1009 : vector<16xi32>
    %rem3A_1011 = vector.broadcast %jit3A_990 : i32 to vector<16xi32>
    %rem3A_1012 = arith.remsi %add3A_989, %rem3A_1011 : vector<16xi32>
    %ne3A_1013 = arith.constant 0 : i32
    %ne3A_1014 = vector.broadcast %ne3A_1013 : i32 to vector<16xi32>
    %ne3A_1015 = arith.cmpi ne, %rem3A_1012, %ne3A_1014 : vector<16xi32>
    %and3A_1016 = arith.andi %ne3A_1010, %ne3A_1015 : vector<16xi1>
    %sub3A_1017 = arith.constant 1 : i32
    %sub3A_1018 = vector.broadcast %sub3A_1017 : i32 to vector<16xi32>
    %sub3A_1019 = arith.subi %div3A_992, %sub3A_1018 : vector<16xi32>
    %select_n3A_1020 = arith.select %and3A_1016, %sub3A_1019, %div3A_992 : vector<16xi1>, vector<16xi32>
    %mul3A_1021 = arith.constant 2048 : i32
    %mul3A_1022 = vector.broadcast %mul3A_1021 : i32 to vector<16xi32>
    %mul3A_1023 = arith.muli %select_n3A_1020, %mul3A_1022 : vector<16xi32>
    %rem3A_1024 = arith.constant 64 : i32
    %rem3A_1025 = vector.broadcast %rem3A_1024 : i32 to vector<16xi32>
    %rem3A_1026 = arith.remsi %add3A_989, %rem3A_1025 : vector<16xi32>
    %add3A_1027 = arith.addi %mul3A_1023, %rem3A_1026 : vector<16xi32>
    %mul3A_1028 = arith.constant 20 : i32
    %mul3A_1029 = vector.broadcast %mul3A_1028 : i32 to vector<16xi32>
    %mul3A_1030 = arith.muli %iota3A, %mul3A_1029 : vector<16xi32>
    %add3A_1031 = arith.constant 12 : i32
    %add3A_1032 = vector.broadcast %add3A_1031 : i32 to vector<16xi32>
    %add3A_1033 = arith.addi %mul3A_1030, %add3A_1032 : vector<16xi32>
    %jit3A_1034 = arith.constant 64 : i32
    %div3A_1035 = vector.broadcast %jit3A_1034 : i32 to vector<16xi32>
    %div3A_1036 = arith.divsi %add3A_1033, %div3A_1035 : vector<16xi32>
    %sign3A_1037 = arith.constant 0 : i32
    %sign3A_1038 = vector.broadcast %sign3A_1037 : i32 to vector<16xi32>
    %sign3A_1039 = arith.cmpi sgt, %add3A_1033, %sign3A_1038 : vector<16xi32>
    %sign3A_1040 = arith.extui %sign3A_1039 : vector<16xi1> to vector<16xi32>
    %sign3A_1041 = arith.constant 0 : i32
    %sign3A_1042 = vector.broadcast %sign3A_1041 : i32 to vector<16xi32>
    %sign3A_1043 = arith.cmpi slt, %add3A_1033, %sign3A_1042 : vector<16xi32>
    %sign3A_1044 = arith.extui %sign3A_1043 : vector<16xi1> to vector<16xi32>
    %sign3A_1045 = arith.subi %sign3A_1040, %sign3A_1044 : vector<16xi32>
    %sign3A_1046 = arith.constant 0 : i32
    %sign3A_1047 = arith.cmpi sgt, %jit3A_1034, %sign3A_1046 : i32
    %sign3A_1048 = arith.extui %sign3A_1047 : i1 to i32
    %sign3A_1049 = arith.constant 0 : i32
    %sign3A_1050 = arith.cmpi slt, %jit3A_1034, %sign3A_1049 : i32
    %sign3A_1051 = arith.extui %sign3A_1050 : i1 to i32
    %sign3A_1052 = arith.subi %sign3A_1048, %sign3A_1051 : i32
    %ne3A_1053 = vector.broadcast %sign3A_1052 : i32 to vector<16xi32>
    %ne3A_1054 = arith.cmpi ne, %sign3A_1045, %ne3A_1053 : vector<16xi32>
    %rem3A_1055 = vector.broadcast %jit3A_1034 : i32 to vector<16xi32>
    %rem3A_1056 = arith.remsi %add3A_1033, %rem3A_1055 : vector<16xi32>
    %ne3A_1057 = arith.constant 0 : i32
    %ne3A_1058 = vector.broadcast %ne3A_1057 : i32 to vector<16xi32>
    %ne3A_1059 = arith.cmpi ne, %rem3A_1056, %ne3A_1058 : vector<16xi32>
    %and3A_1060 = arith.andi %ne3A_1054, %ne3A_1059 : vector<16xi1>
    %sub3A_1061 = arith.constant 1 : i32
    %sub3A_1062 = vector.broadcast %sub3A_1061 : i32 to vector<16xi32>
    %sub3A_1063 = arith.subi %div3A_1036, %sub3A_1062 : vector<16xi32>
    %select_n3A_1064 = arith.select %and3A_1060, %sub3A_1063, %div3A_1036 : vector<16xi1>, vector<16xi32>
    %mul3A_1065 = arith.constant 2048 : i32
    %mul3A_1066 = vector.broadcast %mul3A_1065 : i32 to vector<16xi32>
    %mul3A_1067 = arith.muli %select_n3A_1064, %mul3A_1066 : vector<16xi32>
    %rem3A_1068 = arith.constant 64 : i32
    %rem3A_1069 = vector.broadcast %rem3A_1068 : i32 to vector<16xi32>
    %rem3A_1070 = arith.remsi %add3A_1033, %rem3A_1069 : vector<16xi32>
    %add3A_1071 = arith.addi %mul3A_1067, %rem3A_1070 : vector<16xi32>
    %mul3A_1072 = arith.constant 20 : i32
    %mul3A_1073 = vector.broadcast %mul3A_1072 : i32 to vector<16xi32>
    %mul3A_1074 = arith.muli %iota3A, %mul3A_1073 : vector<16xi32>
    %add3A_1075 = arith.constant 13 : i32
    %add3A_1076 = vector.broadcast %add3A_1075 : i32 to vector<16xi32>
    %add3A_1077 = arith.addi %mul3A_1074, %add3A_1076 : vector<16xi32>
    %jit3A_1078 = arith.constant 64 : i32
    %div3A_1079 = vector.broadcast %jit3A_1078 : i32 to vector<16xi32>
    %div3A_1080 = arith.divsi %add3A_1077, %div3A_1079 : vector<16xi32>
    %sign3A_1081 = arith.constant 0 : i32
    %sign3A_1082 = vector.broadcast %sign3A_1081 : i32 to vector<16xi32>
    %sign3A_1083 = arith.cmpi sgt, %add3A_1077, %sign3A_1082 : vector<16xi32>
    %sign3A_1084 = arith.extui %sign3A_1083 : vector<16xi1> to vector<16xi32>
    %sign3A_1085 = arith.constant 0 : i32
    %sign3A_1086 = vector.broadcast %sign3A_1085 : i32 to vector<16xi32>
    %sign3A_1087 = arith.cmpi slt, %add3A_1077, %sign3A_1086 : vector<16xi32>
    %sign3A_1088 = arith.extui %sign3A_1087 : vector<16xi1> to vector<16xi32>
    %sign3A_1089 = arith.subi %sign3A_1084, %sign3A_1088 : vector<16xi32>
    %sign3A_1090 = arith.constant 0 : i32
    %sign3A_1091 = arith.cmpi sgt, %jit3A_1078, %sign3A_1090 : i32
    %sign3A_1092 = arith.extui %sign3A_1091 : i1 to i32
    %sign3A_1093 = arith.constant 0 : i32
    %sign3A_1094 = arith.cmpi slt, %jit3A_1078, %sign3A_1093 : i32
    %sign3A_1095 = arith.extui %sign3A_1094 : i1 to i32
    %sign3A_1096 = arith.subi %sign3A_1092, %sign3A_1095 : i32
    %ne3A_1097 = vector.broadcast %sign3A_1096 : i32 to vector<16xi32>
    %ne3A_1098 = arith.cmpi ne, %sign3A_1089, %ne3A_1097 : vector<16xi32>
    %rem3A_1099 = vector.broadcast %jit3A_1078 : i32 to vector<16xi32>
    %rem3A_1100 = arith.remsi %add3A_1077, %rem3A_1099 : vector<16xi32>
    %ne3A_1101 = arith.constant 0 : i32
    %ne3A_1102 = vector.broadcast %ne3A_1101 : i32 to vector<16xi32>
    %ne3A_1103 = arith.cmpi ne, %rem3A_1100, %ne3A_1102 : vector<16xi32>
    %and3A_1104 = arith.andi %ne3A_1098, %ne3A_1103 : vector<16xi1>
    %sub3A_1105 = arith.constant 1 : i32
    %sub3A_1106 = vector.broadcast %sub3A_1105 : i32 to vector<16xi32>
    %sub3A_1107 = arith.subi %div3A_1080, %sub3A_1106 : vector<16xi32>
    %select_n3A_1108 = arith.select %and3A_1104, %sub3A_1107, %div3A_1080 : vector<16xi1>, vector<16xi32>
    %mul3A_1109 = arith.constant 2048 : i32
    %mul3A_1110 = vector.broadcast %mul3A_1109 : i32 to vector<16xi32>
    %mul3A_1111 = arith.muli %select_n3A_1108, %mul3A_1110 : vector<16xi32>
    %rem3A_1112 = arith.constant 64 : i32
    %rem3A_1113 = vector.broadcast %rem3A_1112 : i32 to vector<16xi32>
    %rem3A_1114 = arith.remsi %add3A_1077, %rem3A_1113 : vector<16xi32>
    %add3A_1115 = arith.addi %mul3A_1111, %rem3A_1114 : vector<16xi32>
    %mul3A_1116 = arith.constant 20 : i32
    %mul3A_1117 = vector.broadcast %mul3A_1116 : i32 to vector<16xi32>
    %mul3A_1118 = arith.muli %iota3A, %mul3A_1117 : vector<16xi32>
    %add3A_1119 = arith.constant 14 : i32
    %add3A_1120 = vector.broadcast %add3A_1119 : i32 to vector<16xi32>
    %add3A_1121 = arith.addi %mul3A_1118, %add3A_1120 : vector<16xi32>
    %jit3A_1122 = arith.constant 64 : i32
    %div3A_1123 = vector.broadcast %jit3A_1122 : i32 to vector<16xi32>
    %div3A_1124 = arith.divsi %add3A_1121, %div3A_1123 : vector<16xi32>
    %sign3A_1125 = arith.constant 0 : i32
    %sign3A_1126 = vector.broadcast %sign3A_1125 : i32 to vector<16xi32>
    %sign3A_1127 = arith.cmpi sgt, %add3A_1121, %sign3A_1126 : vector<16xi32>
    %sign3A_1128 = arith.extui %sign3A_1127 : vector<16xi1> to vector<16xi32>
    %sign3A_1129 = arith.constant 0 : i32
    %sign3A_1130 = vector.broadcast %sign3A_1129 : i32 to vector<16xi32>
    %sign3A_1131 = arith.cmpi slt, %add3A_1121, %sign3A_1130 : vector<16xi32>
    %sign3A_1132 = arith.extui %sign3A_1131 : vector<16xi1> to vector<16xi32>
    %sign3A_1133 = arith.subi %sign3A_1128, %sign3A_1132 : vector<16xi32>
    %sign3A_1134 = arith.constant 0 : i32
    %sign3A_1135 = arith.cmpi sgt, %jit3A_1122, %sign3A_1134 : i32
    %sign3A_1136 = arith.extui %sign3A_1135 : i1 to i32
    %sign3A_1137 = arith.constant 0 : i32
    %sign3A_1138 = arith.cmpi slt, %jit3A_1122, %sign3A_1137 : i32
    %sign3A_1139 = arith.extui %sign3A_1138 : i1 to i32
    %sign3A_1140 = arith.subi %sign3A_1136, %sign3A_1139 : i32
    %ne3A_1141 = vector.broadcast %sign3A_1140 : i32 to vector<16xi32>
    %ne3A_1142 = arith.cmpi ne, %sign3A_1133, %ne3A_1141 : vector<16xi32>
    %rem3A_1143 = vector.broadcast %jit3A_1122 : i32 to vector<16xi32>
    %rem3A_1144 = arith.remsi %add3A_1121, %rem3A_1143 : vector<16xi32>
    %ne3A_1145 = arith.constant 0 : i32
    %ne3A_1146 = vector.broadcast %ne3A_1145 : i32 to vector<16xi32>
    %ne3A_1147 = arith.cmpi ne, %rem3A_1144, %ne3A_1146 : vector<16xi32>
    %and3A_1148 = arith.andi %ne3A_1142, %ne3A_1147 : vector<16xi1>
    %sub3A_1149 = arith.constant 1 : i32
    %sub3A_1150 = vector.broadcast %sub3A_1149 : i32 to vector<16xi32>
    %sub3A_1151 = arith.subi %div3A_1124, %sub3A_1150 : vector<16xi32>
    %select_n3A_1152 = arith.select %and3A_1148, %sub3A_1151, %div3A_1124 : vector<16xi1>, vector<16xi32>
    %mul3A_1153 = arith.constant 2048 : i32
    %mul3A_1154 = vector.broadcast %mul3A_1153 : i32 to vector<16xi32>
    %mul3A_1155 = arith.muli %select_n3A_1152, %mul3A_1154 : vector<16xi32>
    %rem3A_1156 = arith.constant 64 : i32
    %rem3A_1157 = vector.broadcast %rem3A_1156 : i32 to vector<16xi32>
    %rem3A_1158 = arith.remsi %add3A_1121, %rem3A_1157 : vector<16xi32>
    %add3A_1159 = arith.addi %mul3A_1155, %rem3A_1158 : vector<16xi32>
    %mul3A_1160 = arith.constant 20 : i32
    %mul3A_1161 = vector.broadcast %mul3A_1160 : i32 to vector<16xi32>
    %mul3A_1162 = arith.muli %iota3A, %mul3A_1161 : vector<16xi32>
    %add3A_1163 = arith.constant 15 : i32
    %add3A_1164 = vector.broadcast %add3A_1163 : i32 to vector<16xi32>
    %add3A_1165 = arith.addi %mul3A_1162, %add3A_1164 : vector<16xi32>
    %jit3A_1166 = arith.constant 64 : i32
    %div3A_1167 = vector.broadcast %jit3A_1166 : i32 to vector<16xi32>
    %div3A_1168 = arith.divsi %add3A_1165, %div3A_1167 : vector<16xi32>
    %sign3A_1169 = arith.constant 0 : i32
    %sign3A_1170 = vector.broadcast %sign3A_1169 : i32 to vector<16xi32>
    %sign3A_1171 = arith.cmpi sgt, %add3A_1165, %sign3A_1170 : vector<16xi32>
    %sign3A_1172 = arith.extui %sign3A_1171 : vector<16xi1> to vector<16xi32>
    %sign3A_1173 = arith.constant 0 : i32
    %sign3A_1174 = vector.broadcast %sign3A_1173 : i32 to vector<16xi32>
    %sign3A_1175 = arith.cmpi slt, %add3A_1165, %sign3A_1174 : vector<16xi32>
    %sign3A_1176 = arith.extui %sign3A_1175 : vector<16xi1> to vector<16xi32>
    %sign3A_1177 = arith.subi %sign3A_1172, %sign3A_1176 : vector<16xi32>
    %sign3A_1178 = arith.constant 0 : i32
    %sign3A_1179 = arith.cmpi sgt, %jit3A_1166, %sign3A_1178 : i32
    %sign3A_1180 = arith.extui %sign3A_1179 : i1 to i32
    %sign3A_1181 = arith.constant 0 : i32
    %sign3A_1182 = arith.cmpi slt, %jit3A_1166, %sign3A_1181 : i32
    %sign3A_1183 = arith.extui %sign3A_1182 : i1 to i32
    %sign3A_1184 = arith.subi %sign3A_1180, %sign3A_1183 : i32
    %ne3A_1185 = vector.broadcast %sign3A_1184 : i32 to vector<16xi32>
    %ne3A_1186 = arith.cmpi ne, %sign3A_1177, %ne3A_1185 : vector<16xi32>
    %rem3A_1187 = vector.broadcast %jit3A_1166 : i32 to vector<16xi32>
    %rem3A_1188 = arith.remsi %add3A_1165, %rem3A_1187 : vector<16xi32>
    %ne3A_1189 = arith.constant 0 : i32
    %ne3A_1190 = vector.broadcast %ne3A_1189 : i32 to vector<16xi32>
    %ne3A_1191 = arith.cmpi ne, %rem3A_1188, %ne3A_1190 : vector<16xi32>
    %and3A_1192 = arith.andi %ne3A_1186, %ne3A_1191 : vector<16xi1>
    %sub3A_1193 = arith.constant 1 : i32
    %sub3A_1194 = vector.broadcast %sub3A_1193 : i32 to vector<16xi32>
    %sub3A_1195 = arith.subi %div3A_1168, %sub3A_1194 : vector<16xi32>
    %select_n3A_1196 = arith.select %and3A_1192, %sub3A_1195, %div3A_1168 : vector<16xi1>, vector<16xi32>
    %mul3A_1197 = arith.constant 2048 : i32
    %mul3A_1198 = vector.broadcast %mul3A_1197 : i32 to vector<16xi32>
    %mul3A_1199 = arith.muli %select_n3A_1196, %mul3A_1198 : vector<16xi32>
    %rem3A_1200 = arith.constant 64 : i32
    %rem3A_1201 = vector.broadcast %rem3A_1200 : i32 to vector<16xi32>
    %rem3A_1202 = arith.remsi %add3A_1165, %rem3A_1201 : vector<16xi32>
    %add3A_1203 = arith.addi %mul3A_1199, %rem3A_1202 : vector<16xi32>
    %mul3A_1204 = arith.constant 20 : i32
    %mul3A_1205 = vector.broadcast %mul3A_1204 : i32 to vector<16xi32>
    %mul3A_1206 = arith.muli %iota3A, %mul3A_1205 : vector<16xi32>
    %add3A_1207 = arith.constant 16 : i32
    %add3A_1208 = vector.broadcast %add3A_1207 : i32 to vector<16xi32>
    %add3A_1209 = arith.addi %mul3A_1206, %add3A_1208 : vector<16xi32>
    %jit3A_1210 = arith.constant 64 : i32
    %div3A_1211 = vector.broadcast %jit3A_1210 : i32 to vector<16xi32>
    %div3A_1212 = arith.divsi %add3A_1209, %div3A_1211 : vector<16xi32>
    %sign3A_1213 = arith.constant 0 : i32
    %sign3A_1214 = vector.broadcast %sign3A_1213 : i32 to vector<16xi32>
    %sign3A_1215 = arith.cmpi sgt, %add3A_1209, %sign3A_1214 : vector<16xi32>
    %sign3A_1216 = arith.extui %sign3A_1215 : vector<16xi1> to vector<16xi32>
    %sign3A_1217 = arith.constant 0 : i32
    %sign3A_1218 = vector.broadcast %sign3A_1217 : i32 to vector<16xi32>
    %sign3A_1219 = arith.cmpi slt, %add3A_1209, %sign3A_1218 : vector<16xi32>
    %sign3A_1220 = arith.extui %sign3A_1219 : vector<16xi1> to vector<16xi32>
    %sign3A_1221 = arith.subi %sign3A_1216, %sign3A_1220 : vector<16xi32>
    %sign3A_1222 = arith.constant 0 : i32
    %sign3A_1223 = arith.cmpi sgt, %jit3A_1210, %sign3A_1222 : i32
    %sign3A_1224 = arith.extui %sign3A_1223 : i1 to i32
    %sign3A_1225 = arith.constant 0 : i32
    %sign3A_1226 = arith.cmpi slt, %jit3A_1210, %sign3A_1225 : i32
    %sign3A_1227 = arith.extui %sign3A_1226 : i1 to i32
    %sign3A_1228 = arith.subi %sign3A_1224, %sign3A_1227 : i32
    %ne3A_1229 = vector.broadcast %sign3A_1228 : i32 to vector<16xi32>
    %ne3A_1230 = arith.cmpi ne, %sign3A_1221, %ne3A_1229 : vector<16xi32>
    %rem3A_1231 = vector.broadcast %jit3A_1210 : i32 to vector<16xi32>
    %rem3A_1232 = arith.remsi %add3A_1209, %rem3A_1231 : vector<16xi32>
    %ne3A_1233 = arith.constant 0 : i32
    %ne3A_1234 = vector.broadcast %ne3A_1233 : i32 to vector<16xi32>
    %ne3A_1235 = arith.cmpi ne, %rem3A_1232, %ne3A_1234 : vector<16xi32>
    %and3A_1236 = arith.andi %ne3A_1230, %ne3A_1235 : vector<16xi1>
    %sub3A_1237 = arith.constant 1 : i32
    %sub3A_1238 = vector.broadcast %sub3A_1237 : i32 to vector<16xi32>
    %sub3A_1239 = arith.subi %div3A_1212, %sub3A_1238 : vector<16xi32>
    %select_n3A_1240 = arith.select %and3A_1236, %sub3A_1239, %div3A_1212 : vector<16xi1>, vector<16xi32>
    %mul3A_1241 = arith.constant 2048 : i32
    %mul3A_1242 = vector.broadcast %mul3A_1241 : i32 to vector<16xi32>
    %mul3A_1243 = arith.muli %select_n3A_1240, %mul3A_1242 : vector<16xi32>
    %rem3A_1244 = arith.constant 64 : i32
    %rem3A_1245 = vector.broadcast %rem3A_1244 : i32 to vector<16xi32>
    %rem3A_1246 = arith.remsi %add3A_1209, %rem3A_1245 : vector<16xi32>
    %add3A_1247 = arith.addi %mul3A_1243, %rem3A_1246 : vector<16xi32>
    %mul3A_1248 = arith.constant 20 : i32
    %mul3A_1249 = vector.broadcast %mul3A_1248 : i32 to vector<16xi32>
    %mul3A_1250 = arith.muli %iota3A, %mul3A_1249 : vector<16xi32>
    %add3A_1251 = arith.constant 17 : i32
    %add3A_1252 = vector.broadcast %add3A_1251 : i32 to vector<16xi32>
    %add3A_1253 = arith.addi %mul3A_1250, %add3A_1252 : vector<16xi32>
    %jit3A_1254 = arith.constant 64 : i32
    %div3A_1255 = vector.broadcast %jit3A_1254 : i32 to vector<16xi32>
    %div3A_1256 = arith.divsi %add3A_1253, %div3A_1255 : vector<16xi32>
    %sign3A_1257 = arith.constant 0 : i32
    %sign3A_1258 = vector.broadcast %sign3A_1257 : i32 to vector<16xi32>
    %sign3A_1259 = arith.cmpi sgt, %add3A_1253, %sign3A_1258 : vector<16xi32>
    %sign3A_1260 = arith.extui %sign3A_1259 : vector<16xi1> to vector<16xi32>
    %sign3A_1261 = arith.constant 0 : i32
    %sign3A_1262 = vector.broadcast %sign3A_1261 : i32 to vector<16xi32>
    %sign3A_1263 = arith.cmpi slt, %add3A_1253, %sign3A_1262 : vector<16xi32>
    %sign3A_1264 = arith.extui %sign3A_1263 : vector<16xi1> to vector<16xi32>
    %sign3A_1265 = arith.subi %sign3A_1260, %sign3A_1264 : vector<16xi32>
    %sign3A_1266 = arith.constant 0 : i32
    %sign3A_1267 = arith.cmpi sgt, %jit3A_1254, %sign3A_1266 : i32
    %sign3A_1268 = arith.extui %sign3A_1267 : i1 to i32
    %sign3A_1269 = arith.constant 0 : i32
    %sign3A_1270 = arith.cmpi slt, %jit3A_1254, %sign3A_1269 : i32
    %sign3A_1271 = arith.extui %sign3A_1270 : i1 to i32
    %sign3A_1272 = arith.subi %sign3A_1268, %sign3A_1271 : i32
    %ne3A_1273 = vector.broadcast %sign3A_1272 : i32 to vector<16xi32>
    %ne3A_1274 = arith.cmpi ne, %sign3A_1265, %ne3A_1273 : vector<16xi32>
    %rem3A_1275 = vector.broadcast %jit3A_1254 : i32 to vector<16xi32>
    %rem3A_1276 = arith.remsi %add3A_1253, %rem3A_1275 : vector<16xi32>
    %ne3A_1277 = arith.constant 0 : i32
    %ne3A_1278 = vector.broadcast %ne3A_1277 : i32 to vector<16xi32>
    %ne3A_1279 = arith.cmpi ne, %rem3A_1276, %ne3A_1278 : vector<16xi32>
    %and3A_1280 = arith.andi %ne3A_1274, %ne3A_1279 : vector<16xi1>
    %sub3A_1281 = arith.constant 1 : i32
    %sub3A_1282 = vector.broadcast %sub3A_1281 : i32 to vector<16xi32>
    %sub3A_1283 = arith.subi %div3A_1256, %sub3A_1282 : vector<16xi32>
    %select_n3A_1284 = arith.select %and3A_1280, %sub3A_1283, %div3A_1256 : vector<16xi1>, vector<16xi32>
    %mul3A_1285 = arith.constant 2048 : i32
    %mul3A_1286 = vector.broadcast %mul3A_1285 : i32 to vector<16xi32>
    %mul3A_1287 = arith.muli %select_n3A_1284, %mul3A_1286 : vector<16xi32>
    %rem3A_1288 = arith.constant 64 : i32
    %rem3A_1289 = vector.broadcast %rem3A_1288 : i32 to vector<16xi32>
    %rem3A_1290 = arith.remsi %add3A_1253, %rem3A_1289 : vector<16xi32>
    %add3A_1291 = arith.addi %mul3A_1287, %rem3A_1290 : vector<16xi32>
    %mul3A_1292 = arith.constant 20 : i32
    %mul3A_1293 = vector.broadcast %mul3A_1292 : i32 to vector<16xi32>
    %mul3A_1294 = arith.muli %iota3A, %mul3A_1293 : vector<16xi32>
    %add3A_1295 = arith.constant 18 : i32
    %add3A_1296 = vector.broadcast %add3A_1295 : i32 to vector<16xi32>
    %add3A_1297 = arith.addi %mul3A_1294, %add3A_1296 : vector<16xi32>
    %jit3A_1298 = arith.constant 64 : i32
    %div3A_1299 = vector.broadcast %jit3A_1298 : i32 to vector<16xi32>
    %div3A_1300 = arith.divsi %add3A_1297, %div3A_1299 : vector<16xi32>
    %sign3A_1301 = arith.constant 0 : i32
    %sign3A_1302 = vector.broadcast %sign3A_1301 : i32 to vector<16xi32>
    %sign3A_1303 = arith.cmpi sgt, %add3A_1297, %sign3A_1302 : vector<16xi32>
    %sign3A_1304 = arith.extui %sign3A_1303 : vector<16xi1> to vector<16xi32>
    %sign3A_1305 = arith.constant 0 : i32
    %sign3A_1306 = vector.broadcast %sign3A_1305 : i32 to vector<16xi32>
    %sign3A_1307 = arith.cmpi slt, %add3A_1297, %sign3A_1306 : vector<16xi32>
    %sign3A_1308 = arith.extui %sign3A_1307 : vector<16xi1> to vector<16xi32>
    %sign3A_1309 = arith.subi %sign3A_1304, %sign3A_1308 : vector<16xi32>
    %sign3A_1310 = arith.constant 0 : i32
    %sign3A_1311 = arith.cmpi sgt, %jit3A_1298, %sign3A_1310 : i32
    %sign3A_1312 = arith.extui %sign3A_1311 : i1 to i32
    %sign3A_1313 = arith.constant 0 : i32
    %sign3A_1314 = arith.cmpi slt, %jit3A_1298, %sign3A_1313 : i32
    %sign3A_1315 = arith.extui %sign3A_1314 : i1 to i32
    %sign3A_1316 = arith.subi %sign3A_1312, %sign3A_1315 : i32
    %ne3A_1317 = vector.broadcast %sign3A_1316 : i32 to vector<16xi32>
    %ne3A_1318 = arith.cmpi ne, %sign3A_1309, %ne3A_1317 : vector<16xi32>
    %rem3A_1319 = vector.broadcast %jit3A_1298 : i32 to vector<16xi32>
    %rem3A_1320 = arith.remsi %add3A_1297, %rem3A_1319 : vector<16xi32>
    %ne3A_1321 = arith.constant 0 : i32
    %ne3A_1322 = vector.broadcast %ne3A_1321 : i32 to vector<16xi32>
    %ne3A_1323 = arith.cmpi ne, %rem3A_1320, %ne3A_1322 : vector<16xi32>
    %and3A_1324 = arith.andi %ne3A_1318, %ne3A_1323 : vector<16xi1>
    %sub3A_1325 = arith.constant 1 : i32
    %sub3A_1326 = vector.broadcast %sub3A_1325 : i32 to vector<16xi32>
    %sub3A_1327 = arith.subi %div3A_1300, %sub3A_1326 : vector<16xi32>
    %select_n3A_1328 = arith.select %and3A_1324, %sub3A_1327, %div3A_1300 : vector<16xi1>, vector<16xi32>
    %mul3A_1329 = arith.constant 2048 : i32
    %mul3A_1330 = vector.broadcast %mul3A_1329 : i32 to vector<16xi32>
    %mul3A_1331 = arith.muli %select_n3A_1328, %mul3A_1330 : vector<16xi32>
    %rem3A_1332 = arith.constant 64 : i32
    %rem3A_1333 = vector.broadcast %rem3A_1332 : i32 to vector<16xi32>
    %rem3A_1334 = arith.remsi %add3A_1297, %rem3A_1333 : vector<16xi32>
    %add3A_1335 = arith.addi %mul3A_1331, %rem3A_1334 : vector<16xi32>
    %mul3A_1336 = arith.constant 20 : i32
    %mul3A_1337 = vector.broadcast %mul3A_1336 : i32 to vector<16xi32>
    %mul3A_1338 = arith.muli %iota3A, %mul3A_1337 : vector<16xi32>
    %add3A_1339 = arith.constant 19 : i32
    %add3A_1340 = vector.broadcast %add3A_1339 : i32 to vector<16xi32>
    %add3A_1341 = arith.addi %mul3A_1338, %add3A_1340 : vector<16xi32>
    %jit3A_1342 = arith.constant 64 : i32
    %div3A_1343 = vector.broadcast %jit3A_1342 : i32 to vector<16xi32>
    %div3A_1344 = arith.divsi %add3A_1341, %div3A_1343 : vector<16xi32>
    %sign3A_1345 = arith.constant 0 : i32
    %sign3A_1346 = vector.broadcast %sign3A_1345 : i32 to vector<16xi32>
    %sign3A_1347 = arith.cmpi sgt, %add3A_1341, %sign3A_1346 : vector<16xi32>
    %sign3A_1348 = arith.extui %sign3A_1347 : vector<16xi1> to vector<16xi32>
    %sign3A_1349 = arith.constant 0 : i32
    %sign3A_1350 = vector.broadcast %sign3A_1349 : i32 to vector<16xi32>
    %sign3A_1351 = arith.cmpi slt, %add3A_1341, %sign3A_1350 : vector<16xi32>
    %sign3A_1352 = arith.extui %sign3A_1351 : vector<16xi1> to vector<16xi32>
    %sign3A_1353 = arith.subi %sign3A_1348, %sign3A_1352 : vector<16xi32>
    %sign3A_1354 = arith.constant 0 : i32
    %sign3A_1355 = arith.cmpi sgt, %jit3A_1342, %sign3A_1354 : i32
    %sign3A_1356 = arith.extui %sign3A_1355 : i1 to i32
    %sign3A_1357 = arith.constant 0 : i32
    %sign3A_1358 = arith.cmpi slt, %jit3A_1342, %sign3A_1357 : i32
    %sign3A_1359 = arith.extui %sign3A_1358 : i1 to i32
    %sign3A_1360 = arith.subi %sign3A_1356, %sign3A_1359 : i32
    %ne3A_1361 = vector.broadcast %sign3A_1360 : i32 to vector<16xi32>
    %ne3A_1362 = arith.cmpi ne, %sign3A_1353, %ne3A_1361 : vector<16xi32>
    %rem3A_1363 = vector.broadcast %jit3A_1342 : i32 to vector<16xi32>
    %rem3A_1364 = arith.remsi %add3A_1341, %rem3A_1363 : vector<16xi32>
    %ne3A_1365 = arith.constant 0 : i32
    %ne3A_1366 = vector.broadcast %ne3A_1365 : i32 to vector<16xi32>
    %ne3A_1367 = arith.cmpi ne, %rem3A_1364, %ne3A_1366 : vector<16xi32>
    %and3A_1368 = arith.andi %ne3A_1362, %ne3A_1367 : vector<16xi1>
    %sub3A_1369 = arith.constant 1 : i32
    %sub3A_1370 = vector.broadcast %sub3A_1369 : i32 to vector<16xi32>
    %sub3A_1371 = arith.subi %div3A_1344, %sub3A_1370 : vector<16xi32>
    %select_n3A_1372 = arith.select %and3A_1368, %sub3A_1371, %div3A_1344 : vector<16xi1>, vector<16xi32>
    %mul3A_1373 = arith.constant 2048 : i32
    %mul3A_1374 = vector.broadcast %mul3A_1373 : i32 to vector<16xi32>
    %mul3A_1375 = arith.muli %select_n3A_1372, %mul3A_1374 : vector<16xi32>
    %rem3A_1376 = arith.constant 64 : i32
    %rem3A_1377 = vector.broadcast %rem3A_1376 : i32 to vector<16xi32>
    %rem3A_1378 = arith.remsi %add3A_1341, %rem3A_1377 : vector<16xi32>
    %add3A_1379 = arith.addi %mul3A_1375, %rem3A_1378 : vector<16xi32>
    %broadcast_in_dim3A = arith.constant 0 : i32
    %broadcast_in_dim3A_1380 = vector.broadcast %broadcast_in_dim3A : i32 to vector<16xi32>
    %dma_start3A_1381 = arith.constant 0 : i32
    %dma_start3A_1382 = arith.constant 0 : i32
    %dma_start3A_1383 = arith.constant 0 : i32
    %dma_start3A_1384 = tpu.memref_slice %arg6[%dma_start3A_1382, %dma_start3A_1383] : memref<1280x64xf32, #tpu.memory_space<vmem>> -> memref<32x64xf32, #tpu.memory_space<vmem>>
    %dma_start3A_1385 = arith.constant 0 : i32
    %dma_start3A_1386 = tpu.memref_slice %arg5[%dma_start3A_1381, %dma_start3A_1385] : memref<20x1024xi32, #tpu.memory_space<vmem>> -> memref<1x32xi32, #tpu.memory_space<vmem>>
    %dma_start3A_1387 = tpu.memref_squeeze %dma_start3A_1386 : memref<1x32xi32, #tpu.memory_space<vmem>> -> memref<32xi32, #tpu.memory_space<vmem>>
    %dma_start3A_1388 = arith.constant 0 : i32
    %dma_start3A_1389 = arith.constant 0 : i32
    %dma_start3A_1390 = tpu.memref_slice %arg3[%select_n3A, %dma_start3A_1388, %dma_start3A_1389] : memref<8x4096x64xf32, #tpu.memory_space<hbm>> -> memref<1x4096x64xf32, #tpu.memory_space<hbm>>
    %dma_start3A_1391 = tpu.memref_squeeze %dma_start3A_1390 : memref<1x4096x64xf32, #tpu.memory_space<hbm>> -> memref<4096x64xf32, #tpu.memory_space<hbm>>
    %dma_start3A_1392 = arith.constant 0 : i32
    %dma_start3A_1393 = arith.constant 0 : i32
    %dma_start3A_1394 = tpu.memref_slice %dma_start3A_1391[%dma_start3A_1392, %dma_start3A_1393] : memref<4096x64xf32, #tpu.memory_space<hbm>> -> memref<4096x64xf32, #tpu.memory_space<hbm>>
    tpu.enqueue_indirect_dma source(%dma_start3A_1394 : memref<4096x64xf32, #tpu.memory_space<hbm>>) target(%dma_start3A_1384 : memref<32x64xf32, #tpu.memory_space<vmem>>) offsets(%dma_start3A_1387 : memref<32xi32, #tpu.memory_space<vmem>>) semaphore(%arg9 : memref<!tpu.dma_semaphore, #tpu.memory_space<semaphore_mem>>)
    %dma_start3A_1395 = arith.constant 1 : i32
    %dma_start3A_1396 = arith.constant 32 : i32
    %dma_start3A_1397 = arith.constant 0 : i32
    %dma_start3A_1398 = tpu.memref_slice %arg6[%dma_start3A_1396, %dma_start3A_1397] : memref<1280x64xf32, #tpu.memory_space<vmem>> -> memref<32x64xf32, #tpu.memory_space<vmem>>
    %dma_start3A_1399 = arith.constant 0 : i32
    %dma_start3A_1400 = tpu.memref_slice %arg5[%dma_start3A_1395, %dma_start3A_1399] : memref<20x1024xi32, #tpu.memory_space<vmem>> -> memref<1x32xi32, #tpu.memory_space<vmem>>
    %dma_start3A_1401 = tpu.memref_squeeze %dma_start3A_1400 : memref<1x32xi32, #tpu.memory_space<vmem>> -> memref<32xi32, #tpu.memory_space<vmem>>
    %dma_start3A_1402 = arith.constant 0 : i32
    %dma_start3A_1403 = arith.constant 0 : i32
    %dma_start3A_1404 = tpu.memref_slice %arg3[%select_n3A, %dma_start3A_1402, %dma_start3A_1403] : memref<8x4096x64xf32, #tpu.memory_space<hbm>> -> memref<1x4096x64xf32, #tpu.memory_space<hbm>>
    %dma_start3A_1405 = tpu.memref_squeeze %dma_start3A_1404 : memref<1x4096x64xf32, #tpu.memory_space<hbm>> -> memref<4096x64xf32, #tpu.memory_space<hbm>>
    %dma_start3A_1406 = arith.constant 0 : i32
    %dma_start3A_1407 = arith.constant 0 : i32
    %dma_start3A_1408 = tpu.memref_slice %dma_start3A_1405[%dma_start3A_1406, %dma_start3A_1407] : memref<4096x64xf32, #tpu.memory_space<hbm>> -> memref<4096x64xf32, #tpu.memory_space<hbm>>
    tpu.enqueue_indirect_dma source(%dma_start3A_1408 : memref<4096x64xf32, #tpu.memory_space<hbm>>) target(%dma_start3A_1398 : memref<32x64xf32, #tpu.memory_space<vmem>>) offsets(%dma_start3A_1401 : memref<32xi32, #tpu.memory_space<vmem>>) semaphore(%arg9 : memref<!tpu.dma_semaphore, #tpu.memory_space<semaphore_mem>>)
    %dma_start3A_1409 = arith.constant 2 : i32
    %dma_start3A_1410 = arith.constant 64 : i32
    %dma_start3A_1411 = arith.constant 0 : i32
    %dma_start3A_1412 = tpu.memref_slice %arg6[%dma_start3A_1410, %dma_start3A_1411] : memref<1280x64xf32, #tpu.memory_space<vmem>> -> memref<32x64xf32, #tpu.memory_space<vmem>>
    %dma_start3A_1413 = arith.constant 0 : i32
    %dma_start3A_1414 = tpu.memref_slice %arg5[%dma_start3A_1409, %dma_start3A_1413] : memref<20x1024xi32, #tpu.memory_space<vmem>> -> memref<1x32xi32, #tpu.memory_space<vmem>>
    %dma_start3A_1415 = tpu.memref_squeeze %dma_start3A_1414 : memref<1x32xi32, #tpu.memory_space<vmem>> -> memref<32xi32, #tpu.memory_space<vmem>>
    %dma_start3A_1416 = arith.constant 0 : i32
    %dma_start3A_1417 = arith.constant 0 : i32
    %dma_start3A_1418 = tpu.memref_slice %arg3[%select_n3A, %dma_start3A_1416, %dma_start3A_1417] : memref<8x4096x64xf32, #tpu.memory_space<hbm>> -> memref<1x4096x64xf32, #tpu.memory_space<hbm>>
    %dma_start3A_1419 = tpu.memref_squeeze %dma_start3A_1418 : memref<1x4096x64xf32, #tpu.memory_space<hbm>> -> memref<4096x64xf32, #tpu.memory_space<hbm>>
    %dma_start3A_1420 = arith.constant 0 : i32
    %dma_start3A_1421 = arith.constant 0 : i32
    %dma_start3A_1422 = tpu.memref_slice %dma_start3A_1419[%dma_start3A_1420, %dma_start3A_1421] : memref<4096x64xf32, #tpu.memory_space<hbm>> -> memref<4096x64xf32, #tpu.memory_space<hbm>>
    tpu.enqueue_indirect_dma source(%dma_start3A_1422 : memref<4096x64xf32, #tpu.memory_space<hbm>>) target(%dma_start3A_1412 : memref<32x64xf32, #tpu.memory_space<vmem>>) offsets(%dma_start3A_1415 : memref<32xi32, #tpu.memory_space<vmem>>) semaphore(%arg9 : memref<!tpu.dma_semaphore, #tpu.memory_space<semaphore_mem>>)
    %dma_start3A_1423 = arith.constant 3 : i32
    %dma_start3A_1424 = arith.constant 96 : i32
    %dma_start3A_1425 = arith.constant 0 : i32
    %dma_start3A_1426 = tpu.memref_slice %arg6[%dma_start3A_1424, %dma_start3A_1425] : memref<1280x64xf32, #tpu.memory_space<vmem>> -> memref<32x64xf32, #tpu.memory_space<vmem>>
    %dma_start3A_1427 = arith.constant 0 : i32
    %dma_start3A_1428 = tpu.memref_slice %arg5[%dma_start3A_1423, %dma_start3A_1427] : memref<20x1024xi32, #tpu.memory_space<vmem>> -> memref<1x32xi32, #tpu.memory_space<vmem>>
    %dma_start3A_1429 = tpu.memref_squeeze %dma_start3A_1428 : memref<1x32xi32, #tpu.memory_space<vmem>> -> memref<32xi32, #tpu.memory_space<vmem>>
    %dma_start3A_1430 = arith.constant 0 : i32
    %dma_start3A_1431 = arith.constant 0 : i32
    %dma_start3A_1432 = tpu.memref_slice %arg3[%select_n3A, %dma_start3A_1430, %dma_start3A_1431] : memref<8x4096x64xf32, #tpu.memory_space<hbm>> -> memref<1x4096x64xf32, #tpu.memory_space<hbm>>
    %dma_start3A_1433 = tpu.memref_squeeze %dma_start3A_1432 : memref<1x4096x64xf32, #tpu.memory_space<hbm>> -> memref<4096x64xf32, #tpu.memory_space<hbm>>
    %dma_start3A_1434 = arith.constant 0 : i32
    %dma_start3A_1435 = arith.constant 0 : i32
    %dma_start3A_1436 = tpu.memref_slice %dma_start3A_1433[%dma_start3A_1434, %dma_start3A_1435] : memref<4096x64xf32, #tpu.memory_space<hbm>> -> memref<4096x64xf32, #tpu.memory_space<hbm>>
    tpu.enqueue_indirect_dma source(%dma_start3A_1436 : memref<4096x64xf32, #tpu.memory_space<hbm>>) target(%dma_start3A_1426 : memref<32x64xf32, #tpu.memory_space<vmem>>) offsets(%dma_start3A_1429 : memref<32xi32, #tpu.memory_space<vmem>>) semaphore(%arg9 : memref<!tpu.dma_semaphore, #tpu.memory_space<semaphore_mem>>)
    %dma_start3A_1437 = arith.constant 4 : i32
    %dma_start3A_1438 = arith.constant 128 : i32
    %dma_start3A_1439 = arith.constant 0 : i32
    %dma_start3A_1440 = tpu.memref_slice %arg6[%dma_start3A_1438, %dma_start3A_1439] : memref<1280x64xf32, #tpu.memory_space<vmem>> -> memref<32x64xf32, #tpu.memory_space<vmem>>
    %dma_start3A_1441 = arith.constant 0 : i32
    %dma_start3A_1442 = tpu.memref_slice %arg5[%dma_start3A_1437, %dma_start3A_1441] : memref<20x1024xi32, #tpu.memory_space<vmem>> -> memref<1x32xi32, #tpu.memory_space<vmem>>
    %dma_start3A_1443 = tpu.memref_squeeze %dma_start3A_1442 : memref<1x32xi32, #tpu.memory_space<vmem>> -> memref<32xi32, #tpu.memory_space<vmem>>
    %dma_start3A_1444 = arith.constant 0 : i32
    %dma_start3A_1445 = arith.constant 0 : i32
    %dma_start3A_1446 = tpu.memref_slice %arg3[%select_n3A, %dma_start3A_1444, %dma_start3A_1445] : memref<8x4096x64xf32, #tpu.memory_space<hbm>> -> memref<1x4096x64xf32, #tpu.memory_space<hbm>>
    %dma_start3A_1447 = tpu.memref_squeeze %dma_start3A_1446 : memref<1x4096x64xf32, #tpu.memory_space<hbm>> -> memref<4096x64xf32, #tpu.memory_space<hbm>>
    %dma_start3A_1448 = arith.constant 0 : i32
    %dma_start3A_1449 = arith.constant 0 : i32
    %dma_start3A_1450 = tpu.memref_slice %dma_start3A_1447[%dma_start3A_1448, %dma_start3A_1449] : memref<4096x64xf32, #tpu.memory_space<hbm>> -> memref<4096x64xf32, #tpu.memory_space<hbm>>
    tpu.enqueue_indirect_dma source(%dma_start3A_1450 : memref<4096x64xf32, #tpu.memory_space<hbm>>) target(%dma_start3A_1440 : memref<32x64xf32, #tpu.memory_space<vmem>>) offsets(%dma_start3A_1443 : memref<32xi32, #tpu.memory_space<vmem>>) semaphore(%arg9 : memref<!tpu.dma_semaphore, #tpu.memory_space<semaphore_mem>>)
    %dma_start3A_1451 = arith.constant 5 : i32
    %dma_start3A_1452 = arith.constant 160 : i32
    %dma_start3A_1453 = arith.constant 0 : i32
    %dma_start3A_1454 = tpu.memref_slice %arg6[%dma_start3A_1452, %dma_start3A_1453] : memref<1280x64xf32, #tpu.memory_space<vmem>> -> memref<32x64xf32, #tpu.memory_space<vmem>>
    %dma_start3A_1455 = arith.constant 0 : i32
    %dma_start3A_1456 = tpu.memref_slice %arg5[%dma_start3A_1451, %dma_start3A_1455] : memref<20x1024xi32, #tpu.memory_space<vmem>> -> memref<1x32xi32, #tpu.memory_space<vmem>>
    %dma_start3A_1457 = tpu.memref_squeeze %dma_start3A_1456 : memref<1x32xi32, #tpu.memory_space<vmem>> -> memref<32xi32, #tpu.memory_space<vmem>>
    %dma_start3A_1458 = arith.constant 0 : i32
    %dma_start3A_1459 = arith.constant 0 : i32
    %dma_start3A_1460 = tpu.memref_slice %arg3[%select_n3A, %dma_start3A_1458, %dma_start3A_1459] : memref<8x4096x64xf32, #tpu.memory_space<hbm>> -> memref<1x4096x64xf32, #tpu.memory_space<hbm>>
    %dma_start3A_1461 = tpu.memref_squeeze %dma_start3A_1460 : memref<1x4096x64xf32, #tpu.memory_space<hbm>> -> memref<4096x64xf32, #tpu.memory_space<hbm>>
    %dma_start3A_1462 = arith.constant 0 : i32
    %dma_start3A_1463 = arith.constant 0 : i32
    %dma_start3A_1464 = tpu.memref_slice %dma_start3A_1461[%dma_start3A_1462, %dma_start3A_1463] : memref<4096x64xf32, #tpu.memory_space<hbm>> -> memref<4096x64xf32, #tpu.memory_space<hbm>>
    tpu.enqueue_indirect_dma source(%dma_start3A_1464 : memref<4096x64xf32, #tpu.memory_space<hbm>>) target(%dma_start3A_1454 : memref<32x64xf32, #tpu.memory_space<vmem>>) offsets(%dma_start3A_1457 : memref<32xi32, #tpu.memory_space<vmem>>) semaphore(%arg9 : memref<!tpu.dma_semaphore, #tpu.memory_space<semaphore_mem>>)
    %dma_start3A_1465 = arith.constant 6 : i32
    %dma_start3A_1466 = arith.constant 192 : i32
    %dma_start3A_1467 = arith.constant 0 : i32
    %dma_start3A_1468 = tpu.memref_slice %arg6[%dma_start3A_1466, %dma_start3A_1467] : memref<1280x64xf32, #tpu.memory_space<vmem>> -> memref<32x64xf32, #tpu.memory_space<vmem>>
    %dma_start3A_1469 = arith.constant 0 : i32
    %dma_start3A_1470 = tpu.memref_slice %arg5[%dma_start3A_1465, %dma_start3A_1469] : memref<20x1024xi32, #tpu.memory_space<vmem>> -> memref<1x32xi32, #tpu.memory_space<vmem>>
    %dma_start3A_1471 = tpu.memref_squeeze %dma_start3A_1470 : memref<1x32xi32, #tpu.memory_space<vmem>> -> memref<32xi32, #tpu.memory_space<vmem>>
    %dma_start3A_1472 = arith.constant 0 : i32
    %dma_start3A_1473 = arith.constant 0 : i32
    %dma_start3A_1474 = tpu.memref_slice %arg3[%select_n3A, %dma_start3A_1472, %dma_start3A_1473] : memref<8x4096x64xf32, #tpu.memory_space<hbm>> -> memref<1x4096x64xf32, #tpu.memory_space<hbm>>
    %dma_start3A_1475 = tpu.memref_squeeze %dma_start3A_1474 : memref<1x4096x64xf32, #tpu.memory_space<hbm>> -> memref<4096x64xf32, #tpu.memory_space<hbm>>
    %dma_start3A_1476 = arith.constant 0 : i32
    %dma_start3A_1477 = arith.constant 0 : i32
    %dma_start3A_1478 = tpu.memref_slice %dma_start3A_1475[%dma_start3A_1476, %dma_start3A_1477] : memref<4096x64xf32, #tpu.memory_space<hbm>> -> memref<4096x64xf32, #tpu.memory_space<hbm>>
    tpu.enqueue_indirect_dma source(%dma_start3A_1478 : memref<4096x64xf32, #tpu.memory_space<hbm>>) target(%dma_start3A_1468 : memref<32x64xf32, #tpu.memory_space<vmem>>) offsets(%dma_start3A_1471 : memref<32xi32, #tpu.memory_space<vmem>>) semaphore(%arg9 : memref<!tpu.dma_semaphore, #tpu.memory_space<semaphore_mem>>)
    %dma_start3A_1479 = arith.constant 7 : i32
    %dma_start3A_1480 = arith.constant 224 : i32
    %dma_start3A_1481 = arith.constant 0 : i32
    %dma_start3A_1482 = tpu.memref_slice %arg6[%dma_start3A_1480, %dma_start3A_1481] : memref<1280x64xf32, #tpu.memory_space<vmem>> -> memref<32x64xf32, #tpu.memory_space<vmem>>
    %dma_start3A_1483 = arith.constant 0 : i32
    %dma_start3A_1484 = tpu.memref_slice %arg5[%dma_start3A_1479, %dma_start3A_1483] : memref<20x1024xi32, #tpu.memory_space<vmem>> -> memref<1x32xi32, #tpu.memory_space<vmem>>
    %dma_start3A_1485 = tpu.memref_squeeze %dma_start3A_1484 : memref<1x32xi32, #tpu.memory_space<vmem>> -> memref<32xi32, #tpu.memory_space<vmem>>
    %dma_start3A_1486 = arith.constant 0 : i32
    %dma_start3A_1487 = arith.constant 0 : i32
    %dma_start3A_1488 = tpu.memref_slice %arg3[%select_n3A, %dma_start3A_1486, %dma_start3A_1487] : memref<8x4096x64xf32, #tpu.memory_space<hbm>> -> memref<1x4096x64xf32, #tpu.memory_space<hbm>>
    %dma_start3A_1489 = tpu.memref_squeeze %dma_start3A_1488 : memref<1x4096x64xf32, #tpu.memory_space<hbm>> -> memref<4096x64xf32, #tpu.memory_space<hbm>>
    %dma_start3A_1490 = arith.constant 0 : i32
    %dma_start3A_1491 = arith.constant 0 : i32
    %dma_start3A_1492 = tpu.memref_slice %dma_start3A_1489[%dma_start3A_1490, %dma_start3A_1491] : memref<4096x64xf32, #tpu.memory_space<hbm>> -> memref<4096x64xf32, #tpu.memory_space<hbm>>
    tpu.enqueue_indirect_dma source(%dma_start3A_1492 : memref<4096x64xf32, #tpu.memory_space<hbm>>) target(%dma_start3A_1482 : memref<32x64xf32, #tpu.memory_space<vmem>>) offsets(%dma_start3A_1485 : memref<32xi32, #tpu.memory_space<vmem>>) semaphore(%arg9 : memref<!tpu.dma_semaphore, #tpu.memory_space<semaphore_mem>>)
    %dma_start3A_1493 = arith.constant 8 : i32
    %dma_start3A_1494 = arith.constant 256 : i32
    %dma_start3A_1495 = arith.constant 0 : i32
    %dma_start3A_1496 = tpu.memref_slice %arg6[%dma_start3A_1494, %dma_start3A_1495] : memref<1280x64xf32, #tpu.memory_space<vmem>> -> memref<32x64xf32, #tpu.memory_space<vmem>>
    %dma_start3A_1497 = arith.constant 0 : i32
    %dma_start3A_1498 = tpu.memref_slice %arg5[%dma_start3A_1493, %dma_start3A_1497] : memref<20x1024xi32, #tpu.memory_space<vmem>> -> memref<1x32xi32, #tpu.memory_space<vmem>>
    %dma_start3A_1499 = tpu.memref_squeeze %dma_start3A_1498 : memref<1x32xi32, #tpu.memory_space<vmem>> -> memref<32xi32, #tpu.memory_space<vmem>>
    %dma_start3A_1500 = arith.constant 0 : i32
    %dma_start3A_1501 = arith.constant 0 : i32
    %dma_start3A_1502 = tpu.memref_slice %arg3[%select_n3A, %dma_start3A_1500, %dma_start3A_1501] : memref<8x4096x64xf32, #tpu.memory_space<hbm>> -> memref<1x4096x64xf32, #tpu.memory_space<hbm>>
    %dma_start3A_1503 = tpu.memref_squeeze %dma_start3A_1502 : memref<1x4096x64xf32, #tpu.memory_space<hbm>> -> memref<4096x64xf32, #tpu.memory_space<hbm>>
    %dma_start3A_1504 = arith.constant 0 : i32
    %dma_start3A_1505 = arith.constant 0 : i32
    %dma_start3A_1506 = tpu.memref_slice %dma_start3A_1503[%dma_start3A_1504, %dma_start3A_1505] : memref<4096x64xf32, #tpu.memory_space<hbm>> -> memref<4096x64xf32, #tpu.memory_space<hbm>>
    tpu.enqueue_indirect_dma source(%dma_start3A_1506 : memref<4096x64xf32, #tpu.memory_space<hbm>>) target(%dma_start3A_1496 : memref<32x64xf32, #tpu.memory_space<vmem>>) offsets(%dma_start3A_1499 : memref<32xi32, #tpu.memory_space<vmem>>) semaphore(%arg9 : memref<!tpu.dma_semaphore, #tpu.memory_space<semaphore_mem>>)
    %dma_start3A_1507 = arith.constant 9 : i32
    %dma_start3A_1508 = arith.constant 288 : i32
    %dma_start3A_1509 = arith.constant 0 : i32
    %dma_start3A_1510 = tpu.memref_slice %arg6[%dma_start3A_1508, %dma_start3A_1509] : memref<1280x64xf32, #tpu.memory_space<vmem>> -> memref<32x64xf32, #tpu.memory_space<vmem>>
    %dma_start3A_1511 = arith.constant 0 : i32
    %dma_start3A_1512 = tpu.memref_slice %arg5[%dma_start3A_1507, %dma_start3A_1511] : memref<20x1024xi32, #tpu.memory_space<vmem>> -> memref<1x32xi32, #tpu.memory_space<vmem>>
    %dma_start3A_1513 = tpu.memref_squeeze %dma_start3A_1512 : memref<1x32xi32, #tpu.memory_space<vmem>> -> memref<32xi32, #tpu.memory_space<vmem>>
    %dma_start3A_1514 = arith.constant 0 : i32
    %dma_start3A_1515 = arith.constant 0 : i32
    %dma_start3A_1516 = tpu.memref_slice %arg3[%select_n3A, %dma_start3A_1514, %dma_start3A_1515] : memref<8x4096x64xf32, #tpu.memory_space<hbm>> -> memref<1x4096x64xf32, #tpu.memory_space<hbm>>
    %dma_start3A_1517 = tpu.memref_squeeze %dma_start3A_1516 : memref<1x4096x64xf32, #tpu.memory_space<hbm>> -> memref<4096x64xf32, #tpu.memory_space<hbm>>
    %dma_start3A_1518 = arith.constant 0 : i32
    %dma_start3A_1519 = arith.constant 0 : i32
    %dma_start3A_1520 = tpu.memref_slice %dma_start3A_1517[%dma_start3A_1518, %dma_start3A_1519] : memref<4096x64xf32, #tpu.memory_space<hbm>> -> memref<4096x64xf32, #tpu.memory_space<hbm>>
    tpu.enqueue_indirect_dma source(%dma_start3A_1520 : memref<4096x64xf32, #tpu.memory_space<hbm>>) target(%dma_start3A_1510 : memref<32x64xf32, #tpu.memory_space<vmem>>) offsets(%dma_start3A_1513 : memref<32xi32, #tpu.memory_space<vmem>>) semaphore(%arg9 : memref<!tpu.dma_semaphore, #tpu.memory_space<semaphore_mem>>)
    %dma_start3A_1521 = arith.constant 10 : i32
    %dma_start3A_1522 = arith.constant 320 : i32
    %dma_start3A_1523 = arith.constant 0 : i32
    %dma_start3A_1524 = tpu.memref_slice %arg6[%dma_start3A_1522, %dma_start3A_1523] : memref<1280x64xf32, #tpu.memory_space<vmem>> -> memref<32x64xf32, #tpu.memory_space<vmem>>
    %dma_start3A_1525 = arith.constant 0 : i32
    %dma_start3A_1526 = tpu.memref_slice %arg5[%dma_start3A_1521, %dma_start3A_1525] : memref<20x1024xi32, #tpu.memory_space<vmem>> -> memref<1x32xi32, #tpu.memory_space<vmem>>
    %dma_start3A_1527 = tpu.memref_squeeze %dma_start3A_1526 : memref<1x32xi32, #tpu.memory_space<vmem>> -> memref<32xi32, #tpu.memory_space<vmem>>
    %dma_start3A_1528 = arith.constant 0 : i32
    %dma_start3A_1529 = arith.constant 0 : i32
    %dma_start3A_1530 = tpu.memref_slice %arg3[%select_n3A, %dma_start3A_1528, %dma_start3A_1529] : memref<8x4096x64xf32, #tpu.memory_space<hbm>> -> memref<1x4096x64xf32, #tpu.memory_space<hbm>>
    %dma_start3A_1531 = tpu.memref_squeeze %dma_start3A_1530 : memref<1x4096x64xf32, #tpu.memory_space<hbm>> -> memref<4096x64xf32, #tpu.memory_space<hbm>>
    %dma_start3A_1532 = arith.constant 0 : i32
    %dma_start3A_1533 = arith.constant 0 : i32
    %dma_start3A_1534 = tpu.memref_slice %dma_start3A_1531[%dma_start3A_1532, %dma_start3A_1533] : memref<4096x64xf32, #tpu.memory_space<hbm>> -> memref<4096x64xf32, #tpu.memory_space<hbm>>
    tpu.enqueue_indirect_dma source(%dma_start3A_1534 : memref<4096x64xf32, #tpu.memory_space<hbm>>) target(%dma_start3A_1524 : memref<32x64xf32, #tpu.memory_space<vmem>>) offsets(%dma_start3A_1527 : memref<32xi32, #tpu.memory_space<vmem>>) semaphore(%arg9 : memref<!tpu.dma_semaphore, #tpu.memory_space<semaphore_mem>>)
    %dma_start3A_1535 = arith.constant 11 : i32
    %dma_start3A_1536 = arith.constant 352 : i32
    %dma_start3A_1537 = arith.constant 0 : i32
    %dma_start3A_1538 = tpu.memref_slice %arg6[%dma_start3A_1536, %dma_start3A_1537] : memref<1280x64xf32, #tpu.memory_space<vmem>> -> memref<32x64xf32, #tpu.memory_space<vmem>>
    %dma_start3A_1539 = arith.constant 0 : i32
    %dma_start3A_1540 = tpu.memref_slice %arg5[%dma_start3A_1535, %dma_start3A_1539] : memref<20x1024xi32, #tpu.memory_space<vmem>> -> memref<1x32xi32, #tpu.memory_space<vmem>>
    %dma_start3A_1541 = tpu.memref_squeeze %dma_start3A_1540 : memref<1x32xi32, #tpu.memory_space<vmem>> -> memref<32xi32, #tpu.memory_space<vmem>>
    %dma_start3A_1542 = arith.constant 0 : i32
    %dma_start3A_1543 = arith.constant 0 : i32
    %dma_start3A_1544 = tpu.memref_slice %arg3[%select_n3A, %dma_start3A_1542, %dma_start3A_1543] : memref<8x4096x64xf32, #tpu.memory_space<hbm>> -> memref<1x4096x64xf32, #tpu.memory_space<hbm>>
    %dma_start3A_1545 = tpu.memref_squeeze %dma_start3A_1544 : memref<1x4096x64xf32, #tpu.memory_space<hbm>> -> memref<4096x64xf32, #tpu.memory_space<hbm>>
    %dma_start3A_1546 = arith.constant 0 : i32
    %dma_start3A_1547 = arith.constant 0 : i32
    %dma_start3A_1548 = tpu.memref_slice %dma_start3A_1545[%dma_start3A_1546, %dma_start3A_1547] : memref<4096x64xf32, #tpu.memory_space<hbm>> -> memref<4096x64xf32, #tpu.memory_space<hbm>>
    tpu.enqueue_indirect_dma source(%dma_start3A_1548 : memref<4096x64xf32, #tpu.memory_space<hbm>>) target(%dma_start3A_1538 : memref<32x64xf32, #tpu.memory_space<vmem>>) offsets(%dma_start3A_1541 : memref<32xi32, #tpu.memory_space<vmem>>) semaphore(%arg9 : memref<!tpu.dma_semaphore, #tpu.memory_space<semaphore_mem>>)
    %dma_start3A_1549 = arith.constant 12 : i32
    %dma_start3A_1550 = arith.constant 384 : i32
    %dma_start3A_1551 = arith.constant 0 : i32
    %dma_start3A_1552 = tpu.memref_slice %arg6[%dma_start3A_1550, %dma_start3A_1551] : memref<1280x64xf32, #tpu.memory_space<vmem>> -> memref<32x64xf32, #tpu.memory_space<vmem>>
    %dma_start3A_1553 = arith.constant 0 : i32
    %dma_start3A_1554 = tpu.memref_slice %arg5[%dma_start3A_1549, %dma_start3A_1553] : memref<20x1024xi32, #tpu.memory_space<vmem>> -> memref<1x32xi32, #tpu.memory_space<vmem>>
    %dma_start3A_1555 = tpu.memref_squeeze %dma_start3A_1554 : memref<1x32xi32, #tpu.memory_space<vmem>> -> memref<32xi32, #tpu.memory_space<vmem>>
    %dma_start3A_1556 = arith.constant 0 : i32
    %dma_start3A_1557 = arith.constant 0 : i32
    %dma_start3A_1558 = tpu.memref_slice %arg3[%select_n3A, %dma_start3A_1556, %dma_start3A_1557] : memref<8x4096x64xf32, #tpu.memory_space<hbm>> -> memref<1x4096x64xf32, #tpu.memory_space<hbm>>
    %dma_start3A_1559 = tpu.memref_squeeze %dma_start3A_1558 : memref<1x4096x64xf32, #tpu.memory_space<hbm>> -> memref<4096x64xf32, #tpu.memory_space<hbm>>
    %dma_start3A_1560 = arith.constant 0 : i32
    %dma_start3A_1561 = arith.constant 0 : i32
    %dma_start3A_1562 = tpu.memref_slice %dma_start3A_1559[%dma_start3A_1560, %dma_start3A_1561] : memref<4096x64xf32, #tpu.memory_space<hbm>> -> memref<4096x64xf32, #tpu.memory_space<hbm>>
    tpu.enqueue_indirect_dma source(%dma_start3A_1562 : memref<4096x64xf32, #tpu.memory_space<hbm>>) target(%dma_start3A_1552 : memref<32x64xf32, #tpu.memory_space<vmem>>) offsets(%dma_start3A_1555 : memref<32xi32, #tpu.memory_space<vmem>>) semaphore(%arg9 : memref<!tpu.dma_semaphore, #tpu.memory_space<semaphore_mem>>)
    %dma_start3A_1563 = arith.constant 13 : i32
    %dma_start3A_1564 = arith.constant 416 : i32
    %dma_start3A_1565 = arith.constant 0 : i32
    %dma_start3A_1566 = tpu.memref_slice %arg6[%dma_start3A_1564, %dma_start3A_1565] : memref<1280x64xf32, #tpu.memory_space<vmem>> -> memref<32x64xf32, #tpu.memory_space<vmem>>
    %dma_start3A_1567 = arith.constant 0 : i32
    %dma_start3A_1568 = tpu.memref_slice %arg5[%dma_start3A_1563, %dma_start3A_1567] : memref<20x1024xi32, #tpu.memory_space<vmem>> -> memref<1x32xi32, #tpu.memory_space<vmem>>
    %dma_start3A_1569 = tpu.memref_squeeze %dma_start3A_1568 : memref<1x32xi32, #tpu.memory_space<vmem>> -> memref<32xi32, #tpu.memory_space<vmem>>
    %dma_start3A_1570 = arith.constant 0 : i32
    %dma_start3A_1571 = arith.constant 0 : i32
    %dma_start3A_1572 = tpu.memref_slice %arg3[%select_n3A, %dma_start3A_1570, %dma_start3A_1571] : memref<8x4096x64xf32, #tpu.memory_space<hbm>> -> memref<1x4096x64xf32, #tpu.memory_space<hbm>>
    %dma_start3A_1573 = tpu.memref_squeeze %dma_start3A_1572 : memref<1x4096x64xf32, #tpu.memory_space<hbm>> -> memref<4096x64xf32, #tpu.memory_space<hbm>>
    %dma_start3A_1574 = arith.constant 0 : i32
    %dma_start3A_1575 = arith.constant 0 : i32
    %dma_start3A_1576 = tpu.memref_slice %dma_start3A_1573[%dma_start3A_1574, %dma_start3A_1575] : memref<4096x64xf32, #tpu.memory_space<hbm>> -> memref<4096x64xf32, #tpu.memory_space<hbm>>
    tpu.enqueue_indirect_dma source(%dma_start3A_1576 : memref<4096x64xf32, #tpu.memory_space<hbm>>) target(%dma_start3A_1566 : memref<32x64xf32, #tpu.memory_space<vmem>>) offsets(%dma_start3A_1569 : memref<32xi32, #tpu.memory_space<vmem>>) semaphore(%arg9 : memref<!tpu.dma_semaphore, #tpu.memory_space<semaphore_mem>>)
    %dma_start3A_1577 = arith.constant 14 : i32
    %dma_start3A_1578 = arith.constant 448 : i32
    %dma_start3A_1579 = arith.constant 0 : i32
    %dma_start3A_1580 = tpu.memref_slice %arg6[%dma_start3A_1578, %dma_start3A_1579] : memref<1280x64xf32, #tpu.memory_space<vmem>> -> memref<32x64xf32, #tpu.memory_space<vmem>>
    %dma_start3A_1581 = arith.constant 0 : i32
    %dma_start3A_1582 = tpu.memref_slice %arg5[%dma_start3A_1577, %dma_start3A_1581] : memref<20x1024xi32, #tpu.memory_space<vmem>> -> memref<1x32xi32, #tpu.memory_space<vmem>>
    %dma_start3A_1583 = tpu.memref_squeeze %dma_start3A_1582 : memref<1x32xi32, #tpu.memory_space<vmem>> -> memref<32xi32, #tpu.memory_space<vmem>>
    %dma_start3A_1584 = arith.constant 0 : i32
    %dma_start3A_1585 = arith.constant 0 : i32
    %dma_start3A_1586 = tpu.memref_slice %arg3[%select_n3A, %dma_start3A_1584, %dma_start3A_1585] : memref<8x4096x64xf32, #tpu.memory_space<hbm>> -> memref<1x4096x64xf32, #tpu.memory_space<hbm>>
    %dma_start3A_1587 = tpu.memref_squeeze %dma_start3A_1586 : memref<1x4096x64xf32, #tpu.memory_space<hbm>> -> memref<4096x64xf32, #tpu.memory_space<hbm>>
    %dma_start3A_1588 = arith.constant 0 : i32
    %dma_start3A_1589 = arith.constant 0 : i32
    %dma_start3A_1590 = tpu.memref_slice %dma_start3A_1587[%dma_start3A_1588, %dma_start3A_1589] : memref<4096x64xf32, #tpu.memory_space<hbm>> -> memref<4096x64xf32, #tpu.memory_space<hbm>>
    tpu.enqueue_indirect_dma source(%dma_start3A_1590 : memref<4096x64xf32, #tpu.memory_space<hbm>>) target(%dma_start3A_1580 : memref<32x64xf32, #tpu.memory_space<vmem>>) offsets(%dma_start3A_1583 : memref<32xi32, #tpu.memory_space<vmem>>) semaphore(%arg9 : memref<!tpu.dma_semaphore, #tpu.memory_space<semaphore_mem>>)
    %dma_start3A_1591 = arith.constant 15 : i32
    %dma_start3A_1592 = arith.constant 480 : i32
    %dma_start3A_1593 = arith.constant 0 : i32
    %dma_start3A_1594 = tpu.memref_slice %arg6[%dma_start3A_1592, %dma_start3A_1593] : memref<1280x64xf32, #tpu.memory_space<vmem>> -> memref<32x64xf32, #tpu.memory_space<vmem>>
    %dma_start3A_1595 = arith.constant 0 : i32
    %dma_start3A_1596 = tpu.memref_slice %arg5[%dma_start3A_1591, %dma_start3A_1595] : memref<20x1024xi32, #tpu.memory_space<vmem>> -> memref<1x32xi32, #tpu.memory_space<vmem>>
    %dma_start3A_1597 = tpu.memref_squeeze %dma_start3A_1596 : memref<1x32xi32, #tpu.memory_space<vmem>> -> memref<32xi32, #tpu.memory_space<vmem>>
    %dma_start3A_1598 = arith.constant 0 : i32
    %dma_start3A_1599 = arith.constant 0 : i32
    %dma_start3A_1600 = tpu.memref_slice %arg3[%select_n3A, %dma_start3A_1598, %dma_start3A_1599] : memref<8x4096x64xf32, #tpu.memory_space<hbm>> -> memref<1x4096x64xf32, #tpu.memory_space<hbm>>
    %dma_start3A_1601 = tpu.memref_squeeze %dma_start3A_1600 : memref<1x4096x64xf32, #tpu.memory_space<hbm>> -> memref<4096x64xf32, #tpu.memory_space<hbm>>
    %dma_start3A_1602 = arith.constant 0 : i32
    %dma_start3A_1603 = arith.constant 0 : i32
    %dma_start3A_1604 = tpu.memref_slice %dma_start3A_1601[%dma_start3A_1602, %dma_start3A_1603] : memref<4096x64xf32, #tpu.memory_space<hbm>> -> memref<4096x64xf32, #tpu.memory_space<hbm>>
    tpu.enqueue_indirect_dma source(%dma_start3A_1604 : memref<4096x64xf32, #tpu.memory_space<hbm>>) target(%dma_start3A_1594 : memref<32x64xf32, #tpu.memory_space<vmem>>) offsets(%dma_start3A_1597 : memref<32xi32, #tpu.memory_space<vmem>>) semaphore(%arg9 : memref<!tpu.dma_semaphore, #tpu.memory_space<semaphore_mem>>)
    %dma_start3A_1605 = arith.constant 16 : i32
    %dma_start3A_1606 = arith.constant 512 : i32
    %dma_start3A_1607 = arith.constant 0 : i32
    %dma_start3A_1608 = tpu.memref_slice %arg6[%dma_start3A_1606, %dma_start3A_1607] : memref<1280x64xf32, #tpu.memory_space<vmem>> -> memref<32x64xf32, #tpu.memory_space<vmem>>
    %dma_start3A_1609 = arith.constant 0 : i32
    %dma_start3A_1610 = tpu.memref_slice %arg5[%dma_start3A_1605, %dma_start3A_1609] : memref<20x1024xi32, #tpu.memory_space<vmem>> -> memref<1x32xi32, #tpu.memory_space<vmem>>
    %dma_start3A_1611 = tpu.memref_squeeze %dma_start3A_1610 : memref<1x32xi32, #tpu.memory_space<vmem>> -> memref<32xi32, #tpu.memory_space<vmem>>
    %dma_start3A_1612 = arith.constant 0 : i32
    %dma_start3A_1613 = arith.constant 0 : i32
    %dma_start3A_1614 = tpu.memref_slice %arg3[%select_n3A, %dma_start3A_1612, %dma_start3A_1613] : memref<8x4096x64xf32, #tpu.memory_space<hbm>> -> memref<1x4096x64xf32, #tpu.memory_space<hbm>>
    %dma_start3A_1615 = tpu.memref_squeeze %dma_start3A_1614 : memref<1x4096x64xf32, #tpu.memory_space<hbm>> -> memref<4096x64xf32, #tpu.memory_space<hbm>>
    %dma_start3A_1616 = arith.constant 0 : i32
    %dma_start3A_1617 = arith.constant 0 : i32
    %dma_start3A_1618 = tpu.memref_slice %dma_start3A_1615[%dma_start3A_1616, %dma_start3A_1617] : memref<4096x64xf32, #tpu.memory_space<hbm>> -> memref<4096x64xf32, #tpu.memory_space<hbm>>
    tpu.enqueue_indirect_dma source(%dma_start3A_1618 : memref<4096x64xf32, #tpu.memory_space<hbm>>) target(%dma_start3A_1608 : memref<32x64xf32, #tpu.memory_space<vmem>>) offsets(%dma_start3A_1611 : memref<32xi32, #tpu.memory_space<vmem>>) semaphore(%arg9 : memref<!tpu.dma_semaphore, #tpu.memory_space<semaphore_mem>>)
    %dma_start3A_1619 = arith.constant 17 : i32
    %dma_start3A_1620 = arith.constant 544 : i32
    %dma_start3A_1621 = arith.constant 0 : i32
    %dma_start3A_1622 = tpu.memref_slice %arg6[%dma_start3A_1620, %dma_start3A_1621] : memref<1280x64xf32, #tpu.memory_space<vmem>> -> memref<32x64xf32, #tpu.memory_space<vmem>>
    %dma_start3A_1623 = arith.constant 0 : i32
    %dma_start3A_1624 = tpu.memref_slice %arg5[%dma_start3A_1619, %dma_start3A_1623] : memref<20x1024xi32, #tpu.memory_space<vmem>> -> memref<1x32xi32, #tpu.memory_space<vmem>>
    %dma_start3A_1625 = tpu.memref_squeeze %dma_start3A_1624 : memref<1x32xi32, #tpu.memory_space<vmem>> -> memref<32xi32, #tpu.memory_space<vmem>>
    %dma_start3A_1626 = arith.constant 0 : i32
    %dma_start3A_1627 = arith.constant 0 : i32
    %dma_start3A_1628 = tpu.memref_slice %arg3[%select_n3A, %dma_start3A_1626, %dma_start3A_1627] : memref<8x4096x64xf32, #tpu.memory_space<hbm>> -> memref<1x4096x64xf32, #tpu.memory_space<hbm>>
    %dma_start3A_1629 = tpu.memref_squeeze %dma_start3A_1628 : memref<1x4096x64xf32, #tpu.memory_space<hbm>> -> memref<4096x64xf32, #tpu.memory_space<hbm>>
    %dma_start3A_1630 = arith.constant 0 : i32
    %dma_start3A_1631 = arith.constant 0 : i32
    %dma_start3A_1632 = tpu.memref_slice %dma_start3A_1629[%dma_start3A_1630, %dma_start3A_1631] : memref<4096x64xf32, #tpu.memory_space<hbm>> -> memref<4096x64xf32, #tpu.memory_space<hbm>>
    tpu.enqueue_indirect_dma source(%dma_start3A_1632 : memref<4096x64xf32, #tpu.memory_space<hbm>>) target(%dma_start3A_1622 : memref<32x64xf32, #tpu.memory_space<vmem>>) offsets(%dma_start3A_1625 : memref<32xi32, #tpu.memory_space<vmem>>) semaphore(%arg9 : memref<!tpu.dma_semaphore, #tpu.memory_space<semaphore_mem>>)
    %dma_start3A_1633 = arith.constant 18 : i32
    %dma_start3A_1634 = arith.constant 576 : i32
    %dma_start3A_1635 = arith.constant 0 : i32
    %dma_start3A_1636 = tpu.memref_slice %arg6[%dma_start3A_1634, %dma_start3A_1635] : memref<1280x64xf32, #tpu.memory_space<vmem>> -> memref<32x64xf32, #tpu.memory_space<vmem>>
    %dma_start3A_1637 = arith.constant 0 : i32
    %dma_start3A_1638 = tpu.memref_slice %arg5[%dma_start3A_1633, %dma_start3A_1637] : memref<20x1024xi32, #tpu.memory_space<vmem>> -> memref<1x32xi32, #tpu.memory_space<vmem>>
    %dma_start3A_1639 = tpu.memref_squeeze %dma_start3A_1638 : memref<1x32xi32, #tpu.memory_space<vmem>> -> memref<32xi32, #tpu.memory_space<vmem>>
    %dma_start3A_1640 = arith.constant 0 : i32
    %dma_start3A_1641 = arith.constant 0 : i32
    %dma_start3A_1642 = tpu.memref_slice %arg3[%select_n3A, %dma_start3A_1640, %dma_start3A_1641] : memref<8x4096x64xf32, #tpu.memory_space<hbm>> -> memref<1x4096x64xf32, #tpu.memory_space<hbm>>
    %dma_start3A_1643 = tpu.memref_squeeze %dma_start3A_1642 : memref<1x4096x64xf32, #tpu.memory_space<hbm>> -> memref<4096x64xf32, #tpu.memory_space<hbm>>
    %dma_start3A_1644 = arith.constant 0 : i32
    %dma_start3A_1645 = arith.constant 0 : i32
    %dma_start3A_1646 = tpu.memref_slice %dma_start3A_1643[%dma_start3A_1644, %dma_start3A_1645] : memref<4096x64xf32, #tpu.memory_space<hbm>> -> memref<4096x64xf32, #tpu.memory_space<hbm>>
    tpu.enqueue_indirect_dma source(%dma_start3A_1646 : memref<4096x64xf32, #tpu.memory_space<hbm>>) target(%dma_start3A_1636 : memref<32x64xf32, #tpu.memory_space<vmem>>) offsets(%dma_start3A_1639 : memref<32xi32, #tpu.memory_space<vmem>>) semaphore(%arg9 : memref<!tpu.dma_semaphore, #tpu.memory_space<semaphore_mem>>)
    %dma_start3A_1647 = arith.constant 19 : i32
    %dma_start3A_1648 = arith.constant 608 : i32
    %dma_start3A_1649 = arith.constant 0 : i32
    %dma_start3A_1650 = tpu.memref_slice %arg6[%dma_start3A_1648, %dma_start3A_1649] : memref<1280x64xf32, #tpu.memory_space<vmem>> -> memref<32x64xf32, #tpu.memory_space<vmem>>
    %dma_start3A_1651 = arith.constant 0 : i32
    %dma_start3A_1652 = tpu.memref_slice %arg5[%dma_start3A_1647, %dma_start3A_1651] : memref<20x1024xi32, #tpu.memory_space<vmem>> -> memref<1x32xi32, #tpu.memory_space<vmem>>
    %dma_start3A_1653 = tpu.memref_squeeze %dma_start3A_1652 : memref<1x32xi32, #tpu.memory_space<vmem>> -> memref<32xi32, #tpu.memory_space<vmem>>
    %dma_start3A_1654 = arith.constant 0 : i32
    %dma_start3A_1655 = arith.constant 0 : i32
    %dma_start3A_1656 = tpu.memref_slice %arg3[%select_n3A, %dma_start3A_1654, %dma_start3A_1655] : memref<8x4096x64xf32, #tpu.memory_space<hbm>> -> memref<1x4096x64xf32, #tpu.memory_space<hbm>>
    %dma_start3A_1657 = tpu.memref_squeeze %dma_start3A_1656 : memref<1x4096x64xf32, #tpu.memory_space<hbm>> -> memref<4096x64xf32, #tpu.memory_space<hbm>>
    %dma_start3A_1658 = arith.constant 0 : i32
    %dma_start3A_1659 = arith.constant 0 : i32
    %dma_start3A_1660 = tpu.memref_slice %dma_start3A_1657[%dma_start3A_1658, %dma_start3A_1659] : memref<4096x64xf32, #tpu.memory_space<hbm>> -> memref<4096x64xf32, #tpu.memory_space<hbm>>
    tpu.enqueue_indirect_dma source(%dma_start3A_1660 : memref<4096x64xf32, #tpu.memory_space<hbm>>) target(%dma_start3A_1650 : memref<32x64xf32, #tpu.memory_space<vmem>>) offsets(%dma_start3A_1653 : memref<32xi32, #tpu.memory_space<vmem>>) semaphore(%arg9 : memref<!tpu.dma_semaphore, #tpu.memory_space<semaphore_mem>>)
    %add3A_1661 = arith.constant 0 : i32
    %add3A_1662 = arith.addi %sub3A_21, %add3A_1661 : i32
    %dma_start3A_1663 = arith.constant 0 : i32
    %dma_start3A_1664 = arith.constant 0 : i32
    %dma_start3A_1665 = tpu.memref_slice %arg7[%dma_start3A_1663, %dma_start3A_1664] : memref<64x64xf32, #tpu.memory_space<vmem>> -> memref<32x64xf32, #tpu.memory_space<vmem>>
    %dma_start3A_1666 = arith.constant 0 : i32
    %dma_start3A_1667 = arith.constant 0 : i32
    %dma_start3A_1668 = tpu.memref_slice %arg3[%select_n3A, %dma_start3A_1666, %dma_start3A_1667] : memref<8x4096x64xf32, #tpu.memory_space<hbm>> -> memref<1x4096x64xf32, #tpu.memory_space<hbm>>
    %dma_start3A_1669 = tpu.memref_squeeze %dma_start3A_1668 : memref<1x4096x64xf32, #tpu.memory_space<hbm>> -> memref<4096x64xf32, #tpu.memory_space<hbm>>
    %dma_start3A_1670 = arith.constant 0 : i32
    %dma_start3A_1671 = tpu.memref_slice %dma_start3A_1669[%add3A_1662, %dma_start3A_1670] : memref<4096x64xf32, #tpu.memory_space<hbm>> -> memref<32x64xf32, #tpu.memory_space<hbm>>
    %dma_start3A_1672 = arith.constant 0 : i32
    %dma_start3A_1673 = arith.constant 0 : i32
    %dma_start3A_1674 = tpu.memref_slice %arg7[%dma_start3A_1672, %dma_start3A_1673] : memref<64x64xf32, #tpu.memory_space<vmem>> -> memref<32x64xf32, #tpu.memory_space<vmem>>
    %dma_start3A_1675 = arith.constant 0 : i32
    %dma_start3A_1676 = arith.constant 0 : i32
    %dma_start3A_1677 = tpu.memref_slice %arg3[%select_n3A, %dma_start3A_1675, %dma_start3A_1676] : memref<8x4096x64xf32, #tpu.memory_space<hbm>> -> memref<1x4096x64xf32, #tpu.memory_space<hbm>>
    %dma_start3A_1678 = tpu.memref_squeeze %dma_start3A_1677 : memref<1x4096x64xf32, #tpu.memory_space<hbm>> -> memref<4096x64xf32, #tpu.memory_space<hbm>>
    %dma_start3A_1679 = arith.constant 0 : i32
    %dma_start3A_1680 = tpu.memref_slice %dma_start3A_1678[%add3A_1662, %dma_start3A_1679] : memref<4096x64xf32, #tpu.memory_space<hbm>> -> memref<32x64xf32, #tpu.memory_space<hbm>>
    tpu.enqueue_dma source(%dma_start3A_1680 : memref<32x64xf32, #tpu.memory_space<hbm>>) target(%dma_start3A_1674 : memref<32x64xf32, #tpu.memory_space<vmem>>) target_semaphore(%arg9 : memref<!tpu.dma_semaphore, #tpu.memory_space<semaphore_mem>>)
    %scan3A = arith.constant 0 : i32
    %scan3A_1681 = arith.constant 0 : i32
    %scan3A_1682 = arith.constant 32 : i32
    %scan3A_1683 = arith.addi %scan3A_1681, %scan3A_1682 : i32
    %scan3A_1684 = arith.constant 1 : i32
    scf.for %scan3A_1708 = %scan3A_1681 to %scan3A_1683 step %scan3A_1684  : i32 {
      %rem3A_1709 = arith.constant 2 : i32
      %rem3A_1710 = arith.remsi %scan3A_1708, %rem3A_1709 : i32
      %mul3A_1711 = arith.constant 640 : i32
      %mul3A_1712 = arith.muli %rem3A_1710, %mul3A_1711 : i32
      %dma_wait3A_1713 = arith.constant 0 : i32
      %dma_wait3A_1714 = tpu.memref_slice %arg6[%mul3A_1712, %dma_wait3A_1713] : memref<1280x64xf32, #tpu.memory_space<vmem>> -> memref<640x64xf32, #tpu.memory_space<vmem>>
      %dma_wait3A_1715 = arith.constant 0 : i32
      %dma_wait3A_1716 = arith.constant 0 : i32
      %dma_wait3A_1717 = tpu.memref_slice %arg3[%select_n3A, %dma_wait3A_1715, %dma_wait3A_1716] : memref<8x4096x64xf32, #tpu.memory_space<hbm>> -> memref<1x4096x64xf32, #tpu.memory_space<hbm>>
      %dma_wait3A_1718 = tpu.memref_squeeze %dma_wait3A_1717 : memref<1x4096x64xf32, #tpu.memory_space<hbm>> -> memref<4096x64xf32, #tpu.memory_space<hbm>>
      %dma_wait3A_1719 = arith.constant 0 : i32
      %dma_wait3A_1720 = arith.constant 0 : i32
      %dma_wait3A_1721 = tpu.memref_slice %dma_wait3A_1718[%dma_wait3A_1719, %dma_wait3A_1720] : memref<4096x64xf32, #tpu.memory_space<hbm>> -> memref<640x64xf32, #tpu.memory_space<hbm>>
      %dma_wait3A_1722 = arith.constant 0 : i32
      %dma_wait3A_1723 = tpu.memref_slice %arg6[%mul3A_1712, %dma_wait3A_1722] : memref<1280x64xf32, #tpu.memory_space<vmem>> -> memref<640x64xf32, #tpu.memory_space<vmem>>
      %dma_wait3A_1724 = arith.constant 0 : i32
      %dma_wait3A_1725 = arith.constant 0 : i32
      %dma_wait3A_1726 = tpu.memref_slice %arg3[%select_n3A, %dma_wait3A_1724, %dma_wait3A_1725] : memref<8x4096x64xf32, #tpu.memory_space<hbm>> -> memref<1x4096x64xf32, #tpu.memory_space<hbm>>
      %dma_wait3A_1727 = tpu.memref_squeeze %dma_wait3A_1726 : memref<1x4096x64xf32, #tpu.memory_space<hbm>> -> memref<4096x64xf32, #tpu.memory_space<hbm>>
      %dma_wait3A_1728 = arith.constant 0 : i32
      %dma_wait3A_1729 = arith.constant 0 : i32
      %dma_wait3A_1730 = tpu.memref_slice %dma_wait3A_1727[%dma_wait3A_1728, %dma_wait3A_1729] : memref<4096x64xf32, #tpu.memory_space<hbm>> -> memref<640x64xf32, #tpu.memory_space<hbm>>
      tpu.wait_dma2 semaphore(%arg9 : memref<!tpu.dma_semaphore, #tpu.memory_space<semaphore_mem>>) src(%dma_wait3A_1730 : memref<640x64xf32, #tpu.memory_space<hbm>>) dst(%dma_wait3A_1723 : memref<640x64xf32, #tpu.memory_space<vmem>>)
      %mul3A_1731 = arith.constant 32 : i32
      %mul3A_1732 = arith.muli %rem3A_1710, %mul3A_1731 : i32
      %dma_wait3A_1733 = arith.constant 0 : i32
      %dma_wait3A_1734 = tpu.memref_slice %arg7[%mul3A_1732, %dma_wait3A_1733] : memref<64x64xf32, #tpu.memory_space<vmem>> -> memref<32x64xf32, #tpu.memory_space<vmem>>
      %dma_wait3A_1735 = arith.constant 0 : i32
      %dma_wait3A_1736 = arith.constant 0 : i32
      %dma_wait3A_1737 = tpu.memref_slice %arg3[%select_n3A, %dma_wait3A_1735, %dma_wait3A_1736] : memref<8x4096x64xf32, #tpu.memory_space<hbm>> -> memref<1x4096x64xf32, #tpu.memory_space<hbm>>
      %dma_wait3A_1738 = tpu.memref_squeeze %dma_wait3A_1737 : memref<1x4096x64xf32, #tpu.memory_space<hbm>> -> memref<4096x64xf32, #tpu.memory_space<hbm>>
      %dma_wait3A_1739 = arith.constant 0 : i32
      %dma_wait3A_1740 = arith.constant 0 : i32
      %dma_wait3A_1741 = tpu.memref_slice %dma_wait3A_1738[%dma_wait3A_1739, %dma_wait3A_1740] : memref<4096x64xf32, #tpu.memory_space<hbm>> -> memref<32x64xf32, #tpu.memory_space<hbm>>
      %dma_wait3A_1742 = arith.constant 0 : i32
      %dma_wait3A_1743 = tpu.memref_slice %arg7[%mul3A_1732, %dma_wait3A_1742] : memref<64x64xf32, #tpu.memory_space<vmem>> -> memref<32x64xf32, #tpu.memory_space<vmem>>
      %dma_wait3A_1744 = arith.constant 0 : i32
      %dma_wait3A_1745 = arith.constant 0 : i32
      %dma_wait3A_1746 = tpu.memref_slice %arg3[%select_n3A, %dma_wait3A_1744, %dma_wait3A_1745] : memref<8x4096x64xf32, #tpu.memory_space<hbm>> -> memref<1x4096x64xf32, #tpu.memory_space<hbm>>
      %dma_wait3A_1747 = tpu.memref_squeeze %dma_wait3A_1746 : memref<1x4096x64xf32, #tpu.memory_space<hbm>> -> memref<4096x64xf32, #tpu.memory_space<hbm>>
      %dma_wait3A_1748 = arith.constant 0 : i32
      %dma_wait3A_1749 = arith.constant 0 : i32
      %dma_wait3A_1750 = tpu.memref_slice %dma_wait3A_1747[%dma_wait3A_1748, %dma_wait3A_1749] : memref<4096x64xf32, #tpu.memory_space<hbm>> -> memref<32x64xf32, #tpu.memory_space<hbm>>
      tpu.wait_dma2 semaphore(%arg9 : memref<!tpu.dma_semaphore, #tpu.memory_space<semaphore_mem>>) src(%dma_wait3A_1750 : memref<32x64xf32, #tpu.memory_space<hbm>>) dst(%dma_wait3A_1743 : memref<32x64xf32, #tpu.memory_space<vmem>>)
      %add3A_1751 = arith.constant 1 : i32
      %add3A_1752 = arith.addi %scan3A_1708, %add3A_1751 : i32
      %lt3A = arith.constant 32 : i32
      %lt3A_1753 = arith.cmpi slt, %add3A_1752, %lt3A : i32
      %convert_element_type3A = arith.extui %lt3A_1753 : i1 to i32
      %cond3A = arith.constant 0 : i32
      %cond3A_1754 = arith.cmpi ne, %convert_element_type3A, %cond3A : i32
      scf.if %cond3A_1754 {
        %add3A_1778 = arith.constant 1 : i32
        %add3A_1779 = arith.addi %scan3A_1708, %add3A_1778 : i32
        %sub3A_1780 = arith.constant 1 : i32
        %sub3A_1781 = arith.subi %sub3A_1780, %rem3A_1710 : i32
        %mul3A_1782 = arith.constant 32 : i32
        %mul3A_1783 = arith.muli %add3A_1779, %mul3A_1782 : i32
        %mul3A_1784 = arith.constant 20 : i32
        %mul3A_1785 = arith.muli %sub3A_1781, %mul3A_1784 : i32
        %add3A_1786 = arith.constant 0 : i32
        %add3A_1787 = arith.addi %mul3A_1785, %add3A_1786 : i32
        %mul3A_1788 = arith.constant 32 : i32
        %mul3A_1789 = arith.muli %add3A_1787, %mul3A_1788 : i32
        %dma_start3A_1790 = arith.constant 0 : i32
        %dma_start3A_1791 = arith.constant 0 : i32
        %dma_start3A_1792 = tpu.memref_slice %arg6[%mul3A_1789, %dma_start3A_1791] : memref<1280x64xf32, #tpu.memory_space<vmem>> -> memref<32x64xf32, #tpu.memory_space<vmem>>
        %dma_start3A_1793 = tpu.memref_slice %arg5[%dma_start3A_1790, %mul3A_1783] : memref<20x1024xi32, #tpu.memory_space<vmem>> -> memref<1x32xi32, #tpu.memory_space<vmem>>
        %dma_start3A_1794 = tpu.memref_squeeze %dma_start3A_1793 : memref<1x32xi32, #tpu.memory_space<vmem>> -> memref<32xi32, #tpu.memory_space<vmem>>
        %dma_start3A_1795 = arith.constant 0 : i32
        %dma_start3A_1796 = arith.constant 0 : i32
        %dma_start3A_1797 = tpu.memref_slice %arg3[%select_n3A, %dma_start3A_1795, %dma_start3A_1796] : memref<8x4096x64xf32, #tpu.memory_space<hbm>> -> memref<1x4096x64xf32, #tpu.memory_space<hbm>>
        %dma_start3A_1798 = tpu.memref_squeeze %dma_start3A_1797 : memref<1x4096x64xf32, #tpu.memory_space<hbm>> -> memref<4096x64xf32, #tpu.memory_space<hbm>>
        %dma_start3A_1799 = arith.constant 0 : i32
        %dma_start3A_1800 = arith.constant 0 : i32
        %dma_start3A_1801 = tpu.memref_slice %dma_start3A_1798[%dma_start3A_1799, %dma_start3A_1800] : memref<4096x64xf32, #tpu.memory_space<hbm>> -> memref<4096x64xf32, #tpu.memory_space<hbm>>
        tpu.enqueue_indirect_dma source(%dma_start3A_1801 : memref<4096x64xf32, #tpu.memory_space<hbm>>) target(%dma_start3A_1792 : memref<32x64xf32, #tpu.memory_space<vmem>>) offsets(%dma_start3A_1794 : memref<32xi32, #tpu.memory_space<vmem>>) semaphore(%arg9 : memref<!tpu.dma_semaphore, #tpu.memory_space<semaphore_mem>>)
        %mul3A_1802 = arith.constant 32 : i32
        %mul3A_1803 = arith.muli %add3A_1779, %mul3A_1802 : i32
        %mul3A_1804 = arith.constant 20 : i32
        %mul3A_1805 = arith.muli %sub3A_1781, %mul3A_1804 : i32
        %add3A_1806 = arith.constant 1 : i32
        %add3A_1807 = arith.addi %mul3A_1805, %add3A_1806 : i32
        %mul3A_1808 = arith.constant 32 : i32
        %mul3A_1809 = arith.muli %add3A_1807, %mul3A_1808 : i32
        %dma_start3A_1810 = arith.constant 1 : i32
        %dma_start3A_1811 = arith.constant 0 : i32
        %dma_start3A_1812 = tpu.memref_slice %arg6[%mul3A_1809, %dma_start3A_1811] : memref<1280x64xf32, #tpu.memory_space<vmem>> -> memref<32x64xf32, #tpu.memory_space<vmem>>
        %dma_start3A_1813 = tpu.memref_slice %arg5[%dma_start3A_1810, %mul3A_1803] : memref<20x1024xi32, #tpu.memory_space<vmem>> -> memref<1x32xi32, #tpu.memory_space<vmem>>
        %dma_start3A_1814 = tpu.memref_squeeze %dma_start3A_1813 : memref<1x32xi32, #tpu.memory_space<vmem>> -> memref<32xi32, #tpu.memory_space<vmem>>
        %dma_start3A_1815 = arith.constant 0 : i32
        %dma_start3A_1816 = arith.constant 0 : i32
        %dma_start3A_1817 = tpu.memref_slice %arg3[%select_n3A, %dma_start3A_1815, %dma_start3A_1816] : memref<8x4096x64xf32, #tpu.memory_space<hbm>> -> memref<1x4096x64xf32, #tpu.memory_space<hbm>>
        %dma_start3A_1818 = tpu.memref_squeeze %dma_start3A_1817 : memref<1x4096x64xf32, #tpu.memory_space<hbm>> -> memref<4096x64xf32, #tpu.memory_space<hbm>>
        %dma_start3A_1819 = arith.constant 0 : i32
        %dma_start3A_1820 = arith.constant 0 : i32
        %dma_start3A_1821 = tpu.memref_slice %dma_start3A_1818[%dma_start3A_1819, %dma_start3A_1820] : memref<4096x64xf32, #tpu.memory_space<hbm>> -> memref<4096x64xf32, #tpu.memory_space<hbm>>
        tpu.enqueue_indirect_dma source(%dma_start3A_1821 : memref<4096x64xf32, #tpu.memory_space<hbm>>) target(%dma_start3A_1812 : memref<32x64xf32, #tpu.memory_space<vmem>>) offsets(%dma_start3A_1814 : memref<32xi32, #tpu.memory_space<vmem>>) semaphore(%arg9 : memref<!tpu.dma_semaphore, #tpu.memory_space<semaphore_mem>>)
        %mul3A_1822 = arith.constant 32 : i32
        %mul3A_1823 = arith.muli %add3A_1779, %mul3A_1822 : i32
        %mul3A_1824 = arith.constant 20 : i32
        %mul3A_1825 = arith.muli %sub3A_1781, %mul3A_1824 : i32
        %add3A_1826 = arith.constant 2 : i32
        %add3A_1827 = arith.addi %mul3A_1825, %add3A_1826 : i32
        %mul3A_1828 = arith.constant 32 : i32
        %mul3A_1829 = arith.muli %add3A_1827, %mul3A_1828 : i32
        %dma_start3A_1830 = arith.constant 2 : i32
        %dma_start3A_1831 = arith.constant 0 : i32
        %dma_start3A_1832 = tpu.memref_slice %arg6[%mul3A_1829, %dma_start3A_1831] : memref<1280x64xf32, #tpu.memory_space<vmem>> -> memref<32x64xf32, #tpu.memory_space<vmem>>
        %dma_start3A_1833 = tpu.memref_slice %arg5[%dma_start3A_1830, %mul3A_1823] : memref<20x1024xi32, #tpu.memory_space<vmem>> -> memref<1x32xi32, #tpu.memory_space<vmem>>
        %dma_start3A_1834 = tpu.memref_squeeze %dma_start3A_1833 : memref<1x32xi32, #tpu.memory_space<vmem>> -> memref<32xi32, #tpu.memory_space<vmem>>
        %dma_start3A_1835 = arith.constant 0 : i32
        %dma_start3A_1836 = arith.constant 0 : i32
        %dma_start3A_1837 = tpu.memref_slice %arg3[%select_n3A, %dma_start3A_1835, %dma_start3A_1836] : memref<8x4096x64xf32, #tpu.memory_space<hbm>> -> memref<1x4096x64xf32, #tpu.memory_space<hbm>>
        %dma_start3A_1838 = tpu.memref_squeeze %dma_start3A_1837 : memref<1x4096x64xf32, #tpu.memory_space<hbm>> -> memref<4096x64xf32, #tpu.memory_space<hbm>>
        %dma_start3A_1839 = arith.constant 0 : i32
        %dma_start3A_1840 = arith.constant 0 : i32
        %dma_start3A_1841 = tpu.memref_slice %dma_start3A_1838[%dma_start3A_1839, %dma_start3A_1840] : memref<4096x64xf32, #tpu.memory_space<hbm>> -> memref<4096x64xf32, #tpu.memory_space<hbm>>
        tpu.enqueue_indirect_dma source(%dma_start3A_1841 : memref<4096x64xf32, #tpu.memory_space<hbm>>) target(%dma_start3A_1832 : memref<32x64xf32, #tpu.memory_space<vmem>>) offsets(%dma_start3A_1834 : memref<32xi32, #tpu.memory_space<vmem>>) semaphore(%arg9 : memref<!tpu.dma_semaphore, #tpu.memory_space<semaphore_mem>>)
        %mul3A_1842 = arith.constant 32 : i32
        %mul3A_1843 = arith.muli %add3A_1779, %mul3A_1842 : i32
        %mul3A_1844 = arith.constant 20 : i32
        %mul3A_1845 = arith.muli %sub3A_1781, %mul3A_1844 : i32
        %add3A_1846 = arith.constant 3 : i32
        %add3A_1847 = arith.addi %mul3A_1845, %add3A_1846 : i32
        %mul3A_1848 = arith.constant 32 : i32
        %mul3A_1849 = arith.muli %add3A_1847, %mul3A_1848 : i32
        %dma_start3A_1850 = arith.constant 3 : i32
        %dma_start3A_1851 = arith.constant 0 : i32
        %dma_start3A_1852 = tpu.memref_slice %arg6[%mul3A_1849, %dma_start3A_1851] : memref<1280x64xf32, #tpu.memory_space<vmem>> -> memref<32x64xf32, #tpu.memory_space<vmem>>
        %dma_start3A_1853 = tpu.memref_slice %arg5[%dma_start3A_1850, %mul3A_1843] : memref<20x1024xi32, #tpu.memory_space<vmem>> -> memref<1x32xi32, #tpu.memory_space<vmem>>
        %dma_start3A_1854 = tpu.memref_squeeze %dma_start3A_1853 : memref<1x32xi32, #tpu.memory_space<vmem>> -> memref<32xi32, #tpu.memory_space<vmem>>
        %dma_start3A_1855 = arith.constant 0 : i32
        %dma_start3A_1856 = arith.constant 0 : i32
        %dma_start3A_1857 = tpu.memref_slice %arg3[%select_n3A, %dma_start3A_1855, %dma_start3A_1856] : memref<8x4096x64xf32, #tpu.memory_space<hbm>> -> memref<1x4096x64xf32, #tpu.memory_space<hbm>>
        %dma_start3A_1858 = tpu.memref_squeeze %dma_start3A_1857 : memref<1x4096x64xf32, #tpu.memory_space<hbm>> -> memref<4096x64xf32, #tpu.memory_space<hbm>>
        %dma_start3A_1859 = arith.constant 0 : i32
        %dma_start3A_1860 = arith.constant 0 : i32
        %dma_start3A_1861 = tpu.memref_slice %dma_start3A_1858[%dma_start3A_1859, %dma_start3A_1860] : memref<4096x64xf32, #tpu.memory_space<hbm>> -> memref<4096x64xf32, #tpu.memory_space<hbm>>
        tpu.enqueue_indirect_dma source(%dma_start3A_1861 : memref<4096x64xf32, #tpu.memory_space<hbm>>) target(%dma_start3A_1852 : memref<32x64xf32, #tpu.memory_space<vmem>>) offsets(%dma_start3A_1854 : memref<32xi32, #tpu.memory_space<vmem>>) semaphore(%arg9 : memref<!tpu.dma_semaphore, #tpu.memory_space<semaphore_mem>>)
        %mul3A_1862 = arith.constant 32 : i32
        %mul3A_1863 = arith.muli %add3A_1779, %mul3A_1862 : i32
        %mul3A_1864 = arith.constant 20 : i32
        %mul3A_1865 = arith.muli %sub3A_1781, %mul3A_1864 : i32
        %add3A_1866 = arith.constant 4 : i32
        %add3A_1867 = arith.addi %mul3A_1865, %add3A_1866 : i32
        %mul3A_1868 = arith.constant 32 : i32
        %mul3A_1869 = arith.muli %add3A_1867, %mul3A_1868 : i32
        %dma_start3A_1870 = arith.constant 4 : i32
        %dma_start3A_1871 = arith.constant 0 : i32
        %dma_start3A_1872 = tpu.memref_slice %arg6[%mul3A_1869, %dma_start3A_1871] : memref<1280x64xf32, #tpu.memory_space<vmem>> -> memref<32x64xf32, #tpu.memory_space<vmem>>
        %dma_start3A_1873 = tpu.memref_slice %arg5[%dma_start3A_1870, %mul3A_1863] : memref<20x1024xi32, #tpu.memory_space<vmem>> -> memref<1x32xi32, #tpu.memory_space<vmem>>
        %dma_start3A_1874 = tpu.memref_squeeze %dma_start3A_1873 : memref<1x32xi32, #tpu.memory_space<vmem>> -> memref<32xi32, #tpu.memory_space<vmem>>
        %dma_start3A_1875 = arith.constant 0 : i32
        %dma_start3A_1876 = arith.constant 0 : i32
        %dma_start3A_1877 = tpu.memref_slice %arg3[%select_n3A, %dma_start3A_1875, %dma_start3A_1876] : memref<8x4096x64xf32, #tpu.memory_space<hbm>> -> memref<1x4096x64xf32, #tpu.memory_space<hbm>>
        %dma_start3A_1878 = tpu.memref_squeeze %dma_start3A_1877 : memref<1x4096x64xf32, #tpu.memory_space<hbm>> -> memref<4096x64xf32, #tpu.memory_space<hbm>>
        %dma_start3A_1879 = arith.constant 0 : i32
        %dma_start3A_1880 = arith.constant 0 : i32
        %dma_start3A_1881 = tpu.memref_slice %dma_start3A_1878[%dma_start3A_1879, %dma_start3A_1880] : memref<4096x64xf32, #tpu.memory_space<hbm>> -> memref<4096x64xf32, #tpu.memory_space<hbm>>
        tpu.enqueue_indirect_dma source(%dma_start3A_1881 : memref<4096x64xf32, #tpu.memory_space<hbm>>) target(%dma_start3A_1872 : memref<32x64xf32, #tpu.memory_space<vmem>>) offsets(%dma_start3A_1874 : memref<32xi32, #tpu.memory_space<vmem>>) semaphore(%arg9 : memref<!tpu.dma_semaphore, #tpu.memory_space<semaphore_mem>>)
        %mul3A_1882 = arith.constant 32 : i32
        %mul3A_1883 = arith.muli %add3A_1779, %mul3A_1882 : i32
        %mul3A_1884 = arith.constant 20 : i32
        %mul3A_1885 = arith.muli %sub3A_1781, %mul3A_1884 : i32
        %add3A_1886 = arith.constant 5 : i32
        %add3A_1887 = arith.addi %mul3A_1885, %add3A_1886 : i32
        %mul3A_1888 = arith.constant 32 : i32
        %mul3A_1889 = arith.muli %add3A_1887, %mul3A_1888 : i32
        %dma_start3A_1890 = arith.constant 5 : i32
        %dma_start3A_1891 = arith.constant 0 : i32
        %dma_start3A_1892 = tpu.memref_slice %arg6[%mul3A_1889, %dma_start3A_1891] : memref<1280x64xf32, #tpu.memory_space<vmem>> -> memref<32x64xf32, #tpu.memory_space<vmem>>
        %dma_start3A_1893 = tpu.memref_slice %arg5[%dma_start3A_1890, %mul3A_1883] : memref<20x1024xi32, #tpu.memory_space<vmem>> -> memref<1x32xi32, #tpu.memory_space<vmem>>
        %dma_start3A_1894 = tpu.memref_squeeze %dma_start3A_1893 : memref<1x32xi32, #tpu.memory_space<vmem>> -> memref<32xi32, #tpu.memory_space<vmem>>
        %dma_start3A_1895 = arith.constant 0 : i32
        %dma_start3A_1896 = arith.constant 0 : i32
        %dma_start3A_1897 = tpu.memref_slice %arg3[%select_n3A, %dma_start3A_1895, %dma_start3A_1896] : memref<8x4096x64xf32, #tpu.memory_space<hbm>> -> memref<1x4096x64xf32, #tpu.memory_space<hbm>>
        %dma_start3A_1898 = tpu.memref_squeeze %dma_start3A_1897 : memref<1x4096x64xf32, #tpu.memory_space<hbm>> -> memref<4096x64xf32, #tpu.memory_space<hbm>>
        %dma_start3A_1899 = arith.constant 0 : i32
        %dma_start3A_1900 = arith.constant 0 : i32
        %dma_start3A_1901 = tpu.memref_slice %dma_start3A_1898[%dma_start3A_1899, %dma_start3A_1900] : memref<4096x64xf32, #tpu.memory_space<hbm>> -> memref<4096x64xf32, #tpu.memory_space<hbm>>
        tpu.enqueue_indirect_dma source(%dma_start3A_1901 : memref<4096x64xf32, #tpu.memory_space<hbm>>) target(%dma_start3A_1892 : memref<32x64xf32, #tpu.memory_space<vmem>>) offsets(%dma_start3A_1894 : memref<32xi32, #tpu.memory_space<vmem>>) semaphore(%arg9 : memref<!tpu.dma_semaphore, #tpu.memory_space<semaphore_mem>>)
        %mul3A_1902 = arith.constant 32 : i32
        %mul3A_1903 = arith.muli %add3A_1779, %mul3A_1902 : i32
        %mul3A_1904 = arith.constant 20 : i32
        %mul3A_1905 = arith.muli %sub3A_1781, %mul3A_1904 : i32
        %add3A_1906 = arith.constant 6 : i32
        %add3A_1907 = arith.addi %mul3A_1905, %add3A_1906 : i32
        %mul3A_1908 = arith.constant 32 : i32
        %mul3A_1909 = arith.muli %add3A_1907, %mul3A_1908 : i32
        %dma_start3A_1910 = arith.constant 6 : i32
        %dma_start3A_1911 = arith.constant 0 : i32
        %dma_start3A_1912 = tpu.memref_slice %arg6[%mul3A_1909, %dma_start3A_1911] : memref<1280x64xf32, #tpu.memory_space<vmem>> -> memref<32x64xf32, #tpu.memory_space<vmem>>
        %dma_start3A_1913 = tpu.memref_slice %arg5[%dma_start3A_1910, %mul3A_1903] : memref<20x1024xi32, #tpu.memory_space<vmem>> -> memref<1x32xi32, #tpu.memory_space<vmem>>
        %dma_start3A_1914 = tpu.memref_squeeze %dma_start3A_1913 : memref<1x32xi32, #tpu.memory_space<vmem>> -> memref<32xi32, #tpu.memory_space<vmem>>
        %dma_start3A_1915 = arith.constant 0 : i32
        %dma_start3A_1916 = arith.constant 0 : i32
        %dma_start3A_1917 = tpu.memref_slice %arg3[%select_n3A, %dma_start3A_1915, %dma_start3A_1916] : memref<8x4096x64xf32, #tpu.memory_space<hbm>> -> memref<1x4096x64xf32, #tpu.memory_space<hbm>>
        %dma_start3A_1918 = tpu.memref_squeeze %dma_start3A_1917 : memref<1x4096x64xf32, #tpu.memory_space<hbm>> -> memref<4096x64xf32, #tpu.memory_space<hbm>>
        %dma_start3A_1919 = arith.constant 0 : i32
        %dma_start3A_1920 = arith.constant 0 : i32
        %dma_start3A_1921 = tpu.memref_slice %dma_start3A_1918[%dma_start3A_1919, %dma_start3A_1920] : memref<4096x64xf32, #tpu.memory_space<hbm>> -> memref<4096x64xf32, #tpu.memory_space<hbm>>
        tpu.enqueue_indirect_dma source(%dma_start3A_1921 : memref<4096x64xf32, #tpu.memory_space<hbm>>) target(%dma_start3A_1912 : memref<32x64xf32, #tpu.memory_space<vmem>>) offsets(%dma_start3A_1914 : memref<32xi32, #tpu.memory_space<vmem>>) semaphore(%arg9 : memref<!tpu.dma_semaphore, #tpu.memory_space<semaphore_mem>>)
        %mul3A_1922 = arith.constant 32 : i32
        %mul3A_1923 = arith.muli %add3A_1779, %mul3A_1922 : i32
        %mul3A_1924 = arith.constant 20 : i32
        %mul3A_1925 = arith.muli %sub3A_1781, %mul3A_1924 : i32
        %add3A_1926 = arith.constant 7 : i32
        %add3A_1927 = arith.addi %mul3A_1925, %add3A_1926 : i32
        %mul3A_1928 = arith.constant 32 : i32
        %mul3A_1929 = arith.muli %add3A_1927, %mul3A_1928 : i32
        %dma_start3A_1930 = arith.constant 7 : i32
        %dma_start3A_1931 = arith.constant 0 : i32
        %dma_start3A_1932 = tpu.memref_slice %arg6[%mul3A_1929, %dma_start3A_1931] : memref<1280x64xf32, #tpu.memory_space<vmem>> -> memref<32x64xf32, #tpu.memory_space<vmem>>
        %dma_start3A_1933 = tpu.memref_slice %arg5[%dma_start3A_1930, %mul3A_1923] : memref<20x1024xi32, #tpu.memory_space<vmem>> -> memref<1x32xi32, #tpu.memory_space<vmem>>
        %dma_start3A_1934 = tpu.memref_squeeze %dma_start3A_1933 : memref<1x32xi32, #tpu.memory_space<vmem>> -> memref<32xi32, #tpu.memory_space<vmem>>
        %dma_start3A_1935 = arith.constant 0 : i32
        %dma_start3A_1936 = arith.constant 0 : i32
        %dma_start3A_1937 = tpu.memref_slice %arg3[%select_n3A, %dma_start3A_1935, %dma_start3A_1936] : memref<8x4096x64xf32, #tpu.memory_space<hbm>> -> memref<1x4096x64xf32, #tpu.memory_space<hbm>>
        %dma_start3A_1938 = tpu.memref_squeeze %dma_start3A_1937 : memref<1x4096x64xf32, #tpu.memory_space<hbm>> -> memref<4096x64xf32, #tpu.memory_space<hbm>>
        %dma_start3A_1939 = arith.constant 0 : i32
        %dma_start3A_1940 = arith.constant 0 : i32
        %dma_start3A_1941 = tpu.memref_slice %dma_start3A_1938[%dma_start3A_1939, %dma_start3A_1940] : memref<4096x64xf32, #tpu.memory_space<hbm>> -> memref<4096x64xf32, #tpu.memory_space<hbm>>
        tpu.enqueue_indirect_dma source(%dma_start3A_1941 : memref<4096x64xf32, #tpu.memory_space<hbm>>) target(%dma_start3A_1932 : memref<32x64xf32, #tpu.memory_space<vmem>>) offsets(%dma_start3A_1934 : memref<32xi32, #tpu.memory_space<vmem>>) semaphore(%arg9 : memref<!tpu.dma_semaphore, #tpu.memory_space<semaphore_mem>>)
        %mul3A_1942 = arith.constant 32 : i32
        %mul3A_1943 = arith.muli %add3A_1779, %mul3A_1942 : i32
        %mul3A_1944 = arith.constant 20 : i32
        %mul3A_1945 = arith.muli %sub3A_1781, %mul3A_1944 : i32
        %add3A_1946 = arith.constant 8 : i32
        %add3A_1947 = arith.addi %mul3A_1945, %add3A_1946 : i32
        %mul3A_1948 = arith.constant 32 : i32
        %mul3A_1949 = arith.muli %add3A_1947, %mul3A_1948 : i32
        %dma_start3A_1950 = arith.constant 8 : i32
        %dma_start3A_1951 = arith.constant 0 : i32
        %dma_start3A_1952 = tpu.memref_slice %arg6[%mul3A_1949, %dma_start3A_1951] : memref<1280x64xf32, #tpu.memory_space<vmem>> -> memref<32x64xf32, #tpu.memory_space<vmem>>
        %dma_start3A_1953 = tpu.memref_slice %arg5[%dma_start3A_1950, %mul3A_1943] : memref<20x1024xi32, #tpu.memory_space<vmem>> -> memref<1x32xi32, #tpu.memory_space<vmem>>
        %dma_start3A_1954 = tpu.memref_squeeze %dma_start3A_1953 : memref<1x32xi32, #tpu.memory_space<vmem>> -> memref<32xi32, #tpu.memory_space<vmem>>
        %dma_start3A_1955 = arith.constant 0 : i32
        %dma_start3A_1956 = arith.constant 0 : i32
        %dma_start3A_1957 = tpu.memref_slice %arg3[%select_n3A, %dma_start3A_1955, %dma_start3A_1956] : memref<8x4096x64xf32, #tpu.memory_space<hbm>> -> memref<1x4096x64xf32, #tpu.memory_space<hbm>>
        %dma_start3A_1958 = tpu.memref_squeeze %dma_start3A_1957 : memref<1x4096x64xf32, #tpu.memory_space<hbm>> -> memref<4096x64xf32, #tpu.memory_space<hbm>>
        %dma_start3A_1959 = arith.constant 0 : i32
        %dma_start3A_1960 = arith.constant 0 : i32
        %dma_start3A_1961 = tpu.memref_slice %dma_start3A_1958[%dma_start3A_1959, %dma_start3A_1960] : memref<4096x64xf32, #tpu.memory_space<hbm>> -> memref<4096x64xf32, #tpu.memory_space<hbm>>
        tpu.enqueue_indirect_dma source(%dma_start3A_1961 : memref<4096x64xf32, #tpu.memory_space<hbm>>) target(%dma_start3A_1952 : memref<32x64xf32, #tpu.memory_space<vmem>>) offsets(%dma_start3A_1954 : memref<32xi32, #tpu.memory_space<vmem>>) semaphore(%arg9 : memref<!tpu.dma_semaphore, #tpu.memory_space<semaphore_mem>>)
        %mul3A_1962 = arith.constant 32 : i32
        %mul3A_1963 = arith.muli %add3A_1779, %mul3A_1962 : i32
        %mul3A_1964 = arith.constant 20 : i32
        %mul3A_1965 = arith.muli %sub3A_1781, %mul3A_1964 : i32
        %add3A_1966 = arith.constant 9 : i32
        %add3A_1967 = arith.addi %mul3A_1965, %add3A_1966 : i32
        %mul3A_1968 = arith.constant 32 : i32
        %mul3A_1969 = arith.muli %add3A_1967, %mul3A_1968 : i32
        %dma_start3A_1970 = arith.constant 9 : i32
        %dma_start3A_1971 = arith.constant 0 : i32
        %dma_start3A_1972 = tpu.memref_slice %arg6[%mul3A_1969, %dma_start3A_1971] : memref<1280x64xf32, #tpu.memory_space<vmem>> -> memref<32x64xf32, #tpu.memory_space<vmem>>
        %dma_start3A_1973 = tpu.memref_slice %arg5[%dma_start3A_1970, %mul3A_1963] : memref<20x1024xi32, #tpu.memory_space<vmem>> -> memref<1x32xi32, #tpu.memory_space<vmem>>
        %dma_start3A_1974 = tpu.memref_squeeze %dma_start3A_1973 : memref<1x32xi32, #tpu.memory_space<vmem>> -> memref<32xi32, #tpu.memory_space<vmem>>
        %dma_start3A_1975 = arith.constant 0 : i32
        %dma_start3A_1976 = arith.constant 0 : i32
        %dma_start3A_1977 = tpu.memref_slice %arg3[%select_n3A, %dma_start3A_1975, %dma_start3A_1976] : memref<8x4096x64xf32, #tpu.memory_space<hbm>> -> memref<1x4096x64xf32, #tpu.memory_space<hbm>>
        %dma_start3A_1978 = tpu.memref_squeeze %dma_start3A_1977 : memref<1x4096x64xf32, #tpu.memory_space<hbm>> -> memref<4096x64xf32, #tpu.memory_space<hbm>>
        %dma_start3A_1979 = arith.constant 0 : i32
        %dma_start3A_1980 = arith.constant 0 : i32
        %dma_start3A_1981 = tpu.memref_slice %dma_start3A_1978[%dma_start3A_1979, %dma_start3A_1980] : memref<4096x64xf32, #tpu.memory_space<hbm>> -> memref<4096x64xf32, #tpu.memory_space<hbm>>
        tpu.enqueue_indirect_dma source(%dma_start3A_1981 : memref<4096x64xf32, #tpu.memory_space<hbm>>) target(%dma_start3A_1972 : memref<32x64xf32, #tpu.memory_space<vmem>>) offsets(%dma_start3A_1974 : memref<32xi32, #tpu.memory_space<vmem>>) semaphore(%arg9 : memref<!tpu.dma_semaphore, #tpu.memory_space<semaphore_mem>>)
        %mul3A_1982 = arith.constant 32 : i32
        %mul3A_1983 = arith.muli %add3A_1779, %mul3A_1982 : i32
        %mul3A_1984 = arith.constant 20 : i32
        %mul3A_1985 = arith.muli %sub3A_1781, %mul3A_1984 : i32
        %add3A_1986 = arith.constant 10 : i32
        %add3A_1987 = arith.addi %mul3A_1985, %add3A_1986 : i32
        %mul3A_1988 = arith.constant 32 : i32
        %mul3A_1989 = arith.muli %add3A_1987, %mul3A_1988 : i32
        %dma_start3A_1990 = arith.constant 10 : i32
        %dma_start3A_1991 = arith.constant 0 : i32
        %dma_start3A_1992 = tpu.memref_slice %arg6[%mul3A_1989, %dma_start3A_1991] : memref<1280x64xf32, #tpu.memory_space<vmem>> -> memref<32x64xf32, #tpu.memory_space<vmem>>
        %dma_start3A_1993 = tpu.memref_slice %arg5[%dma_start3A_1990, %mul3A_1983] : memref<20x1024xi32, #tpu.memory_space<vmem>> -> memref<1x32xi32, #tpu.memory_space<vmem>>
        %dma_start3A_1994 = tpu.memref_squeeze %dma_start3A_1993 : memref<1x32xi32, #tpu.memory_space<vmem>> -> memref<32xi32, #tpu.memory_space<vmem>>
        %dma_start3A_1995 = arith.constant 0 : i32
        %dma_start3A_1996 = arith.constant 0 : i32
        %dma_start3A_1997 = tpu.memref_slice %arg3[%select_n3A, %dma_start3A_1995, %dma_start3A_1996] : memref<8x4096x64xf32, #tpu.memory_space<hbm>> -> memref<1x4096x64xf32, #tpu.memory_space<hbm>>
        %dma_start3A_1998 = tpu.memref_squeeze %dma_start3A_1997 : memref<1x4096x64xf32, #tpu.memory_space<hbm>> -> memref<4096x64xf32, #tpu.memory_space<hbm>>
        %dma_start3A_1999 = arith.constant 0 : i32
        %dma_start3A_2000 = arith.constant 0 : i32
        %dma_start3A_2001 = tpu.memref_slice %dma_start3A_1998[%dma_start3A_1999, %dma_start3A_2000] : memref<4096x64xf32, #tpu.memory_space<hbm>> -> memref<4096x64xf32, #tpu.memory_space<hbm>>
        tpu.enqueue_indirect_dma source(%dma_start3A_2001 : memref<4096x64xf32, #tpu.memory_space<hbm>>) target(%dma_start3A_1992 : memref<32x64xf32, #tpu.memory_space<vmem>>) offsets(%dma_start3A_1994 : memref<32xi32, #tpu.memory_space<vmem>>) semaphore(%arg9 : memref<!tpu.dma_semaphore, #tpu.memory_space<semaphore_mem>>)
        %mul3A_2002 = arith.constant 32 : i32
        %mul3A_2003 = arith.muli %add3A_1779, %mul3A_2002 : i32
        %mul3A_2004 = arith.constant 20 : i32
        %mul3A_2005 = arith.muli %sub3A_1781, %mul3A_2004 : i32
        %add3A_2006 = arith.constant 11 : i32
        %add3A_2007 = arith.addi %mul3A_2005, %add3A_2006 : i32
        %mul3A_2008 = arith.constant 32 : i32
        %mul3A_2009 = arith.muli %add3A_2007, %mul3A_2008 : i32
        %dma_start3A_2010 = arith.constant 11 : i32
        %dma_start3A_2011 = arith.constant 0 : i32
        %dma_start3A_2012 = tpu.memref_slice %arg6[%mul3A_2009, %dma_start3A_2011] : memref<1280x64xf32, #tpu.memory_space<vmem>> -> memref<32x64xf32, #tpu.memory_space<vmem>>
        %dma_start3A_2013 = tpu.memref_slice %arg5[%dma_start3A_2010, %mul3A_2003] : memref<20x1024xi32, #tpu.memory_space<vmem>> -> memref<1x32xi32, #tpu.memory_space<vmem>>
        %dma_start3A_2014 = tpu.memref_squeeze %dma_start3A_2013 : memref<1x32xi32, #tpu.memory_space<vmem>> -> memref<32xi32, #tpu.memory_space<vmem>>
        %dma_start3A_2015 = arith.constant 0 : i32
        %dma_start3A_2016 = arith.constant 0 : i32
        %dma_start3A_2017 = tpu.memref_slice %arg3[%select_n3A, %dma_start3A_2015, %dma_start3A_2016] : memref<8x4096x64xf32, #tpu.memory_space<hbm>> -> memref<1x4096x64xf32, #tpu.memory_space<hbm>>
        %dma_start3A_2018 = tpu.memref_squeeze %dma_start3A_2017 : memref<1x4096x64xf32, #tpu.memory_space<hbm>> -> memref<4096x64xf32, #tpu.memory_space<hbm>>
        %dma_start3A_2019 = arith.constant 0 : i32
        %dma_start3A_2020 = arith.constant 0 : i32
        %dma_start3A_2021 = tpu.memref_slice %dma_start3A_2018[%dma_start3A_2019, %dma_start3A_2020] : memref<4096x64xf32, #tpu.memory_space<hbm>> -> memref<4096x64xf32, #tpu.memory_space<hbm>>
        tpu.enqueue_indirect_dma source(%dma_start3A_2021 : memref<4096x64xf32, #tpu.memory_space<hbm>>) target(%dma_start3A_2012 : memref<32x64xf32, #tpu.memory_space<vmem>>) offsets(%dma_start3A_2014 : memref<32xi32, #tpu.memory_space<vmem>>) semaphore(%arg9 : memref<!tpu.dma_semaphore, #tpu.memory_space<semaphore_mem>>)
        %mul3A_2022 = arith.constant 32 : i32
        %mul3A_2023 = arith.muli %add3A_1779, %mul3A_2022 : i32
        %mul3A_2024 = arith.constant 20 : i32
        %mul3A_2025 = arith.muli %sub3A_1781, %mul3A_2024 : i32
        %add3A_2026 = arith.constant 12 : i32
        %add3A_2027 = arith.addi %mul3A_2025, %add3A_2026 : i32
        %mul3A_2028 = arith.constant 32 : i32
        %mul3A_2029 = arith.muli %add3A_2027, %mul3A_2028 : i32
        %dma_start3A_2030 = arith.constant 12 : i32
        %dma_start3A_2031 = arith.constant 0 : i32
        %dma_start3A_2032 = tpu.memref_slice %arg6[%mul3A_2029, %dma_start3A_2031] : memref<1280x64xf32, #tpu.memory_space<vmem>> -> memref<32x64xf32, #tpu.memory_space<vmem>>
        %dma_start3A_2033 = tpu.memref_slice %arg5[%dma_start3A_2030, %mul3A_2023] : memref<20x1024xi32, #tpu.memory_space<vmem>> -> memref<1x32xi32, #tpu.memory_space<vmem>>
        %dma_start3A_2034 = tpu.memref_squeeze %dma_start3A_2033 : memref<1x32xi32, #tpu.memory_space<vmem>> -> memref<32xi32, #tpu.memory_space<vmem>>
        %dma_start3A_2035 = arith.constant 0 : i32
        %dma_start3A_2036 = arith.constant 0 : i32
        %dma_start3A_2037 = tpu.memref_slice %arg3[%select_n3A, %dma_start3A_2035, %dma_start3A_2036] : memref<8x4096x64xf32, #tpu.memory_space<hbm>> -> memref<1x4096x64xf32, #tpu.memory_space<hbm>>
        %dma_start3A_2038 = tpu.memref_squeeze %dma_start3A_2037 : memref<1x4096x64xf32, #tpu.memory_space<hbm>> -> memref<4096x64xf32, #tpu.memory_space<hbm>>
        %dma_start3A_2039 = arith.constant 0 : i32
        %dma_start3A_2040 = arith.constant 0 : i32
        %dma_start3A_2041 = tpu.memref_slice %dma_start3A_2038[%dma_start3A_2039, %dma_start3A_2040] : memref<4096x64xf32, #tpu.memory_space<hbm>> -> memref<4096x64xf32, #tpu.memory_space<hbm>>
        tpu.enqueue_indirect_dma source(%dma_start3A_2041 : memref<4096x64xf32, #tpu.memory_space<hbm>>) target(%dma_start3A_2032 : memref<32x64xf32, #tpu.memory_space<vmem>>) offsets(%dma_start3A_2034 : memref<32xi32, #tpu.memory_space<vmem>>) semaphore(%arg9 : memref<!tpu.dma_semaphore, #tpu.memory_space<semaphore_mem>>)
        %mul3A_2042 = arith.constant 32 : i32
        %mul3A_2043 = arith.muli %add3A_1779, %mul3A_2042 : i32
        %mul3A_2044 = arith.constant 20 : i32
        %mul3A_2045 = arith.muli %sub3A_1781, %mul3A_2044 : i32
        %add3A_2046 = arith.constant 13 : i32
        %add3A_2047 = arith.addi %mul3A_2045, %add3A_2046 : i32
        %mul3A_2048 = arith.constant 32 : i32
        %mul3A_2049 = arith.muli %add3A_2047, %mul3A_2048 : i32
        %dma_start3A_2050 = arith.constant 13 : i32
        %dma_start3A_2051 = arith.constant 0 : i32
        %dma_start3A_2052 = tpu.memref_slice %arg6[%mul3A_2049, %dma_start3A_2051] : memref<1280x64xf32, #tpu.memory_space<vmem>> -> memref<32x64xf32, #tpu.memory_space<vmem>>
        %dma_start3A_2053 = tpu.memref_slice %arg5[%dma_start3A_2050, %mul3A_2043] : memref<20x1024xi32, #tpu.memory_space<vmem>> -> memref<1x32xi32, #tpu.memory_space<vmem>>
        %dma_start3A_2054 = tpu.memref_squeeze %dma_start3A_2053 : memref<1x32xi32, #tpu.memory_space<vmem>> -> memref<32xi32, #tpu.memory_space<vmem>>
        %dma_start3A_2055 = arith.constant 0 : i32
        %dma_start3A_2056 = arith.constant 0 : i32
        %dma_start3A_2057 = tpu.memref_slice %arg3[%select_n3A, %dma_start3A_2055, %dma_start3A_2056] : memref<8x4096x64xf32, #tpu.memory_space<hbm>> -> memref<1x4096x64xf32, #tpu.memory_space<hbm>>
        %dma_start3A_2058 = tpu.memref_squeeze %dma_start3A_2057 : memref<1x4096x64xf32, #tpu.memory_space<hbm>> -> memref<4096x64xf32, #tpu.memory_space<hbm>>
        %dma_start3A_2059 = arith.constant 0 : i32
        %dma_start3A_2060 = arith.constant 0 : i32
        %dma_start3A_2061 = tpu.memref_slice %dma_start3A_2058[%dma_start3A_2059, %dma_start3A_2060] : memref<4096x64xf32, #tpu.memory_space<hbm>> -> memref<4096x64xf32, #tpu.memory_space<hbm>>
        tpu.enqueue_indirect_dma source(%dma_start3A_2061 : memref<4096x64xf32, #tpu.memory_space<hbm>>) target(%dma_start3A_2052 : memref<32x64xf32, #tpu.memory_space<vmem>>) offsets(%dma_start3A_2054 : memref<32xi32, #tpu.memory_space<vmem>>) semaphore(%arg9 : memref<!tpu.dma_semaphore, #tpu.memory_space<semaphore_mem>>)
        %mul3A_2062 = arith.constant 32 : i32
        %mul3A_2063 = arith.muli %add3A_1779, %mul3A_2062 : i32
        %mul3A_2064 = arith.constant 20 : i32
        %mul3A_2065 = arith.muli %sub3A_1781, %mul3A_2064 : i32
        %add3A_2066 = arith.constant 14 : i32
        %add3A_2067 = arith.addi %mul3A_2065, %add3A_2066 : i32
        %mul3A_2068 = arith.constant 32 : i32
        %mul3A_2069 = arith.muli %add3A_2067, %mul3A_2068 : i32
        %dma_start3A_2070 = arith.constant 14 : i32
        %dma_start3A_2071 = arith.constant 0 : i32
        %dma_start3A_2072 = tpu.memref_slice %arg6[%mul3A_2069, %dma_start3A_2071] : memref<1280x64xf32, #tpu.memory_space<vmem>> -> memref<32x64xf32, #tpu.memory_space<vmem>>
        %dma_start3A_2073 = tpu.memref_slice %arg5[%dma_start3A_2070, %mul3A_2063] : memref<20x1024xi32, #tpu.memory_space<vmem>> -> memref<1x32xi32, #tpu.memory_space<vmem>>
        %dma_start3A_2074 = tpu.memref_squeeze %dma_start3A_2073 : memref<1x32xi32, #tpu.memory_space<vmem>> -> memref<32xi32, #tpu.memory_space<vmem>>
        %dma_start3A_2075 = arith.constant 0 : i32
        %dma_start3A_2076 = arith.constant 0 : i32
        %dma_start3A_2077 = tpu.memref_slice %arg3[%select_n3A, %dma_start3A_2075, %dma_start3A_2076] : memref<8x4096x64xf32, #tpu.memory_space<hbm>> -> memref<1x4096x64xf32, #tpu.memory_space<hbm>>
        %dma_start3A_2078 = tpu.memref_squeeze %dma_start3A_2077 : memref<1x4096x64xf32, #tpu.memory_space<hbm>> -> memref<4096x64xf32, #tpu.memory_space<hbm>>
        %dma_start3A_2079 = arith.constant 0 : i32
        %dma_start3A_2080 = arith.constant 0 : i32
        %dma_start3A_2081 = tpu.memref_slice %dma_start3A_2078[%dma_start3A_2079, %dma_start3A_2080] : memref<4096x64xf32, #tpu.memory_space<hbm>> -> memref<4096x64xf32, #tpu.memory_space<hbm>>
        tpu.enqueue_indirect_dma source(%dma_start3A_2081 : memref<4096x64xf32, #tpu.memory_space<hbm>>) target(%dma_start3A_2072 : memref<32x64xf32, #tpu.memory_space<vmem>>) offsets(%dma_start3A_2074 : memref<32xi32, #tpu.memory_space<vmem>>) semaphore(%arg9 : memref<!tpu.dma_semaphore, #tpu.memory_space<semaphore_mem>>)
        %mul3A_2082 = arith.constant 32 : i32
        %mul3A_2083 = arith.muli %add3A_1779, %mul3A_2082 : i32
        %mul3A_2084 = arith.constant 20 : i32
        %mul3A_2085 = arith.muli %sub3A_1781, %mul3A_2084 : i32
        %add3A_2086 = arith.constant 15 : i32
        %add3A_2087 = arith.addi %mul3A_2085, %add3A_2086 : i32
        %mul3A_2088 = arith.constant 32 : i32
        %mul3A_2089 = arith.muli %add3A_2087, %mul3A_2088 : i32
        %dma_start3A_2090 = arith.constant 15 : i32
        %dma_start3A_2091 = arith.constant 0 : i32
        %dma_start3A_2092 = tpu.memref_slice %arg6[%mul3A_2089, %dma_start3A_2091] : memref<1280x64xf32, #tpu.memory_space<vmem>> -> memref<32x64xf32, #tpu.memory_space<vmem>>
        %dma_start3A_2093 = tpu.memref_slice %arg5[%dma_start3A_2090, %mul3A_2083] : memref<20x1024xi32, #tpu.memory_space<vmem>> -> memref<1x32xi32, #tpu.memory_space<vmem>>
        %dma_start3A_2094 = tpu.memref_squeeze %dma_start3A_2093 : memref<1x32xi32, #tpu.memory_space<vmem>> -> memref<32xi32, #tpu.memory_space<vmem>>
        %dma_start3A_2095 = arith.constant 0 : i32
        %dma_start3A_2096 = arith.constant 0 : i32
        %dma_start3A_2097 = tpu.memref_slice %arg3[%select_n3A, %dma_start3A_2095, %dma_start3A_2096] : memref<8x4096x64xf32, #tpu.memory_space<hbm>> -> memref<1x4096x64xf32, #tpu.memory_space<hbm>>
        %dma_start3A_2098 = tpu.memref_squeeze %dma_start3A_2097 : memref<1x4096x64xf32, #tpu.memory_space<hbm>> -> memref<4096x64xf32, #tpu.memory_space<hbm>>
        %dma_start3A_2099 = arith.constant 0 : i32
        %dma_start3A_2100 = arith.constant 0 : i32
        %dma_start3A_2101 = tpu.memref_slice %dma_start3A_2098[%dma_start3A_2099, %dma_start3A_2100] : memref<4096x64xf32, #tpu.memory_space<hbm>> -> memref<4096x64xf32, #tpu.memory_space<hbm>>
        tpu.enqueue_indirect_dma source(%dma_start3A_2101 : memref<4096x64xf32, #tpu.memory_space<hbm>>) target(%dma_start3A_2092 : memref<32x64xf32, #tpu.memory_space<vmem>>) offsets(%dma_start3A_2094 : memref<32xi32, #tpu.memory_space<vmem>>) semaphore(%arg9 : memref<!tpu.dma_semaphore, #tpu.memory_space<semaphore_mem>>)
        %mul3A_2102 = arith.constant 32 : i32
        %mul3A_2103 = arith.muli %add3A_1779, %mul3A_2102 : i32
        %mul3A_2104 = arith.constant 20 : i32
        %mul3A_2105 = arith.muli %sub3A_1781, %mul3A_2104 : i32
        %add3A_2106 = arith.constant 16 : i32
        %add3A_2107 = arith.addi %mul3A_2105, %add3A_2106 : i32
        %mul3A_2108 = arith.constant 32 : i32
        %mul3A_2109 = arith.muli %add3A_2107, %mul3A_2108 : i32
        %dma_start3A_2110 = arith.constant 16 : i32
        %dma_start3A_2111 = arith.constant 0 : i32
        %dma_start3A_2112 = tpu.memref_slice %arg6[%mul3A_2109, %dma_start3A_2111] : memref<1280x64xf32, #tpu.memory_space<vmem>> -> memref<32x64xf32, #tpu.memory_space<vmem>>
        %dma_start3A_2113 = tpu.memref_slice %arg5[%dma_start3A_2110, %mul3A_2103] : memref<20x1024xi32, #tpu.memory_space<vmem>> -> memref<1x32xi32, #tpu.memory_space<vmem>>
        %dma_start3A_2114 = tpu.memref_squeeze %dma_start3A_2113 : memref<1x32xi32, #tpu.memory_space<vmem>> -> memref<32xi32, #tpu.memory_space<vmem>>
        %dma_start3A_2115 = arith.constant 0 : i32
        %dma_start3A_2116 = arith.constant 0 : i32
        %dma_start3A_2117 = tpu.memref_slice %arg3[%select_n3A, %dma_start3A_2115, %dma_start3A_2116] : memref<8x4096x64xf32, #tpu.memory_space<hbm>> -> memref<1x4096x64xf32, #tpu.memory_space<hbm>>
        %dma_start3A_2118 = tpu.memref_squeeze %dma_start3A_2117 : memref<1x4096x64xf32, #tpu.memory_space<hbm>> -> memref<4096x64xf32, #tpu.memory_space<hbm>>
        %dma_start3A_2119 = arith.constant 0 : i32
        %dma_start3A_2120 = arith.constant 0 : i32
        %dma_start3A_2121 = tpu.memref_slice %dma_start3A_2118[%dma_start3A_2119, %dma_start3A_2120] : memref<4096x64xf32, #tpu.memory_space<hbm>> -> memref<4096x64xf32, #tpu.memory_space<hbm>>
        tpu.enqueue_indirect_dma source(%dma_start3A_2121 : memref<4096x64xf32, #tpu.memory_space<hbm>>) target(%dma_start3A_2112 : memref<32x64xf32, #tpu.memory_space<vmem>>) offsets(%dma_start3A_2114 : memref<32xi32, #tpu.memory_space<vmem>>) semaphore(%arg9 : memref<!tpu.dma_semaphore, #tpu.memory_space<semaphore_mem>>)
        %mul3A_2122 = arith.constant 32 : i32
        %mul3A_2123 = arith.muli %add3A_1779, %mul3A_2122 : i32
        %mul3A_2124 = arith.constant 20 : i32
        %mul3A_2125 = arith.muli %sub3A_1781, %mul3A_2124 : i32
        %add3A_2126 = arith.constant 17 : i32
        %add3A_2127 = arith.addi %mul3A_2125, %add3A_2126 : i32
        %mul3A_2128 = arith.constant 32 : i32
        %mul3A_2129 = arith.muli %add3A_2127, %mul3A_2128 : i32
        %dma_start3A_2130 = arith.constant 17 : i32
        %dma_start3A_2131 = arith.constant 0 : i32
        %dma_start3A_2132 = tpu.memref_slice %arg6[%mul3A_2129, %dma_start3A_2131] : memref<1280x64xf32, #tpu.memory_space<vmem>> -> memref<32x64xf32, #tpu.memory_space<vmem>>
        %dma_start3A_2133 = tpu.memref_slice %arg5[%dma_start3A_2130, %mul3A_2123] : memref<20x1024xi32, #tpu.memory_space<vmem>> -> memref<1x32xi32, #tpu.memory_space<vmem>>
        %dma_start3A_2134 = tpu.memref_squeeze %dma_start3A_2133 : memref<1x32xi32, #tpu.memory_space<vmem>> -> memref<32xi32, #tpu.memory_space<vmem>>
        %dma_start3A_2135 = arith.constant 0 : i32
        %dma_start3A_2136 = arith.constant 0 : i32
        %dma_start3A_2137 = tpu.memref_slice %arg3[%select_n3A, %dma_start3A_2135, %dma_start3A_2136] : memref<8x4096x64xf32, #tpu.memory_space<hbm>> -> memref<1x4096x64xf32, #tpu.memory_space<hbm>>
        %dma_start3A_2138 = tpu.memref_squeeze %dma_start3A_2137 : memref<1x4096x64xf32, #tpu.memory_space<hbm>> -> memref<4096x64xf32, #tpu.memory_space<hbm>>
        %dma_start3A_2139 = arith.constant 0 : i32
        %dma_start3A_2140 = arith.constant 0 : i32
        %dma_start3A_2141 = tpu.memref_slice %dma_start3A_2138[%dma_start3A_2139, %dma_start3A_2140] : memref<4096x64xf32, #tpu.memory_space<hbm>> -> memref<4096x64xf32, #tpu.memory_space<hbm>>
        tpu.enqueue_indirect_dma source(%dma_start3A_2141 : memref<4096x64xf32, #tpu.memory_space<hbm>>) target(%dma_start3A_2132 : memref<32x64xf32, #tpu.memory_space<vmem>>) offsets(%dma_start3A_2134 : memref<32xi32, #tpu.memory_space<vmem>>) semaphore(%arg9 : memref<!tpu.dma_semaphore, #tpu.memory_space<semaphore_mem>>)
        %mul3A_2142 = arith.constant 32 : i32
        %mul3A_2143 = arith.muli %add3A_1779, %mul3A_2142 : i32
        %mul3A_2144 = arith.constant 20 : i32
        %mul3A_2145 = arith.muli %sub3A_1781, %mul3A_2144 : i32
        %add3A_2146 = arith.constant 18 : i32
        %add3A_2147 = arith.addi %mul3A_2145, %add3A_2146 : i32
        %mul3A_2148 = arith.constant 32 : i32
        %mul3A_2149 = arith.muli %add3A_2147, %mul3A_2148 : i32
        %dma_start3A_2150 = arith.constant 18 : i32
        %dma_start3A_2151 = arith.constant 0 : i32
        %dma_start3A_2152 = tpu.memref_slice %arg6[%mul3A_2149, %dma_start3A_2151] : memref<1280x64xf32, #tpu.memory_space<vmem>> -> memref<32x64xf32, #tpu.memory_space<vmem>>
        %dma_start3A_2153 = tpu.memref_slice %arg5[%dma_start3A_2150, %mul3A_2143] : memref<20x1024xi32, #tpu.memory_space<vmem>> -> memref<1x32xi32, #tpu.memory_space<vmem>>
        %dma_start3A_2154 = tpu.memref_squeeze %dma_start3A_2153 : memref<1x32xi32, #tpu.memory_space<vmem>> -> memref<32xi32, #tpu.memory_space<vmem>>
        %dma_start3A_2155 = arith.constant 0 : i32
        %dma_start3A_2156 = arith.constant 0 : i32
        %dma_start3A_2157 = tpu.memref_slice %arg3[%select_n3A, %dma_start3A_2155, %dma_start3A_2156] : memref<8x4096x64xf32, #tpu.memory_space<hbm>> -> memref<1x4096x64xf32, #tpu.memory_space<hbm>>
        %dma_start3A_2158 = tpu.memref_squeeze %dma_start3A_2157 : memref<1x4096x64xf32, #tpu.memory_space<hbm>> -> memref<4096x64xf32, #tpu.memory_space<hbm>>
        %dma_start3A_2159 = arith.constant 0 : i32
        %dma_start3A_2160 = arith.constant 0 : i32
        %dma_start3A_2161 = tpu.memref_slice %dma_start3A_2158[%dma_start3A_2159, %dma_start3A_2160] : memref<4096x64xf32, #tpu.memory_space<hbm>> -> memref<4096x64xf32, #tpu.memory_space<hbm>>
        tpu.enqueue_indirect_dma source(%dma_start3A_2161 : memref<4096x64xf32, #tpu.memory_space<hbm>>) target(%dma_start3A_2152 : memref<32x64xf32, #tpu.memory_space<vmem>>) offsets(%dma_start3A_2154 : memref<32xi32, #tpu.memory_space<vmem>>) semaphore(%arg9 : memref<!tpu.dma_semaphore, #tpu.memory_space<semaphore_mem>>)
        %mul3A_2162 = arith.constant 32 : i32
        %mul3A_2163 = arith.muli %add3A_1779, %mul3A_2162 : i32
        %mul3A_2164 = arith.constant 20 : i32
        %mul3A_2165 = arith.muli %sub3A_1781, %mul3A_2164 : i32
        %add3A_2166 = arith.constant 19 : i32
        %add3A_2167 = arith.addi %mul3A_2165, %add3A_2166 : i32
        %mul3A_2168 = arith.constant 32 : i32
        %mul3A_2169 = arith.muli %add3A_2167, %mul3A_2168 : i32
        %dma_start3A_2170 = arith.constant 19 : i32
        %dma_start3A_2171 = arith.constant 0 : i32
        %dma_start3A_2172 = tpu.memref_slice %arg6[%mul3A_2169, %dma_start3A_2171] : memref<1280x64xf32, #tpu.memory_space<vmem>> -> memref<32x64xf32, #tpu.memory_space<vmem>>
        %dma_start3A_2173 = tpu.memref_slice %arg5[%dma_start3A_2170, %mul3A_2163] : memref<20x1024xi32, #tpu.memory_space<vmem>> -> memref<1x32xi32, #tpu.memory_space<vmem>>
        %dma_start3A_2174 = tpu.memref_squeeze %dma_start3A_2173 : memref<1x32xi32, #tpu.memory_space<vmem>> -> memref<32xi32, #tpu.memory_space<vmem>>
        %dma_start3A_2175 = arith.constant 0 : i32
        %dma_start3A_2176 = arith.constant 0 : i32
        %dma_start3A_2177 = tpu.memref_slice %arg3[%select_n3A, %dma_start3A_2175, %dma_start3A_2176] : memref<8x4096x64xf32, #tpu.memory_space<hbm>> -> memref<1x4096x64xf32, #tpu.memory_space<hbm>>
        %dma_start3A_2178 = tpu.memref_squeeze %dma_start3A_2177 : memref<1x4096x64xf32, #tpu.memory_space<hbm>> -> memref<4096x64xf32, #tpu.memory_space<hbm>>
        %dma_start3A_2179 = arith.constant 0 : i32
        %dma_start3A_2180 = arith.constant 0 : i32
        %dma_start3A_2181 = tpu.memref_slice %dma_start3A_2178[%dma_start3A_2179, %dma_start3A_2180] : memref<4096x64xf32, #tpu.memory_space<hbm>> -> memref<4096x64xf32, #tpu.memory_space<hbm>>
        tpu.enqueue_indirect_dma source(%dma_start3A_2181 : memref<4096x64xf32, #tpu.memory_space<hbm>>) target(%dma_start3A_2172 : memref<32x64xf32, #tpu.memory_space<vmem>>) offsets(%dma_start3A_2174 : memref<32xi32, #tpu.memory_space<vmem>>) semaphore(%arg9 : memref<!tpu.dma_semaphore, #tpu.memory_space<semaphore_mem>>)
        %mul3A_2182 = arith.constant 32 : i32
        %mul3A_2183 = arith.muli %add3A_1779, %mul3A_2182 : i32
        %add3A_2184 = arith.addi %sub3A_21, %mul3A_2183 : i32
        %mul3A_2185 = arith.constant 32 : i32
        %mul3A_2186 = arith.muli %sub3A_1781, %mul3A_2185 : i32
        %dma_start3A_2187 = arith.constant 0 : i32
        %dma_start3A_2188 = tpu.memref_slice %arg7[%mul3A_2186, %dma_start3A_2187] : memref<64x64xf32, #tpu.memory_space<vmem>> -> memref<32x64xf32, #tpu.memory_space<vmem>>
        %dma_start3A_2189 = arith.constant 0 : i32
        %dma_start3A_2190 = arith.constant 0 : i32
        %dma_start3A_2191 = tpu.memref_slice %arg3[%select_n3A, %dma_start3A_2189, %dma_start3A_2190] : memref<8x4096x64xf32, #tpu.memory_space<hbm>> -> memref<1x4096x64xf32, #tpu.memory_space<hbm>>
        %dma_start3A_2192 = tpu.memref_squeeze %dma_start3A_2191 : memref<1x4096x64xf32, #tpu.memory_space<hbm>> -> memref<4096x64xf32, #tpu.memory_space<hbm>>
        %dma_start3A_2193 = arith.constant 0 : i32
        %dma_start3A_2194 = tpu.memref_slice %dma_start3A_2192[%add3A_2184, %dma_start3A_2193] : memref<4096x64xf32, #tpu.memory_space<hbm>> -> memref<32x64xf32, #tpu.memory_space<hbm>>
        %dma_start3A_2195 = arith.constant 0 : i32
        %dma_start3A_2196 = tpu.memref_slice %arg7[%mul3A_2186, %dma_start3A_2195] : memref<64x64xf32, #tpu.memory_space<vmem>> -> memref<32x64xf32, #tpu.memory_space<vmem>>
        %dma_start3A_2197 = arith.constant 0 : i32
        %dma_start3A_2198 = arith.constant 0 : i32
        %dma_start3A_2199 = tpu.memref_slice %arg3[%select_n3A, %dma_start3A_2197, %dma_start3A_2198] : memref<8x4096x64xf32, #tpu.memory_space<hbm>> -> memref<1x4096x64xf32, #tpu.memory_space<hbm>>
        %dma_start3A_2200 = tpu.memref_squeeze %dma_start3A_2199 : memref<1x4096x64xf32, #tpu.memory_space<hbm>> -> memref<4096x64xf32, #tpu.memory_space<hbm>>
        %dma_start3A_2201 = arith.constant 0 : i32
        %dma_start3A_2202 = tpu.memref_slice %dma_start3A_2200[%add3A_2184, %dma_start3A_2201] : memref<4096x64xf32, #tpu.memory_space<hbm>> -> memref<32x64xf32, #tpu.memory_space<hbm>>
        tpu.enqueue_dma source(%dma_start3A_2202 : memref<32x64xf32, #tpu.memory_space<hbm>>) target(%dma_start3A_2196 : memref<32x64xf32, #tpu.memory_space<vmem>>) target_semaphore(%arg9 : memref<!tpu.dma_semaphore, #tpu.memory_space<semaphore_mem>>)
      } else {
      }
      %ge3A = arith.constant 2 : i32
      %ge3A_1755 = arith.cmpi sge, %scan3A_1708, %ge3A : i32
      %convert_element_type3A_1756 = arith.extui %ge3A_1755 : i1 to i32
      %cond3A_1757 = arith.constant 0 : i32
      %cond3A_1758 = arith.cmpi ne, %convert_element_type3A_1756, %cond3A_1757 : i32
      scf.if %cond3A_1758 {
        %dma_wait3A_1778 = arith.constant 0 : i32
        %dma_wait3A_1779 = tpu.memref_slice %arg8[%rem3A_1710, %dma_wait3A_1778] : memref<2x4096xf32, #tpu.memory_space<vmem>> -> memref<1x4096xf32, #tpu.memory_space<vmem>>
        %dma_wait3A_1780 = tpu.memref_squeeze %dma_wait3A_1779 : memref<1x4096xf32, #tpu.memory_space<vmem>> -> memref<4096xf32, #tpu.memory_space<vmem>>
        %dma_wait3A_1781 = arith.constant 0 : i32
        %dma_wait3A_1782 = tpu.memref_slice %arg4[%dma_wait3A_1781] : memref<4194304xf32, #tpu.memory_space<hbm>> -> memref<2048xf32, #tpu.memory_space<hbm>>
        %dma_wait3A_1783 = arith.constant 0 : i32
        %dma_wait3A_1784 = tpu.memref_slice %arg4[%dma_wait3A_1783] : memref<4194304xf32, #tpu.memory_space<hbm>> -> memref<2048xf32, #tpu.memory_space<hbm>>
        %dma_wait3A_1785 = arith.constant 0 : i32
        %dma_wait3A_1786 = tpu.memref_slice %arg8[%rem3A_1710, %dma_wait3A_1785] : memref<2x4096xf32, #tpu.memory_space<vmem>> -> memref<1x4096xf32, #tpu.memory_space<vmem>>
        %dma_wait3A_1787 = tpu.memref_squeeze %dma_wait3A_1786 : memref<1x4096xf32, #tpu.memory_space<vmem>> -> memref<4096xf32, #tpu.memory_space<vmem>>
        tpu.wait_dma2 semaphore(%arg10 : memref<!tpu.dma_semaphore, #tpu.memory_space<semaphore_mem>>) src(%dma_wait3A_1787 : memref<4096xf32, #tpu.memory_space<vmem>>) dst(%dma_wait3A_1784 : memref<2048xf32, #tpu.memory_space<hbm>>)
      } else {
      }
      %scan3A_1759 = arith.constant 0 : i32
      %scan3A_1760 = arith.constant 0 : i32
      %scan3A_1761 = arith.constant 32 : i32
      %scan3A_1762 = arith.addi %scan3A_1760, %scan3A_1761 : i32
      %scan3A_1763 = arith.constant 1 : i32
      scf.for %scan3A_1778 = %scan3A_1760 to %scan3A_1762 step %scan3A_1763  : i32 {
        %mul3A_1779 = arith.constant 64 : i32
        %mul3A_1780 = arith.muli %mul3A_1712, %mul3A_1779 : i32
        %mul3A_1781 = arith.constant 64 : i32
        %mul3A_1782 = arith.muli %scan3A_1778, %mul3A_1781 : i32
        %add3A_1783 = arith.addi %mul3A_1780, %mul3A_1782 : i32
        %add3A_1784 = arith.constant 0 : i32
        %add3A_1785 = arith.addi %add3A_1783, %add3A_1784 : i32
        %add3A_1786 = vector.broadcast %add3A_1785 : i32 to vector<16xi32>
        %add3A_1787 = arith.addi %add3A_543, %add3A_1786 : vector<16xi32>
        %gather3A = tpu.vector_load_idx %arg6[%broadcast_in_dim3A_1380, %add3A_1787] : memref<1280x64xf32, #tpu.memory_space<vmem>>[vector<16xi32>, vector<16xi32>], vector<16xf32>,
        %add3A_1788 = vector.broadcast %add3A_1785 : i32 to vector<16xi32>
        %add3A_1789 = arith.addi %add3A_587, %add3A_1788 : vector<16xi32>
        %gather3A_1790 = tpu.vector_load_idx %arg6[%broadcast_in_dim3A_1380, %add3A_1789] : memref<1280x64xf32, #tpu.memory_space<vmem>>[vector<16xi32>, vector<16xi32>], vector<16xf32>,
        %add3A_1791 = vector.broadcast %add3A_1785 : i32 to vector<16xi32>
        %add3A_1792 = arith.addi %add3A_631, %add3A_1791 : vector<16xi32>
        %gather3A_1793 = tpu.vector_load_idx %arg6[%broadcast_in_dim3A_1380, %add3A_1792] : memref<1280x64xf32, #tpu.memory_space<vmem>>[vector<16xi32>, vector<16xi32>], vector<16xf32>,
        %add3A_1794 = vector.broadcast %add3A_1785 : i32 to vector<16xi32>
        %add3A_1795 = arith.addi %add3A_675, %add3A_1794 : vector<16xi32>
        %gather3A_1796 = tpu.vector_load_idx %arg6[%broadcast_in_dim3A_1380, %add3A_1795] : memref<1280x64xf32, #tpu.memory_space<vmem>>[vector<16xi32>, vector<16xi32>], vector<16xf32>,
        %add3A_1797 = vector.broadcast %add3A_1785 : i32 to vector<16xi32>
        %add3A_1798 = arith.addi %add3A_719, %add3A_1797 : vector<16xi32>
        %gather3A_1799 = tpu.vector_load_idx %arg6[%broadcast_in_dim3A_1380, %add3A_1798] : memref<1280x64xf32, #tpu.memory_space<vmem>>[vector<16xi32>, vector<16xi32>], vector<16xf32>,
        %add3A_1800 = vector.broadcast %add3A_1785 : i32 to vector<16xi32>
        %add3A_1801 = arith.addi %add3A_763, %add3A_1800 : vector<16xi32>
        %gather3A_1802 = tpu.vector_load_idx %arg6[%broadcast_in_dim3A_1380, %add3A_1801] : memref<1280x64xf32, #tpu.memory_space<vmem>>[vector<16xi32>, vector<16xi32>], vector<16xf32>,
        %add3A_1803 = vector.broadcast %add3A_1785 : i32 to vector<16xi32>
        %add3A_1804 = arith.addi %add3A_807, %add3A_1803 : vector<16xi32>
        %gather3A_1805 = tpu.vector_load_idx %arg6[%broadcast_in_dim3A_1380, %add3A_1804] : memref<1280x64xf32, #tpu.memory_space<vmem>>[vector<16xi32>, vector<16xi32>], vector<16xf32>,
        %add3A_1806 = vector.broadcast %add3A_1785 : i32 to vector<16xi32>
        %add3A_1807 = arith.addi %add3A_851, %add3A_1806 : vector<16xi32>
        %gather3A_1808 = tpu.vector_load_idx %arg6[%broadcast_in_dim3A_1380, %add3A_1807] : memref<1280x64xf32, #tpu.memory_space<vmem>>[vector<16xi32>, vector<16xi32>], vector<16xf32>,
        %add3A_1809 = vector.broadcast %add3A_1785 : i32 to vector<16xi32>
        %add3A_1810 = arith.addi %add3A_895, %add3A_1809 : vector<16xi32>
        %gather3A_1811 = tpu.vector_load_idx %arg6[%broadcast_in_dim3A_1380, %add3A_1810] : memref<1280x64xf32, #tpu.memory_space<vmem>>[vector<16xi32>, vector<16xi32>], vector<16xf32>,
        %add3A_1812 = vector.broadcast %add3A_1785 : i32 to vector<16xi32>
        %add3A_1813 = arith.addi %add3A_939, %add3A_1812 : vector<16xi32>
        %gather3A_1814 = tpu.vector_load_idx %arg6[%broadcast_in_dim3A_1380, %add3A_1813] : memref<1280x64xf32, #tpu.memory_space<vmem>>[vector<16xi32>, vector<16xi32>], vector<16xf32>,
        %add3A_1815 = vector.broadcast %add3A_1785 : i32 to vector<16xi32>
        %add3A_1816 = arith.addi %add3A_983, %add3A_1815 : vector<16xi32>
        %gather3A_1817 = tpu.vector_load_idx %arg6[%broadcast_in_dim3A_1380, %add3A_1816] : memref<1280x64xf32, #tpu.memory_space<vmem>>[vector<16xi32>, vector<16xi32>], vector<16xf32>,
        %add3A_1818 = vector.broadcast %add3A_1785 : i32 to vector<16xi32>
        %add3A_1819 = arith.addi %add3A_1027, %add3A_1818 : vector<16xi32>
        %gather3A_1820 = tpu.vector_load_idx %arg6[%broadcast_in_dim3A_1380, %add3A_1819] : memref<1280x64xf32, #tpu.memory_space<vmem>>[vector<16xi32>, vector<16xi32>], vector<16xf32>,
        %add3A_1821 = vector.broadcast %add3A_1785 : i32 to vector<16xi32>
        %add3A_1822 = arith.addi %add3A_1071, %add3A_1821 : vector<16xi32>
        %gather3A_1823 = tpu.vector_load_idx %arg6[%broadcast_in_dim3A_1380, %add3A_1822] : memref<1280x64xf32, #tpu.memory_space<vmem>>[vector<16xi32>, vector<16xi32>], vector<16xf32>,
        %add3A_1824 = vector.broadcast %add3A_1785 : i32 to vector<16xi32>
        %add3A_1825 = arith.addi %add3A_1115, %add3A_1824 : vector<16xi32>
        %gather3A_1826 = tpu.vector_load_idx %arg6[%broadcast_in_dim3A_1380, %add3A_1825] : memref<1280x64xf32, #tpu.memory_space<vmem>>[vector<16xi32>, vector<16xi32>], vector<16xf32>,
        %add3A_1827 = vector.broadcast %add3A_1785 : i32 to vector<16xi32>
        %add3A_1828 = arith.addi %add3A_1159, %add3A_1827 : vector<16xi32>
        %gather3A_1829 = tpu.vector_load_idx %arg6[%broadcast_in_dim3A_1380, %add3A_1828] : memref<1280x64xf32, #tpu.memory_space<vmem>>[vector<16xi32>, vector<16xi32>], vector<16xf32>,
        %add3A_1830 = vector.broadcast %add3A_1785 : i32 to vector<16xi32>
        %add3A_1831 = arith.addi %add3A_1203, %add3A_1830 : vector<16xi32>
        %gather3A_1832 = tpu.vector_load_idx %arg6[%broadcast_in_dim3A_1380, %add3A_1831] : memref<1280x64xf32, #tpu.memory_space<vmem>>[vector<16xi32>, vector<16xi32>], vector<16xf32>,
        %add3A_1833 = vector.broadcast %add3A_1785 : i32 to vector<16xi32>
        %add3A_1834 = arith.addi %add3A_1247, %add3A_1833 : vector<16xi32>
        %gather3A_1835 = tpu.vector_load_idx %arg6[%broadcast_in_dim3A_1380, %add3A_1834] : memref<1280x64xf32, #tpu.memory_space<vmem>>[vector<16xi32>, vector<16xi32>], vector<16xf32>,
        %add3A_1836 = vector.broadcast %add3A_1785 : i32 to vector<16xi32>
        %add3A_1837 = arith.addi %add3A_1291, %add3A_1836 : vector<16xi32>
        %gather3A_1838 = tpu.vector_load_idx %arg6[%broadcast_in_dim3A_1380, %add3A_1837] : memref<1280x64xf32, #tpu.memory_space<vmem>>[vector<16xi32>, vector<16xi32>], vector<16xf32>,
        %add3A_1839 = vector.broadcast %add3A_1785 : i32 to vector<16xi32>
        %add3A_1840 = arith.addi %add3A_1335, %add3A_1839 : vector<16xi32>
        %gather3A_1841 = tpu.vector_load_idx %arg6[%broadcast_in_dim3A_1380, %add3A_1840] : memref<1280x64xf32, #tpu.memory_space<vmem>>[vector<16xi32>, vector<16xi32>], vector<16xf32>,
        %add3A_1842 = vector.broadcast %add3A_1785 : i32 to vector<16xi32>
        %add3A_1843 = arith.addi %add3A_1379, %add3A_1842 : vector<16xi32>
        %gather3A_1844 = tpu.vector_load_idx %arg6[%broadcast_in_dim3A_1380, %add3A_1843] : memref<1280x64xf32, #tpu.memory_space<vmem>>[vector<16xi32>, vector<16xi32>], vector<16xf32>,
        %add3A_1845 = arith.addf %gather3A, %gather3A_1790 : vector<16xf32>
        %add3A_1846 = arith.addf %gather3A_1793, %gather3A_1796 : vector<16xf32>
        %add3A_1847 = arith.addf %gather3A_1799, %gather3A_1802 : vector<16xf32>
        %add3A_1848 = arith.addf %gather3A_1805, %gather3A_1808 : vector<16xf32>
        %add3A_1849 = arith.addf %gather3A_1811, %gather3A_1814 : vector<16xf32>
        %add3A_1850 = arith.addf %gather3A_1817, %gather3A_1820 : vector<16xf32>
        %add3A_1851 = arith.addf %gather3A_1823, %gather3A_1826 : vector<16xf32>
        %add3A_1852 = arith.addf %gather3A_1829, %gather3A_1832 : vector<16xf32>
        %add3A_1853 = arith.addf %gather3A_1835, %gather3A_1838 : vector<16xf32>
        %add3A_1854 = arith.addf %gather3A_1841, %gather3A_1844 : vector<16xf32>
        %add3A_1855 = arith.addf %add3A_1845, %add3A_1846 : vector<16xf32>
        %add3A_1856 = arith.addf %add3A_1847, %add3A_1848 : vector<16xf32>
        %add3A_1857 = arith.addf %add3A_1849, %add3A_1850 : vector<16xf32>
        %add3A_1858 = arith.addf %add3A_1851, %add3A_1852 : vector<16xf32>
        %add3A_1859 = arith.addf %add3A_1853, %add3A_1854 : vector<16xf32>
        %add3A_1860 = arith.addf %add3A_1855, %add3A_1856 : vector<16xf32>
        %add3A_1861 = arith.addf %add3A_1857, %add3A_1858 : vector<16xf32>
        %add3A_1862 = arith.addf %add3A_1860, %add3A_1861 : vector<16xf32>
        %add3A_1863 = arith.addf %add3A_1862, %add3A_1859 : vector<16xf32>
        %mul3A_1864 = arith.constant 128 : i32
        %mul3A_1865 = arith.muli %scan3A_1778, %mul3A_1864 : i32
        %add3A_1866 = arith.constant 0 : i32
        %add3A_1867 = arith.addi %mul3A_1865, %add3A_1866 : i32
        %swap3A = arith.index_cast %rem3A_1710 : i32 to index
        %swap3A_1868 = arith.index_cast %add3A_1867 : i32 to index
        %swap3A_1869 = tpu.vector_load %arg8[%swap3A, %swap3A_1868] {strides = array<i32>} : memref<2x4096xf32, #tpu.memory_space<vmem>>, vector<16xf32>,
        tpu.vector_store %arg8[%swap3A, %swap3A_1868], %add3A_1863 {strides = array<i32>} : memref<2x4096xf32, #tpu.memory_space<vmem>>, vector<16xf32>,
        %mul3A_1870 = arith.constant 32 : i32
        %mul3A_1871 = arith.muli %rem3A_1710, %mul3A_1870 : i32
        %add3A_1872 = arith.addi %mul3A_1871, %scan3A_1778 : i32
        %get3A = arith.index_cast %add3A_1872 : i32 to index
        %get3A_1873 = arith.constant 0 : index
        %get3A_1874 = tpu.vector_load %arg7[%get3A, %get3A_1873] {strides = array<i32>} : memref<64x64xf32, #tpu.memory_space<vmem>>, vector<16xf32>,
        %mul3A_1875 = arith.constant 128 : i32
        %mul3A_1876 = arith.muli %scan3A_1778, %mul3A_1875 : i32
        %add3A_1877 = arith.constant 64 : i32
        %add3A_1878 = arith.addi %mul3A_1876, %add3A_1877 : i32
        %add3A_1879 = arith.constant 0 : i32
        %add3A_1880 = arith.addi %add3A_1878, %add3A_1879 : i32
        %swap3A_1881 = arith.index_cast %rem3A_1710 : i32 to index
        %swap3A_1882 = arith.index_cast %add3A_1880 : i32 to index
        %swap3A_1883 = tpu.vector_load %arg8[%swap3A_1881, %swap3A_1882] {strides = array<i32>} : memref<2x4096xf32, #tpu.memory_space<vmem>>, vector<16xf32>,
        tpu.vector_store %arg8[%swap3A_1881, %swap3A_1882], %get3A_1874 {strides = array<i32>} : memref<2x4096xf32, #tpu.memory_space<vmem>>, vector<16xf32>,
        %add3A_1884 = arith.constant 10240 : i32
        %add3A_1885 = arith.addi %add3A_1783, %add3A_1884 : i32
        %add3A_1886 = vector.broadcast %add3A_1885 : i32 to vector<16xi32>
        %add3A_1887 = arith.addi %add3A_543, %add3A_1886 : vector<16xi32>
        %gather3A_1888 = tpu.vector_load_idx %arg6[%broadcast_in_dim3A_1380, %add3A_1887] : memref<1280x64xf32, #tpu.memory_space<vmem>>[vector<16xi32>, vector<16xi32>], vector<16xf32>,
        %add3A_1889 = vector.broadcast %add3A_1885 : i32 to vector<16xi32>
        %add3A_1890 = arith.addi %add3A_587, %add3A_1889 : vector<16xi32>
        %gather3A_1891 = tpu.vector_load_idx %arg6[%broadcast_in_dim3A_1380, %add3A_1890] : memref<1280x64xf32, #tpu.memory_space<vmem>>[vector<16xi32>, vector<16xi32>], vector<16xf32>,
        %add3A_1892 = vector.broadcast %add3A_1885 : i32 to vector<16xi32>
        %add3A_1893 = arith.addi %add3A_631, %add3A_1892 : vector<16xi32>
        %gather3A_1894 = tpu.vector_load_idx %arg6[%broadcast_in_dim3A_1380, %add3A_1893] : memref<1280x64xf32, #tpu.memory_space<vmem>>[vector<16xi32>, vector<16xi32>], vector<16xf32>,
        %add3A_1895 = vector.broadcast %add3A_1885 : i32 to vector<16xi32>
        %add3A_1896 = arith.addi %add3A_675, %add3A_1895 : vector<16xi32>
        %gather3A_1897 = tpu.vector_load_idx %arg6[%broadcast_in_dim3A_1380, %add3A_1896] : memref<1280x64xf32, #tpu.memory_space<vmem>>[vector<16xi32>, vector<16xi32>], vector<16xf32>,
        %add3A_1898 = vector.broadcast %add3A_1885 : i32 to vector<16xi32>
        %add3A_1899 = arith.addi %add3A_719, %add3A_1898 : vector<16xi32>
        %gather3A_1900 = tpu.vector_load_idx %arg6[%broadcast_in_dim3A_1380, %add3A_1899] : memref<1280x64xf32, #tpu.memory_space<vmem>>[vector<16xi32>, vector<16xi32>], vector<16xf32>,
        %add3A_1901 = vector.broadcast %add3A_1885 : i32 to vector<16xi32>
        %add3A_1902 = arith.addi %add3A_763, %add3A_1901 : vector<16xi32>
        %gather3A_1903 = tpu.vector_load_idx %arg6[%broadcast_in_dim3A_1380, %add3A_1902] : memref<1280x64xf32, #tpu.memory_space<vmem>>[vector<16xi32>, vector<16xi32>], vector<16xf32>,
        %add3A_1904 = vector.broadcast %add3A_1885 : i32 to vector<16xi32>
        %add3A_1905 = arith.addi %add3A_807, %add3A_1904 : vector<16xi32>
        %gather3A_1906 = tpu.vector_load_idx %arg6[%broadcast_in_dim3A_1380, %add3A_1905] : memref<1280x64xf32, #tpu.memory_space<vmem>>[vector<16xi32>, vector<16xi32>], vector<16xf32>,
        %add3A_1907 = vector.broadcast %add3A_1885 : i32 to vector<16xi32>
        %add3A_1908 = arith.addi %add3A_851, %add3A_1907 : vector<16xi32>
        %gather3A_1909 = tpu.vector_load_idx %arg6[%broadcast_in_dim3A_1380, %add3A_1908] : memref<1280x64xf32, #tpu.memory_space<vmem>>[vector<16xi32>, vector<16xi32>], vector<16xf32>,
        %add3A_1910 = vector.broadcast %add3A_1885 : i32 to vector<16xi32>
        %add3A_1911 = arith.addi %add3A_895, %add3A_1910 : vector<16xi32>
        %gather3A_1912 = tpu.vector_load_idx %arg6[%broadcast_in_dim3A_1380, %add3A_1911] : memref<1280x64xf32, #tpu.memory_space<vmem>>[vector<16xi32>, vector<16xi32>], vector<16xf32>,
        %add3A_1913 = vector.broadcast %add3A_1885 : i32 to vector<16xi32>
        %add3A_1914 = arith.addi %add3A_939, %add3A_1913 : vector<16xi32>
        %gather3A_1915 = tpu.vector_load_idx %arg6[%broadcast_in_dim3A_1380, %add3A_1914] : memref<1280x64xf32, #tpu.memory_space<vmem>>[vector<16xi32>, vector<16xi32>], vector<16xf32>,
        %add3A_1916 = vector.broadcast %add3A_1885 : i32 to vector<16xi32>
        %add3A_1917 = arith.addi %add3A_983, %add3A_1916 : vector<16xi32>
        %gather3A_1918 = tpu.vector_load_idx %arg6[%broadcast_in_dim3A_1380, %add3A_1917] : memref<1280x64xf32, #tpu.memory_space<vmem>>[vector<16xi32>, vector<16xi32>], vector<16xf32>,
        %add3A_1919 = vector.broadcast %add3A_1885 : i32 to vector<16xi32>
        %add3A_1920 = arith.addi %add3A_1027, %add3A_1919 : vector<16xi32>
        %gather3A_1921 = tpu.vector_load_idx %arg6[%broadcast_in_dim3A_1380, %add3A_1920] : memref<1280x64xf32, #tpu.memory_space<vmem>>[vector<16xi32>, vector<16xi32>], vector<16xf32>,
        %add3A_1922 = vector.broadcast %add3A_1885 : i32 to vector<16xi32>
        %add3A_1923 = arith.addi %add3A_1071, %add3A_1922 : vector<16xi32>
        %gather3A_1924 = tpu.vector_load_idx %arg6[%broadcast_in_dim3A_1380, %add3A_1923] : memref<1280x64xf32, #tpu.memory_space<vmem>>[vector<16xi32>, vector<16xi32>], vector<16xf32>,
        %add3A_1925 = vector.broadcast %add3A_1885 : i32 to vector<16xi32>
        %add3A_1926 = arith.addi %add3A_1115, %add3A_1925 : vector<16xi32>
        %gather3A_1927 = tpu.vector_load_idx %arg6[%broadcast_in_dim3A_1380, %add3A_1926] : memref<1280x64xf32, #tpu.memory_space<vmem>>[vector<16xi32>, vector<16xi32>], vector<16xf32>,
        %add3A_1928 = vector.broadcast %add3A_1885 : i32 to vector<16xi32>
        %add3A_1929 = arith.addi %add3A_1159, %add3A_1928 : vector<16xi32>
        %gather3A_1930 = tpu.vector_load_idx %arg6[%broadcast_in_dim3A_1380, %add3A_1929] : memref<1280x64xf32, #tpu.memory_space<vmem>>[vector<16xi32>, vector<16xi32>], vector<16xf32>,
        %add3A_1931 = vector.broadcast %add3A_1885 : i32 to vector<16xi32>
        %add3A_1932 = arith.addi %add3A_1203, %add3A_1931 : vector<16xi32>
        %gather3A_1933 = tpu.vector_load_idx %arg6[%broadcast_in_dim3A_1380, %add3A_1932] : memref<1280x64xf32, #tpu.memory_space<vmem>>[vector<16xi32>, vector<16xi32>], vector<16xf32>,
        %add3A_1934 = vector.broadcast %add3A_1885 : i32 to vector<16xi32>
        %add3A_1935 = arith.addi %add3A_1247, %add3A_1934 : vector<16xi32>
        %gather3A_1936 = tpu.vector_load_idx %arg6[%broadcast_in_dim3A_1380, %add3A_1935] : memref<1280x64xf32, #tpu.memory_space<vmem>>[vector<16xi32>, vector<16xi32>], vector<16xf32>,
        %add3A_1937 = vector.broadcast %add3A_1885 : i32 to vector<16xi32>
        %add3A_1938 = arith.addi %add3A_1291, %add3A_1937 : vector<16xi32>
        %gather3A_1939 = tpu.vector_load_idx %arg6[%broadcast_in_dim3A_1380, %add3A_1938] : memref<1280x64xf32, #tpu.memory_space<vmem>>[vector<16xi32>, vector<16xi32>], vector<16xf32>,
        %add3A_1940 = vector.broadcast %add3A_1885 : i32 to vector<16xi32>
        %add3A_1941 = arith.addi %add3A_1335, %add3A_1940 : vector<16xi32>
        %gather3A_1942 = tpu.vector_load_idx %arg6[%broadcast_in_dim3A_1380, %add3A_1941] : memref<1280x64xf32, #tpu.memory_space<vmem>>[vector<16xi32>, vector<16xi32>], vector<16xf32>,
        %add3A_1943 = vector.broadcast %add3A_1885 : i32 to vector<16xi32>
        %add3A_1944 = arith.addi %add3A_1379, %add3A_1943 : vector<16xi32>
        %gather3A_1945 = tpu.vector_load_idx %arg6[%broadcast_in_dim3A_1380, %add3A_1944] : memref<1280x64xf32, #tpu.memory_space<vmem>>[vector<16xi32>, vector<16xi32>], vector<16xf32>,
        %add3A_1946 = arith.addf %gather3A_1888, %gather3A_1891 : vector<16xf32>
        %add3A_1947 = arith.addf %gather3A_1894, %gather3A_1897 : vector<16xf32>
        %add3A_1948 = arith.addf %gather3A_1900, %gather3A_1903 : vector<16xf32>
        %add3A_1949 = arith.addf %gather3A_1906, %gather3A_1909 : vector<16xf32>
        %add3A_1950 = arith.addf %gather3A_1912, %gather3A_1915 : vector<16xf32>
        %add3A_1951 = arith.addf %gather3A_1918, %gather3A_1921 : vector<16xf32>
        %add3A_1952 = arith.addf %gather3A_1924, %gather3A_1927 : vector<16xf32>
        %add3A_1953 = arith.addf %gather3A_1930, %gather3A_1933 : vector<16xf32>
        %add3A_1954 = arith.addf %gather3A_1936, %gather3A_1939 : vector<16xf32>
        %add3A_1955 = arith.addf %gather3A_1942, %gather3A_1945 : vector<16xf32>
        %add3A_1956 = arith.addf %add3A_1946, %add3A_1947 : vector<16xf32>
        %add3A_1957 = arith.addf %add3A_1948, %add3A_1949 : vector<16xf32>
        %add3A_1958 = arith.addf %add3A_1950, %add3A_1951 : vector<16xf32>
        %add3A_1959 = arith.addf %add3A_1952, %add3A_1953 : vector<16xf32>
        %add3A_1960 = arith.addf %add3A_1954, %add3A_1955 : vector<16xf32>
        %add3A_1961 = arith.addf %add3A_1956, %add3A_1957 : vector<16xf32>
        %add3A_1962 = arith.addf %add3A_1958, %add3A_1959 : vector<16xf32>
        %add3A_1963 = arith.addf %add3A_1961, %add3A_1962 : vector<16xf32>
        %add3A_1964 = arith.addf %add3A_1963, %add3A_1960 : vector<16xf32>
        %mul3A_1965 = arith.constant 128 : i32
        %mul3A_1966 = arith.muli %scan3A_1778, %mul3A_1965 : i32
        %add3A_1967 = arith.constant 16 : i32
        %add3A_1968 = arith.addi %mul3A_1966, %add3A_1967 : i32
        %swap3A_1969 = arith.index_cast %rem3A_1710 : i32 to index
        %swap3A_1970 = arith.index_cast %add3A_1968 : i32 to index
        %swap3A_1971 = tpu.vector_load %arg8[%swap3A_1969, %swap3A_1970] {strides = array<i32>} : memref<2x4096xf32, #tpu.memory_space<vmem>>, vector<16xf32>,
        tpu.vector_store %arg8[%swap3A_1969, %swap3A_1970], %add3A_1964 {strides = array<i32>} : memref<2x4096xf32, #tpu.memory_space<vmem>>, vector<16xf32>,
        %mul3A_1972 = arith.constant 32 : i32
        %mul3A_1973 = arith.muli %rem3A_1710, %mul3A_1972 : i32
        %add3A_1974 = arith.addi %mul3A_1973, %scan3A_1778 : i32
        %get3A_1975 = arith.index_cast %add3A_1974 : i32 to index
        %get3A_1976 = arith.constant 16 : index
        %get3A_1977 = tpu.vector_load %arg7[%get3A_1975, %get3A_1976] {strides = array<i32>} : memref<64x64xf32, #tpu.memory_space<vmem>>, vector<16xf32>,
        %mul3A_1978 = arith.constant 128 : i32
        %mul3A_1979 = arith.muli %scan3A_1778, %mul3A_1978 : i32
        %add3A_1980 = arith.constant 64 : i32
        %add3A_1981 = arith.addi %mul3A_1979, %add3A_1980 : i32
        %add3A_1982 = arith.constant 16 : i32
        %add3A_1983 = arith.addi %add3A_1981, %add3A_1982 : i32
        %swap3A_1984 = arith.index_cast %rem3A_1710 : i32 to index
        %swap3A_1985 = arith.index_cast %add3A_1983 : i32 to index
        %swap3A_1986 = tpu.vector_load %arg8[%swap3A_1984, %swap3A_1985] {strides = array<i32>} : memref<2x4096xf32, #tpu.memory_space<vmem>>, vector<16xf32>,
        tpu.vector_store %arg8[%swap3A_1984, %swap3A_1985], %get3A_1977 {strides = array<i32>} : memref<2x4096xf32, #tpu.memory_space<vmem>>, vector<16xf32>,
        %add3A_1987 = arith.constant 20480 : i32
        %add3A_1988 = arith.addi %add3A_1783, %add3A_1987 : i32
        %add3A_1989 = vector.broadcast %add3A_1988 : i32 to vector<16xi32>
        %add3A_1990 = arith.addi %add3A_543, %add3A_1989 : vector<16xi32>
        %gather3A_1991 = tpu.vector_load_idx %arg6[%broadcast_in_dim3A_1380, %add3A_1990] : memref<1280x64xf32, #tpu.memory_space<vmem>>[vector<16xi32>, vector<16xi32>], vector<16xf32>,
        %add3A_1992 = vector.broadcast %add3A_1988 : i32 to vector<16xi32>
        %add3A_1993 = arith.addi %add3A_587, %add3A_1992 : vector<16xi32>
        %gather3A_1994 = tpu.vector_load_idx %arg6[%broadcast_in_dim3A_1380, %add3A_1993] : memref<1280x64xf32, #tpu.memory_space<vmem>>[vector<16xi32>, vector<16xi32>], vector<16xf32>,
        %add3A_1995 = vector.broadcast %add3A_1988 : i32 to vector<16xi32>
        %add3A_1996 = arith.addi %add3A_631, %add3A_1995 : vector<16xi32>
        %gather3A_1997 = tpu.vector_load_idx %arg6[%broadcast_in_dim3A_1380, %add3A_1996] : memref<1280x64xf32, #tpu.memory_space<vmem>>[vector<16xi32>, vector<16xi32>], vector<16xf32>,
        %add3A_1998 = vector.broadcast %add3A_1988 : i32 to vector<16xi32>
        %add3A_1999 = arith.addi %add3A_675, %add3A_1998 : vector<16xi32>
        %gather3A_2000 = tpu.vector_load_idx %arg6[%broadcast_in_dim3A_1380, %add3A_1999] : memref<1280x64xf32, #tpu.memory_space<vmem>>[vector<16xi32>, vector<16xi32>], vector<16xf32>,
        %add3A_2001 = vector.broadcast %add3A_1988 : i32 to vector<16xi32>
        %add3A_2002 = arith.addi %add3A_719, %add3A_2001 : vector<16xi32>
        %gather3A_2003 = tpu.vector_load_idx %arg6[%broadcast_in_dim3A_1380, %add3A_2002] : memref<1280x64xf32, #tpu.memory_space<vmem>>[vector<16xi32>, vector<16xi32>], vector<16xf32>,
        %add3A_2004 = vector.broadcast %add3A_1988 : i32 to vector<16xi32>
        %add3A_2005 = arith.addi %add3A_763, %add3A_2004 : vector<16xi32>
        %gather3A_2006 = tpu.vector_load_idx %arg6[%broadcast_in_dim3A_1380, %add3A_2005] : memref<1280x64xf32, #tpu.memory_space<vmem>>[vector<16xi32>, vector<16xi32>], vector<16xf32>,
        %add3A_2007 = vector.broadcast %add3A_1988 : i32 to vector<16xi32>
        %add3A_2008 = arith.addi %add3A_807, %add3A_2007 : vector<16xi32>
        %gather3A_2009 = tpu.vector_load_idx %arg6[%broadcast_in_dim3A_1380, %add3A_2008] : memref<1280x64xf32, #tpu.memory_space<vmem>>[vector<16xi32>, vector<16xi32>], vector<16xf32>,
        %add3A_2010 = vector.broadcast %add3A_1988 : i32 to vector<16xi32>
        %add3A_2011 = arith.addi %add3A_851, %add3A_2010 : vector<16xi32>
        %gather3A_2012 = tpu.vector_load_idx %arg6[%broadcast_in_dim3A_1380, %add3A_2011] : memref<1280x64xf32, #tpu.memory_space<vmem>>[vector<16xi32>, vector<16xi32>], vector<16xf32>,
        %add3A_2013 = vector.broadcast %add3A_1988 : i32 to vector<16xi32>
        %add3A_2014 = arith.addi %add3A_895, %add3A_2013 : vector<16xi32>
        %gather3A_2015 = tpu.vector_load_idx %arg6[%broadcast_in_dim3A_1380, %add3A_2014] : memref<1280x64xf32, #tpu.memory_space<vmem>>[vector<16xi32>, vector<16xi32>], vector<16xf32>,
        %add3A_2016 = vector.broadcast %add3A_1988 : i32 to vector<16xi32>
        %add3A_2017 = arith.addi %add3A_939, %add3A_2016 : vector<16xi32>
        %gather3A_2018 = tpu.vector_load_idx %arg6[%broadcast_in_dim3A_1380, %add3A_2017] : memref<1280x64xf32, #tpu.memory_space<vmem>>[vector<16xi32>, vector<16xi32>], vector<16xf32>,
        %add3A_2019 = vector.broadcast %add3A_1988 : i32 to vector<16xi32>
        %add3A_2020 = arith.addi %add3A_983, %add3A_2019 : vector<16xi32>
        %gather3A_2021 = tpu.vector_load_idx %arg6[%broadcast_in_dim3A_1380, %add3A_2020] : memref<1280x64xf32, #tpu.memory_space<vmem>>[vector<16xi32>, vector<16xi32>], vector<16xf32>,
        %add3A_2022 = vector.broadcast %add3A_1988 : i32 to vector<16xi32>
        %add3A_2023 = arith.addi %add3A_1027, %add3A_2022 : vector<16xi32>
        %gather3A_2024 = tpu.vector_load_idx %arg6[%broadcast_in_dim3A_1380, %add3A_2023] : memref<1280x64xf32, #tpu.memory_space<vmem>>[vector<16xi32>, vector<16xi32>], vector<16xf32>,
        %add3A_2025 = vector.broadcast %add3A_1988 : i32 to vector<16xi32>
        %add3A_2026 = arith.addi %add3A_1071, %add3A_2025 : vector<16xi32>
        %gather3A_2027 = tpu.vector_load_idx %arg6[%broadcast_in_dim3A_1380, %add3A_2026] : memref<1280x64xf32, #tpu.memory_space<vmem>>[vector<16xi32>, vector<16xi32>], vector<16xf32>,
        %add3A_2028 = vector.broadcast %add3A_1988 : i32 to vector<16xi32>
        %add3A_2029 = arith.addi %add3A_1115, %add3A_2028 : vector<16xi32>
        %gather3A_2030 = tpu.vector_load_idx %arg6[%broadcast_in_dim3A_1380, %add3A_2029] : memref<1280x64xf32, #tpu.memory_space<vmem>>[vector<16xi32>, vector<16xi32>], vector<16xf32>,
        %add3A_2031 = vector.broadcast %add3A_1988 : i32 to vector<16xi32>
        %add3A_2032 = arith.addi %add3A_1159, %add3A_2031 : vector<16xi32>
        %gather3A_2033 = tpu.vector_load_idx %arg6[%broadcast_in_dim3A_1380, %add3A_2032] : memref<1280x64xf32, #tpu.memory_space<vmem>>[vector<16xi32>, vector<16xi32>], vector<16xf32>,
        %add3A_2034 = vector.broadcast %add3A_1988 : i32 to vector<16xi32>
        %add3A_2035 = arith.addi %add3A_1203, %add3A_2034 : vector<16xi32>
        %gather3A_2036 = tpu.vector_load_idx %arg6[%broadcast_in_dim3A_1380, %add3A_2035] : memref<1280x64xf32, #tpu.memory_space<vmem>>[vector<16xi32>, vector<16xi32>], vector<16xf32>,
        %add3A_2037 = vector.broadcast %add3A_1988 : i32 to vector<16xi32>
        %add3A_2038 = arith.addi %add3A_1247, %add3A_2037 : vector<16xi32>
        %gather3A_2039 = tpu.vector_load_idx %arg6[%broadcast_in_dim3A_1380, %add3A_2038] : memref<1280x64xf32, #tpu.memory_space<vmem>>[vector<16xi32>, vector<16xi32>], vector<16xf32>,
        %add3A_2040 = vector.broadcast %add3A_1988 : i32 to vector<16xi32>
        %add3A_2041 = arith.addi %add3A_1291, %add3A_2040 : vector<16xi32>
        %gather3A_2042 = tpu.vector_load_idx %arg6[%broadcast_in_dim3A_1380, %add3A_2041] : memref<1280x64xf32, #tpu.memory_space<vmem>>[vector<16xi32>, vector<16xi32>], vector<16xf32>,
        %add3A_2043 = vector.broadcast %add3A_1988 : i32 to vector<16xi32>
        %add3A_2044 = arith.addi %add3A_1335, %add3A_2043 : vector<16xi32>
        %gather3A_2045 = tpu.vector_load_idx %arg6[%broadcast_in_dim3A_1380, %add3A_2044] : memref<1280x64xf32, #tpu.memory_space<vmem>>[vector<16xi32>, vector<16xi32>], vector<16xf32>,
        %add3A_2046 = vector.broadcast %add3A_1988 : i32 to vector<16xi32>
        %add3A_2047 = arith.addi %add3A_1379, %add3A_2046 : vector<16xi32>
        %gather3A_2048 = tpu.vector_load_idx %arg6[%broadcast_in_dim3A_1380, %add3A_2047] : memref<1280x64xf32, #tpu.memory_space<vmem>>[vector<16xi32>, vector<16xi32>], vector<16xf32>,
        %add3A_2049 = arith.addf %gather3A_1991, %gather3A_1994 : vector<16xf32>
        %add3A_2050 = arith.addf %gather3A_1997, %gather3A_2000 : vector<16xf32>
        %add3A_2051 = arith.addf %gather3A_2003, %gather3A_2006 : vector<16xf32>
        %add3A_2052 = arith.addf %gather3A_2009, %gather3A_2012 : vector<16xf32>
        %add3A_2053 = arith.addf %gather3A_2015, %gather3A_2018 : vector<16xf32>
        %add3A_2054 = arith.addf %gather3A_2021, %gather3A_2024 : vector<16xf32>
        %add3A_2055 = arith.addf %gather3A_2027, %gather3A_2030 : vector<16xf32>
        %add3A_2056 = arith.addf %gather3A_2033, %gather3A_2036 : vector<16xf32>
        %add3A_2057 = arith.addf %gather3A_2039, %gather3A_2042 : vector<16xf32>
        %add3A_2058 = arith.addf %gather3A_2045, %gather3A_2048 : vector<16xf32>
        %add3A_2059 = arith.addf %add3A_2049, %add3A_2050 : vector<16xf32>
        %add3A_2060 = arith.addf %add3A_2051, %add3A_2052 : vector<16xf32>
        %add3A_2061 = arith.addf %add3A_2053, %add3A_2054 : vector<16xf32>
        %add3A_2062 = arith.addf %add3A_2055, %add3A_2056 : vector<16xf32>
        %add3A_2063 = arith.addf %add3A_2057, %add3A_2058 : vector<16xf32>
        %add3A_2064 = arith.addf %add3A_2059, %add3A_2060 : vector<16xf32>
        %add3A_2065 = arith.addf %add3A_2061, %add3A_2062 : vector<16xf32>
        %add3A_2066 = arith.addf %add3A_2064, %add3A_2065 : vector<16xf32>
        %add3A_2067 = arith.addf %add3A_2066, %add3A_2063 : vector<16xf32>
        %mul3A_2068 = arith.constant 128 : i32
        %mul3A_2069 = arith.muli %scan3A_1778, %mul3A_2068 : i32
        %add3A_2070 = arith.constant 32 : i32
        %add3A_2071 = arith.addi %mul3A_2069, %add3A_2070 : i32
        %swap3A_2072 = arith.index_cast %rem3A_1710 : i32 to index
        %swap3A_2073 = arith.index_cast %add3A_2071 : i32 to index
        %swap3A_2074 = tpu.vector_load %arg8[%swap3A_2072, %swap3A_2073] {strides = array<i32>} : memref<2x4096xf32, #tpu.memory_space<vmem>>, vector<16xf32>,
        tpu.vector_store %arg8[%swap3A_2072, %swap3A_2073], %add3A_2067 {strides = array<i32>} : memref<2x4096xf32, #tpu.memory_space<vmem>>, vector<16xf32>,
        %mul3A_2075 = arith.constant 32 : i32
        %mul3A_2076 = arith.muli %rem3A_1710, %mul3A_2075 : i32
        %add3A_2077 = arith.addi %mul3A_2076, %scan3A_1778 : i32
        %get3A_2078 = arith.index_cast %add3A_2077 : i32 to index
        %get3A_2079 = arith.constant 32 : index
        %get3A_2080 = tpu.vector_load %arg7[%get3A_2078, %get3A_2079] {strides = array<i32>} : memref<64x64xf32, #tpu.memory_space<vmem>>, vector<16xf32>,
        %mul3A_2081 = arith.constant 128 : i32
        %mul3A_2082 = arith.muli %scan3A_1778, %mul3A_2081 : i32
        %add3A_2083 = arith.constant 64 : i32
        %add3A_2084 = arith.addi %mul3A_2082, %add3A_2083 : i32
        %add3A_2085 = arith.constant 32 : i32
        %add3A_2086 = arith.addi %add3A_2084, %add3A_2085 : i32
        %swap3A_2087 = arith.index_cast %rem3A_1710 : i32 to index
        %swap3A_2088 = arith.index_cast %add3A_2086 : i32 to index
        %swap3A_2089 = tpu.vector_load %arg8[%swap3A_2087, %swap3A_2088] {strides = array<i32>} : memref<2x4096xf32, #tpu.memory_space<vmem>>, vector<16xf32>,
        tpu.vector_store %arg8[%swap3A_2087, %swap3A_2088], %get3A_2080 {strides = array<i32>} : memref<2x4096xf32, #tpu.memory_space<vmem>>, vector<16xf32>,
        %add3A_2090 = arith.constant 30720 : i32
        %add3A_2091 = arith.addi %add3A_1783, %add3A_2090 : i32
        %add3A_2092 = vector.broadcast %add3A_2091 : i32 to vector<16xi32>
        %add3A_2093 = arith.addi %add3A_543, %add3A_2092 : vector<16xi32>
        %gather3A_2094 = tpu.vector_load_idx %arg6[%broadcast_in_dim3A_1380, %add3A_2093] : memref<1280x64xf32, #tpu.memory_space<vmem>>[vector<16xi32>, vector<16xi32>], vector<16xf32>,
        %add3A_2095 = vector.broadcast %add3A_2091 : i32 to vector<16xi32>
        %add3A_2096 = arith.addi %add3A_587, %add3A_2095 : vector<16xi32>
        %gather3A_2097 = tpu.vector_load_idx %arg6[%broadcast_in_dim3A_1380, %add3A_2096] : memref<1280x64xf32, #tpu.memory_space<vmem>>[vector<16xi32>, vector<16xi32>], vector<16xf32>,
        %add3A_2098 = vector.broadcast %add3A_2091 : i32 to vector<16xi32>
        %add3A_2099 = arith.addi %add3A_631, %add3A_2098 : vector<16xi32>
        %gather3A_2100 = tpu.vector_load_idx %arg6[%broadcast_in_dim3A_1380, %add3A_2099] : memref<1280x64xf32, #tpu.memory_space<vmem>>[vector<16xi32>, vector<16xi32>], vector<16xf32>,
        %add3A_2101 = vector.broadcast %add3A_2091 : i32 to vector<16xi32>
        %add3A_2102 = arith.addi %add3A_675, %add3A_2101 : vector<16xi32>
        %gather3A_2103 = tpu.vector_load_idx %arg6[%broadcast_in_dim3A_1380, %add3A_2102] : memref<1280x64xf32, #tpu.memory_space<vmem>>[vector<16xi32>, vector<16xi32>], vector<16xf32>,
        %add3A_2104 = vector.broadcast %add3A_2091 : i32 to vector<16xi32>
        %add3A_2105 = arith.addi %add3A_719, %add3A_2104 : vector<16xi32>
        %gather3A_2106 = tpu.vector_load_idx %arg6[%broadcast_in_dim3A_1380, %add3A_2105] : memref<1280x64xf32, #tpu.memory_space<vmem>>[vector<16xi32>, vector<16xi32>], vector<16xf32>,
        %add3A_2107 = vector.broadcast %add3A_2091 : i32 to vector<16xi32>
        %add3A_2108 = arith.addi %add3A_763, %add3A_2107 : vector<16xi32>
        %gather3A_2109 = tpu.vector_load_idx %arg6[%broadcast_in_dim3A_1380, %add3A_2108] : memref<1280x64xf32, #tpu.memory_space<vmem>>[vector<16xi32>, vector<16xi32>], vector<16xf32>,
        %add3A_2110 = vector.broadcast %add3A_2091 : i32 to vector<16xi32>
        %add3A_2111 = arith.addi %add3A_807, %add3A_2110 : vector<16xi32>
        %gather3A_2112 = tpu.vector_load_idx %arg6[%broadcast_in_dim3A_1380, %add3A_2111] : memref<1280x64xf32, #tpu.memory_space<vmem>>[vector<16xi32>, vector<16xi32>], vector<16xf32>,
        %add3A_2113 = vector.broadcast %add3A_2091 : i32 to vector<16xi32>
        %add3A_2114 = arith.addi %add3A_851, %add3A_2113 : vector<16xi32>
        %gather3A_2115 = tpu.vector_load_idx %arg6[%broadcast_in_dim3A_1380, %add3A_2114] : memref<1280x64xf32, #tpu.memory_space<vmem>>[vector<16xi32>, vector<16xi32>], vector<16xf32>,
        %add3A_2116 = vector.broadcast %add3A_2091 : i32 to vector<16xi32>
        %add3A_2117 = arith.addi %add3A_895, %add3A_2116 : vector<16xi32>
        %gather3A_2118 = tpu.vector_load_idx %arg6[%broadcast_in_dim3A_1380, %add3A_2117] : memref<1280x64xf32, #tpu.memory_space<vmem>>[vector<16xi32>, vector<16xi32>], vector<16xf32>,
        %add3A_2119 = vector.broadcast %add3A_2091 : i32 to vector<16xi32>
        %add3A_2120 = arith.addi %add3A_939, %add3A_2119 : vector<16xi32>
        %gather3A_2121 = tpu.vector_load_idx %arg6[%broadcast_in_dim3A_1380, %add3A_2120] : memref<1280x64xf32, #tpu.memory_space<vmem>>[vector<16xi32>, vector<16xi32>], vector<16xf32>,
        %add3A_2122 = vector.broadcast %add3A_2091 : i32 to vector<16xi32>
        %add3A_2123 = arith.addi %add3A_983, %add3A_2122 : vector<16xi32>
        %gather3A_2124 = tpu.vector_load_idx %arg6[%broadcast_in_dim3A_1380, %add3A_2123] : memref<1280x64xf32, #tpu.memory_space<vmem>>[vector<16xi32>, vector<16xi32>], vector<16xf32>,
        %add3A_2125 = vector.broadcast %add3A_2091 : i32 to vector<16xi32>
        %add3A_2126 = arith.addi %add3A_1027, %add3A_2125 : vector<16xi32>
        %gather3A_2127 = tpu.vector_load_idx %arg6[%broadcast_in_dim3A_1380, %add3A_2126] : memref<1280x64xf32, #tpu.memory_space<vmem>>[vector<16xi32>, vector<16xi32>], vector<16xf32>,
        %add3A_2128 = vector.broadcast %add3A_2091 : i32 to vector<16xi32>
        %add3A_2129 = arith.addi %add3A_1071, %add3A_2128 : vector<16xi32>
        %gather3A_2130 = tpu.vector_load_idx %arg6[%broadcast_in_dim3A_1380, %add3A_2129] : memref<1280x64xf32, #tpu.memory_space<vmem>>[vector<16xi32>, vector<16xi32>], vector<16xf32>,
        %add3A_2131 = vector.broadcast %add3A_2091 : i32 to vector<16xi32>
        %add3A_2132 = arith.addi %add3A_1115, %add3A_2131 : vector<16xi32>
        %gather3A_2133 = tpu.vector_load_idx %arg6[%broadcast_in_dim3A_1380, %add3A_2132] : memref<1280x64xf32, #tpu.memory_space<vmem>>[vector<16xi32>, vector<16xi32>], vector<16xf32>,
        %add3A_2134 = vector.broadcast %add3A_2091 : i32 to vector<16xi32>
        %add3A_2135 = arith.addi %add3A_1159, %add3A_2134 : vector<16xi32>
        %gather3A_2136 = tpu.vector_load_idx %arg6[%broadcast_in_dim3A_1380, %add3A_2135] : memref<1280x64xf32, #tpu.memory_space<vmem>>[vector<16xi32>, vector<16xi32>], vector<16xf32>,
        %add3A_2137 = vector.broadcast %add3A_2091 : i32 to vector<16xi32>
        %add3A_2138 = arith.addi %add3A_1203, %add3A_2137 : vector<16xi32>
        %gather3A_2139 = tpu.vector_load_idx %arg6[%broadcast_in_dim3A_1380, %add3A_2138] : memref<1280x64xf32, #tpu.memory_space<vmem>>[vector<16xi32>, vector<16xi32>], vector<16xf32>,
        %add3A_2140 = vector.broadcast %add3A_2091 : i32 to vector<16xi32>
        %add3A_2141 = arith.addi %add3A_1247, %add3A_2140 : vector<16xi32>
        %gather3A_2142 = tpu.vector_load_idx %arg6[%broadcast_in_dim3A_1380, %add3A_2141] : memref<1280x64xf32, #tpu.memory_space<vmem>>[vector<16xi32>, vector<16xi32>], vector<16xf32>,
        %add3A_2143 = vector.broadcast %add3A_2091 : i32 to vector<16xi32>
        %add3A_2144 = arith.addi %add3A_1291, %add3A_2143 : vector<16xi32>
        %gather3A_2145 = tpu.vector_load_idx %arg6[%broadcast_in_dim3A_1380, %add3A_2144] : memref<1280x64xf32, #tpu.memory_space<vmem>>[vector<16xi32>, vector<16xi32>], vector<16xf32>,
        %add3A_2146 = vector.broadcast %add3A_2091 : i32 to vector<16xi32>
        %add3A_2147 = arith.addi %add3A_1335, %add3A_2146 : vector<16xi32>
        %gather3A_2148 = tpu.vector_load_idx %arg6[%broadcast_in_dim3A_1380, %add3A_2147] : memref<1280x64xf32, #tpu.memory_space<vmem>>[vector<16xi32>, vector<16xi32>], vector<16xf32>,
        %add3A_2149 = vector.broadcast %add3A_2091 : i32 to vector<16xi32>
        %add3A_2150 = arith.addi %add3A_1379, %add3A_2149 : vector<16xi32>
        %gather3A_2151 = tpu.vector_load_idx %arg6[%broadcast_in_dim3A_1380, %add3A_2150] : memref<1280x64xf32, #tpu.memory_space<vmem>>[vector<16xi32>, vector<16xi32>], vector<16xf32>,
        %add3A_2152 = arith.addf %gather3A_2094, %gather3A_2097 : vector<16xf32>
        %add3A_2153 = arith.addf %gather3A_2100, %gather3A_2103 : vector<16xf32>
        %add3A_2154 = arith.addf %gather3A_2106, %gather3A_2109 : vector<16xf32>
        %add3A_2155 = arith.addf %gather3A_2112, %gather3A_2115 : vector<16xf32>
        %add3A_2156 = arith.addf %gather3A_2118, %gather3A_2121 : vector<16xf32>
        %add3A_2157 = arith.addf %gather3A_2124, %gather3A_2127 : vector<16xf32>
        %add3A_2158 = arith.addf %gather3A_2130, %gather3A_2133 : vector<16xf32>
        %add3A_2159 = arith.addf %gather3A_2136, %gather3A_2139 : vector<16xf32>
        %add3A_2160 = arith.addf %gather3A_2142, %gather3A_2145 : vector<16xf32>
        %add3A_2161 = arith.addf %gather3A_2148, %gather3A_2151 : vector<16xf32>
        %add3A_2162 = arith.addf %add3A_2152, %add3A_2153 : vector<16xf32>
        %add3A_2163 = arith.addf %add3A_2154, %add3A_2155 : vector<16xf32>
        %add3A_2164 = arith.addf %add3A_2156, %add3A_2157 : vector<16xf32>
        %add3A_2165 = arith.addf %add3A_2158, %add3A_2159 : vector<16xf32>
        %add3A_2166 = arith.addf %add3A_2160, %add3A_2161 : vector<16xf32>
        %add3A_2167 = arith.addf %add3A_2162, %add3A_2163 : vector<16xf32>
        %add3A_2168 = arith.addf %add3A_2164, %add3A_2165 : vector<16xf32>
        %add3A_2169 = arith.addf %add3A_2167, %add3A_2168 : vector<16xf32>
        %add3A_2170 = arith.addf %add3A_2169, %add3A_2166 : vector<16xf32>
        %mul3A_2171 = arith.constant 128 : i32
        %mul3A_2172 = arith.muli %scan3A_1778, %mul3A_2171 : i32
        %add3A_2173 = arith.constant 48 : i32
        %add3A_2174 = arith.addi %mul3A_2172, %add3A_2173 : i32
        %swap3A_2175 = arith.index_cast %rem3A_1710 : i32 to index
        %swap3A_2176 = arith.index_cast %add3A_2174 : i32 to index
        %swap3A_2177 = tpu.vector_load %arg8[%swap3A_2175, %swap3A_2176] {strides = array<i32>} : memref<2x4096xf32, #tpu.memory_space<vmem>>, vector<16xf32>,
        tpu.vector_store %arg8[%swap3A_2175, %swap3A_2176], %add3A_2170 {strides = array<i32>} : memref<2x4096xf32, #tpu.memory_space<vmem>>, vector<16xf32>,
        %mul3A_2178 = arith.constant 32 : i32
        %mul3A_2179 = arith.muli %rem3A_1710, %mul3A_2178 : i32
        %add3A_2180 = arith.addi %mul3A_2179, %scan3A_1778 : i32
        %get3A_2181 = arith.index_cast %add3A_2180 : i32 to index
        %get3A_2182 = arith.constant 48 : index
        %get3A_2183 = tpu.vector_load %arg7[%get3A_2181, %get3A_2182] {strides = array<i32>} : memref<64x64xf32, #tpu.memory_space<vmem>>, vector<16xf32>,
        %mul3A_2184 = arith.constant 128 : i32
        %mul3A_2185 = arith.muli %scan3A_1778, %mul3A_2184 : i32
        %add3A_2186 = arith.constant 64 : i32
        %add3A_2187 = arith.addi %mul3A_2185, %add3A_2186 : i32
        %add3A_2188 = arith.constant 48 : i32
        %add3A_2189 = arith.addi %add3A_2187, %add3A_2188 : i32
        %swap3A_2190 = arith.index_cast %rem3A_1710 : i32 to index
        %swap3A_2191 = arith.index_cast %add3A_2189 : i32 to index
        %swap3A_2192 = tpu.vector_load %arg8[%swap3A_2190, %swap3A_2191] {strides = array<i32>} : memref<2x4096xf32, #tpu.memory_space<vmem>>, vector<16xf32>,
        tpu.vector_store %arg8[%swap3A_2190, %swap3A_2191], %get3A_2183 {strides = array<i32>} : memref<2x4096xf32, #tpu.memory_space<vmem>>, vector<16xf32>,
      }
      %scan3A_1764 = arith.constant 32 : i32
      %mul3A_1765 = arith.constant 32 : i32
      %mul3A_1766 = arith.muli %scan3A_1708, %mul3A_1765 : i32
      %add3A_1767 = arith.addi %mul3A_2, %mul3A_1766 : i32
      %mul3A_1768 = arith.constant 128 : i32
      %mul3A_1769 = arith.muli %add3A_1767, %mul3A_1768 : i32
      %dma_start3A_1770 = arith.constant 0 : i32
      %dma_start3A_1771 = tpu.memref_slice %arg8[%rem3A_1710, %dma_start3A_1770] : memref<2x4096xf32, #tpu.memory_space<vmem>> -> memref<1x4096xf32, #tpu.memory_space<vmem>>
      %dma_start3A_1772 = tpu.memref_squeeze %dma_start3A_1771 : memref<1x4096xf32, #tpu.memory_space<vmem>> -> memref<4096xf32, #tpu.memory_space<vmem>>
      %dma_start3A_1773 = tpu.memref_slice %arg4[%mul3A_1769] : memref<4194304xf32, #tpu.memory_space<hbm>> -> memref<4096xf32, #tpu.memory_space<hbm>>
      %dma_start3A_1774 = tpu.memref_slice %arg4[%mul3A_1769] : memref<4194304xf32, #tpu.memory_space<hbm>> -> memref<4096xf32, #tpu.memory_space<hbm>>
      %dma_start3A_1775 = arith.constant 0 : i32
      %dma_start3A_1776 = tpu.memref_slice %arg8[%rem3A_1710, %dma_start3A_1775] : memref<2x4096xf32, #tpu.memory_space<vmem>> -> memref<1x4096xf32, #tpu.memory_space<vmem>>
      %dma_start3A_1777 = tpu.memref_squeeze %dma_start3A_1776 : memref<1x4096xf32, #tpu.memory_space<vmem>> -> memref<4096xf32, #tpu.memory_space<vmem>>
      tpu.enqueue_dma source(%dma_start3A_1777 : memref<4096xf32, #tpu.memory_space<vmem>>) target(%dma_start3A_1774 : memref<4096xf32, #tpu.memory_space<hbm>>) target_semaphore(%arg10 : memref<!tpu.dma_semaphore, #tpu.memory_space<semaphore_mem>>)
    }
    %scan3A_1685 = arith.constant 32 : i32
    %dma_wait3A_1686 = arith.constant 0 : i32
    %dma_wait3A_1687 = arith.constant 0 : i32
    %dma_wait3A_1688 = tpu.memref_slice %arg8[%dma_wait3A_1686, %dma_wait3A_1687] : memref<2x4096xf32, #tpu.memory_space<vmem>> -> memref<1x4096xf32, #tpu.memory_space<vmem>>
    %dma_wait3A_1689 = tpu.memref_squeeze %dma_wait3A_1688 : memref<1x4096xf32, #tpu.memory_space<vmem>> -> memref<4096xf32, #tpu.memory_space<vmem>>
    %dma_wait3A_1690 = arith.constant 0 : i32
    %dma_wait3A_1691 = tpu.memref_slice %arg4[%dma_wait3A_1690] : memref<4194304xf32, #tpu.memory_space<hbm>> -> memref<4096xf32, #tpu.memory_space<hbm>>
    %dma_wait3A_1692 = arith.constant 0 : i32
    %dma_wait3A_1693 = tpu.memref_slice %arg4[%dma_wait3A_1692] : memref<4194304xf32, #tpu.memory_space<hbm>> -> memref<4096xf32, #tpu.memory_space<hbm>>
    %dma_wait3A_1694 = arith.constant 0 : i32
    %dma_wait3A_1695 = tpu.memref_slice %arg8[%dma_wait3A_1686, %dma_wait3A_1694] : memref<2x4096xf32, #tpu.memory_space<vmem>> -> memref<1x4096xf32, #tpu.memory_space<vmem>>
    %dma_wait3A_1696 = tpu.memref_squeeze %dma_wait3A_1695 : memref<1x4096xf32, #tpu.memory_space<vmem>> -> memref<4096xf32, #tpu.memory_space<vmem>>
    tpu.wait_dma2 semaphore(%arg10 : memref<!tpu.dma_semaphore, #tpu.memory_space<semaphore_mem>>) src(%dma_wait3A_1696 : memref<4096xf32, #tpu.memory_space<vmem>>) dst(%dma_wait3A_1693 : memref<4096xf32, #tpu.memory_space<hbm>>)
    %dma_wait3A_1697 = arith.constant 0 : i32
    %dma_wait3A_1698 = arith.constant 0 : i32
    %dma_wait3A_1699 = tpu.memref_slice %arg8[%dma_wait3A_1697, %dma_wait3A_1698] : memref<2x4096xf32, #tpu.memory_space<vmem>> -> memref<1x4096xf32, #tpu.memory_space<vmem>>
    %dma_wait3A_1700 = tpu.memref_squeeze %dma_wait3A_1699 : memref<1x4096xf32, #tpu.memory_space<vmem>> -> memref<4096xf32, #tpu.memory_space<vmem>>
    %dma_wait3A_1701 = arith.constant 0 : i32
    %dma_wait3A_1702 = tpu.memref_slice %arg4[%dma_wait3A_1701] : memref<4194304xf32, #tpu.memory_space<hbm>> -> memref<4096xf32, #tpu.memory_space<hbm>>
    %dma_wait3A_1703 = arith.constant 0 : i32
    %dma_wait3A_1704 = tpu.memref_slice %arg4[%dma_wait3A_1703] : memref<4194304xf32, #tpu.memory_space<hbm>> -> memref<4096xf32, #tpu.memory_space<hbm>>
    %dma_wait3A_1705 = arith.constant 0 : i32
    %dma_wait3A_1706 = tpu.memref_slice %arg8[%dma_wait3A_1697, %dma_wait3A_1705] : memref<2x4096xf32, #tpu.memory_space<vmem>> -> memref<1x4096xf32, #tpu.memory_space<vmem>>
    %dma_wait3A_1707 = tpu.memref_squeeze %dma_wait3A_1706 : memref<1x4096xf32, #tpu.memory_space<vmem>> -> memref<4096xf32, #tpu.memory_space<vmem>>
    tpu.wait_dma2 semaphore(%arg10 : memref<!tpu.dma_semaphore, #tpu.memory_space<semaphore_mem>>) src(%dma_wait3A_1707 : memref<4096xf32, #tpu.memory_space<vmem>>) dst(%dma_wait3A_1704 : memref<4096xf32, #tpu.memory_space<hbm>>)
    return
  }
}

module attributes {stable_mosaic.version = 14 : i64} {
  func.func @body(%arg0: i32, %arg1: memref<1024x128xf32, #tpu.memory_space<vmem>>, %arg2: memref<128x64xf32, #tpu.memory_space<vmem>>, %arg3: memref<8x64xf32, #tpu.memory_space<vmem>>, %arg4: memref<1024x64xf32, #tpu.memory_space<vmem>>) attributes {dimension_semantics = [#tpu.dimension_semantics<arbitrary>], iteration_bounds = array<i64: 32>, scalar_prefetch = 0 : i64, scratch_operands = 0 : i64, tpu.core_type = #tpu.core_type<tc>, window_params = [{transform_indices = @transform_0, window_bounds = array<i64: 1024, 128>}, {pipeline_mode = #tpu.pipeline_mode<synchronous>, transform_indices = @transform_1, window_bounds = array<i64: 128, 64>}, {pipeline_mode = #tpu.pipeline_mode<synchronous>, transform_indices = @transform_2, window_bounds = array<i64: 8, 64>}, {transform_indices = @transform_3, window_bounds = array<i64: 1024, 64>}]} {
    %get3A = arith.constant 0 : index
    %get3A_0 = arith.constant 0 : index
    %get3A_1 = vector.load %arg1[%get3A, %get3A_0] : memref<1024x128xf32, #tpu.memory_space<vmem>>, vector<1024x128xf32>
    %get3A_2 = arith.constant 0 : index
    %get3A_3 = arith.constant 0 : index
    %get3A_4 = vector.load %arg2[%get3A_2, %get3A_3] : memref<128x64xf32, #tpu.memory_space<vmem>>, vector<128x64xf32>
    %dot_general3A = arith.constant dense<0.000000e+00> : vector<1024x64xf32>
    %dot_general3A_5 = tpu.matmul %get3A_1, %get3A_4, %dot_general3A {dimension_numbers = #tpu.dot_dimension_numbers<[1], [0], [0], [1], [0, 0, 1, 1], [], []>, transpose_lhs_hint = false} : vector<1024x128xf32>, vector<128x64xf32>, vector<1024x64xf32> -> vector<1024x64xf32>
    %get3A_6 = arith.constant 0 : index
    %get3A_7 = arith.constant 0 : index
    %get3A_8 = vector.load %arg3[%get3A_6, %get3A_7] : memref<8x64xf32, #tpu.memory_space<vmem>>, vector<1x64xf32>
    %add3A = vector.broadcast %get3A_8 : vector<1x64xf32> to vector<1024x64xf32>
    %add3A_9 = arith.addf %dot_general3A_5, %add3A : vector<1024x64xf32>
    %swap3A = arith.constant 0 : index
    %swap3A_10 = arith.constant 0 : index
    %swap3A_11 = vector.load %arg4[%swap3A, %swap3A_10] : memref<1024x64xf32, #tpu.memory_space<vmem>>, vector<1024x64xf32>
    tpu.vector_store %arg4[%swap3A, %swap3A_10], %add3A_9 {strides = array<i32>} : memref<1024x64xf32, #tpu.memory_space<vmem>>, vector<1024x64xf32>,
    return
  }
  func.func @transform_0(%arg0: i32) -> (i32, i32) {
    %c0_i32 = arith.constant 0 : i32
    %c0_i32_0 = arith.constant 0 : i32
    return %arg0, %c0_i32 : i32, i32
  }
  func.func @transform_1(%arg0: i32) -> (i32, i32) {
    %c0_i32 = arith.constant 0 : i32
    %c0_i32_0 = arith.constant 0 : i32
    %c0_i32_1 = arith.constant 0 : i32
    return %c0_i32, %c0_i32_0 : i32, i32
  }
  func.func @transform_2(%arg0: i32) -> (i32, i32) {
    %c0_i32 = arith.constant 0 : i32
    %c0_i32_0 = arith.constant 0 : i32
    %c0_i32_1 = arith.constant 0 : i32
    return %c0_i32, %c0_i32_0 : i32, i32
  }
  func.func @transform_3(%arg0: i32) -> (i32, i32) {
    %c0_i32 = arith.constant 0 : i32
    %c0_i32_0 = arith.constant 0 : i32
    return %arg0, %c0_i32 : i32, i32
  }
}

</mosaic_0001>

<sc_bundles>
// kernel: kernel.4.cloned.1.call-start
scs
__scs_entry_jumppad:
0x0: {  	(pc) =	sbr.rel $0x88, $3  }
0x1: {  	(tag) =	ssettag $0x0;
	lr =	simm.s32 $0x1  }
0x2: {  	[smem:$0x3F9D] =	sst lr;
	_ =	strace $0xD0000000  }
0x3: {  	_ = 	snop  }
0x4: {  	_ = 	snop  }
0x5: {  	_ = 	snop  }
0x6: {  	_ = 	snop  }
0x7: {  	_ = 	snop  }
__scs_overlays_trampoline_lowered:
0x8: {  	[smem:$0x3FAC] =	sst s0  }
0x9: {  	[smem:$0x3FAD] =	sst s1  }
0xa: {  	[smem:$0x3FAE] =	sst s2  }
0xb: {  	[smem:$0x3FAF] =	sst s3  }
0xc: {  	[smem:$0x3FB0] =	sst s4  }
0xd: {  	[smem:$0x3FB1] =	sst s5  }
0xe: {  	[smem:$0x3FB2] =	sst s6  }
0xf: {  	[smem:$0x3FB3] =	sst s7  }
0x10: {  	[smem:$0x3FB4] =	sst s8  }
0x11: {  	[smem:$0x3FB5] =	sst s9;
	s0 =	simm.s32 @!p0 $0x0  }
0x12: {  	s1 =	sld [smem:$0x3F9B];
	s0 =	simm.s32 @p0 $0x1  }
0x13: {  	[smem:$0x3FB6] =	sst s0;
	s0 =	simm.s32 @!p1 $0x0  }
0x14: {  	s2 =	sld [smem:$0x3F9A];
	s0 =	simm.s32 @p1 $0x1  }
0x15: {  	[smem:$0x3FB7] =	sst s0;
	s0 =	simm.s32 @!p2 $0x0  }
0x16: {  	s3 =	sld [smem:$0x3FDB];
	s0 =	simm.s32 @p2 $0x1  }
0x17: {  	s4 =	simm.s32 $0x1BF5;
	[smem:$0x3FB9] =	sst s0  }
0x18: {  	s0 =	sld [smem:$0x3F9C];
	_ =	swait.ge [sflag:s4], $0x0  }
0x19: {  	s7 =	sld [smem:$0x3F9D]  }
0x1a: {  	s8 =	sadd.s32 $0xFFFFE003, lr  }
0x1b: {  	s9 =	sadd.s32 $0xFFFFFEF7, lr;
	s5 =	simm.s32 $0xFFFFFFFF;
	p2 =	slt.u32 s8, $0xFFFFF086  }
0x1c: {  	p1 =	slt.u32 s9, $0xF7A;
	s5 =	simm.s32 @!p2 $0x0  }
0x1d: {  	s5 =	simm.s32 @p1 $0x1;
	p0 =	seq.s32 s7, s2  }
0x1e: {  	s7 =	smul.u32 @!p0 $0xF7A, s2;
	p2 =	seq.s32 @!p0 s5, $0x0  }
0x1f: {  	s9 =	smul.u32 $0xF7A, s1;
	s8 =	simm.s32 @!p0 $0x1BF5;
	p2 =	por !p2, p0  }
0x20: {  	[sflag:s8] =	ssyncset.s32 @!p0 $0xFFFFF086;
	s6 =	sadd.s32 @!p0 s3, s7;
	s7 =	simm.s32 @!p0 $0x108  }
0x21: {  	s3 =	sadd.s32 s3, s9;
	s6 =	sadd.s32 @!p0 $0x88, s6;
	s7 =	simm.s32 @p2 $0x1082  }
0x22: {  	[simem:s7], [sflag:s8] =	dma.local @!p0 [hbm:s6], $0xF7A  }
0x23: {  	s9 =	sor.u32 $0xD0000000, s2;
	s6 =	simm.s32 $0x108;
	_ =	swait.ge @!p0 [sflag:s8], $0x0  }
0x24: {  	s3 =	sadd.s32 $0x88, s3;
	s6 =	simm.s32 @!p1 $0x1082;
	[sflag:s4] =	ssyncset.s32 $0xFFFFF086  }
0x25: {  	[simem:s6], [sflag:s4] =	dma.local [hbm:s3], $0xF7A  }
0x26: {  	[smem:$0x3F9D] =	sst s1;
	(tag) =	ssettag s2;
	_ =	strace s9  }
0x27: {  	s1 =	sld [smem:$0x3FAD]  }
0x28: {  	s2 =	sld [smem:$0x3FAE]  }
0x29: {  	s4 =	sld [smem:$0x3FB0]  }
0x2a: {  	p0 =	seq.s32 s5, $0x0;
	s5 =	sld [smem:$0x3FB1]  }
0x2b: {  	s6 =	sld [smem:$0x3FB2]  }
0x2c: {  	s7 =	sld [smem:$0x3FB3]  }
0x2d: {  	s3 =	simm.s32 $0x108;
	s8 =	sld [smem:$0x3FB4]  }
0x2e: {  	s3 =	simm.s32 @!p0 $0x1082;
	s9 =	sld [smem:$0x3FB5]  }
0x2f: {  	lr =	sadd.s32 s0, s3;
	s0 =	sld [smem:$0x3FAC]  }
0x30: {  	s3 =	sld [smem:$0x3FAF]  }
0x31: {  	[smem:$0x3FB8] =	sst s10  }
0x32: {  	s10 =	sld [smem:$0x3FB6];
	_ =	sdelay $0x3  }
0x33: {  	p0 =	seq.s32 s10, $0x1;
	s10 =	sld [smem:$0x3FB8];
	_ =	sdelay $0x3  }
0x34: {  	[smem:$0x3FB8] =	sst s10  }
0x35: {  	s10 =	sld [smem:$0x3FB7];
	_ =	sdelay $0x3  }
0x36: {  	p1 =	seq.s32 s10, $0x1;
	s10 =	sld [smem:$0x3FB8];
	_ =	sdelay $0x3  }
0x37: {  	[smem:$0x3FB8] =	sst s10  }
0x38: {  	s10 =	sld [smem:$0x3FB9]  }
0x39: {  	_ = 	snop;
	(pc) =	sbr.ind lr, $3  }
0x3a: {  	_ = 	snop  }
0x3b: {  	_ = 	snop  }
0x3c: {  	p2 =	seq.s32 s10, $0x1;
	s10 =	sld [smem:$0x3FB8]  }
0x3d: {  	_ =	shalt  }
0x3e: {  	_ =	shalt  }
0x3f: {  	_ =	shalt  }
0x40: {  	_ =	shalt  }
0x41: {  	_ =	shalt  }
0x42: {  	_ =	shalt  }
0x43: {  	_ =	shalt  }
0x44: {  	_ =	shalt  }
0x45: {  	_ =	shalt  }
0x46: {  	_ =	shalt  }
0x47: {  	_ =	shalt  }
0x48: {  	_ =	shalt  }
0x49: {  	_ =	shalt  }
0x4a: {  	_ =	shalt  }
0x4b: {  	_ =	shalt  }
0x4c: {  	_ =	shalt  }
0x4d: {  	_ =	shalt  }
0x4e: {  	_ =	shalt  }
0x4f: {  	_ =	shalt  }
0x50: {  	_ =	shalt  }
0x51: {  	_ =	shalt  }
0x52: {  	_ =	shalt  }
0x53: {  	_ =	shalt  }
0x54: {  	_ =	shalt  }
0x55: {  	_ =	shalt  }
0x56: {  	_ =	shalt  }
0x57: {  	_ =	shalt  }
0x58: {  	_ =	shalt  }
0x59: {  	_ =	shalt  }
0x5a: {  	_ =	shalt  }
0x5b: {  	_ =	shalt  }
0x5c: {  	_ =	shalt  }
0x5d: {  	_ =	shalt  }
0x5e: {  	_ =	shalt  }
0x5f: {  	_ =	shalt  }
0x60: {  	_ =	shalt  }
0x61: {  	_ =	shalt  }
0x62: {  	_ =	shalt  }
0x63: {  	_ =	shalt  }
0x64: {  	_ =	shalt  }
0x65: {  	_ =	shalt  }
0x66: {  	_ =	shalt  }
0x67: {  	_ =	shalt  }
0x68: {  	_ =	shalt  }
0x69: {  	_ =	shalt  }
0x6a: {  	_ =	shalt  }
0x6b: {  	_ =	shalt  }
0x6c: {  	_ =	shalt  }
0x6d: {  	_ =	shalt  }
0x6e: {  	_ =	shalt  }
0x6f: {  	_ =	shalt  }
0x70: {  	_ =	shalt  }
0x71: {  	_ =	shalt  }
0x72: {  	_ =	shalt  }
0x73: {  	_ =	shalt  }
0x74: {  	_ =	shalt  }
0x75: {  	_ =	shalt  }
0x76: {  	_ =	shalt  }
0x77: {  	_ =	shalt  }
0x78: {  	_ =	shalt  }
0x79: {  	_ =	shalt  }
0x7a: {  	_ =	shalt  }
0x7b: {  	_ =	shalt  }
0x7c: {  	_ =	shalt  }
0x7d: {  	_ =	shalt  }
0x7e: {  	_ =	shalt  }
0x7f: {  	_ =	shalt  }
0x80: {  	_ =	shalt  }
0x81: {  	_ =	shalt  }
0x82: {  	_ =	shalt  }
0x83: {  	_ =	shalt  }
0x84: {  	_ =	shalt  }
0x85: {  	_ =	shalt  }
0x86: {  	_ =	shalt  }
0x87: {  	_ =	shalt  }
.Lfunc_end0:
.L_simem_size_0:
called_computation_lowered:
.L_overlay_start_0:
0x88: {  	s2 =	sld [smem:$0x3FD9]  }
0x89: {  	s3 =	sld [smem:$0x3FFE];
	_ =	sdelay $0x1  }
0x8a: {  	s1 =	srdreg.scid  }
0x8b: {  	s0 =	sand.u32 $0x1, s1  }
0x8c: {  	s17 =	sshll.u32 s0, $0xA;
	s2 =	sadd.s32 s3, s2  }
0x8d: {  	s2 =	sadd.s32 s2, s17  }
0x8e: {  	[smem:$0x3FC4] =	sst s2  }
0x8f: {  	_ = 	snop  }
0x90: {  	s2 =	sld [smem:$0x3FD0];
	(tm) =	ssettm $0x1  }
0x91: {  	s18 =	sld [smem:$0x3FFB];
	_ =	sdelay $0x3  }
0x92: {  	_ =	strace s18  }
0x93: {  	s3 =	sld [smem:$0x3FFC];
	_ =	sdelay $0x3  }
0x94: {  	_ =	strace s3  }
0x95: {  	s3 =	sld [smem:$0x3FFD];
	_ =	sdelay $0x3  }
0x96: {  	_ =	strace s3  }
0x97: {  	_ =	strace $0x8FFFFFFF  }
0x98: {  	s19 =	sld [smem:$0x3FDB];
	_ =	sdelay $0x1  }
0x99: {  	s4 =	simm.s32 $_scs_section_size  }
0x9a: {  	s5 =	simm.s32 $_size__tile_overlayer_lowered;
	s6 =	simm.s32 $_tile_overlayer_lowered  }
0x9b: {  	s22 =	simm.s32 $0x1BFF;
	s21 =	sshll.u32 s6, $0x1;
	s3 =	sadd.s32 s4, s19  }
0x9c: {  	s7 =	simm.s32 $0x0;
	s20 =	sshll.u32 s5, $0x1;
	s5 =	sadd.s32 s21, s3  }
0x9d: {  	[timem:s7], [sflag:s22] =	dma.local [hbm:s5], s20  }
0x9e: {  	_ =	swait.ge [sflag:s22], s20  }
0x9f: {  	s4 =	ssub.s32 $0x0, s20;
	[sflag:s22] =	ssyncset.done $0x0  }
0xa0: {  	[sflag:s22] =	ssyncadd.s32 s4;
	_ =	sdelay $0x1  }
0xa1: {  	s23 =	simm.s32 $0x1B8B  }
0xa2: {  	_ =	swait.ge [sflag:s23], $0x1  }
0xa3: {  	[sflag:s23] =	ssyncset.done $0x0  }
0xa4: {  	s25 =	simm.s32 $0x1B8E;
	s24 =	sld [smem:$0x3FFE];
	[sflag:s23] =	ssyncadd.s32 $0xFFFFFFFF  }
0xa5: {  	s26 =	simm.s32 $execute0_lowered;
	[smem:$0x3FD2] =	sst s25  }
0xa6: {  	s5 =	sshll.u32 s26, $0x1;
	_ =	strace $0x80000046;
	[dreg:$0x1] =	wrdreg $0xFFFFFFFF  }
0xa7: {  	s28 =	simm.s32 $_size_execute0_lowered;
	s3 =	sadd.s32 s3, s5;
	[dreg:$0x0] =	wrdreg $0x0  }
0xa8: {  	s5 =	sshll.u32 s28, $0x1;
	[dreg:$0x2] =	wrdreg s3  }
0xa9: {  	[dreg:$0x3] =	wrdreg s5  }
0xaa: {  	[dreg:$0x4] =	wrdreg $0xC0  }
0xab: {  	_ =	task [dreg:s7], $0x5FFFF  }
0xac: {  	[dreg:$0x1] =	wrdreg $0xFFFFFFFF  }
0xad: {  	[dreg:$0x0] =	wrdreg $0x60  }
0xae: {  	[dreg:$0x2] =	wrdreg s24  }
0xaf: {  	[dreg:$0x3] =	wrdreg s2  }
0xb0: {  	[dreg:$0x4] =	wrdreg $0x9  }
0xb1: {  	_ =	task.clear_ibuf [dreg:s7], $0x5FFFF;
	_ =	strace $0x90000046  }
0xb2: {  	s29 =	simm.s32 $0x9;
	_ =	strace $0x80000048  }
0xb3: {  	_ =	swait.ge [sflag:s29], $0x1  }
0xb4: {  	[sflag:s29] =	ssyncadd.s32 $0xFFFFFFFF  }
0xb5: {  	_ =	strace $0x90000048  }
0xb6: {  	_ =	sfence  }
0xb7: {  	s30 =	sld [smem:$0x0];
	_ =	sdelay $0x2  }
0xb8: {  	s31 =	sshll.u32 s1, $0xD;
	s1 =	sshrl.u32 s1, $0x2  }
0xb9: {  	s3 =	sand.u32 $0x4000, s31;
	s1 =	sadd.s32 s1, s30  }
0xba: {  	s0 =	sor.u32 s3, s0;
	s1 =	sshll.u32 s1, $0x11  }
0xbb: {  	s0 =	sor.u32 s1, s0  }
0xbc: {  	s0 =	sadd.s32 $0x8F2B, s0  }
0xbd: {  	[sflag:s0] =	ssyncadd.remote.s32 $0x1  }
0xbe: {  	_ =	sfence.sel $0xFFFF  }
0xbf: {  	[dreg:$0x0] =	wrdreg $0xFFFFFFFF;
	(pc) =	sbr.abs _section_cstart, $3  }
0xc0: {  	[dreg:$0x1] =	wrdreg $0xFFFFFFFF  }
0xc1: {  	_ =	task.clear_ibuf [dreg:s7], $0x2FFFF;
	_ =	strace $0x9FFFFFFF  }
0xc2: {  	(tm) =	ssettm $0x7FFFFFFF  }
0xc3: {  	_ =	shalt  }
tec
execute0_lowered:
.L_overlay_start_1:
0x0: {  	(tag) =	ssettag $0x1  }
0x1: {  	v0 =	vimm.s32 $0x3C281400;
	vm11 =	vcmask $0xF00;
	vm10 =	vcmask $0x1310  }
0x2: {  	vm9 =	vcmask $0x1714;
	v1 =	vimm.s32 $0x3D291501;
	vm8 =	vcmask $0x1B18  }
0x3: {  	vm7 =	vcmask $0x1F1C;
	vm6 =	vcmask $0x2320;
	vm5 =	vcmask $0x2724  }
0x4: {  	vm4 =	vcmask $0x2B28;
	vm3 =	vcmask $0x2F2C;
	vm2 =	vcmask $0x3330  }
0x5: {  	vm1 =	vcmask $0x3734;
	vm0 =	vcmask $0x3B38;
	v2 =	vlaneseq.u32  }
0x6: {  	v3 =	vimm.s32 $0x3E2A1602;
	v4 =	vimm.s32 $0x3F2B1703;
	v6 =	vimm.s32 $0x2C1804  }
0x7: {  	vm12 =	vcmask $0xB00;
	vm15 =	vcmask $0xF0C;
	v10 =	vimm.s32 $0x2D1905  }
0x8: {  	v11 =	vimm.s32 $0x2E1A06;
	v12 =	vimm.s32 $0x2F1B07;
	v16 =	vimm.s32 $0x311D09  }
0x9: {  	v17 =	vimm.s32 $0x321E0A;
	v21 =	vimm.s32 $0x35210D;
	v24 =	vimm.s32 $0x382410  }
0xa: {  	v25 =	vimm.s32 $0x392511;
	v26 =	vimm.s32 $0x3A2612;
	v27 =	vimm.s32 $0x3B2713  }
0xb: {  	v0 =	vunpack.c.0.s8.s32 v0;
	v1 =	vunpack.c.0.s8.s32 v1;
	v8 =	vand.u32 $0x1, v2  }
0xc: {  	v3 =	vunpack.c.0.s8.s32 v3;
	v4 =	vunpack.c.0.s8.s32 v4;
	v6 =	vunpack.c.0.s8.s32 v6  }
0xd: {  	v10 =	vunpack.c.0.s8.s32 v10;
	v11 =	vunpack.c.0.s8.s32 v11;
	v12 =	vunpack.c.0.s8.s32 v12  }
0xe: {  	v16 =	vunpack.c.0.s8.s32 v16;
	v17 =	vunpack.c.0.s8.s32 v17;
	v21 =	vunpack.c.0.s8.s32 v21  }
0xf: {  	v24 =	vunpack.c.0.s8.s32 v24;
	v25 =	vunpack.c.0.s8.s32 v25;
	v26 =	vunpack.c.0.s8.s32 v26  }
0x10: {  	v27 =	vunpack.c.0.s8.s32 v27;
	v15 =	vmul.u32 $0xFFFFFFFC, v8;
	v0 =	vnsel vm11, $0x202C, v0  }
0x11: {  	v1 =	vnsel vm11, $0x202D, v1;
	v5 =	vnsel vm11, $0x202E, v3;
	v4 =	vnsel vm11, $0x202F, v4  }
0x12: {  	v6 =	vnsel vm12, $0x2030, v6;
	v10 =	vnsel vm12, $0x2031, v10;
	v11 =	vnsel vm12, $0x2032, v11  }
0x13: {  	v12 =	vnsel vm12, $0x2033, v12;
	v16 =	vnsel vm12, $0x2035, v16;
	v17 =	vnsel vm12, $0x2036, v17  }
0x14: {  	v21 =	vnsel vm12, $0x2039, v21;
	v24 =	vnsel vm12, $0x203C, v24;
	v25 =	vnsel vm12, $0x203D, v25  }
0x15: {  	v26 =	vnsel vm12, $0x203E, v26;
	v27 =	vnsel vm12, $0x203F, v27;
	v0 =	vsel vm10, $0x810, v0  }
0x16: {  	v1 =	vsel vm10, $0x811, v1;
	v5 =	vsel vm10, $0x812, v5;
	v4 =	vsel vm10, $0x813, v4  }
0x17: {  	v6 =	vsel vm15, $0x800, v6;
	v10 =	vsel vm15, $0x801, v10;
	v11 =	vsel vm15, $0x802, v11  }
0x18: {  	v12 =	vsel vm15, $0x803, v12;
	v16 =	vsel vm15, $0x805, v16;
	v17 =	vsel vm15, $0x806, v17  }
0x19: {  	v21 =	vsel vm15, $0x809, v21;
	v24 =	vsel vm15, $0x80C, v24;
	v25 =	vsel vm15, $0x80D, v25  }
0x1a: {  	v26 =	vsel vm15, $0x80E, v26;
	v27 =	vsel vm15, $0x80F, v27;
	v0 =	vsel vm9, $0x824, v0  }
0x1b: {  	v1 =	vsel vm9, $0x825, v1;
	v5 =	vsel vm9, $0x826, v5;
	v4 =	vsel vm9, $0x827, v4  }
0x1c: {  	v6 =	vsel vm10, $0x814, v6;
	v10 =	vsel vm10, $0x815, v10;
	v11 =	vsel vm10, $0x816, v11  }
0x1d: {  	v12 =	vsel vm10, $0x817, v12;
	v16 =	vsel vm10, $0x819, v16;
	v17 =	vsel vm10, $0x81A, v17  }
0x1e: {  	v21 =	vsel vm10, $0x81D, v21;
	v24 =	vsel vm10, $0x820, v24;
	v25 =	vsel vm10, $0x821, v25  }
0x1f: {  	v26 =	vsel vm10, $0x822, v26;
	v27 =	vsel vm10, $0x823, v27;
	v0 =	vsel vm8, $0x838, v0  }
0x20: {  	v1 =	vsel vm8, $0x839, v1;
	v5 =	vsel vm8, $0x83A, v5;
	v4 =	vsel vm8, $0x83B, v4  }
0x21: {  	v6 =	vsel vm9, $0x828, v6;
	v10 =	vsel vm9, $0x829, v10;
	v11 =	vsel vm9, $0x82A, v11  }
0x22: {  	v12 =	vsel vm9, $0x82B, v12;
	v16 =	vsel vm9, $0x82D, v16;
	v17 =	vsel vm9, $0x82E, v17  }
0x23: {  	v21 =	vsel vm9, $0x831, v21;
	v24 =	vsel vm9, $0x834, v24;
	v25 =	vsel vm9, $0x835, v25  }
0x24: {  	v26 =	vsel vm9, $0x836, v26;
	v27 =	vsel vm9, $0x837, v27;
	v0 =	vsel vm7, $0x100C, v0  }
0x25: {  	v1 =	vsel vm7, $0x100D, v1;
	v5 =	vsel vm7, $0x100E, v5;
	v4 =	vsel vm7, $0x100F, v4  }
0x26: {  	v6 =	vsel vm8, $0x83C, v6;
	v10 =	vsel vm8, $0x83D, v10;
	v11 =	vsel vm8, $0x83E, v11  }
0x27: {  	v12 =	vsel vm8, $0x83F, v12;
	v16 =	vsel vm8, $0x1001, v16;
	v17 =	vsel vm8, $0x1002, v17  }
0x28: {  	v21 =	vsel vm8, $0x1005, v21;
	v24 =	vsel vm8, $0x1008, v24;
	v25 =	vsel vm8, $0x1009, v25  }
0x29: {  	v26 =	vsel vm8, $0x100A, v26;
	v27 =	vsel vm8, $0x100B, v27;
	v0 =	vsel vm6, $0x1020, v0  }
0x2a: {  	v1 =	vsel vm6, $0x1021, v1;
	v5 =	vsel vm6, $0x1022, v5;
	v4 =	vsel vm6, $0x1023, v4  }
0x2b: {  	v6 =	vsel vm7, $0x1010, v6;
	v10 =	vsel vm7, $0x1011, v10;
	v11 =	vsel vm7, $0x1012, v11  }
0x2c: {  	v12 =	vsel vm7, $0x1013, v12;
	v16 =	vsel vm7, $0x1015, v16;
	v17 =	vsel vm7, $0x1016, v17  }
0x2d: {  	v21 =	vsel vm7, $0x1019, v21;
	v24 =	vsel vm7, $0x101C, v24;
	v25 =	vsel vm7, $0x101D, v25  }
0x2e: {  	v26 =	vsel vm7, $0x101E, v26;
	v27 =	vsel vm7, $0x101F, v27;
	v0 =	vsel vm5, $0x1034, v0  }
0x2f: {  	v1 =	vsel vm5, $0x1035, v1;
	v5 =	vsel vm5, $0x1036, v5;
	v4 =	vsel vm5, $0x1037, v4  }
0x30: {  	v6 =	vsel vm6, $0x1024, v6;
	v10 =	vsel vm6, $0x1025, v10;
	v11 =	vsel vm6, $0x1026, v11  }
0x31: {  	v12 =	vsel vm6, $0x1027, v12;
	v16 =	vsel vm6, $0x1029, v16;
	v17 =	vsel vm6, $0x102A, v17  }
0x32: {  	v21 =	vsel vm6, $0x102D, v21;
	v24 =	vsel vm6, $0x1030, v24;
	v25 =	vsel vm6, $0x1031, v25  }
0x33: {  	v26 =	vsel vm6, $0x1032, v26;
	v27 =	vsel vm6, $0x1033, v27;
	v0 =	vsel vm4, $0x1808, v0  }
0x34: {  	v1 =	vsel vm4, $0x1809, v1;
	v5 =	vsel vm4, $0x180A, v5;
	v4 =	vsel vm4, $0x180B, v4  }
0x35: {  	v6 =	vsel vm5, $0x1038, v6;
	v10 =	vsel vm5, $0x1039, v10;
	v11 =	vsel vm5, $0x103A, v11  }
0x36: {  	v12 =	vsel vm5, $0x103B, v12;
	v16 =	vsel vm5, $0x103D, v16;
	v17 =	vsel vm5, $0x103E, v17  }
0x37: {  	v21 =	vsel vm5, $0x1801, v21;
	v24 =	vsel vm5, $0x1804, v24;
	v25 =	vsel vm5, $0x1805, v25  }
0x38: {  	v26 =	vsel vm5, $0x1806, v26;
	v27 =	vsel vm5, $0x1807, v27;
	v0 =	vsel vm3, $0x181C, v0  }
0x39: {  	v1 =	vsel vm3, $0x181D, v1;
	v5 =	vsel vm3, $0x181E, v5;
	v4 =	vsel vm3, $0x181F, v4  }
0x3a: {  	v9 =	vsel vm4, $0x180C, v6;
	v10 =	vsel vm4, $0x180D, v10;
	v11 =	vsel vm4, $0x180E, v11  }
0x3b: {  	v12 =	vsel vm4, $0x180F, v12;
	v16 =	vsel vm4, $0x1811, v16;
	v17 =	vsel vm4, $0x1812, v17  }
0x3c: {  	v21 =	vsel vm4, $0x1815, v21;
	v24 =	vsel vm4, $0x1818, v24;
	v25 =	vsel vm4, $0x1819, v25  }
0x3d: {  	v26 =	vsel vm4, $0x181A, v26;
	v27 =	vsel vm4, $0x181B, v27;
	v0 =	vsel vm2, $0x1830, v0  }
0x3e: {  	v2 =	vsel vm2, $0x1831, v1;
	v1 =	vmul.u32 $0x4, v8;
	v5 =	vsel vm2, $0x1832, v5  }
0x3f: {  	v7 =	vsel vm2, $0x1833, v4;
	v9 =	vsel vm3, $0x1820, v9;
	v10 =	vsel vm3, $0x1821, v10  }
0x40: {  	v11 =	vsel vm3, $0x1822, v11;
	v12 =	vsel vm3, $0x1823, v12;
	v16 =	vsel vm3, $0x1825, v16  }
0x41: {  	v17 =	vsel vm3, $0x1826, v17;
	v21 =	vsel vm3, $0x1829, v21;
	v24 =	vsel vm3, $0x182C, v24  }
0x42: {  	v25 =	vsel vm3, $0x182D, v25;
	v26 =	vsel vm3, $0x182E, v26;
	v27 =	vsel vm3, $0x182F, v27  }
0x43: {  	v0 =	vsel vm1, $0x2004, v0;
	v2 =	vsel vm1, $0x2005, v2;
	v5 =	vsel vm1, $0x2006, v5  }
0x44: {  	v7 =	vsel vm1, $0x2007, v7;
	v9 =	vsel vm2, $0x1834, v9;
	v10 =	vsel vm2, $0x1835, v10  }
0x45: {  	v11 =	vsel vm2, $0x1836, v11;
	v14 =	vsel vm2, $0x1837, v12;
	v16 =	vsel vm2, $0x1839, v16  }
0x46: {  	v17 =	vsel vm2, $0x183A, v17;
	v21 =	vsel vm2, $0x183D, v21;
	v24 =	vsel vm2, $0x2000, v24  }
0x47: {  	v25 =	vsel vm2, $0x2001, v25;
	v26 =	vsel vm2, $0x2002, v26;
	v27 =	vsel vm2, $0x2003, v27  }
0x48: {  	v0 =	vsel vm0, $0x2018, v0;
	v2 =	vsel vm0, $0x2019, v2;
	v3 =	vor.u32 $0x1, v1  }
0x49: {  	v4 =	vsel vm0, $0x201A, v5;
	v5 =	vor.u32 $0x2, v1;
	v6 =	vsel vm0, $0x201B, v7  }
0x4a: {  	v7 =	vor.u32 $0x3, v1;
	v9 =	vsel vm1, $0x2008, v9;
	v10 =	vsel vm1, $0x2009, v10  }
0x4b: {  	s3 =	srdreg.scid;
	v13 =	vsel vm1, $0x200A, v11;
	v11 =	vadd.s32 $0x5, v15;
	v14 =	vsel vm1, $0x200B, v14  }
0x4c: {  	s1 =	rddreg [dreg:$0x0];
	s8 =	stileid.u32;
	s3 =	sand.u32 $0x1, s3;
	v19 =	vsel vm1, $0x200D, v16;
	v12 =	vsel vm0, $0x201E, v13;
	v13 =	vimm.s32 $0x301C08  }
0x4d: {  	s4 =	sshll.u32 s8, $0xB;
	s5 =	sshll.u32 s3, $0xA;
	s3 =	ssub.s32 $0x2, s3;
	v20 =	vsel vm1, $0x200E, v17;
	v16 =	vimm.s32 $0x331F0B;
	v18 =	vunpack.c.0.s8.s32 v13  }
0x4e: {  	s0 =	rddreg [dreg:$0x1];
	s4 =	sor.u32 s5, s4;
	s7 =	sshrl.u32 s3, $0x1;
	v17 =	vimm.s32 $0x34200C;
	v21 =	vsel vm1, $0x2011, v21;
	v24 =	vsel vm1, $0x2014, v24  }
0x4f: {  	s2 =	simm.s32 $0x0;
	s5 =	sshrl.u32 s4, $0x3;
	s7 =	ssub.s32 s3, s7;
	v25 =	vsel vm1, $0x2015, v25;
	v26 =	vsel vm1, $0x2016, v26;
	v18 =	vnsel vm12, $0x2034, v18  }
0x50: {  	[smem:$0x7FF] =	sst s2;
	s5 =	sadd.s32 s5, s1;
	s30 =	smax.u32 s7, $0x1;
	v27 =	vsel vm1, $0x2017, v27;
	v8 =	vsel vm0, $0x201C, v9;
	v18 =	vsel vm15, $0x804, v18  }
0x51: {  	_ =	strace $0x80000047;
	s9 =	sadd.s32 $0xC00, s5;
	[dreg:$0x17] =	wrdreg s30;
	v9 =	vadd.s32 $0x4, v15;
	v10 =	vsel vm0, $0x201D, v10;
	v18 =	vsel vm10, $0x818, v18  }
0x52: {  	s10 =	sadd.s32 $0x1C00, s5;
	[dreg:$0x3] =	wrdreg s9;
	v14 =	vsel vm0, $0x201F, v14;
	v22 =	vunpack.c.0.s8.s32 v16;
	v18 =	vsel vm9, $0x82C, v18  }
0x53: {  	s11 =	sadd.s32 $0x2C00, s5;
	[dreg:$0x4] =	wrdreg s10;
	v23 =	vunpack.c.0.s8.s32 v17;
	v17 =	vsel vm0, $0x2021, v19;
	v18 =	vsel vm8, $0x1000, v18  }
0x54: {  	s12 =	sadd.s32 $0x3C00, s5;
	[dreg:$0x5] =	wrdreg s11;
	v21 =	vsel vm0, $0x2025, v21;
	v24 =	vsel vm0, $0x2028, v24;
	v18 =	vsel vm7, $0x1014, v18  }
0x55: {  	s13 =	sadd.s32 $0x4C00, s5;
	[dreg:$0x6] =	wrdreg s12;
	v25 =	vsel vm0, $0x2029, v25;
	v26 =	vsel vm0, $0x202A, v26;
	v18 =	vsel vm6, $0x1028, v18  }
0x56: {  	s14 =	sadd.s32 $0x5C00, s5;
	[dreg:$0x7] =	wrdreg s13;
	v27 =	vsel vm0, $0x202B, v27;
	v19 =	vnsel vm12, $0x2037, v22;
	v18 =	vsel vm5, $0x103C, v18  }
0x57: {  	s15 =	sadd.s32 $0x6C00, s5;
	[dreg:$0x8] =	wrdreg s14;
	v22 =	vimm.s32 $0x36220E;
	v19 =	vsel vm15, $0x807, v19;
	v18 =	vsel vm4, $0x1810, v18  }
0x58: {  	s16 =	sadd.s32 $0x7C00, s5;
	[dreg:$0x9] =	wrdreg s15;
	v22 =	vunpack.c.0.s8.s32 v22;
	v19 =	vsel vm10, $0x81B, v19;
	v18 =	vsel vm3, $0x1824, v18  }
0x59: {  	s17 =	sadd.s32 $0x8C00, s5;
	[dreg:$0xa] =	wrdreg s16;
	v13 =	vadd.s32 $0x6, v15;
	v19 =	vsel vm9, $0x82F, v19;
	v18 =	vsel vm2, $0x1838, v18  }
0x5a: {  	s18 =	sadd.s32 $0x9C00, s5;
	[dreg:$0xb] =	wrdreg s17;
	v22 =	vnsel vm12, $0x203A, v22;
	v19 =	vsel vm8, $0x1003, v19;
	v18 =	vsel vm1, $0x200C, v18  }
0x5b: {  	s19 =	sadd.s32 $0xAC00, s5;
	[dreg:$0xc] =	wrdreg s18;
	v22 =	vsel vm15, $0x80A, v22;
	v19 =	vsel vm7, $0x1017, v19;
	v16 =	vsel vm0, $0x2020, v18  }
0x5c: {  	s20 =	sadd.s32 $0xBC00, s5;
	[dreg:$0xd] =	wrdreg s19;
	v18 =	vsel vm0, $0x2022, v20;
	v20 =	vnsel vm12, $0x2038, v23;
	v23 =	vimm.s32 $0x37230F  }
0x5d: {  	s29 =	sshll.u32 s8, $0xE;
	s21 =	sadd.s32 $0xCC00, s5;
	[dreg:$0xe] =	wrdreg s20;
	v22 =	vsel vm10, $0x81E, v22;
	v19 =	vsel vm6, $0x102B, v19;
	v23 =	vunpack.c.0.s8.s32 v23  }
0x5e: {  	s8 =	simm.s32 $0x2800;
	s22 =	sadd.s32 $0xDC00, s5;
	[dreg:$0xf] =	wrdreg s21;
	v15 =	vadd.s32 $0x7, v15;
	v22 =	vsel vm9, $0x832, v22;
	v19 =	vsel vm5, $0x103F, v19  }
0x5f: {  	s6 =	sshll.u32 s4, $0x4;
	s23 =	sadd.s32 $0xEC00, s5;
	[dreg:$0x10] =	wrdreg s22;
	v22 =	vsel vm8, $0x1006, v22;
	v19 =	vsel vm4, $0x1813, v19;
	v23 =	vnsel vm12, $0x203B, v23  }
0x60: {  	s3 =	sand.u32 $0xC00, s4;
	s24 =	sadd.s32 $0xFC00, s5;
	[dreg:$0x11] =	wrdreg s23;
	v22 =	vsel vm7, $0x101A, v22;
	v20 =	vsel vm15, $0x808, v20;
	v23 =	vsel vm15, $0x80B, v23  }
0x61: {  	s4 =	sand.u32 $0x38000, s29;
	s25 =	sadd.s32 $0x10C00, s5;
	[dreg:$0x12] =	wrdreg s24;
	v19 =	vsel vm3, $0x1827, v19;
	v20 =	vsel vm10, $0x81C, v20;
	v23 =	vsel vm10, $0x81F, v23  }
0x62: {  	s1 =	sadd.s32 s6, s1;
	s26 =	sadd.s32 $0x11C00, s5;
	[dreg:$0x13] =	wrdreg s25;
	v22 =	vsel vm6, $0x102E, v22;
	v20 =	vsel vm9, $0x830, v20;
	v23 =	vsel vm9, $0x833, v23  }
0x63: {  	s31 =	sshll.u32 s3, $0x3;
	s28 =	sadd.s32 $0x12C00, s5;
	[dreg:$0x14] =	wrdreg s26;
	v19 =	vsel vm2, $0x183B, v19;
	v20 =	vsel vm8, $0x1004, v20;
	v23 =	vsel vm8, $0x1007, v23  }
0x64: {  	s6 =	simm.s32 $0x2000;
	s5 =	sadd.s32 $0x13C00, s5;
	[dreg:$0x15] =	wrdreg s28;
	v22 =	vsel vm5, $0x1802, v22;
	v20 =	vsel vm7, $0x1018, v20;
	v23 =	vsel vm7, $0x101B, v23  }
0x65: {  	s7 =	simm.s32 $0x2400;
	[dreg:$0x16] =	wrdreg s5;
	s24 =	sadd.s32 $0x14C00, s1;
	v19 =	vsel vm1, $0x200F, v19;
	v20 =	vsel vm6, $0x102C, v20;
	v23 =	vsel vm6, $0x102F, v23  }
0x66: {  	s25 =	sadd.s32 s0, s4;
	s5 =	simm.s32 $0x1C00;
	s9 =	simm.s32 $0x2C00;
	v22 =	vsel vm4, $0x1816, v22;
	v20 =	vsel vm5, $0x1800, v20;
	v23 =	vsel vm5, $0x1803, v23  }
0x67: {  	s10 =	simm.s32 $0x3000;
	s11 =	simm.s32 $0x3400;
	s12 =	simm.s32 $0x3800;
	v19 =	vsel vm0, $0x2023, v19;
	v20 =	vsel vm4, $0x1814, v20;
	v23 =	vsel vm4, $0x1817, v23  }
0x68: {  	s13 =	simm.s32 $0x3C00;
	s14 =	simm.s32 $0x4000;
	s15 =	simm.s32 $0x4400;
	v22 =	vsel vm3, $0x182A, v22;
	v20 =	vsel vm3, $0x1828, v20;
	v23 =	vsel vm3, $0x182B, v23  }
0x69: {  	s16 =	simm.s32 $0x4800;
	s17 =	simm.s32 $0x4C00;
	s18 =	simm.s32 $0x1;
	v22 =	vsel vm2, $0x183E, v22;
	v20 =	vsel vm2, $0x183C, v20;
	v23 =	vsel vm2, $0x183F, v23  }
0x6a: {  	s19 =	simm.s32 $0x20;
	s20 =	simm.s32 $0x5000;
	s0 =	sadd.s32 s31, s25;
	v22 =	vsel vm1, $0x2012, v22;
	v20 =	vsel vm1, $0x2010, v20;
	v23 =	vsel vm1, $0x2013, v23  }
0x6b: {  	s21 =	simm.s32 $0x2;
	s22 =	simm.s32 $0x0;
	[dreg:$0x18] =	wrdreg s0;
	v22 =	vsel vm0, $0x2026, v22;
	v20 =	vsel vm0, $0x2024, v20;
	v23 =	vsel vm0, $0x2027, v23  }
.LBB2_1:
0x6c: {  	s0 =	rddreg [dreg:$0x3]  }
0x6d: {  	[tilespmem:s2], [sflag:$0x1] =	stream.linear.gather [hbm4b:s0+s2], $0x400, $0x38;
	[tilespmem:$0x1C000] =	vst v63  }
0x6e: {  	s23 =	rddreg [dreg:$0x4];
	s1 =	simm.s32 $0x400  }
0x6f: {  	[tilespmem:s1], [sflag:$0x1] =	stream.linear.gather [hbm4b:s23+s2], $0x400, $0x38;
	[tilespmem:$0x1C000] =	vst v63  }
0x70: {  	s26 =	rddreg [dreg:$0x5];
	s4 =	simm.s32 $0x800  }
0x71: {  	[tilespmem:s4], [sflag:$0x1] =	stream.linear.gather [hbm4b:s26+s2], $0x400, $0x38;
	[tilespmem:$0x1C000] =	vst v63  }
0x72: {  	s28 =	rddreg [dreg:$0x6];
	s23 =	simm.s32 $0xC00  }
0x73: {  	[tilespmem:s23], [sflag:$0x1] =	stream.linear.gather [hbm4b:s28+s2], $0x400, $0x38;
	[tilespmem:$0x1C000] =	vst v63  }
0x74: {  	s29 =	rddreg [dreg:$0x7];
	s26 =	simm.s32 $0x1000  }
0x75: {  	[tilespmem:s26], [sflag:$0x1] =	stream.linear.gather [hbm4b:s29+s2], $0x400, $0x38;
	[tilespmem:$0x1C000] =	vst v63  }
0x76: {  	s30 =	rddreg [dreg:$0x8];
	s28 =	simm.s32 $0x1400  }
0x77: {  	[tilespmem:s28], [sflag:$0x1] =	stream.linear.gather [hbm4b:s30+s2], $0x400, $0x38;
	[tilespmem:$0x1C000] =	vst v63  }
0x78: {  	s31 =	rddreg [dreg:$0x9];
	s29 =	simm.s32 $0x1800  }
0x79: {  	[tilespmem:s29], [sflag:$0x1] =	stream.linear.gather [hbm4b:s31+s2], $0x400, $0x38;
	[tilespmem:$0x1C000] =	vst v63  }
0x7a: {  	s30 =	rddreg [dreg:$0xa]  }
0x7b: {  	[tilespmem:s5], [sflag:$0x1] =	stream.linear.gather [hbm4b:s30+s2], $0x400, $0x38;
	[tilespmem:$0x1C000] =	vst v63  }
0x7c: {  	s31 =	rddreg [dreg:$0xb]  }
0x7d: {  	[tilespmem:s6], [sflag:$0x1] =	stream.linear.gather [hbm4b:s31+s2], $0x400, $0x38;
	[tilespmem:$0x1C000] =	vst v63  }
0x7e: {  	s30 =	rddreg [dreg:$0xc]  }
0x7f: {  	[tilespmem:s7], [sflag:$0x1] =	stream.linear.gather [hbm4b:s30+s2], $0x400, $0x38;
	[tilespmem:$0x1C000] =	vst v63  }
0x80: {  	s31 =	rddreg [dreg:$0xd]  }
0x81: {  	[tilespmem:s8], [sflag:$0x1] =	stream.linear.gather [hbm4b:s31+s2], $0x400, $0x38;
	[tilespmem:$0x1C000] =	vst v63  }
0x82: {  	s30 =	rddreg [dreg:$0xe]  }
0x83: {  	[tilespmem:s9], [sflag:$0x1] =	stream.linear.gather [hbm4b:s30+s2], $0x400, $0x38;
	[tilespmem:$0x1C000] =	vst v63  }
0x84: {  	s31 =	rddreg [dreg:$0xf]  }
0x85: {  	[tilespmem:s10], [sflag:$0x1] =	stream.linear.gather [hbm4b:s31+s2], $0x400, $0x38;
	[tilespmem:$0x1C000] =	vst v63  }
0x86: {  	s30 =	rddreg [dreg:$0x10]  }
0x87: {  	[tilespmem:s11], [sflag:$0x1] =	stream.linear.gather [hbm4b:s30+s2], $0x400, $0x38;
	[tilespmem:$0x1C000] =	vst v63  }
0x88: {  	s31 =	rddreg [dreg:$0x11]  }
0x89: {  	[tilespmem:s12], [sflag:$0x1] =	stream.linear.gather [hbm4b:s31+s2], $0x400, $0x38;
	[tilespmem:$0x1C000] =	vst v63  }
0x8a: {  	s30 =	rddreg [dreg:$0x12]  }
0x8b: {  	[tilespmem:s13], [sflag:$0x1] =	stream.linear.gather [hbm4b:s30+s2], $0x400, $0x38;
	[tilespmem:$0x1C000] =	vst v63  }
0x8c: {  	s31 =	rddreg [dreg:$0x13]  }
0x8d: {  	[tilespmem:s14], [sflag:$0x1] =	stream.linear.gather [hbm4b:s31+s2], $0x400, $0x38;
	[tilespmem:$0x1C000] =	vst v63  }
0x8e: {  	s30 =	rddreg [dreg:$0x14]  }
0x8f: {  	[tilespmem:s15], [sflag:$0x1] =	stream.linear.gather [hbm4b:s30+s2], $0x400, $0x38;
	[tilespmem:$0x1C000] =	vst v63  }
0x90: {  	s31 =	rddreg [dreg:$0x15]  }
0x91: {  	[tilespmem:s16], [sflag:$0x1] =	stream.linear.gather [hbm4b:s31+s2], $0x400, $0x38;
	[tilespmem:$0x1C000] =	vst v63  }
0x92: {  	s30 =	rddreg [dreg:$0x16]  }
0x93: {  	[tilespmem:s17], [sflag:$0x1] =	stream.linear.gather [hbm4b:s30+s2], $0x400, $0x38;
	[tilespmem:$0x1C000] =	vst v63  }
0x94: {  	_ =	swait.ge [sflag:s18], $0x400  }
0x95: {  	[sflag:s18] =	ssyncset.done $0x0  }
0x96: {  	[sflag:s18] =	ssyncadd.s32 $0xFFFFFC00  }
0x97: {  	_ =	swait.ge [sflag:s18], $0x400  }
0x98: {  	[sflag:s18] =	ssyncset.done $0x0  }
0x99: {  	[sflag:s18] =	ssyncadd.s32 $0xFFFFFC00  }
0x9a: {  	_ =	swait.ge [sflag:s18], $0x400  }
0x9b: {  	[sflag:s18] =	ssyncset.done $0x0  }
0x9c: {  	[sflag:s18] =	ssyncadd.s32 $0xFFFFFC00  }
0x9d: {  	_ =	swait.ge [sflag:s18], $0x400  }
0x9e: {  	[sflag:s18] =	ssyncset.done $0x0  }
0x9f: {  	[sflag:s18] =	ssyncadd.s32 $0xFFFFFC00  }
0xa0: {  	_ =	swait.ge [sflag:s18], $0x400  }
0xa1: {  	[sflag:s18] =	ssyncset.done $0x0  }
0xa2: {  	[sflag:s18] =	ssyncadd.s32 $0xFFFFFC00  }
0xa3: {  	_ =	swait.ge [sflag:s18], $0x400  }
0xa4: {  	[sflag:s18] =	ssyncset.done $0x0  }
0xa5: {  	[sflag:s18] =	ssyncadd.s32 $0xFFFFFC00  }
0xa6: {  	_ =	swait.ge [sflag:s18], $0x400  }
0xa7: {  	[sflag:s18] =	ssyncset.done $0x0  }
0xa8: {  	[sflag:s18] =	ssyncadd.s32 $0xFFFFFC00  }
0xa9: {  	_ =	swait.ge [sflag:s18], $0x400  }
0xaa: {  	[sflag:s18] =	ssyncset.done $0x0  }
0xab: {  	[sflag:s18] =	ssyncadd.s32 $0xFFFFFC00  }
0xac: {  	_ =	swait.ge [sflag:s18], $0x400  }
0xad: {  	[sflag:s18] =	ssyncset.done $0x0  }
0xae: {  	[sflag:s18] =	ssyncadd.s32 $0xFFFFFC00  }
0xaf: {  	_ =	swait.ge [sflag:s18], $0x400  }
0xb0: {  	[sflag:s18] =	ssyncset.done $0x0  }
0xb1: {  	[sflag:s18] =	ssyncadd.s32 $0xFFFFFC00  }
0xb2: {  	_ =	swait.ge [sflag:s18], $0x400  }
0xb3: {  	[sflag:s18] =	ssyncset.done $0x0  }
0xb4: {  	[sflag:s18] =	ssyncadd.s32 $0xFFFFFC00  }
0xb5: {  	_ =	swait.ge [sflag:s18], $0x400  }
0xb6: {  	[sflag:s18] =	ssyncset.done $0x0  }
0xb7: {  	[sflag:s18] =	ssyncadd.s32 $0xFFFFFC00  }
0xb8: {  	_ =	swait.ge [sflag:s18], $0x400  }
0xb9: {  	[sflag:s18] =	ssyncset.done $0x0  }
0xba: {  	[sflag:s18] =	ssyncadd.s32 $0xFFFFFC00  }
0xbb: {  	_ =	swait.ge [sflag:s18], $0x400  }
0xbc: {  	[sflag:s18] =	ssyncset.done $0x0  }
0xbd: {  	[sflag:s18] =	ssyncadd.s32 $0xFFFFFC00  }
0xbe: {  	_ =	swait.ge [sflag:s18], $0x400  }
0xbf: {  	[sflag:s18] =	ssyncset.done $0x0  }
0xc0: {  	[sflag:s18] =	ssyncadd.s32 $0xFFFFFC00  }
0xc1: {  	_ =	swait.ge [sflag:s18], $0x400  }
0xc2: {  	[sflag:s18] =	ssyncset.done $0x0  }
0xc3: {  	[sflag:s18] =	ssyncadd.s32 $0xFFFFFC00  }
0xc4: {  	_ =	swait.ge [sflag:s18], $0x400  }
0xc5: {  	[sflag:s18] =	ssyncset.done $0x0  }
0xc6: {  	[sflag:s18] =	ssyncadd.s32 $0xFFFFFC00  }
0xc7: {  	_ =	swait.ge [sflag:s18], $0x400  }
0xc8: {  	[sflag:s18] =	ssyncset.done $0x0  }
0xc9: {  	[sflag:s18] =	ssyncadd.s32 $0xFFFFFC00  }
0xca: {  	_ =	swait.ge [sflag:s18], $0x400  }
0xcb: {  	[sflag:s18] =	ssyncset.done $0x0  }
0xcc: {  	[sflag:s18] =	ssyncadd.s32 $0xFFFFFC00  }
0xcd: {  	_ =	swait.ge [sflag:s18], $0x400  }
0xce: {  	[sflag:s18] =	ssyncset.done $0x0  }
0xcf: {  	[sflag:s18] =	ssyncadd.s32 $0xFFFFFC00  }
0xd0: {  	[tilespmem:s20], [sflag:$0x1] =	stream.indirect.gather [hbm4b:s25+s19], $0x40, s2, s19, $0xb8;
	[tilespmem:$0x1C000] =	vst v63  }
0xd1: {  	s31 =	simm.s32 $0x5800  }
0xd2: {  	[tilespmem:s31], [sflag:$0x1] =	stream.indirect.gather [hbm4b:s25+s19], $0x40, s1, s19, $0xb8;
	[tilespmem:$0x1C000] =	vst v63  }
0xd3: {  	s1 =	simm.s32 $0x6000  }
0xd4: {  	[tilespmem:s1], [sflag:$0x1] =	stream.indirect.gather [hbm4b:s25+s19], $0x40, s4, s19, $0xb8;
	[tilespmem:$0x1C000] =	vst v63  }
0xd5: {  	s4 =	simm.s32 $0x6800  }
0xd6: {  	[tilespmem:s4], [sflag:$0x1] =	stream.indirect.gather [hbm4b:s25+s19], $0x40, s23, s19, $0xb8;
	[tilespmem:$0x1C000] =	vst v63  }
0xd7: {  	s30 =	simm.s32 $0x7000  }
0xd8: {  	[tilespmem:s30], [sflag:$0x1] =	stream.indirect.gather [hbm4b:s25+s19], $0x40, s26, s19, $0xb8;
	[tilespmem:$0x1C000] =	vst v63  }
0xd9: {  	s31 =	simm.s32 $0x7800  }
0xda: {  	[tilespmem:s31], [sflag:$0x1] =	stream.indirect.gather [hbm4b:s25+s19], $0x40, s28, s19, $0xb8;
	[tilespmem:$0x1C000] =	vst v63  }
0xdb: {  	s1 =	simm.s32 $0x8000  }
0xdc: {  	[tilespmem:s1], [sflag:$0x1] =	stream.indirect.gather [hbm4b:s25+s19], $0x40, s29, s19, $0xb8;
	[tilespmem:$0x1C000] =	vst v63  }
0xdd: {  	s4 =	simm.s32 $0x8800  }
0xde: {  	[tilespmem:s4], [sflag:$0x1] =	stream.indirect.gather [hbm4b:s25+s19], $0x40, s5, s19, $0xb8;
	[tilespmem:$0x1C000] =	vst v63  }
0xdf: {  	s23 =	simm.s32 $0x9000  }
0xe0: {  	[tilespmem:s23], [sflag:$0x1] =	stream.indirect.gather [hbm4b:s25+s19], $0x40, s6, s19, $0xb8;
	[tilespmem:$0x1C000] =	vst v63  }
0xe1: {  	s26 =	simm.s32 $0x9800  }
0xe2: {  	[tilespmem:s26], [sflag:$0x1] =	stream.indirect.gather [hbm4b:s25+s19], $0x40, s7, s19, $0xb8;
	[tilespmem:$0x1C000] =	vst v63  }
0xe3: {  	s28 =	simm.s32 $0xA000  }
0xe4: {  	[tilespmem:s28], [sflag:$0x1] =	stream.indirect.gather [hbm4b:s25+s19], $0x40, s8, s19, $0xb8;
	[tilespmem:$0x1C000] =	vst v63  }
0xe5: {  	s29 =	simm.s32 $0xA800  }
0xe6: {  	[tilespmem:s29], [sflag:$0x1] =	stream.indirect.gather [hbm4b:s25+s19], $0x40, s9, s19, $0xb8;
	[tilespmem:$0x1C000] =	vst v63  }
0xe7: {  	s30 =	simm.s32 $0xB000  }
0xe8: {  	[tilespmem:s30], [sflag:$0x1] =	stream.indirect.gather [hbm4b:s25+s19], $0x40, s10, s19, $0xb8;
	[tilespmem:$0x1C000] =	vst v63  }
0xe9: {  	s31 =	simm.s32 $0xB800  }
0xea: {  	[tilespmem:s31], [sflag:$0x1] =	stream.indirect.gather [hbm4b:s25+s19], $0x40, s11, s19, $0xb8;
	[tilespmem:$0x1C000] =	vst v63  }
0xeb: {  	s1 =	simm.s32 $0xC000  }
0xec: {  	[tilespmem:s1], [sflag:$0x1] =	stream.indirect.gather [hbm4b:s25+s19], $0x40, s12, s19, $0xb8;
	[tilespmem:$0x1C000] =	vst v63  }
0xed: {  	s4 =	simm.s32 $0xC800  }
0xee: {  	[tilespmem:s4], [sflag:$0x1] =	stream.indirect.gather [hbm4b:s25+s19], $0x40, s13, s19, $0xb8;
	[tilespmem:$0x1C000] =	vst v63  }
0xef: {  	s23 =	simm.s32 $0xD000  }
0xf0: {  	[tilespmem:s23], [sflag:$0x1] =	stream.indirect.gather [hbm4b:s25+s19], $0x40, s14, s19, $0xb8;
	[tilespmem:$0x1C000] =	vst v63  }
0xf1: {  	s26 =	simm.s32 $0xD800  }
0xf2: {  	[tilespmem:s26], [sflag:$0x1] =	stream.indirect.gather [hbm4b:s25+s19], $0x40, s15, s19, $0xb8;
	[tilespmem:$0x1C000] =	vst v63  }
0xf3: {  	s28 =	simm.s32 $0xE000  }
0xf4: {  	[tilespmem:s28], [sflag:$0x1] =	stream.indirect.gather [hbm4b:s25+s19], $0x40, s16, s19, $0xb8;
	[tilespmem:$0x1C000] =	vst v63  }
0xf5: {  	p0 =	por $0x0, $0x0;
	s29 =	simm.s32 $0xE800  }
0xf6: {  	[tilespmem:s29], [sflag:$0x1] =	stream.indirect.gather [hbm4b:s25+s19], $0x40, s17, s19, $0xb8;
	[tilespmem:$0x1C000] =	vst v63  }
0xf7: {  	s30 =	rddreg [dreg:$0x18];
	s31 =	simm.s32 $0x19000;
	s23 =	simm.s32 $0x0  }
0xf8: {  	[tilespmem:s31], [sflag:$0x1] =	stream.linear.gather [hbm4b:s30+s2], $0x800, $0x38;
	[tilespmem:$0x1C000] =	vst v63  }
.LBB2_2:
0xf9: {  	_ =	swait.ge [sflag:s18], $0xA000;
	s0 =	sand.u32 $0x1, s23;
	p1 =	seq.s32 s23, $0x1F  }
0xfa: {  	[sflag:s18] =	ssyncset.done $0x0;
	s1 =	sxor.u32 @!p1 $0x1, s0  }
0xfb: {  	[sflag:s18] =	ssyncadd.s32 $0xFFFF6000;
	s4 =	smul.u32 @!p1 $0x28000, s1  }
0xfc: {  	s29 =	sadd.s32 $0x1, s23;
	_ =	swait.ge [sflag:s18], $0x800  }
0xfd: {  	s26 =	sshll.u32 @!p1 s29, $0x5;
	[sflag:s18] =	ssyncset.done $0x0;
	s4 =	sshrl.u32 @!p1 s4, $0x2  }
0xfe: {  	s30 =	simm.s32 @!p1 $0x20;
	[sflag:s18] =	ssyncadd.s32 $0xFFFFF800;
	s28 =	sadd.s32 @!p1 $0x5000, s4  }
0xff: {  	[tilespmem:s28], [sflag:$0x1] =	stream.indirect.gather @!p1 [hbm4b:s25+s30], $0x40, s26, s30, $0xb8;
	[tilespmem:$0x1C000] =	vst v63  }
0x100: {  	s31 =	sadd.s32 @!p1 $0x400, s26;
	s28 =	sadd.s32 @!p1 $0x5800, s4  }
0x101: {  	[tilespmem:s28], [sflag:$0x1] =	stream.indirect.gather @!p1 [hbm4b:s25+s30], $0x40, s31, s30, $0xb8;
	[tilespmem:$0x1C000] =	vst v63  }
0x102: {  	s28 =	sadd.s32 @!p1 $0x6000, s4;
	s31 =	sadd.s32 @!p1 $0x800, s26  }
0x103: {  	[tilespmem:s28], [sflag:$0x1] =	stream.indirect.gather @!p1 [hbm4b:s25+s30], $0x40, s31, s30, $0xb8;
	[tilespmem:$0x1C000] =	vst v63  }
0x104: {  	s28 =	sadd.s32 @!p1 $0x6800, s4;
	s31 =	sadd.s32 @!p1 $0xC00, s26  }
0x105: {  	[tilespmem:s28], [sflag:$0x1] =	stream.indirect.gather @!p1 [hbm4b:s25+s30], $0x40, s31, s30, $0xb8;
	[tilespmem:$0x1C000] =	vst v63  }
0x106: {  	s28 =	sadd.s32 @!p1 $0x7000, s4;
	s31 =	sadd.s32 @!p1 $0x1000, s26  }
0x107: {  	[tilespmem:s28], [sflag:$0x1] =	stream.indirect.gather @!p1 [hbm4b:s25+s30], $0x40, s31, s30, $0xb8;
	[tilespmem:$0x1C000] =	vst v63  }
0x108: {  	s28 =	sadd.s32 @!p1 $0x7800, s4;
	s31 =	sadd.s32 @!p1 $0x1400, s26  }
0x109: {  	[tilespmem:s28], [sflag:$0x1] =	stream.indirect.gather @!p1 [hbm4b:s25+s30], $0x40, s31, s30, $0xb8;
	[tilespmem:$0x1C000] =	vst v63  }
0x10a: {  	s28 =	sadd.s32 @!p1 $0x8000, s4;
	s31 =	sadd.s32 @!p1 $0x1800, s26  }
0x10b: {  	[tilespmem:s28], [sflag:$0x1] =	stream.indirect.gather @!p1 [hbm4b:s25+s30], $0x40, s31, s30, $0xb8;
	[tilespmem:$0x1C000] =	vst v63  }
0x10c: {  	s28 =	sadd.s32 @!p1 $0x8800, s4;
	s31 =	sadd.s32 @!p1 $0x1C00, s26  }
0x10d: {  	[tilespmem:s28], [sflag:$0x1] =	stream.indirect.gather @!p1 [hbm4b:s25+s30], $0x40, s31, s30, $0xb8;
	[tilespmem:$0x1C000] =	vst v63  }
0x10e: {  	s28 =	sadd.s32 @!p1 $0x9000, s4;
	s31 =	sadd.s32 @!p1 $0x2000, s26  }
0x10f: {  	[tilespmem:s28], [sflag:$0x1] =	stream.indirect.gather @!p1 [hbm4b:s25+s30], $0x40, s31, s30, $0xb8;
	[tilespmem:$0x1C000] =	vst v63  }
0x110: {  	s28 =	sadd.s32 @!p1 $0x9800, s4;
	s31 =	sadd.s32 @!p1 $0x2400, s26  }
0x111: {  	[tilespmem:s28], [sflag:$0x1] =	stream.indirect.gather @!p1 [hbm4b:s25+s30], $0x40, s31, s30, $0xb8;
	[tilespmem:$0x1C000] =	vst v63  }
0x112: {  	s28 =	sadd.s32 @!p1 $0xA000, s4;
	s31 =	sadd.s32 @!p1 $0x2800, s26  }
0x113: {  	[tilespmem:s28], [sflag:$0x1] =	stream.indirect.gather @!p1 [hbm4b:s25+s30], $0x40, s31, s30, $0xb8;
	[tilespmem:$0x1C000] =	vst v63  }
0x114: {  	s28 =	sadd.s32 @!p1 $0xA800, s4;
	s31 =	sadd.s32 @!p1 $0x2C00, s26  }
0x115: {  	[tilespmem:s28], [sflag:$0x1] =	stream.indirect.gather @!p1 [hbm4b:s25+s30], $0x40, s31, s30, $0xb8;
	[tilespmem:$0x1C000] =	vst v63  }
0x116: {  	s28 =	sadd.s32 @!p1 $0xB000, s4;
	s31 =	sadd.s32 @!p1 $0x3000, s26  }
0x117: {  	[tilespmem:s28], [sflag:$0x1] =	stream.indirect.gather @!p1 [hbm4b:s25+s30], $0x40, s31, s30, $0xb8;
	[tilespmem:$0x1C000] =	vst v63  }
0x118: {  	s28 =	sadd.s32 @!p1 $0xB800, s4;
	s31 =	sadd.s32 @!p1 $0x3400, s26  }
0x119: {  	[tilespmem:s28], [sflag:$0x1] =	stream.indirect.gather @!p1 [hbm4b:s25+s30], $0x40, s31, s30, $0xb8;
	[tilespmem:$0x1C000] =	vst v63  }
0x11a: {  	s28 =	sadd.s32 @!p1 $0xC000, s4;
	s31 =	sadd.s32 @!p1 $0x3800, s26  }
0x11b: {  	[tilespmem:s28], [sflag:$0x1] =	stream.indirect.gather @!p1 [hbm4b:s25+s30], $0x40, s31, s30, $0xb8;
	[tilespmem:$0x1C000] =	vst v63  }
0x11c: {  	s28 =	sadd.s32 @!p1 $0xC800, s4;
	s31 =	sadd.s32 @!p1 $0x3C00, s26  }
0x11d: {  	[tilespmem:s28], [sflag:$0x1] =	stream.indirect.gather @!p1 [hbm4b:s25+s30], $0x40, s31, s30, $0xb8;
	[tilespmem:$0x1C000] =	vst v63  }
0x11e: {  	s28 =	sadd.s32 @!p1 $0xD000, s4;
	s31 =	sadd.s32 @!p1 $0x4000, s26  }
0x11f: {  	[tilespmem:s28], [sflag:$0x1] =	stream.indirect.gather @!p1 [hbm4b:s25+s30], $0x40, s31, s30, $0xb8;
	[tilespmem:$0x1C000] =	vst v63  }
0x120: {  	s28 =	sadd.s32 @!p1 $0xD800, s4;
	s31 =	sadd.s32 @!p1 $0x4400, s26  }
0x121: {  	[tilespmem:s28], [sflag:$0x1] =	stream.indirect.gather @!p1 [hbm4b:s25+s30], $0x40, s31, s30, $0xb8;
	[tilespmem:$0x1C000] =	vst v63  }
0x122: {  	s28 =	sadd.s32 @!p1 $0xE000, s4;
	s31 =	sadd.s32 @!p1 $0x4800, s26  }
0x123: {  	[tilespmem:s28], [sflag:$0x1] =	stream.indirect.gather @!p1 [hbm4b:s25+s30], $0x40, s31, s30, $0xb8;
	[tilespmem:$0x1C000] =	vst v63  }
0x124: {  	s4 =	sadd.s32 @!p1 $0xE800, s4;
	s28 =	sadd.s32 @!p1 $0x4C00, s26  }
0x125: {  	[tilespmem:s4], [sflag:$0x1] =	stream.indirect.gather @!p1 [hbm4b:s25+s30], $0x40, s28, s30, $0xb8;
	[tilespmem:$0x1C000] =	vst v63  }
0x126: {  	s4 =	sadd.s32 @!p1 s3, s26  }
0x127: {  	p2 =	slt.u32 @!p1 s23, $0x2;
	s1 =	sshll.u32 @!p1 s1, $0xB;
	s4 =	sshll.u32 @!p1 s4, $0x3  }
0x128: {  	s1 =	sor.u32 @!p1 $0x19000, s1;
	s26 =	simm.s32 @!p1 $0x0;
	s4 =	sadd.s32 @!p1 s25, s4  }
0x129: {  	[tilespmem:s1], [sflag:$0x1] =	stream.linear.gather @!p1 [hbm4b:s4+s26], $0x800, $0x38;
	[tilespmem:$0x1C000] =	vst v63  }
0x12a: {  	p1 =	por p1, !p2;
	s1 =	simm.s32 $0x1  }
0x12b: {  	s28 =	sshll.u32 s0, $0xC;
	_ =	swait.ge @p1 [sflag:s21], $0x800;
	s1 =	simm.s32 @!p0 $0x0  }
0x12c: {  	s31 =	sor.u32 $0x1A000, s28;
	[sflag:s21] =	ssyncset.done @p1 $0x0;
	s30 =	smul.u32 $0xA000, s1  }
0x12d: {  	s26 =	sshll.u32 s1, $0xC;
	s1 =	sshll.u32 s1, $0xB;
	[sflag:s21] =	ssyncadd.s32 @p1 $0xFFFFF800  }
0x12e: {  	s26 =	sor.u32 $0x1A040, s26;
	s0 =	sor.u32 $0x19020, s1;
	s1 =	simm.s32 $0x0  }
.LBB2_3:
0x12f: {  	s28 =	sadd.s32 s1, s30  }
0x130: {  	v28 =	vadd.s32 s28, v0  }
0x131: {  	v29 =	vadd.s32 s28, v2;
	v28 =	vand.u32 $0x1FFF8, v28  }
0x132: {  	v30 =	vadd.s32 s28, v4;
	v29 =	vand.u32 $0x1FFF8, v29;
	v28 =	vor.u32 v1, v28  }
0x133: {  	v31 =	vadd.s32 s28, v6;
	v30 =	vand.u32 $0x1FFF8, v30;
	v29 =	vor.u32 v3, v29  }
0x134: {  	v32 =	vadd.s32 s28, v8;
	v31 =	vand.u32 $0x1FFF8, v31;
	v30 =	vor.u32 v5, v30  }
0x135: {  	v33 =	vadd.s32 s28, v10;
	v32 =	vand.u32 $0x1FFF8, v32;
	v31 =	vor.u32 v7, v31  }
0x136: {  	v34 =	vadd.s32 s28, v12;
	v33 =	vand.u32 $0x1FFF8, v33;
	v32 =	vor.u32 v9, v32  }
0x137: {  	v35 =	vadd.s32 s28, v14;
	v34 =	vand.u32 $0x1FFF8, v34;
	v33 =	vor.u32 v11, v33;
	v28 =	vld.idx.msk [tilespmem:v28+s20+$0x0], $0xffff  }
0x138: {  	v36 =	vadd.s32 s28, v16;
	v35 =	vand.u32 $0x1FFF8, v35;
	v34 =	vor.u32 v13, v34;
	v29 =	vld.idx.msk [tilespmem:v29+s20+$0x0], $0xffff  }
0x139: {  	v37 =	vadd.s32 s28, v17;
	v36 =	vand.u32 $0x1FFF8, v36;
	v35 =	vor.u32 v15, v35;
	v30 =	vld.idx.msk [tilespmem:v30+s20+$0x0], $0xffff  }
0x13a: {  	v38 =	vadd.s32 s28, v18;
	v37 =	vand.u32 $0x1FFF8, v37;
	v36 =	vor.u32 v1, v36;
	v31 =	vld.idx.msk [tilespmem:v31+s20+$0x0], $0xffff  }
0x13b: {  	v39 =	vadd.s32 s28, v19;
	v38 =	vand.u32 $0x1FFF8, v38;
	v37 =	vor.u32 v3, v37;
	v32 =	vld.idx.msk [tilespmem:v32+s20+$0x0], $0xffff  }
0x13c: {  	v40 =	vadd.s32 s28, v20;
	v39 =	vand.u32 $0x1FFF8, v39;
	v38 =	vor.u32 v5, v38;
	v33 =	vld.idx.msk [tilespmem:v33+s20+$0x0], $0xffff  }
0x13d: {  	v41 =	vadd.s32 s28, v21;
	v40 =	vand.u32 $0x1FFF8, v40;
	v39 =	vor.u32 v7, v39;
	v34 =	vld.idx.msk [tilespmem:v34+s20+$0x0], $0xffff  }
0x13e: {  	v42 =	vadd.s32 s28, v22;
	v41 =	vand.u32 $0x1FFF8, v41;
	v40 =	vor.u32 v9, v40;
	v35 =	vld.idx.msk [tilespmem:v35+s20+$0x0], $0xffff  }
0x13f: {  	v43 =	vadd.s32 s28, v23;
	v42 =	vand.u32 $0x1FFF8, v42;
	v41 =	vor.u32 v11, v41;
	v36 =	vld.idx.msk [tilespmem:v36+s20+$0x0], $0xffff  }
0x140: {  	v44 =	vadd.s32 s28, v24;
	v43 =	vand.u32 $0x1FFF8, v43;
	v42 =	vor.u32 v13, v42;
	v37 =	vld.idx.msk [tilespmem:v37+s20+$0x0], $0xffff  }
0x141: {  	v45 =	vadd.s32 s28, v25;
	v44 =	vand.u32 $0x1FFF8, v44;
	v43 =	vor.u32 v15, v43;
	v38 =	vld.idx.msk [tilespmem:v38+s20+$0x0], $0xffff  }
0x142: {  	v46 =	vadd.s32 s28, v26;
	v45 =	vand.u32 $0x1FFF8, v45;
	v44 =	vor.u32 v1, v44;
	v39 =	vld.idx.msk [tilespmem:v39+s20+$0x0], $0xffff  }
0x143: {  	v47 =	vadd.s32 s28, v27;
	v46 =	vand.u32 $0x1FFF8, v46;
	v45 =	vor.u32 v3, v45;
	v40 =	vld.idx.msk [tilespmem:v40+s20+$0x0], $0xffff  }
0x144: {  	v47 =	vand.u32 $0x1FFF8, v47;
	v46 =	vor.u32 v5, v46;
	v41 =	vld.idx.msk [tilespmem:v41+s20+$0x0], $0xffff  }
0x145: {  	v47 =	vor.u32 v7, v47;
	v42 =	vld.idx.msk [tilespmem:v42+s20+$0x0], $0xffff  }
0x146: {  	v43 =	vld.idx.msk [tilespmem:v43+s20+$0x0], $0xffff  }
0x147: {  	v44 =	vld.idx.msk [tilespmem:v44+s20+$0x0], $0xffff  }
0x148: {  	v45 =	vld.idx.msk [tilespmem:v45+s20+$0x0], $0xffff  }
0x149: {  	v46 =	vld.idx.msk [tilespmem:v46+s20+$0x0], $0xffff;
	v28 =	vadd.f32 v29, v28;
	v29 =	vadd.f32 v31, v30  }
0x14a: {  	v56 =	vld.idx.msk [tilespmem:v47+s20+$0x0], $0xffff;
	v57 =	vadd.f32 v33, v32;
	v58 =	vadd.f32 v35, v34  }
0x14b: {  	v59 =	vadd.f32 v37, v36;
	v60 =	vadd.f32 v39, v38  }
0x14c: {  	v61 =	vadd.f32 v41, v40;
	v62 =	vadd.f32 v43, v42  }
0x14d: {  	v28 =	vadd.f32 v29, v28;
	v29 =	vadd.f32 v58, v57  }
0x14e: {  	v63 =	vadd.f32 v60, v59;
	v37 =	vadd.f32 v62, v61  }
0x14f: {  	v38 =	vadd.f32 v45, v44;
	v30 =	vadd.f32 v56, v46  }
0x150: {  	v28 =	vadd.f32 v29, v28;
	v29 =	vadd.f32 v37, v63;
	_ =	sdelay $0x1  }
0x151: {  	v30 =	vadd.f32 v30, v38;
	v28 =	vadd.f32 v29, v28;
	_ =	sdelay $0x1  }
0x152: {  	s4 =	sadd.s32 $0x2800, s28;
	v28 =	vadd.f32 v30, v28  }
0x153: {  	v48 =	vadd.s32 s4, v17  }
0x154: {  	v49 =	vadd.s32 s4, v18;
	v50 =	vadd.s32 s4, v19;
	[tilespmem:s26+$0xFFFFFFC0] =	vst v28;
	v28 =	vadd.s32 s4, v0  }
0x155: {  	v51 =	vadd.s32 s4, v20;
	v39 =	vadd.s32 s4, v2;
	v29 =	vld [tilespmem:s0+$0xFFFFFFE0];
	v28 =	vand.u32 $0x7FFFFFF8, v28  }
0x156: {  	v40 =	vadd.s32 s4, v4;
	v30 =	vand.u32 $0x7FFFFFF8, v39;
	v28 =	vor.u32 v1, v28  }
0x157: {  	v41 =	vadd.s32 s4, v6;
	v31 =	vand.u32 $0x7FFFFFF8, v40;
	v30 =	vor.u32 v3, v30  }
0x158: {  	v45 =	vadd.s32 s4, v12;
	v32 =	vand.u32 $0x7FFFFFF8, v41;
	v31 =	vor.u32 v5, v31  }
0x159: {  	v46 =	vadd.s32 s4, v14;
	v34 =	vand.u32 $0x7FFFFFF8, v45;
	v32 =	vor.u32 v7, v32  }
0x15a: {  	v47 =	vadd.s32 s4, v16;
	v35 =	vand.u32 $0x7FFFFFF8, v46;
	v34 =	vor.u32 v13, v34;
	[tilespmem:s26+$0x0] =	vst v29  }
0x15b: {  	v52 =	vadd.s32 s4, v21;
	v36 =	vand.u32 $0x7FFFFFF8, v47;
	v35 =	vor.u32 v15, v35;
	v28 =	vld.idx.msk [tilespmem:v28+s20+$0x0], $0xffff  }
0x15c: {  	v53 =	vadd.s32 s4, v22;
	v36 =	vor.u32 v1, v36;
	v37 =	vand.u32 $0x7FFFFFF8, v48;
	v30 =	vld.idx.msk [tilespmem:v30+s20+$0x0], $0xffff  }
0x15d: {  	v54 =	vadd.s32 s4, v23;
	v38 =	vand.u32 $0x7FFFFFF8, v49;
	v37 =	vor.u32 v3, v37;
	v31 =	vld.idx.msk [tilespmem:v31+s20+$0x0], $0xffff  }
0x15e: {  	v42 =	vadd.s32 s4, v8;
	v38 =	vor.u32 v5, v38;
	v39 =	vand.u32 $0x7FFFFFF8, v50;
	v32 =	vld.idx.msk [tilespmem:v32+s20+$0x0], $0xffff  }
0x15f: {  	v43 =	vadd.s32 s4, v10;
	v40 =	vand.u32 $0x7FFFFFF8, v51;
	v39 =	vor.u32 v7, v39;
	v34 =	vld.idx.msk [tilespmem:v34+s20+$0x0], $0xffff  }
0x160: {  	v56 =	vadd.s32 s4, v25;
	v41 =	vand.u32 $0x7FFFFFF8, v52;
	v40 =	vor.u32 v9, v40;
	v35 =	vld.idx.msk [tilespmem:v35+s20+$0x0], $0xffff  }
0x161: {  	v33 =	vand.u32 $0x7FFFFFF8, v42;
	v42 =	vand.u32 $0x7FFFFFF8, v53;
	v41 =	vor.u32 v11, v41;
	v36 =	vld.idx.msk [tilespmem:v36+s20+$0x0], $0xffff  }
0x162: {  	v44 =	vand.u32 $0x7FFFFFF8, v43;
	v43 =	vand.u32 $0x7FFFFFF8, v54;
	v42 =	vor.u32 v13, v42;
	v37 =	vld.idx.msk [tilespmem:v37+s20+$0x0], $0xffff  }
0x163: {  	v45 =	vand.u32 $0x7FFFFFF8, v56;
	v43 =	vor.u32 v15, v43;
	v38 =	vld.idx.msk [tilespmem:v38+s20+$0x0], $0xffff  }
0x164: {  	v45 =	vor.u32 v3, v45;
	v39 =	vld.idx.msk [tilespmem:v39+s20+$0x0], $0xffff  }
0x165: {  	v57 =	vadd.s32 s4, v26;
	v29 =	vor.u32 v9, v33;
	v40 =	vld.idx.msk [tilespmem:v40+s20+$0x0], $0xffff  }
0x166: {  	v58 =	vadd.s32 s4, v27;
	v46 =	vand.u32 $0x7FFFFFF8, v57;
	v33 =	vor.u32 v11, v44;
	v41 =	vld.idx.msk [tilespmem:v41+s20+$0x0], $0xffff  }
0x167: {  	v55 =	vadd.s32 s4, v24;
	v47 =	vand.u32 $0x7FFFFFF8, v58;
	v46 =	vor.u32 v5, v46;
	v42 =	vld.idx.msk [tilespmem:v42+s20+$0x0], $0xffff  }
0x168: {  	v47 =	vor.u32 v7, v47;
	v44 =	vand.u32 $0x7FFFFFF8, v55;
	v43 =	vld.idx.msk [tilespmem:v43+s20+$0x0], $0xffff  }
0x169: {  	v44 =	vor.u32 v1, v44;
	v45 =	vld.idx.msk [tilespmem:v45+s20+$0x0], $0xffff  }
0x16a: {  	v29 =	vld.idx.msk [tilespmem:v29+s20+$0x0], $0xffff  }
0x16b: {  	v33 =	vld.idx.msk [tilespmem:v33+s20+$0x0], $0xffff  }
0x16c: {  	v46 =	vld.idx.msk [tilespmem:v46+s20+$0x0], $0xffff  }
0x16d: {  	v60 =	vld.idx.msk [tilespmem:v47+s20+$0x0], $0xffff;
	v28 =	vadd.f32 v30, v28;
	v59 =	vadd.f32 v32, v31  }
0x16e: {  	v44 =	vld.idx.msk [tilespmem:v44+s20+$0x0], $0xffff;
	v61 =	vadd.f32 v35, v34;
	v62 =	vadd.f32 v37, v36  }
0x16f: {  	v63 =	vadd.f32 v39, v38;
	v40 =	vadd.f32 v41, v40  }
0x170: {  	v41 =	vadd.f32 v43, v42;
	v29 =	vadd.f32 v33, v29  }
0x171: {  	v28 =	vadd.f32 v59, v28;
	v42 =	vadd.f32 v63, v62  }
0x172: {  	v43 =	vadd.f32 v41, v40;
	v29 =	vadd.f32 v61, v29  }
0x173: {  	v31 =	vadd.f32 v60, v46;
	v44 =	vadd.f32 v45, v44  }
0x174: {  	v28 =	vadd.f32 v29, v28;
	v29 =	vadd.f32 v43, v42;
	_ =	sdelay $0x1  }
0x175: {  	v45 =	vadd.f32 v31, v44;
	v28 =	vadd.f32 v29, v28;
	_ =	sdelay $0x1  }
0x176: {  	v28 =	vadd.f32 v45, v28  }
0x177: {  	s4 =	sadd.s32 $0x5000, s28  }
0x178: {  	[tilespmem:s26+$0xFFFFFFD0] =	vst v28;
	v28 =	vadd.s32 s4, v0  }
0x179: {  	v46 =	vadd.s32 s4, v2;
	v29 =	vld [tilespmem:s0+$0xFFFFFFF0];
	v28 =	vand.u32 $0x7FFFFFF8, v28  }
0x17a: {  	v47 =	vadd.s32 s4, v4;
	v30 =	vand.u32 $0x7FFFFFF8, v46;
	v28 =	vor.u32 v1, v28  }
0x17b: {  	v48 =	vadd.s32 s4, v6;
	v30 =	vor.u32 v3, v30;
	v31 =	vand.u32 $0x7FFFFFF8, v47  }
0x17c: {  	v52 =	vadd.s32 s4, v12;
	v32 =	vand.u32 $0x7FFFFFF8, v48;
	v31 =	vor.u32 v5, v31  }
0x17d: {  	v53 =	vadd.s32 s4, v14;
	v34 =	vand.u32 $0x7FFFFFF8, v52;
	v32 =	vor.u32 v7, v32  }
0x17e: {  	v54 =	vadd.s32 s4, v16;
	v35 =	vand.u32 $0x7FFFFFF8, v53;
	v34 =	vor.u32 v13, v34;
	[tilespmem:s26+$0x10] =	vst v29  }
0x17f: {  	v55 =	vadd.s32 s4, v17;
	v36 =	vand.u32 $0x7FFFFFF8, v54;
	v35 =	vor.u32 v15, v35;
	v28 =	vld.idx.msk [tilespmem:v28+s20+$0x0], $0xffff  }
0x180: {  	v56 =	vadd.s32 s4, v18;
	v37 =	vand.u32 $0x7FFFFFF8, v55;
	v36 =	vor.u32 v1, v36;
	v30 =	vld.idx.msk [tilespmem:v30+s20+$0x0], $0xffff  }
0x181: {  	v57 =	vadd.s32 s4, v19;
	v38 =	vand.u32 $0x7FFFFFF8, v56;
	v37 =	vor.u32 v3, v37;
	v31 =	vld.idx.msk [tilespmem:v31+s20+$0x0], $0xffff  }
0x182: {  	v58 =	vadd.s32 s4, v20;
	v39 =	vand.u32 $0x7FFFFFF8, v57;
	v38 =	vor.u32 v5, v38;
	v32 =	vld.idx.msk [tilespmem:v32+s20+$0x0], $0xffff  }
0x183: {  	v39 =	vor.u32 v7, v39;
	v40 =	vand.u32 $0x7FFFFFF8, v58;
	v59 =	vadd.s32 s4, v21;
	v34 =	vld.idx.msk [tilespmem:v34+s20+$0x0], $0xffff  }
0x184: {  	v60 =	vadd.s32 s4, v22;
	v40 =	vor.u32 v9, v40;
	v41 =	vand.u32 $0x7FFFFFF8, v59;
	v35 =	vld.idx.msk [tilespmem:v35+s20+$0x0], $0xffff  }
0x185: {  	v41 =	vor.u32 v11, v41;
	v61 =	vadd.s32 s4, v23;
	v42 =	vand.u32 $0x7FFFFFF8, v60;
	v36 =	vld.idx.msk [tilespmem:v36+s20+$0x0], $0xffff  }
0x186: {  	v62 =	vadd.s32 s4, v24;
	v43 =	vand.u32 $0x7FFFFFF8, v61;
	v42 =	vor.u32 v13, v42;
	v37 =	vld.idx.msk [tilespmem:v37+s20+$0x0], $0xffff  }
0x187: {  	v49 =	vadd.s32 s4, v8;
	v44 =	vand.u32 $0x7FFFFFF8, v62;
	v43 =	vor.u32 v15, v43;
	v38 =	vld.idx.msk [tilespmem:v38+s20+$0x0], $0xffff  }
0x188: {  	v50 =	vadd.s32 s4, v10;
	v33 =	vand.u32 $0x7FFFFFF8, v49;
	v44 =	vor.u32 v1, v44;
	v39 =	vld.idx.msk [tilespmem:v39+s20+$0x0], $0xffff  }
0x189: {  	v51 =	vand.u32 $0x7FFFFFF8, v50;
	v63 =	vadd.s32 s4, v25;
	v29 =	vor.u32 v9, v33;
	v40 =	vld.idx.msk [tilespmem:v40+s20+$0x0], $0xffff  }
0x18a: {  	v48 =	vadd.s32 s4, v26;
	v45 =	vand.u32 $0x7FFFFFF8, v63;
	v33 =	vor.u32 v11, v51;
	v41 =	vld.idx.msk [tilespmem:v41+s20+$0x0], $0xffff  }
0x18b: {  	v46 =	vand.u32 $0x7FFFFFF8, v48;
	v49 =	vadd.s32 s4, v27;
	v45 =	vor.u32 v3, v45;
	v42 =	vld.idx.msk [tilespmem:v42+s20+$0x0], $0xffff  }
0x18c: {  	v46 =	vor.u32 v5, v46;
	v47 =	vand.u32 $0x7FFFFFF8, v49;
	v43 =	vld.idx.msk [tilespmem:v43+s20+$0x0], $0xffff  }
0x18d: {  	v47 =	vor.u32 v7, v47;
	v44 =	vld.idx.msk [tilespmem:v44+s20+$0x0], $0xffff  }
0x18e: {  	v29 =	vld.idx.msk [tilespmem:v29+s20+$0x0], $0xffff  }
0x18f: {  	v33 =	vld.idx.msk [tilespmem:v33+s20+$0x0], $0xffff  }
0x190: {  	v45 =	vld.idx.msk [tilespmem:v45+s20+$0x0], $0xffff  }
0x191: {  	v46 =	vld.idx.msk [tilespmem:v46+s20+$0x0], $0xffff;
	v28 =	vadd.f32 v30, v28;
	v50 =	vadd.f32 v32, v31  }
0x192: {  	v51 =	vld.idx.msk [tilespmem:v47+s20+$0x0], $0xffff;
	v52 =	vadd.f32 v35, v34;
	v53 =	vadd.f32 v37, v36  }
0x193: {  	v54 =	vadd.f32 v39, v38;
	v55 =	vadd.f32 v41, v40  }
0x194: {  	v56 =	vadd.f32 v43, v42;
	v29 =	vadd.f32 v33, v29  }
0x195: {  	v28 =	vadd.f32 v50, v28;
	v57 =	vadd.f32 v54, v53  }
0x196: {  	v58 =	vadd.f32 v56, v55;
	v29 =	vadd.f32 v52, v29  }
0x197: {  	v59 =	vadd.f32 v45, v44;
	v31 =	vadd.f32 v51, v46  }
0x198: {  	v28 =	vadd.f32 v29, v28;
	v29 =	vadd.f32 v58, v57;
	_ =	sdelay $0x1  }
0x199: {  	v60 =	vadd.f32 v31, v59;
	v28 =	vadd.f32 v29, v28;
	_ =	sdelay $0x1  }
0x19a: {  	s28 =	sadd.s32 $0x7800, s28;
	v28 =	vadd.f32 v60, v28  }
0x19b: {  	v62 =	vadd.s32 s28, v4  }
0x19c: {  	v61 =	vadd.s32 s28, v2;
	v63 =	vadd.s32 s28, v6;
	[tilespmem:s26+$0xFFFFFFE0] =	vst v28;
	v28 =	vadd.s32 s28, v0  }
0x19d: {  	v30 =	vand.u32 $0x7FFFFFF8, v61;
	v32 =	vand.u32 $0x7FFFFFF8, v63;
	v29 =	vld [tilespmem:s0+$0x0];
	v28 =	vand.u32 $0x7FFFFFF8, v28  }
0x19e: {  	v36 =	vadd.s32 s28, v8;
	v37 =	vadd.s32 s28, v10;
	v28 =	vor.u32 v1, v28  }
0x19f: {  	v39 =	vadd.s32 s28, v12;
	v30 =	vor.u32 v3, v30;
	v31 =	vand.u32 $0x7FFFFFF8, v62  }
0x1a0: {  	v40 =	vadd.s32 s28, v14;
	v41 =	vadd.s32 s28, v16;
	v31 =	vor.u32 v5, v31  }
0x1a1: {  	v42 =	vadd.s32 s28, v17;
	v32 =	vor.u32 v7, v32;
	v34 =	vand.u32 $0x7FFFFFF8, v39  }
0x1a2: {  	v44 =	vadd.s32 s28, v19;
	v35 =	vand.u32 $0x7FFFFFF8, v40;
	v34 =	vor.u32 v13, v34;
	[tilespmem:s26+$0x20] =	vst v29  }
0x1a3: {  	v35 =	vor.u32 v15, v35;
	v33 =	vand.u32 $0x7FFFFFF8, v36;
	v36 =	vand.u32 $0x7FFFFFF8, v41;
	v28 =	vld.idx.msk [tilespmem:v28+s20+$0x0], $0xffff  }
0x1a4: {  	v38 =	vand.u32 $0x7FFFFFF8, v37;
	v37 =	vand.u32 $0x7FFFFFF8, v42;
	v36 =	vor.u32 v1, v36;
	v30 =	vld.idx.msk [tilespmem:v30+s20+$0x0], $0xffff  }
0x1a5: {  	v45 =	vadd.s32 s28, v20;
	v39 =	vand.u32 $0x7FFFFFF8, v44;
	v37 =	vor.u32 v3, v37;
	v31 =	vld.idx.msk [tilespmem:v31+s20+$0x0], $0xffff  }
0x1a6: {  	v46 =	vadd.s32 s28, v21;
	v40 =	vand.u32 $0x7FFFFFF8, v45;
	v39 =	vor.u32 v7, v39;
	v32 =	vld.idx.msk [tilespmem:v32+s20+$0x0], $0xffff  }
0x1a7: {  	v47 =	vadd.s32 s28, v22;
	v40 =	vor.u32 v9, v40;
	v41 =	vand.u32 $0x7FFFFFF8, v46;
	v34 =	vld.idx.msk [tilespmem:v34+s20+$0x0], $0xffff  }
0x1a8: {  	v49 =	vadd.s32 s28, v24;
	v42 =	vand.u32 $0x7FFFFFF8, v47;
	v41 =	vor.u32 v11, v41;
	v35 =	vld.idx.msk [tilespmem:v35+s20+$0x0], $0xffff  }
0x1a9: {  	v44 =	vand.u32 $0x7FFFFFF8, v49;
	v42 =	vor.u32 v13, v42;
	v36 =	vld.idx.msk [tilespmem:v36+s20+$0x0], $0xffff  }
0x1aa: {  	v44 =	vor.u32 v1, v44;
	v37 =	vld.idx.msk [tilespmem:v37+s20+$0x0], $0xffff  }
0x1ab: {  	v43 =	vadd.s32 s28, v18;
	v29 =	vor.u32 v9, v33;
	v39 =	vld.idx.msk [tilespmem:v39+s20+$0x0], $0xffff  }
0x1ac: {  	v48 =	vadd.s32 s28, v23;
	v33 =	vor.u32 v11, v38;
	v38 =	vand.u32 $0x7FFFFFF8, v43;
	v40 =	vld.idx.msk [tilespmem:v40+s20+$0x0], $0xffff  }
0x1ad: {  	v50 =	vadd.s32 s28, v25;
	v43 =	vand.u32 $0x7FFFFFF8, v48;
	v38 =	vor.u32 v5, v38;
	v41 =	vld.idx.msk [tilespmem:v41+s20+$0x0], $0xffff  }
0x1ae: {  	v51 =	vadd.s32 s28, v26;
	v45 =	vand.u32 $0x7FFFFFF8, v50;
	v43 =	vor.u32 v15, v43;
	v42 =	vld.idx.msk [tilespmem:v42+s20+$0x0], $0xffff  }
0x1af: {  	v45 =	vor.u32 v3, v45;
	v46 =	vand.u32 $0x7FFFFFF8, v51;
	v52 =	vadd.s32 s28, v27;
	v44 =	vld.idx.msk [tilespmem:v44+s20+$0x0], $0xffff  }
0x1b0: {  	v46 =	vor.u32 v5, v46;
	v47 =	vand.u32 $0x7FFFFFF8, v52;
	v29 =	vld.idx.msk [tilespmem:v29+s20+$0x0], $0xffff  }
0x1b1: {  	v47 =	vor.u32 v7, v47;
	v33 =	vld.idx.msk [tilespmem:v33+s20+$0x0], $0xffff  }
0x1b2: {  	v38 =	vld.idx.msk [tilespmem:v38+s20+$0x0], $0xffff  }
0x1b3: {  	v43 =	vld.idx.msk [tilespmem:v43+s20+$0x0], $0xffff  }
0x1b4: {  	v45 =	vld.idx.msk [tilespmem:v45+s20+$0x0], $0xffff  }
0x1b5: {  	v46 =	vld.idx.msk [tilespmem:v46+s20+$0x0], $0xffff;
	v28 =	vadd.f32 v30, v28;
	v53 =	vadd.f32 v32, v31  }
0x1b6: {  	v54 =	vld.idx.msk [tilespmem:v47+s20+$0x0], $0xffff;
	v55 =	vadd.f32 v35, v34;
	v56 =	vadd.f32 v37, v36  }
0x1b7: {  	v58 =	vadd.f32 v41, v40;
	v29 =	vadd.f32 v33, v29  }
0x1b8: {  	v57 =	vadd.f32 v39, v38;
	v59 =	vadd.f32 v43, v42  }
0x1b9: {  	v28 =	vadd.f32 v53, v28;
	v29 =	vadd.f32 v55, v29  }
0x1ba: {  	v60 =	vadd.f32 v57, v56;
	v61 =	vadd.f32 v59, v58  }
0x1bb: {  	v62 =	vadd.f32 v45, v44;
	v31 =	vadd.f32 v54, v46  }
0x1bc: {  	v28 =	vadd.f32 v29, v28;
	v29 =	vadd.f32 v61, v60;
	_ =	sdelay $0x1  }
0x1bd: {  	v63 =	vadd.f32 v31, v62;
	v28 =	vadd.f32 v29, v28;
	_ =	sdelay $0x1  }
0x1be: {  	v28 =	vadd.f32 v63, v28;
	_ =	sdelay $0x1  }
0x1bf: {  	[tilespmem:s26+$0xFFFFFFF0] =	vst v28  }
0x1c0: {  	p1 =	sne.s32 s1, $0x7C0;
	v28 =	vld [tilespmem:s0+$0x10]  }
.Ltmp0:
0x1c1: {  	_ = 	snop;
	(pc) =	sbr.rel @p1 .LBB2_3-.Ltmp0, $2  }
0x1c2: {  	_ =	sdelay $0x2  }
0x1c3: {  	s1 =	sadd.s32 $0x40, s1;
	s0 =	sadd.s32 $0x40, s0;
	[tilespmem:s26+$0x30] =	vst v28;
	s26 =	sadd.s32 $0x80, s26  }
0x1c4: {  	p1 =	sne.s32 s29, $0x20  }
.Ltmp1:
0x1c5: {  	_ = 	snop;
	(pc) =	sbr.rel @p1 .LBB2_2-.Ltmp1, $4  }
0x1c6: {  	_ = 	snop  }
0x1c7: {  	s0 =	sshll.u32 s23, $0x9  }
0x1c8: {  	p0 =	por !p0, !p0;
	s23 =	smov.u32 s29;
	s0 =	sadd.s32 s0, s24  }
0x1c9: {  	[hbm4b:s0+s2] =	stream.linear.scatter [tilespmem:s31], [sflag:$0x2], $0x1000, $0x38;
	[tilespmem:$0x1C000] =	vst v63  }
0x1ca: {  	_ =	swait.ge [sflag:s21], $0x1000  }
0x1cb: {  	[sflag:s21] =	ssyncset.done $0x0  }
0x1cc: {  	[sflag:s21] =	ssyncadd.s32 $0xFFFFF000  }
0x1cd: {  	_ =	swait.ge [sflag:s21], $0x1000  }
0x1ce: {  	s22 =	sadd.s32 $0x1, s22;
	s0 =	rddreg [dreg:$0x17]  }
0x1cf: {  	p0 =	sne.s32 s22, s0  }
.Ltmp2:
0x1d0: {  	_ = 	snop;
	(pc) =	sbr.rel @p0 .LBB2_1-.Ltmp2, $3  }
0x1d1: {  	_ =	sdelay $0x1  }
0x1d2: {  	[sflag:s21] =	ssyncset.done $0x0  }
0x1d3: {  	[sflag:s21] =	ssyncadd.s32 $0xFFFFF000  }
0x1d4: {  	_ =	sfence.sel $0x180000  }
0x1d5: {  	[bflag:$0x0] =	sbarrier.arrive $0xFFFF  }
0x1d6: {  	_ =	strace $0x90000047  }
0x1d7: {  	s0 =	stileid.u32;
	[bflag:$0x2] =	sbarrier.arrive $0xFFFF  }
0x1d8: {  	p0 =	sne.s32 s0, $0x0;
	s0 =	rddreg [dreg:$0x2]  }
0x1d9: {  	s0 =	sadd.s32 @!p0 $0x100000, s0  }
0x1da: {  	[sflag:s0] =	ssyncadd.tile.s32 @!p0 $0x1;
	_ =	shalt  }
.Lfunc_end2:
_tile_overlayer_lowered:
.L_overlay_start_2:
0x1db: {  	(tag) =	ssettag $0x2  }
0x1dc: {  	s0 =	rddreg [dreg:$0x0];
	s2 =	stileid.u32  }
0x1dd: {  	s1 =	rddreg [dreg:$0x1];
	p0 =	sne.s32 s2, $0x0  }
0x1de: {  	s3 =	rddreg [dreg:$0x2];
	[bflag:$0x3] =	sbarrier.arrive $0xFFFF;
	s2 =	simm.s32 @!p0 $0x1C03  }
0x1df: {  	[timem:s3], [sflag:s2] =	dma.local @!p0 [hbm:s0], s1  }
0x1e0: {  	s0 =	simm.s32 @!p0 $0x3  }
0x1e1: {  	_ =	swait.ge @!p0 [sflag:s0], s1  }
0x1e2: {  	s1 =	ssub.s32 @!p0 $0x0, s1;
	[sflag:s0] =	ssyncset.done @!p0 $0x0  }
0x1e3: {  	[sflag:s0] =	ssyncadd.s32 @!p0 s1  }
0x1e4: {  	[bflag:$0x3] =	sbarrier.arrive $0xFFFF  }
0x1e5: {  	_ =	shalt  }

</sc_bundles>
